<compile_context>
chip_gen: v7x
topology: tpu7x:2x2x1
jax: 0.10.2.dev20260603
libtpu: 0.0.44.dev20260713+nightly
codegen_flags: <defaults>
</compile_context>

<pallas_src>
import functools

import jax
import jax.numpy as jnp
from jax import lax
from jax.experimental import pallas as pl
from jax.experimental.pallas import tpu as pltpu
from jax.experimental.pallas import tpu_sc as plsc

_B = 16
_N_IN = 10000
_N_OUT = 20000
_C = 128
_SEQ = 9
_NNZ = 60000

_NC = 2
_NS = 16
_NW = _NC * _NS
_RPW = 640
_N_OUT_PAD = _RPW * _NW
_CH = 128
_NNZ_PAD = ((_NNZ + 2 * _CH - 1) // _CH) * _CH
_L = 16

_TOT = _N_OUT * _SEQ
_GCH = 128
_NCHUNK = (_TOT + _GCH - 1) // _GCH
_CPW = (_NCHUNK + _NW - 1) // _NW
_LAST = _TOT - _GCH


def _worker_id():
    return lax.axis_index("s") * _NC + lax.axis_index("c")


def _pool_body(xf, cols, rows, vals, bnd, zsrc, pooled,
               colb, rowb, valb, idxb, gb, acc, bb, sem):
    w = _worker_id()
    base_row = w * _RPW
    pltpu.sync_copy(bnd.at[pl.ds(pl.multiple_of(w * _L, 8), _L)], bb)
    bv = bb[...]
    lo = bv[0]
    hi = bv[1]
    a_lo = pl.multiple_of((lo // 8) * 8, 8)
    nch = (hi - a_lo + _CH - 1) // _CH
    lanes = lax.iota(jnp.int32, _L)

    def batch_body(b, carry):
        pltpu.sync_copy(zsrc, acc)
        boff = b * _N_IN

        def chunk_body(i, c2):
            p0 = pl.multiple_of(a_lo + i * _CH, 8)
            pltpu.sync_copy(cols.at[pl.ds(p0, _CH)], colb)
            pltpu.sync_copy(rows.at[pl.ds(p0, _CH)], rowb)
            pltpu.sync_copy(vals.at[pl.ds(p0, _CH)], valb)

            def idx_body(g, c3):
                idxb[pl.ds(g * _L, _L)] = colb[pl.ds(g * _L, _L)] + boff
                return c3
            lax.fori_loop(0, _CH // _L, idx_body, None)
            pltpu.async_copy(xf.at[idxb], gb, sem).wait()

            def group_body(g, c3):
                q0 = g * _L
                val_v = valb[pl.ds(q0, _L)]
                row_v = rowb[pl.ds(q0, _L)]
                pos_v = (p0 + q0) + lanes
                m = (pos_v >= lo) & (pos_v < hi)
                val_m = jnp.where(m, val_v, 0.0)
                rloc_v = jnp.clip(row_v - base_row, 0, _RPW - 1)
                for l in range(_L):
                    vs = val_m[l]
                    rs = rloc_v[l]
                    for cg in range(_C // _L):
                        gv = gb[q0 + l, pl.ds(cg * _L, _L)]
                        plsc.addupdate(acc.at[rs, pl.ds(cg * _L, _L)], gv * vs)
                return c3
            lax.fori_loop(0, _CH // _L, group_body, None)
            return c2
        lax.fori_loop(0, nch, chunk_body, None)
        pltpu.sync_copy(
            acc,
            pooled.at[pl.ds(pl.multiple_of(b * _N_OUT_PAD + base_row, 8), _RPW)])
        return carry
    lax.fori_loop(0, _B, batch_body, None)


def _gather_body(pooled, sidx, feat, ib, idxb, gb, sem):
    w = _worker_id()

    def chunk_body(i, carry):
        k = i * _NW + w

        @pl.when(k < _NCHUNK)
        def _():
            s_k = pl.multiple_of(jnp.minimum(k * _GCH, _LAST), 8)
            pltpu.sync_copy(sidx.at[pl.ds(s_k, _GCH)], ib)

            def batch_body(b, c2):
                def idx_body(g, c3):
                    idxb[pl.ds(g * _L, _L)] = (ib[pl.ds(g * _L, _L)]
                                               + b * _N_OUT_PAD)
                    return c3
                lax.fori_loop(0, _GCH // _L, idx_body, None)
                pltpu.async_copy(pooled.at[idxb], gb, sem).wait()
                pltpu.sync_copy(
                    gb,
                    feat.at[pl.ds(pl.multiple_of(b * _TOT + s_k, 8), _GCH)])
                return c2
            lax.fori_loop(0, _B, batch_body, None)
        return carry
    lax.fori_loop(0, _CPW, chunk_body, None)


def _sc_pool(xf, cols, rows, vals, bnd, zsrc):
    mesh = plsc.VectorSubcoreMesh(core_axis_name="c", subcore_axis_name="s")
    f = pl.kernel(
        _pool_body,
        out_type=jax.ShapeDtypeStruct((_B * _N_OUT_PAD, _C), jnp.float32),
        mesh=mesh,
        scratch_types=[
            pltpu.VMEM((_CH,), jnp.int32),
            pltpu.VMEM((_CH,), jnp.int32),
            pltpu.VMEM((_CH,), jnp.float32),
            pltpu.VMEM((_CH,), jnp.int32),
            pltpu.VMEM((_CH, _C), jnp.float32),
            pltpu.VMEM((_RPW, _C), jnp.float32),
            pltpu.VMEM((16,), jnp.int32),
            pltpu.SemaphoreType.DMA,
        ],
    )
    return f(xf, cols, rows, vals, bnd, zsrc)


def _sc_gather(pooled, sidx):
    mesh = plsc.VectorSubcoreMesh(core_axis_name="c", subcore_axis_name="s")
    f = pl.kernel(
        _gather_body,
        out_type=jax.ShapeDtypeStruct((_B * _TOT, _C), jnp.float32),
        mesh=mesh,
        scratch_types=[
            pltpu.VMEM((_GCH,), jnp.int32),
            pltpu.VMEM((_GCH,), jnp.int32),
            pltpu.VMEM((_GCH, _C), jnp.float32),
            pltpu.SemaphoreType.DMA,
        ],
    )
    return f(pooled, sidx)


def _mm_body(f_ref, w_ref, b_ref, o_ref):
    acc = jnp.dot(f_ref[...], w_ref[...], preferred_element_type=jnp.float32)
    o_ref[...] = jnp.maximum(acc + b_ref[...], 0.0)


def _tc_matmul(feat, W, bias):
    M = feat.shape[0]
    BM = 512
    return pl.pallas_call(
        _mm_body,
        grid=(M // BM,),
        in_specs=[
            pl.BlockSpec((BM, _SEQ * _C), lambda i: (i, 0)),
            pl.BlockSpec((_SEQ * _C, _C), lambda i: (0, 0)),
            pl.BlockSpec((1, _C), lambda i: (0, 0)),
        ],
        out_specs=pl.BlockSpec((BM, _C), lambda i: (i, 0)),
        out_shape=jax.ShapeDtypeStruct((M, _C), jnp.float32),
    )(feat, W, bias.reshape(1, _C))


def kernel(x, trans_row, trans_col, trans_val, spiral_idx, W, b):
    order = jnp.argsort(trans_row)
    rows = trans_row[order].astype(jnp.int32)
    cols = trans_col[order].astype(jnp.int32)
    vals = trans_val[order].astype(jnp.float32)
    pad = _NNZ_PAD - _NNZ
    rows_p = jnp.concatenate([rows, jnp.zeros((pad,), jnp.int32)])
    cols_p = jnp.concatenate([cols, jnp.zeros((pad,), jnp.int32)])
    vals_p = jnp.concatenate([vals, jnp.zeros((pad,), jnp.float32)])
    edges = jnp.searchsorted(
        rows,
        jnp.minimum(jnp.arange(0, _N_OUT_PAD + _RPW, _RPW), _N_OUT)
        .astype(jnp.int32),
    ).astype(jnp.int32)
    bnd = (jnp.zeros((_NW, 16), jnp.int32)
           .at[:, 0].set(edges[:-1])
           .at[:, 1].set(edges[1:])
           .reshape(-1))

    xf = x.reshape(_B * _N_IN, _C)
    zsrc = jnp.zeros((_RPW, _C), jnp.float32)
    pooled = _sc_pool(xf, cols_p, rows_p, vals_p, bnd, zsrc)

    sidx = spiral_idx.reshape(-1).astype(jnp.int32)
    feat = _sc_gather(pooled, sidx)

    out = _tc_matmul(feat.reshape(_B * _N_OUT, _SEQ * _C), W, b)
    return out.reshape(_B, _N_OUT, _C)

# --- scband reference (transcript-rebuilt; emitter-appended) ---
"""Pipeline reference for scband-spiral-deblock-16363825398120 (READ-ONLY COPY).

The authoritative reference and input builder live on the scoring server;
editing this copy changes nothing except your own understanding.
"""

import jax, jax.numpy as jnp
import numpy as np

B = 16
N_IN = 10000
N_OUT = 20000
C_IN = 128
C_OUT = 128
SEQ = 9
NNZ = 60000


def setup_inputs(seed: int = 0) -> dict:
    key = jax.random.key(seed)
    ks = jax.random.split(key, 7)
    x = jax.random.normal(ks[0], (B, N_IN, C_IN), dtype=jnp.float32)
    trans_row = jax.random.randint(ks[1], (NNZ,), 0, N_OUT)
    trans_col = jax.random.randint(ks[2], (NNZ,), 0, N_IN)
    trans_val = jax.random.uniform(ks[3], (NNZ,), dtype=jnp.float32)
    spiral_idx = jax.random.randint(ks[4], (N_OUT, SEQ), 0, N_OUT)
    W = jax.random.normal(ks[5], (C_IN * SEQ, C_OUT), dtype=jnp.float32) * 0.02
    b = jnp.zeros((C_OUT,), dtype=jnp.float32)
    return {"x": x, "trans_row": trans_row, "trans_col": trans_col,
            "trans_val": trans_val, "spiral_idx": spiral_idx, "W": W, "b": b}


def reference(x, trans_row, trans_col, trans_val, spiral_idx, W, b):
    # Pool: out = scatter_add(index_select(x, 1, col) * value, row)
    gathered = jnp.take(x, trans_col, axis=1) * trans_val[None, :, None]
    pooled = jnp.zeros((x.shape[0], N_OUT, x.shape[2]), dtype=x.dtype)
    pooled = pooled.at[:, trans_row, :].add(gathered)
    # SpiralConv: gather spiral neighborhoods, flatten, linear
    feat = jnp.take(pooled, spiral_idx.reshape(-1), axis=1)
    feat = feat.reshape(x.shape[0], N_OUT, SEQ * x.shape[2])
    out = feat @ W + b
    # F.relu after conv
    return jax.nn.relu(out)

if __name__ == "__main__":
    import jax
    _d = setup_inputs()
    print(jax.jit(kernel)(*tuple(_d.values())))

</pallas_src>

<mosaic_0001>
#map = affine_map<(d0, d1) -> (0, 0)>
#map1 = affine_map<(d0, d1) -> (0)>
module attributes {stable_mosaic.version = 14 : i64} {
  func.func @_pool_body(%arg0: i32, %arg1: i32, %arg2: memref<160000x128xf32, #tpu.memory_space<hbm>>, %arg3: memref<60160xi32, #tpu.memory_space<hbm>>, %arg4: memref<60160xi32, #tpu.memory_space<hbm>>, %arg5: memref<60160xf32, #tpu.memory_space<hbm>>, %arg6: memref<512xi32, #tpu.memory_space<hbm>>, %arg7: memref<640x128xf32, #tpu.memory_space<hbm>>, %arg8: memref<327680x128xf32, #tpu.memory_space<hbm>>, %arg9: memref<128xi32, #tpu.memory_space<vmem>>, %arg10: memref<128xi32, #tpu.memory_space<vmem>>, %arg11: memref<128xf32, #tpu.memory_space<vmem>>, %arg12: memref<128xi32, #tpu.memory_space<vmem>>, %arg13: memref<128x128xf32, #tpu.memory_space<vmem>>, %arg14: memref<640x128xf32, #tpu.memory_space<vmem>>, %arg15: memref<16xi32, #tpu.memory_space<vmem>>, %arg16: memref<!tpu.dma_semaphore, #tpu.memory_space<semaphore_mem>>) attributes {dimension_semantics = [#tpu.dimension_semantics<core_parallel>, #tpu.dimension_semantics<subcore_parallel>], iteration_bounds = array<i64: 2, 16>, scalar_prefetch = 0 : i64, scratch_operands = 8 : i64, tpu.core_type = #tpu.core_type<sc_vector_subcore>, window_params = [{transform_indices = #map}, {transform_indices = #map1}, {transform_indices = #map1}, {transform_indices = #map1}, {transform_indices = #map1}, {transform_indices = #map}, {transform_indices = #map}]} {
    %mul3A = arith.constant 2 : i32
    %mul3A_0 = arith.muli %arg1, %mul3A : i32
    %add3A = arith.addi %mul3A_0, %arg0 : i32
    %mul3A_1 = arith.constant 640 : i32
    %mul3A_2 = arith.muli %add3A, %mul3A_1 : i32
    %mul3A_3 = arith.constant 16 : i32
    %mul3A_4 = arith.muli %add3A, %mul3A_3 : i32
    %multiple_of3A = tpu.assume_multiple %mul3A_4, 8 : i32
    "tpu.region"() ({
      %run_scoped3A = tpu.sem_alloc : memref<!tpu.dma_semaphore, #tpu.memory_space<semaphore_mem>>
      %dma_start3A = tpu.memref_slice %arg6[%multiple_of3A] : memref<512xi32, #tpu.memory_space<hbm>> -> memref<16xi32, #tpu.memory_space<hbm>>
      %dma_start3A_61 = tpu.memref_slice %arg6[%multiple_of3A] : memref<512xi32, #tpu.memory_space<hbm>> -> memref<16xi32, #tpu.memory_space<hbm>>
      tpu.enqueue_dma source(%dma_start3A_61 : memref<16xi32, #tpu.memory_space<hbm>>) target(%arg15 : memref<16xi32, #tpu.memory_space<vmem>>) target_semaphore(%run_scoped3A : memref<!tpu.dma_semaphore, #tpu.memory_space<semaphore_mem>>)
      %dma_wait3A = tpu.memref_slice %arg6[%multiple_of3A] : memref<512xi32, #tpu.memory_space<hbm>> -> memref<16xi32, #tpu.memory_space<hbm>>
      %dma_wait3A_62 = tpu.memref_slice %arg6[%multiple_of3A] : memref<512xi32, #tpu.memory_space<hbm>> -> memref<16xi32, #tpu.memory_space<hbm>>
      tpu.wait_dma2 semaphore(%run_scoped3A : memref<!tpu.dma_semaphore, #tpu.memory_space<semaphore_mem>>) src(%dma_wait3A_62 : memref<16xi32, #tpu.memory_space<hbm>>) dst(%arg15 : memref<16xi32, #tpu.memory_space<vmem>>)
      tpu.yield
    }) : () -> ()
    %get3A = arith.constant 0 : index
    %get3A_5 = tpu.vector_load %arg15[%get3A] {strides = array<i32>} : memref<16xi32, #tpu.memory_space<vmem>>, vector<16xi32>,
    %get3A_6 = vector.shape_cast %get3A_5 : vector<16xi32> to vector<16xi32>
    %slice3A = vector.extract_strided_slice %get3A_6 {offsets = [0], sizes = [1], strides = [1]} : vector<16xi32> to vector<1xi32>
    %squeeze3A = vector.extract %slice3A[0] : i32 from vector<1xi32>
    %slice3A_7 = vector.extract_strided_slice %get3A_6 {offsets = [1], sizes = [1], strides = [1]} : vector<16xi32> to vector<1xi32>
    %squeeze3A_8 = vector.extract %slice3A_7[0] : i32 from vector<1xi32>
    %jit3A = arith.constant 8 : i32
    %div3A = arith.divsi %squeeze3A, %jit3A : i32
    %sign3A = arith.constant 0 : i32
    %sign3A_9 = arith.cmpi sgt, %squeeze3A, %sign3A : i32
    %sign3A_10 = arith.extui %sign3A_9 : i1 to i32
    %sign3A_11 = arith.constant 0 : i32
    %sign3A_12 = arith.cmpi slt, %squeeze3A, %sign3A_11 : i32
    %sign3A_13 = arith.extui %sign3A_12 : i1 to i32
    %sign3A_14 = arith.subi %sign3A_10, %sign3A_13 : i32
    %sign3A_15 = arith.constant 0 : i32
    %sign3A_16 = arith.cmpi sgt, %jit3A, %sign3A_15 : i32
    %sign3A_17 = arith.extui %sign3A_16 : i1 to i32
    %sign3A_18 = arith.constant 0 : i32
    %sign3A_19 = arith.cmpi slt, %jit3A, %sign3A_18 : i32
    %sign3A_20 = arith.extui %sign3A_19 : i1 to i32
    %sign3A_21 = arith.subi %sign3A_17, %sign3A_20 : i32
    %ne3A = arith.cmpi ne, %sign3A_14, %sign3A_21 : i32
    %rem3A = arith.remsi %squeeze3A, %jit3A : i32
    %ne3A_22 = arith.constant 0 : i32
    %ne3A_23 = arith.cmpi ne, %rem3A, %ne3A_22 : i32
    %and3A = arith.andi %ne3A, %ne3A_23 : i1
    %sub3A = arith.constant 1 : i32
    %sub3A_24 = arith.subi %div3A, %sub3A : i32
    %select_n3A = arith.select %and3A, %sub3A_24, %div3A : i32
    %mul3A_25 = arith.constant 8 : i32
    %mul3A_26 = arith.muli %select_n3A, %mul3A_25 : i32
    %multiple_of3A_27 = tpu.assume_multiple %mul3A_26, 8 : i32
    %sub3A_28 = arith.subi %squeeze3A_8, %multiple_of3A_27 : i32
    %add3A_29 = arith.constant 128 : i32
    %add3A_30 = arith.addi %sub3A_28, %add3A_29 : i32
    %sub3A_31 = arith.constant 1 : i32
    %sub3A_32 = arith.subi %add3A_30, %sub3A_31 : i32
    %jit3A_33 = arith.constant 128 : i32
    %div3A_34 = arith.divsi %sub3A_32, %jit3A_33 : i32
    %sign3A_35 = arith.constant 0 : i32
    %sign3A_36 = arith.cmpi sgt, %sub3A_32, %sign3A_35 : i32
    %sign3A_37 = arith.extui %sign3A_36 : i1 to i32
    %sign3A_38 = arith.constant 0 : i32
    %sign3A_39 = arith.cmpi slt, %sub3A_32, %sign3A_38 : i32
    %sign3A_40 = arith.extui %sign3A_39 : i1 to i32
    %sign3A_41 = arith.subi %sign3A_37, %sign3A_40 : i32
    %sign3A_42 = arith.constant 0 : i32
    %sign3A_43 = arith.cmpi sgt, %jit3A_33, %sign3A_42 : i32
    %sign3A_44 = arith.extui %sign3A_43 : i1 to i32
    %sign3A_45 = arith.constant 0 : i32
    %sign3A_46 = arith.cmpi slt, %jit3A_33, %sign3A_45 : i32
    %sign3A_47 = arith.extui %sign3A_46 : i1 to i32
    %sign3A_48 = arith.subi %sign3A_44, %sign3A_47 : i32
    %ne3A_49 = arith.cmpi ne, %sign3A_41, %sign3A_48 : i32
    %rem3A_50 = arith.remsi %sub3A_32, %jit3A_33 : i32
    %ne3A_51 = arith.constant 0 : i32
    %ne3A_52 = arith.cmpi ne, %rem3A_50, %ne3A_51 : i32
    %and3A_53 = arith.andi %ne3A_49, %ne3A_52 : i1
    %sub3A_54 = arith.constant 1 : i32
    %sub3A_55 = arith.subi %div3A_34, %sub3A_54 : i32
    %select_n3A_56 = arith.select %and3A_53, %sub3A_55, %div3A_34 : i32
    %iota3A = tpu.iota {dimensions = array<i32: 0>} : vector<16xi32>
    %scan3A = arith.constant 0 : i32
    %scan3A_57 = arith.constant 16 : i32
    %scan3A_58 = arith.addi %scan3A, %scan3A_57 : i32
    %scan3A_59 = arith.constant 1 : i32
    scf.for %scan3A_61 = %scan3A to %scan3A_58 step %scan3A_59  : i32 {
      "tpu.region"() ({
        %run_scoped3A = tpu.sem_alloc : memref<!tpu.dma_semaphore, #tpu.memory_space<semaphore_mem>>
        tpu.enqueue_dma source(%arg7 : memref<640x128xf32, #tpu.memory_space<hbm>>) target(%arg14 : memref<640x128xf32, #tpu.memory_space<vmem>>) target_semaphore(%run_scoped3A : memref<!tpu.dma_semaphore, #tpu.memory_space<semaphore_mem>>)
        tpu.wait_dma2 semaphore(%run_scoped3A : memref<!tpu.dma_semaphore, #tpu.memory_space<semaphore_mem>>) src(%arg7 : memref<640x128xf32, #tpu.memory_space<hbm>>) dst(%arg14 : memref<640x128xf32, #tpu.memory_space<vmem>>)
        tpu.yield
      }) : () -> ()
      %mul3A_62 = arith.constant 10000 : i32
      %mul3A_63 = arith.muli %scan3A_61, %mul3A_62 : i32
      %while3A = arith.constant 0 : i32
      %while3A_64 = arith.subi %select_n3A_56, %while3A : i32
      %while3A_65 = arith.addi %while3A, %while3A_64 : i32
      %while3A_66 = arith.constant 1 : i32
      %while3A_67 = arith.divsi %while3A_64, %while3A_66 : i32
      %while3A_68 = arith.muli %while3A_67, %while3A_66 : i32
      %while3A_69 = arith.addi %while3A, %while3A_68 : i32
      %while3A_70 = arith.constant 1 : i32
      scf.for %while3A_76 = %while3A to %while3A_69 step %while3A_70  : i32 {
        %mul3A_77 = arith.constant 128 : i32
        %mul3A_78 = arith.muli %while3A_76, %mul3A_77 : i32
        %add3A_79 = arith.addi %multiple_of3A_27, %mul3A_78 : i32
        %multiple_of3A_80 = tpu.assume_multiple %add3A_79, 8 : i32
        "tpu.region"() ({
          %run_scoped3A = tpu.sem_alloc : memref<!tpu.dma_semaphore, #tpu.memory_space<semaphore_mem>>
          %dma_start3A_95 = tpu.memref_slice %arg3[%multiple_of3A_80] : memref<60160xi32, #tpu.memory_space<hbm>> -> memref<128xi32, #tpu.memory_space<hbm>>
          %dma_start3A_96 = tpu.memref_slice %arg3[%multiple_of3A_80] : memref<60160xi32, #tpu.memory_space<hbm>> -> memref<128xi32, #tpu.memory_space<hbm>>
          tpu.enqueue_dma source(%dma_start3A_96 : memref<128xi32, #tpu.memory_space<hbm>>) target(%arg9 : memref<128xi32, #tpu.memory_space<vmem>>) target_semaphore(%run_scoped3A : memref<!tpu.dma_semaphore, #tpu.memory_space<semaphore_mem>>)
          %dma_wait3A_97 = tpu.memref_slice %arg3[%multiple_of3A_80] : memref<60160xi32, #tpu.memory_space<hbm>> -> memref<128xi32, #tpu.memory_space<hbm>>
          %dma_wait3A_98 = tpu.memref_slice %arg3[%multiple_of3A_80] : memref<60160xi32, #tpu.memory_space<hbm>> -> memref<128xi32, #tpu.memory_space<hbm>>
          tpu.wait_dma2 semaphore(%run_scoped3A : memref<!tpu.dma_semaphore, #tpu.memory_space<semaphore_mem>>) src(%dma_wait3A_98 : memref<128xi32, #tpu.memory_space<hbm>>) dst(%arg9 : memref<128xi32, #tpu.memory_space<vmem>>)
          tpu.yield
        }) : () -> ()
        "tpu.region"() ({
          %run_scoped3A = tpu.sem_alloc : memref<!tpu.dma_semaphore, #tpu.memory_space<semaphore_mem>>
          %dma_start3A_95 = tpu.memref_slice %arg4[%multiple_of3A_80] : memref<60160xi32, #tpu.memory_space<hbm>> -> memref<128xi32, #tpu.memory_space<hbm>>
          %dma_start3A_96 = tpu.memref_slice %arg4[%multiple_of3A_80] : memref<60160xi32, #tpu.memory_space<hbm>> -> memref<128xi32, #tpu.memory_space<hbm>>
          tpu.enqueue_dma source(%dma_start3A_96 : memref<128xi32, #tpu.memory_space<hbm>>) target(%arg10 : memref<128xi32, #tpu.memory_space<vmem>>) target_semaphore(%run_scoped3A : memref<!tpu.dma_semaphore, #tpu.memory_space<semaphore_mem>>)
          %dma_wait3A_97 = tpu.memref_slice %arg4[%multiple_of3A_80] : memref<60160xi32, #tpu.memory_space<hbm>> -> memref<128xi32, #tpu.memory_space<hbm>>
          %dma_wait3A_98 = tpu.memref_slice %arg4[%multiple_of3A_80] : memref<60160xi32, #tpu.memory_space<hbm>> -> memref<128xi32, #tpu.memory_space<hbm>>
          tpu.wait_dma2 semaphore(%run_scoped3A : memref<!tpu.dma_semaphore, #tpu.memory_space<semaphore_mem>>) src(%dma_wait3A_98 : memref<128xi32, #tpu.memory_space<hbm>>) dst(%arg10 : memref<128xi32, #tpu.memory_space<vmem>>)
          tpu.yield
        }) : () -> ()
        "tpu.region"() ({
          %run_scoped3A = tpu.sem_alloc : memref<!tpu.dma_semaphore, #tpu.memory_space<semaphore_mem>>
          %dma_start3A_95 = tpu.memref_slice %arg5[%multiple_of3A_80] : memref<60160xf32, #tpu.memory_space<hbm>> -> memref<128xf32, #tpu.memory_space<hbm>>
          %dma_start3A_96 = tpu.memref_slice %arg5[%multiple_of3A_80] : memref<60160xf32, #tpu.memory_space<hbm>> -> memref<128xf32, #tpu.memory_space<hbm>>
          tpu.enqueue_dma source(%dma_start3A_96 : memref<128xf32, #tpu.memory_space<hbm>>) target(%arg11 : memref<128xf32, #tpu.memory_space<vmem>>) target_semaphore(%run_scoped3A : memref<!tpu.dma_semaphore, #tpu.memory_space<semaphore_mem>>)
          %dma_wait3A_97 = tpu.memref_slice %arg5[%multiple_of3A_80] : memref<60160xf32, #tpu.memory_space<hbm>> -> memref<128xf32, #tpu.memory_space<hbm>>
          %dma_wait3A_98 = tpu.memref_slice %arg5[%multiple_of3A_80] : memref<60160xf32, #tpu.memory_space<hbm>> -> memref<128xf32, #tpu.memory_space<hbm>>
          tpu.wait_dma2 semaphore(%run_scoped3A : memref<!tpu.dma_semaphore, #tpu.memory_space<semaphore_mem>>) src(%dma_wait3A_98 : memref<128xf32, #tpu.memory_space<hbm>>) dst(%arg11 : memref<128xf32, #tpu.memory_space<vmem>>)
          tpu.yield
        }) : () -> ()
        %scan3A_81 = arith.constant 0 : i32
        %scan3A_82 = arith.constant 8 : i32
        %scan3A_83 = arith.addi %scan3A_81, %scan3A_82 : i32
        %scan3A_84 = arith.constant 1 : i32
        scf.for %scan3A_95 = %scan3A_81 to %scan3A_83 step %scan3A_84  : i32 {
          %mul3A_96 = arith.constant 16 : i32
          %mul3A_97 = arith.muli %scan3A_95, %mul3A_96 : i32
          %get3A_98 = arith.index_cast %mul3A_97 : i32 to index
          %get3A_99 = tpu.vector_load %arg9[%get3A_98] {strides = array<i32>} : memref<128xi32, #tpu.memory_space<vmem>>, vector<16xi32>,
          %get3A_100 = vector.shape_cast %get3A_99 : vector<16xi32> to vector<16xi32>
          %add3A_101 = vector.broadcast %mul3A_63 : i32 to vector<16xi32>
          %add3A_102 = arith.addi %get3A_100, %add3A_101 : vector<16xi32>
          %mul3A_103 = arith.constant 16 : i32
          %mul3A_104 = arith.muli %scan3A_95, %mul3A_103 : i32
          %swap3A = arith.index_cast %mul3A_104 : i32 to index
          %swap3A_105 = tpu.vector_load %arg12[%swap3A] {strides = array<i32>} : memref<128xi32, #tpu.memory_space<vmem>>, vector<16xi32>,
          %swap3A_106 = vector.shape_cast %swap3A_105 : vector<16xi32> to vector<16xi32>
          %swap3A_107 = vector.shape_cast %add3A_102 : vector<16xi32> to vector<16xi32>
          tpu.vector_store %arg12[%swap3A], %swap3A_107 {strides = array<i32>} : memref<128xi32, #tpu.memory_space<vmem>>, vector<16xi32>,
        }
        %scan3A_85 = arith.constant 8 : i32
        %dma_start3A = arith.constant 0 : i32
        %dma_start3A_86 = arith.constant 0 : i32
        %dma_start3A_87 = tpu.memref_slice %arg2[%dma_start3A, %dma_start3A_86] : memref<160000x128xf32, #tpu.memory_space<hbm>> -> memref<160000x128xf32, #tpu.memory_space<hbm>>
        tpu.enqueue_indirect_dma source(%dma_start3A_87 : memref<160000x128xf32, #tpu.memory_space<hbm>>) target(%arg13 : memref<128x128xf32, #tpu.memory_space<vmem>>) offsets(%arg12 : memref<128xi32, #tpu.memory_space<vmem>>) semaphore(%arg16 : memref<!tpu.dma_semaphore, #tpu.memory_space<semaphore_mem>>)
        %dma_wait3A = arith.constant 0 : i32
        %dma_wait3A_88 = arith.constant 0 : i32
        %dma_wait3A_89 = tpu.memref_slice %arg2[%dma_wait3A, %dma_wait3A_88] : memref<160000x128xf32, #tpu.memory_space<hbm>> -> memref<160000x128xf32, #tpu.memory_space<hbm>>
        tpu.wait_indirect_dma semaphore(%arg16 : memref<!tpu.dma_semaphore, #tpu.memory_space<semaphore_mem>>) src(%dma_wait3A_89 : memref<160000x128xf32, #tpu.memory_space<hbm>>) dst(%arg13 : memref<128x128xf32, #tpu.memory_space<vmem>>)
        %scan3A_90 = arith.constant 0 : i32
        %scan3A_91 = arith.constant 8 : i32
        %scan3A_92 = arith.addi %scan3A_90, %scan3A_91 : i32
        %scan3A_93 = arith.constant 1 : i32
        scf.for %scan3A_95 = %scan3A_90 to %scan3A_92 step %scan3A_93  : i32 {
          %mul3A_96 = arith.constant 16 : i32
          %mul3A_97 = arith.muli %scan3A_95, %mul3A_96 : i32
          %get3A_98 = arith.index_cast %mul3A_97 : i32 to index
          %get3A_99 = tpu.vector_load %arg11[%get3A_98] {strides = array<i32>} : memref<128xf32, #tpu.memory_space<vmem>>, vector<16xf32>,
          %get3A_100 = vector.shape_cast %get3A_99 : vector<16xf32> to vector<16xf32>
          %get3A_101 = arith.index_cast %mul3A_97 : i32 to index
          %get3A_102 = tpu.vector_load %arg10[%get3A_101] {strides = array<i32>} : memref<128xi32, #tpu.memory_space<vmem>>, vector<16xi32>,
          %get3A_103 = vector.shape_cast %get3A_102 : vector<16xi32> to vector<16xi32>
          %add3A_104 = arith.addi %multiple_of3A_80, %mul3A_97 : i32
          %add3A_105 = vector.broadcast %add3A_104 : i32 to vector<16xi32>
          %add3A_106 = arith.addi %add3A_105, %iota3A : vector<16xi32>
          %ge3A = vector.broadcast %squeeze3A : i32 to vector<16xi32>
          %ge3A_107 = arith.cmpi sge, %add3A_106, %ge3A : vector<16xi32>
          %lt3A = vector.broadcast %squeeze3A_8 : i32 to vector<16xi32>
          %lt3A_108 = arith.cmpi slt, %add3A_106, %lt3A : vector<16xi32>
          %and3A_109 = arith.andi %ge3A_107, %lt3A_108 : vector<16xi1>
          %jit3A_110 = arith.constant 0.000000e+00 : f32
          %broadcast_in_dim3A = vector.broadcast %jit3A_110 : f32 to vector<16xf32>
          %select_n3A_111 = arith.select %and3A_109, %get3A_100, %broadcast_in_dim3A : vector<16xi1>, vector<16xf32>
          %sub3A_112 = vector.broadcast %mul3A_2 : i32 to vector<16xi32>
          %sub3A_113 = arith.subi %get3A_103, %sub3A_112 : vector<16xi32>
          %jit3A_114 = arith.constant 0 : i32
          %jit3A_115 = arith.constant 639 : i32
          %max3A = vector.broadcast %jit3A_114 : i32 to vector<16xi32>
          %max3A_116 = arith.maxsi %max3A, %sub3A_113 : vector<16xi32>
          %min3A = vector.broadcast %jit3A_115 : i32 to vector<16xi32>
          %min3A_117 = arith.minsi %min3A, %max3A_116 : vector<16xi32>
          %slice3A_118 = vector.extract_strided_slice %select_n3A_111 {offsets = [0], sizes = [1], strides = [1]} : vector<16xf32> to vector<1xf32>
          %squeeze3A_119 = vector.extract %slice3A_118[0] : f32 from vector<1xf32>
          %slice3A_120 = vector.extract_strided_slice %min3A_117 {offsets = [0], sizes = [1], strides = [1]} : vector<16xi32> to vector<1xi32>
          %squeeze3A_121 = vector.extract %slice3A_120[0] : i32 from vector<1xi32>
          %add3A_122 = arith.constant 0 : i32
          %add3A_123 = arith.addi %mul3A_97, %add3A_122 : i32
          %get3A_124 = arith.index_cast %add3A_123 : i32 to index
          %get3A_125 = arith.constant 0 : index
          %get3A_126 = tpu.vector_load %arg13[%get3A_124, %get3A_125] {strides = array<i32>} : memref<128x128xf32, #tpu.memory_space<vmem>>, vector<1x16xf32>,
          %get3A_127 = vector.shape_cast %get3A_126 : vector<1x16xf32> to vector<16xf32>
          %mul3A_128 = vector.broadcast %squeeze3A_119 : f32 to vector<16xf32>
          %mul3A_129 = arith.mulf %get3A_127, %mul3A_128 : vector<16xf32>
          %swap3A = arith.index_cast %squeeze3A_121 : i32 to index
          %swap3A_130 = arith.constant 0 : index
          %swap3A_131 = tpu.vector_load %arg14[%swap3A, %swap3A_130] {strides = array<i32>} : memref<640x128xf32, #tpu.memory_space<vmem>>, vector<1x16xf32>,
          %swap3A_132 = vector.shape_cast %swap3A_131 : vector<1x16xf32> to vector<16xf32>
          %swap3A_133 = vector.shape_cast %mul3A_129 : vector<16xf32> to vector<1x16xf32>
          tpu.vector_store %arg14[%swap3A, %swap3A_130], %swap3A_133 {add = true, strides = array<i32>} : memref<640x128xf32, #tpu.memory_space<vmem>>, vector<1x16xf32>,
          %add3A_134 = arith.constant 0 : i32
          %add3A_135 = arith.addi %mul3A_97, %add3A_134 : i32
          %get3A_136 = arith.index_cast %add3A_135 : i32 to index
          %get3A_137 = arith.constant 16 : index
          %get3A_138 = tpu.vector_load %arg13[%get3A_136, %get3A_137] {strides = array<i32>} : memref<128x128xf32, #tpu.memory_space<vmem>>, vector<1x16xf32>,
          %get3A_139 = vector.shape_cast %get3A_138 : vector<1x16xf32> to vector<16xf32>
          %mul3A_140 = vector.broadcast %squeeze3A_119 : f32 to vector<16xf32>
          %mul3A_141 = arith.mulf %get3A_139, %mul3A_140 : vector<16xf32>
          %swap3A_142 = arith.index_cast %squeeze3A_121 : i32 to index
          %swap3A_143 = arith.constant 16 : index
          %swap3A_144 = tpu.vector_load %arg14[%swap3A_142, %swap3A_143] {strides = array<i32>} : memref<640x128xf32, #tpu.memory_space<vmem>>, vector<1x16xf32>,
          %swap3A_145 = vector.shape_cast %swap3A_144 : vector<1x16xf32> to vector<16xf32>
          %swap3A_146 = vector.shape_cast %mul3A_141 : vector<16xf32> to vector<1x16xf32>
          tpu.vector_store %arg14[%swap3A_142, %swap3A_143], %swap3A_146 {add = true, strides = array<i32>} : memref<640x128xf32, #tpu.memory_space<vmem>>, vector<1x16xf32>,
          %add3A_147 = arith.constant 0 : i32
          %add3A_148 = arith.addi %mul3A_97, %add3A_147 : i32
          %get3A_149 = arith.index_cast %add3A_148 : i32 to index
          %get3A_150 = arith.constant 32 : index
          %get3A_151 = tpu.vector_load %arg13[%get3A_149, %get3A_150] {strides = array<i32>} : memref<128x128xf32, #tpu.memory_space<vmem>>, vector<1x16xf32>,
          %get3A_152 = vector.shape_cast %get3A_151 : vector<1x16xf32> to vector<16xf32>
          %mul3A_153 = vector.broadcast %squeeze3A_119 : f32 to vector<16xf32>
          %mul3A_154 = arith.mulf %get3A_152, %mul3A_153 : vector<16xf32>
          %swap3A_155 = arith.index_cast %squeeze3A_121 : i32 to index
          %swap3A_156 = arith.constant 32 : index
          %swap3A_157 = tpu.vector_load %arg14[%swap3A_155, %swap3A_156] {strides = array<i32>} : memref<640x128xf32, #tpu.memory_space<vmem>>, vector<1x16xf32>,
          %swap3A_158 = vector.shape_cast %swap3A_157 : vector<1x16xf32> to vector<16xf32>
          %swap3A_159 = vector.shape_cast %mul3A_154 : vector<16xf32> to vector<1x16xf32>
          tpu.vector_store %arg14[%swap3A_155, %swap3A_156], %swap3A_159 {add = true, strides = array<i32>} : memref<640x128xf32, #tpu.memory_space<vmem>>, vector<1x16xf32>,
          %add3A_160 = arith.constant 0 : i32
          %add3A_161 = arith.addi %mul3A_97, %add3A_160 : i32
          %get3A_162 = arith.index_cast %add3A_161 : i32 to index
          %get3A_163 = arith.constant 48 : index
          %get3A_164 = tpu.vector_load %arg13[%get3A_162, %get3A_163] {strides = array<i32>} : memref<128x128xf32, #tpu.memory_space<vmem>>, vector<1x16xf32>,
          %get3A_165 = vector.shape_cast %get3A_164 : vector<1x16xf32> to vector<16xf32>
          %mul3A_166 = vector.broadcast %squeeze3A_119 : f32 to vector<16xf32>
          %mul3A_167 = arith.mulf %get3A_165, %mul3A_166 : vector<16xf32>
          %swap3A_168 = arith.index_cast %squeeze3A_121 : i32 to index
          %swap3A_169 = arith.constant 48 : index
          %swap3A_170 = tpu.vector_load %arg14[%swap3A_168, %swap3A_169] {strides = array<i32>} : memref<640x128xf32, #tpu.memory_space<vmem>>, vector<1x16xf32>,
          %swap3A_171 = vector.shape_cast %swap3A_170 : vector<1x16xf32> to vector<16xf32>
          %swap3A_172 = vector.shape_cast %mul3A_167 : vector<16xf32> to vector<1x16xf32>
          tpu.vector_store %arg14[%swap3A_168, %swap3A_169], %swap3A_172 {add = true, strides = array<i32>} : memref<640x128xf32, #tpu.memory_space<vmem>>, vector<1x16xf32>,
          %add3A_173 = arith.constant 0 : i32
          %add3A_174 = arith.addi %mul3A_97, %add3A_173 : i32
          %get3A_175 = arith.index_cast %add3A_174 : i32 to index
          %get3A_176 = arith.constant 64 : index
          %get3A_177 = tpu.vector_load %arg13[%get3A_175, %get3A_176] {strides = array<i32>} : memref<128x128xf32, #tpu.memory_space<vmem>>, vector<1x16xf32>,
          %get3A_178 = vector.shape_cast %get3A_177 : vector<1x16xf32> to vector<16xf32>
          %mul3A_179 = vector.broadcast %squeeze3A_119 : f32 to vector<16xf32>
          %mul3A_180 = arith.mulf %get3A_178, %mul3A_179 : vector<16xf32>
          %swap3A_181 = arith.index_cast %squeeze3A_121 : i32 to index
          %swap3A_182 = arith.constant 64 : index
          %swap3A_183 = tpu.vector_load %arg14[%swap3A_181, %swap3A_182] {strides = array<i32>} : memref<640x128xf32, #tpu.memory_space<vmem>>, vector<1x16xf32>,
          %swap3A_184 = vector.shape_cast %swap3A_183 : vector<1x16xf32> to vector<16xf32>
          %swap3A_185 = vector.shape_cast %mul3A_180 : vector<16xf32> to vector<1x16xf32>
          tpu.vector_store %arg14[%swap3A_181, %swap3A_182], %swap3A_185 {add = true, strides = array<i32>} : memref<640x128xf32, #tpu.memory_space<vmem>>, vector<1x16xf32>,
          %add3A_186 = arith.constant 0 : i32
          %add3A_187 = arith.addi %mul3A_97, %add3A_186 : i32
          %get3A_188 = arith.index_cast %add3A_187 : i32 to index
          %get3A_189 = arith.constant 80 : index
          %get3A_190 = tpu.vector_load %arg13[%get3A_188, %get3A_189] {strides = array<i32>} : memref<128x128xf32, #tpu.memory_space<vmem>>, vector<1x16xf32>,
          %get3A_191 = vector.shape_cast %get3A_190 : vector<1x16xf32> to vector<16xf32>
          %mul3A_192 = vector.broadcast %squeeze3A_119 : f32 to vector<16xf32>
          %mul3A_193 = arith.mulf %get3A_191, %mul3A_192 : vector<16xf32>
          %swap3A_194 = arith.index_cast %squeeze3A_121 : i32 to index
          %swap3A_195 = arith.constant 80 : index
          %swap3A_196 = tpu.vector_load %arg14[%swap3A_194, %swap3A_195] {strides = array<i32>} : memref<640x128xf32, #tpu.memory_space<vmem>>, vector<1x16xf32>,
          %swap3A_197 = vector.shape_cast %swap3A_196 : vector<1x16xf32> to vector<16xf32>
          %swap3A_198 = vector.shape_cast %mul3A_193 : vector<16xf32> to vector<1x16xf32>
          tpu.vector_store %arg14[%swap3A_194, %swap3A_195], %swap3A_198 {add = true, strides = array<i32>} : memref<640x128xf32, #tpu.memory_space<vmem>>, vector<1x16xf32>,
          %add3A_199 = arith.constant 0 : i32
          %add3A_200 = arith.addi %mul3A_97, %add3A_199 : i32
          %get3A_201 = arith.index_cast %add3A_200 : i32 to index
          %get3A_202 = arith.constant 96 : index
          %get3A_203 = tpu.vector_load %arg13[%get3A_201, %get3A_202] {strides = array<i32>} : memref<128x128xf32, #tpu.memory_space<vmem>>, vector<1x16xf32>,
          %get3A_204 = vector.shape_cast %get3A_203 : vector<1x16xf32> to vector<16xf32>
          %mul3A_205 = vector.broadcast %squeeze3A_119 : f32 to vector<16xf32>
          %mul3A_206 = arith.mulf %get3A_204, %mul3A_205 : vector<16xf32>
          %swap3A_207 = arith.index_cast %squeeze3A_121 : i32 to index
          %swap3A_208 = arith.constant 96 : index
          %swap3A_209 = tpu.vector_load %arg14[%swap3A_207, %swap3A_208] {strides = array<i32>} : memref<640x128xf32, #tpu.memory_space<vmem>>, vector<1x16xf32>,
          %swap3A_210 = vector.shape_cast %swap3A_209 : vector<1x16xf32> to vector<16xf32>
          %swap3A_211 = vector.shape_cast %mul3A_206 : vector<16xf32> to vector<1x16xf32>
          tpu.vector_store %arg14[%swap3A_207, %swap3A_208], %swap3A_211 {add = true, strides = array<i32>} : memref<640x128xf32, #tpu.memory_space<vmem>>, vector<1x16xf32>,
          %add3A_212 = arith.constant 0 : i32
          %add3A_213 = arith.addi %mul3A_97, %add3A_212 : i32
          %get3A_214 = arith.index_cast %add3A_213 : i32 to index
          %get3A_215 = arith.constant 112 : index
          %get3A_216 = tpu.vector_load %arg13[%get3A_214, %get3A_215] {strides = array<i32>} : memref<128x128xf32, #tpu.memory_space<vmem>>, vector<1x16xf32>,
          %get3A_217 = vector.shape_cast %get3A_216 : vector<1x16xf32> to vector<16xf32>
          %mul3A_218 = vector.broadcast %squeeze3A_119 : f32 to vector<16xf32>
          %mul3A_219 = arith.mulf %get3A_217, %mul3A_218 : vector<16xf32>
          %swap3A_220 = arith.index_cast %squeeze3A_121 : i32 to index
          %swap3A_221 = arith.constant 112 : index
          %swap3A_222 = tpu.vector_load %arg14[%swap3A_220, %swap3A_221] {strides = array<i32>} : memref<640x128xf32, #tpu.memory_space<vmem>>, vector<1x16xf32>,
          %swap3A_223 = vector.shape_cast %swap3A_222 : vector<1x16xf32> to vector<16xf32>
          %swap3A_224 = vector.shape_cast %mul3A_219 : vector<16xf32> to vector<1x16xf32>
          tpu.vector_store %arg14[%swap3A_220, %swap3A_221], %swap3A_224 {add = true, strides = array<i32>} : memref<640x128xf32, #tpu.memory_space<vmem>>, vector<1x16xf32>,
          %slice3A_225 = vector.extract_strided_slice %select_n3A_111 {offsets = [1], sizes = [1], strides = [1]} : vector<16xf32> to vector<1xf32>
          %squeeze3A_226 = vector.extract %slice3A_225[0] : f32 from vector<1xf32>
          %slice3A_227 = vector.extract_strided_slice %min3A_117 {offsets = [1], sizes = [1], strides = [1]} : vector<16xi32> to vector<1xi32>
          %squeeze3A_228 = vector.extract %slice3A_227[0] : i32 from vector<1xi32>
          %add3A_229 = arith.constant 1 : i32
          %add3A_230 = arith.addi %mul3A_97, %add3A_229 : i32
          %get3A_231 = arith.index_cast %add3A_230 : i32 to index
          %get3A_232 = arith.constant 0 : index
          %get3A_233 = tpu.vector_load %arg13[%get3A_231, %get3A_232] {strides = array<i32>} : memref<128x128xf32, #tpu.memory_space<vmem>>, vector<1x16xf32>,
          %get3A_234 = vector.shape_cast %get3A_233 : vector<1x16xf32> to vector<16xf32>
          %mul3A_235 = vector.broadcast %squeeze3A_226 : f32 to vector<16xf32>
          %mul3A_236 = arith.mulf %get3A_234, %mul3A_235 : vector<16xf32>
          %swap3A_237 = arith.index_cast %squeeze3A_228 : i32 to index
          %swap3A_238 = arith.constant 0 : index
          %swap3A_239 = tpu.vector_load %arg14[%swap3A_237, %swap3A_238] {strides = array<i32>} : memref<640x128xf32, #tpu.memory_space<vmem>>, vector<1x16xf32>,
          %swap3A_240 = vector.shape_cast %swap3A_239 : vector<1x16xf32> to vector<16xf32>
          %swap3A_241 = vector.shape_cast %mul3A_236 : vector<16xf32> to vector<1x16xf32>
          tpu.vector_store %arg14[%swap3A_237, %swap3A_238], %swap3A_241 {add = true, strides = array<i32>} : memref<640x128xf32, #tpu.memory_space<vmem>>, vector<1x16xf32>,
          %add3A_242 = arith.constant 1 : i32
          %add3A_243 = arith.addi %mul3A_97, %add3A_242 : i32
          %get3A_244 = arith.index_cast %add3A_243 : i32 to index
          %get3A_245 = arith.constant 16 : index
          %get3A_246 = tpu.vector_load %arg13[%get3A_244, %get3A_245] {strides = array<i32>} : memref<128x128xf32, #tpu.memory_space<vmem>>, vector<1x16xf32>,
          %get3A_247 = vector.shape_cast %get3A_246 : vector<1x16xf32> to vector<16xf32>
          %mul3A_248 = vector.broadcast %squeeze3A_226 : f32 to vector<16xf32>
          %mul3A_249 = arith.mulf %get3A_247, %mul3A_248 : vector<16xf32>
          %swap3A_250 = arith.index_cast %squeeze3A_228 : i32 to index
          %swap3A_251 = arith.constant 16 : index
          %swap3A_252 = tpu.vector_load %arg14[%swap3A_250, %swap3A_251] {strides = array<i32>} : memref<640x128xf32, #tpu.memory_space<vmem>>, vector<1x16xf32>,
          %swap3A_253 = vector.shape_cast %swap3A_252 : vector<1x16xf32> to vector<16xf32>
          %swap3A_254 = vector.shape_cast %mul3A_249 : vector<16xf32> to vector<1x16xf32>
          tpu.vector_store %arg14[%swap3A_250, %swap3A_251], %swap3A_254 {add = true, strides = array<i32>} : memref<640x128xf32, #tpu.memory_space<vmem>>, vector<1x16xf32>,
          %add3A_255 = arith.constant 1 : i32
          %add3A_256 = arith.addi %mul3A_97, %add3A_255 : i32
          %get3A_257 = arith.index_cast %add3A_256 : i32 to index
          %get3A_258 = arith.constant 32 : index
          %get3A_259 = tpu.vector_load %arg13[%get3A_257, %get3A_258] {strides = array<i32>} : memref<128x128xf32, #tpu.memory_space<vmem>>, vector<1x16xf32>,
          %get3A_260 = vector.shape_cast %get3A_259 : vector<1x16xf32> to vector<16xf32>
          %mul3A_261 = vector.broadcast %squeeze3A_226 : f32 to vector<16xf32>
          %mul3A_262 = arith.mulf %get3A_260, %mul3A_261 : vector<16xf32>
          %swap3A_263 = arith.index_cast %squeeze3A_228 : i32 to index
          %swap3A_264 = arith.constant 32 : index
          %swap3A_265 = tpu.vector_load %arg14[%swap3A_263, %swap3A_264] {strides = array<i32>} : memref<640x128xf32, #tpu.memory_space<vmem>>, vector<1x16xf32>,
          %swap3A_266 = vector.shape_cast %swap3A_265 : vector<1x16xf32> to vector<16xf32>
          %swap3A_267 = vector.shape_cast %mul3A_262 : vector<16xf32> to vector<1x16xf32>
          tpu.vector_store %arg14[%swap3A_263, %swap3A_264], %swap3A_267 {add = true, strides = array<i32>} : memref<640x128xf32, #tpu.memory_space<vmem>>, vector<1x16xf32>,
          %add3A_268 = arith.constant 1 : i32
          %add3A_269 = arith.addi %mul3A_97, %add3A_268 : i32
          %get3A_270 = arith.index_cast %add3A_269 : i32 to index
          %get3A_271 = arith.constant 48 : index
          %get3A_272 = tpu.vector_load %arg13[%get3A_270, %get3A_271] {strides = array<i32>} : memref<128x128xf32, #tpu.memory_space<vmem>>, vector<1x16xf32>,
          %get3A_273 = vector.shape_cast %get3A_272 : vector<1x16xf32> to vector<16xf32>
          %mul3A_274 = vector.broadcast %squeeze3A_226 : f32 to vector<16xf32>
          %mul3A_275 = arith.mulf %get3A_273, %mul3A_274 : vector<16xf32>
          %swap3A_276 = arith.index_cast %squeeze3A_228 : i32 to index
          %swap3A_277 = arith.constant 48 : index
          %swap3A_278 = tpu.vector_load %arg14[%swap3A_276, %swap3A_277] {strides = array<i32>} : memref<640x128xf32, #tpu.memory_space<vmem>>, vector<1x16xf32>,
          %swap3A_279 = vector.shape_cast %swap3A_278 : vector<1x16xf32> to vector<16xf32>
          %swap3A_280 = vector.shape_cast %mul3A_275 : vector<16xf32> to vector<1x16xf32>
          tpu.vector_store %arg14[%swap3A_276, %swap3A_277], %swap3A_280 {add = true, strides = array<i32>} : memref<640x128xf32, #tpu.memory_space<vmem>>, vector<1x16xf32>,
          %add3A_281 = arith.constant 1 : i32
          %add3A_282 = arith.addi %mul3A_97, %add3A_281 : i32
          %get3A_283 = arith.index_cast %add3A_282 : i32 to index
          %get3A_284 = arith.constant 64 : index
          %get3A_285 = tpu.vector_load %arg13[%get3A_283, %get3A_284] {strides = array<i32>} : memref<128x128xf32, #tpu.memory_space<vmem>>, vector<1x16xf32>,
          %get3A_286 = vector.shape_cast %get3A_285 : vector<1x16xf32> to vector<16xf32>
          %mul3A_287 = vector.broadcast %squeeze3A_226 : f32 to vector<16xf32>
          %mul3A_288 = arith.mulf %get3A_286, %mul3A_287 : vector<16xf32>
          %swap3A_289 = arith.index_cast %squeeze3A_228 : i32 to index
          %swap3A_290 = arith.constant 64 : index
          %swap3A_291 = tpu.vector_load %arg14[%swap3A_289, %swap3A_290] {strides = array<i32>} : memref<640x128xf32, #tpu.memory_space<vmem>>, vector<1x16xf32>,
          %swap3A_292 = vector.shape_cast %swap3A_291 : vector<1x16xf32> to vector<16xf32>
          %swap3A_293 = vector.shape_cast %mul3A_288 : vector<16xf32> to vector<1x16xf32>
          tpu.vector_store %arg14[%swap3A_289, %swap3A_290], %swap3A_293 {add = true, strides = array<i32>} : memref<640x128xf32, #tpu.memory_space<vmem>>, vector<1x16xf32>,
          %add3A_294 = arith.constant 1 : i32
          %add3A_295 = arith.addi %mul3A_97, %add3A_294 : i32
          %get3A_296 = arith.index_cast %add3A_295 : i32 to index
          %get3A_297 = arith.constant 80 : index
          %get3A_298 = tpu.vector_load %arg13[%get3A_296, %get3A_297] {strides = array<i32>} : memref<128x128xf32, #tpu.memory_space<vmem>>, vector<1x16xf32>,
          %get3A_299 = vector.shape_cast %get3A_298 : vector<1x16xf32> to vector<16xf32>
          %mul3A_300 = vector.broadcast %squeeze3A_226 : f32 to vector<16xf32>
          %mul3A_301 = arith.mulf %get3A_299, %mul3A_300 : vector<16xf32>
          %swap3A_302 = arith.index_cast %squeeze3A_228 : i32 to index
          %swap3A_303 = arith.constant 80 : index
          %swap3A_304 = tpu.vector_load %arg14[%swap3A_302, %swap3A_303] {strides = array<i32>} : memref<640x128xf32, #tpu.memory_space<vmem>>, vector<1x16xf32>,
          %swap3A_305 = vector.shape_cast %swap3A_304 : vector<1x16xf32> to vector<16xf32>
          %swap3A_306 = vector.shape_cast %mul3A_301 : vector<16xf32> to vector<1x16xf32>
          tpu.vector_store %arg14[%swap3A_302, %swap3A_303], %swap3A_306 {add = true, strides = array<i32>} : memref<640x128xf32, #tpu.memory_space<vmem>>, vector<1x16xf32>,
          %add3A_307 = arith.constant 1 : i32
          %add3A_308 = arith.addi %mul3A_97, %add3A_307 : i32
          %get3A_309 = arith.index_cast %add3A_308 : i32 to index
          %get3A_310 = arith.constant 96 : index
          %get3A_311 = tpu.vector_load %arg13[%get3A_309, %get3A_310] {strides = array<i32>} : memref<128x128xf32, #tpu.memory_space<vmem>>, vector<1x16xf32>,
          %get3A_312 = vector.shape_cast %get3A_311 : vector<1x16xf32> to vector<16xf32>
          %mul3A_313 = vector.broadcast %squeeze3A_226 : f32 to vector<16xf32>
          %mul3A_314 = arith.mulf %get3A_312, %mul3A_313 : vector<16xf32>
          %swap3A_315 = arith.index_cast %squeeze3A_228 : i32 to index
          %swap3A_316 = arith.constant 96 : index
          %swap3A_317 = tpu.vector_load %arg14[%swap3A_315, %swap3A_316] {strides = array<i32>} : memref<640x128xf32, #tpu.memory_space<vmem>>, vector<1x16xf32>,
          %swap3A_318 = vector.shape_cast %swap3A_317 : vector<1x16xf32> to vector<16xf32>
          %swap3A_319 = vector.shape_cast %mul3A_314 : vector<16xf32> to vector<1x16xf32>
          tpu.vector_store %arg14[%swap3A_315, %swap3A_316], %swap3A_319 {add = true, strides = array<i32>} : memref<640x128xf32, #tpu.memory_space<vmem>>, vector<1x16xf32>,
          %add3A_320 = arith.constant 1 : i32
          %add3A_321 = arith.addi %mul3A_97, %add3A_320 : i32
          %get3A_322 = arith.index_cast %add3A_321 : i32 to index
          %get3A_323 = arith.constant 112 : index
          %get3A_324 = tpu.vector_load %arg13[%get3A_322, %get3A_323] {strides = array<i32>} : memref<128x128xf32, #tpu.memory_space<vmem>>, vector<1x16xf32>,
          %get3A_325 = vector.shape_cast %get3A_324 : vector<1x16xf32> to vector<16xf32>
          %mul3A_326 = vector.broadcast %squeeze3A_226 : f32 to vector<16xf32>
          %mul3A_327 = arith.mulf %get3A_325, %mul3A_326 : vector<16xf32>
          %swap3A_328 = arith.index_cast %squeeze3A_228 : i32 to index
          %swap3A_329 = arith.constant 112 : index
          %swap3A_330 = tpu.vector_load %arg14[%swap3A_328, %swap3A_329] {strides = array<i32>} : memref<640x128xf32, #tpu.memory_space<vmem>>, vector<1x16xf32>,
          %swap3A_331 = vector.shape_cast %swap3A_330 : vector<1x16xf32> to vector<16xf32>
          %swap3A_332 = vector.shape_cast %mul3A_327 : vector<16xf32> to vector<1x16xf32>
          tpu.vector_store %arg14[%swap3A_328, %swap3A_329], %swap3A_332 {add = true, strides = array<i32>} : memref<640x128xf32, #tpu.memory_space<vmem>>, vector<1x16xf32>,
          %slice3A_333 = vector.extract_strided_slice %select_n3A_111 {offsets = [2], sizes = [1], strides = [1]} : vector<16xf32> to vector<1xf32>
          %squeeze3A_334 = vector.extract %slice3A_333[0] : f32 from vector<1xf32>
          %slice3A_335 = vector.extract_strided_slice %min3A_117 {offsets = [2], sizes = [1], strides = [1]} : vector<16xi32> to vector<1xi32>
          %squeeze3A_336 = vector.extract %slice3A_335[0] : i32 from vector<1xi32>
          %add3A_337 = arith.constant 2 : i32
          %add3A_338 = arith.addi %mul3A_97, %add3A_337 : i32
          %get3A_339 = arith.index_cast %add3A_338 : i32 to index
          %get3A_340 = arith.constant 0 : index
          %get3A_341 = tpu.vector_load %arg13[%get3A_339, %get3A_340] {strides = array<i32>} : memref<128x128xf32, #tpu.memory_space<vmem>>, vector<1x16xf32>,
          %get3A_342 = vector.shape_cast %get3A_341 : vector<1x16xf32> to vector<16xf32>
          %mul3A_343 = vector.broadcast %squeeze3A_334 : f32 to vector<16xf32>
          %mul3A_344 = arith.mulf %get3A_342, %mul3A_343 : vector<16xf32>
          %swap3A_345 = arith.index_cast %squeeze3A_336 : i32 to index
          %swap3A_346 = arith.constant 0 : index
          %swap3A_347 = tpu.vector_load %arg14[%swap3A_345, %swap3A_346] {strides = array<i32>} : memref<640x128xf32, #tpu.memory_space<vmem>>, vector<1x16xf32>,
          %swap3A_348 = vector.shape_cast %swap3A_347 : vector<1x16xf32> to vector<16xf32>
          %swap3A_349 = vector.shape_cast %mul3A_344 : vector<16xf32> to vector<1x16xf32>
          tpu.vector_store %arg14[%swap3A_345, %swap3A_346], %swap3A_349 {add = true, strides = array<i32>} : memref<640x128xf32, #tpu.memory_space<vmem>>, vector<1x16xf32>,
          %add3A_350 = arith.constant 2 : i32
          %add3A_351 = arith.addi %mul3A_97, %add3A_350 : i32
          %get3A_352 = arith.index_cast %add3A_351 : i32 to index
          %get3A_353 = arith.constant 16 : index
          %get3A_354 = tpu.vector_load %arg13[%get3A_352, %get3A_353] {strides = array<i32>} : memref<128x128xf32, #tpu.memory_space<vmem>>, vector<1x16xf32>,
          %get3A_355 = vector.shape_cast %get3A_354 : vector<1x16xf32> to vector<16xf32>
          %mul3A_356 = vector.broadcast %squeeze3A_334 : f32 to vector<16xf32>
          %mul3A_357 = arith.mulf %get3A_355, %mul3A_356 : vector<16xf32>
          %swap3A_358 = arith.index_cast %squeeze3A_336 : i32 to index
          %swap3A_359 = arith.constant 16 : index
          %swap3A_360 = tpu.vector_load %arg14[%swap3A_358, %swap3A_359] {strides = array<i32>} : memref<640x128xf32, #tpu.memory_space<vmem>>, vector<1x16xf32>,
          %swap3A_361 = vector.shape_cast %swap3A_360 : vector<1x16xf32> to vector<16xf32>
          %swap3A_362 = vector.shape_cast %mul3A_357 : vector<16xf32> to vector<1x16xf32>
          tpu.vector_store %arg14[%swap3A_358, %swap3A_359], %swap3A_362 {add = true, strides = array<i32>} : memref<640x128xf32, #tpu.memory_space<vmem>>, vector<1x16xf32>,
          %add3A_363 = arith.constant 2 : i32
          %add3A_364 = arith.addi %mul3A_97, %add3A_363 : i32
          %get3A_365 = arith.index_cast %add3A_364 : i32 to index
          %get3A_366 = arith.constant 32 : index
          %get3A_367 = tpu.vector_load %arg13[%get3A_365, %get3A_366] {strides = array<i32>} : memref<128x128xf32, #tpu.memory_space<vmem>>, vector<1x16xf32>,
          %get3A_368 = vector.shape_cast %get3A_367 : vector<1x16xf32> to vector<16xf32>
          %mul3A_369 = vector.broadcast %squeeze3A_334 : f32 to vector<16xf32>
          %mul3A_370 = arith.mulf %get3A_368, %mul3A_369 : vector<16xf32>
          %swap3A_371 = arith.index_cast %squeeze3A_336 : i32 to index
          %swap3A_372 = arith.constant 32 : index
          %swap3A_373 = tpu.vector_load %arg14[%swap3A_371, %swap3A_372] {strides = array<i32>} : memref<640x128xf32, #tpu.memory_space<vmem>>, vector<1x16xf32>,
          %swap3A_374 = vector.shape_cast %swap3A_373 : vector<1x16xf32> to vector<16xf32>
          %swap3A_375 = vector.shape_cast %mul3A_370 : vector<16xf32> to vector<1x16xf32>
          tpu.vector_store %arg14[%swap3A_371, %swap3A_372], %swap3A_375 {add = true, strides = array<i32>} : memref<640x128xf32, #tpu.memory_space<vmem>>, vector<1x16xf32>,
          %add3A_376 = arith.constant 2 : i32
          %add3A_377 = arith.addi %mul3A_97, %add3A_376 : i32
          %get3A_378 = arith.index_cast %add3A_377 : i32 to index
          %get3A_379 = arith.constant 48 : index
          %get3A_380 = tpu.vector_load %arg13[%get3A_378, %get3A_379] {strides = array<i32>} : memref<128x128xf32, #tpu.memory_space<vmem>>, vector<1x16xf32>,
          %get3A_381 = vector.shape_cast %get3A_380 : vector<1x16xf32> to vector<16xf32>
          %mul3A_382 = vector.broadcast %squeeze3A_334 : f32 to vector<16xf32>
          %mul3A_383 = arith.mulf %get3A_381, %mul3A_382 : vector<16xf32>
          %swap3A_384 = arith.index_cast %squeeze3A_336 : i32 to index
          %swap3A_385 = arith.constant 48 : index
          %swap3A_386 = tpu.vector_load %arg14[%swap3A_384, %swap3A_385] {strides = array<i32>} : memref<640x128xf32, #tpu.memory_space<vmem>>, vector<1x16xf32>,
          %swap3A_387 = vector.shape_cast %swap3A_386 : vector<1x16xf32> to vector<16xf32>
          %swap3A_388 = vector.shape_cast %mul3A_383 : vector<16xf32> to vector<1x16xf32>
          tpu.vector_store %arg14[%swap3A_384, %swap3A_385], %swap3A_388 {add = true, strides = array<i32>} : memref<640x128xf32, #tpu.memory_space<vmem>>, vector<1x16xf32>,
          %add3A_389 = arith.constant 2 : i32
          %add3A_390 = arith.addi %mul3A_97, %add3A_389 : i32
          %get3A_391 = arith.index_cast %add3A_390 : i32 to index
          %get3A_392 = arith.constant 64 : index
          %get3A_393 = tpu.vector_load %arg13[%get3A_391, %get3A_392] {strides = array<i32>} : memref<128x128xf32, #tpu.memory_space<vmem>>, vector<1x16xf32>,
          %get3A_394 = vector.shape_cast %get3A_393 : vector<1x16xf32> to vector<16xf32>
          %mul3A_395 = vector.broadcast %squeeze3A_334 : f32 to vector<16xf32>
          %mul3A_396 = arith.mulf %get3A_394, %mul3A_395 : vector<16xf32>
          %swap3A_397 = arith.index_cast %squeeze3A_336 : i32 to index
          %swap3A_398 = arith.constant 64 : index
          %swap3A_399 = tpu.vector_load %arg14[%swap3A_397, %swap3A_398] {strides = array<i32>} : memref<640x128xf32, #tpu.memory_space<vmem>>, vector<1x16xf32>,
          %swap3A_400 = vector.shape_cast %swap3A_399 : vector<1x16xf32> to vector<16xf32>
          %swap3A_401 = vector.shape_cast %mul3A_396 : vector<16xf32> to vector<1x16xf32>
          tpu.vector_store %arg14[%swap3A_397, %swap3A_398], %swap3A_401 {add = true, strides = array<i32>} : memref<640x128xf32, #tpu.memory_space<vmem>>, vector<1x16xf32>,
          %add3A_402 = arith.constant 2 : i32
          %add3A_403 = arith.addi %mul3A_97, %add3A_402 : i32
          %get3A_404 = arith.index_cast %add3A_403 : i32 to index
          %get3A_405 = arith.constant 80 : index
          %get3A_406 = tpu.vector_load %arg13[%get3A_404, %get3A_405] {strides = array<i32>} : memref<128x128xf32, #tpu.memory_space<vmem>>, vector<1x16xf32>,
          %get3A_407 = vector.shape_cast %get3A_406 : vector<1x16xf32> to vector<16xf32>
          %mul3A_408 = vector.broadcast %squeeze3A_334 : f32 to vector<16xf32>
          %mul3A_409 = arith.mulf %get3A_407, %mul3A_408 : vector<16xf32>
          %swap3A_410 = arith.index_cast %squeeze3A_336 : i32 to index
          %swap3A_411 = arith.constant 80 : index
          %swap3A_412 = tpu.vector_load %arg14[%swap3A_410, %swap3A_411] {strides = array<i32>} : memref<640x128xf32, #tpu.memory_space<vmem>>, vector<1x16xf32>,
          %swap3A_413 = vector.shape_cast %swap3A_412 : vector<1x16xf32> to vector<16xf32>
          %swap3A_414 = vector.shape_cast %mul3A_409 : vector<16xf32> to vector<1x16xf32>
          tpu.vector_store %arg14[%swap3A_410, %swap3A_411], %swap3A_414 {add = true, strides = array<i32>} : memref<640x128xf32, #tpu.memory_space<vmem>>, vector<1x16xf32>,
          %add3A_415 = arith.constant 2 : i32
          %add3A_416 = arith.addi %mul3A_97, %add3A_415 : i32
          %get3A_417 = arith.index_cast %add3A_416 : i32 to index
          %get3A_418 = arith.constant 96 : index
          %get3A_419 = tpu.vector_load %arg13[%get3A_417, %get3A_418] {strides = array<i32>} : memref<128x128xf32, #tpu.memory_space<vmem>>, vector<1x16xf32>,
          %get3A_420 = vector.shape_cast %get3A_419 : vector<1x16xf32> to vector<16xf32>
          %mul3A_421 = vector.broadcast %squeeze3A_334 : f32 to vector<16xf32>
          %mul3A_422 = arith.mulf %get3A_420, %mul3A_421 : vector<16xf32>
          %swap3A_423 = arith.index_cast %squeeze3A_336 : i32 to index
          %swap3A_424 = arith.constant 96 : index
          %swap3A_425 = tpu.vector_load %arg14[%swap3A_423, %swap3A_424] {strides = array<i32>} : memref<640x128xf32, #tpu.memory_space<vmem>>, vector<1x16xf32>,
          %swap3A_426 = vector.shape_cast %swap3A_425 : vector<1x16xf32> to vector<16xf32>
          %swap3A_427 = vector.shape_cast %mul3A_422 : vector<16xf32> to vector<1x16xf32>
          tpu.vector_store %arg14[%swap3A_423, %swap3A_424], %swap3A_427 {add = true, strides = array<i32>} : memref<640x128xf32, #tpu.memory_space<vmem>>, vector<1x16xf32>,
          %add3A_428 = arith.constant 2 : i32
          %add3A_429 = arith.addi %mul3A_97, %add3A_428 : i32
          %get3A_430 = arith.index_cast %add3A_429 : i32 to index
          %get3A_431 = arith.constant 112 : index
          %get3A_432 = tpu.vector_load %arg13[%get3A_430, %get3A_431] {strides = array<i32>} : memref<128x128xf32, #tpu.memory_space<vmem>>, vector<1x16xf32>,
          %get3A_433 = vector.shape_cast %get3A_432 : vector<1x16xf32> to vector<16xf32>
          %mul3A_434 = vector.broadcast %squeeze3A_334 : f32 to vector<16xf32>
          %mul3A_435 = arith.mulf %get3A_433, %mul3A_434 : vector<16xf32>
          %swap3A_436 = arith.index_cast %squeeze3A_336 : i32 to index
          %swap3A_437 = arith.constant 112 : index
          %swap3A_438 = tpu.vector_load %arg14[%swap3A_436, %swap3A_437] {strides = array<i32>} : memref<640x128xf32, #tpu.memory_space<vmem>>, vector<1x16xf32>,
          %swap3A_439 = vector.shape_cast %swap3A_438 : vector<1x16xf32> to vector<16xf32>
          %swap3A_440 = vector.shape_cast %mul3A_435 : vector<16xf32> to vector<1x16xf32>
          tpu.vector_store %arg14[%swap3A_436, %swap3A_437], %swap3A_440 {add = true, strides = array<i32>} : memref<640x128xf32, #tpu.memory_space<vmem>>, vector<1x16xf32>,
          %slice3A_441 = vector.extract_strided_slice %select_n3A_111 {offsets = [3], sizes = [1], strides = [1]} : vector<16xf32> to vector<1xf32>
          %squeeze3A_442 = vector.extract %slice3A_441[0] : f32 from vector<1xf32>
          %slice3A_443 = vector.extract_strided_slice %min3A_117 {offsets = [3], sizes = [1], strides = [1]} : vector<16xi32> to vector<1xi32>
          %squeeze3A_444 = vector.extract %slice3A_443[0] : i32 from vector<1xi32>
          %add3A_445 = arith.constant 3 : i32
          %add3A_446 = arith.addi %mul3A_97, %add3A_445 : i32
          %get3A_447 = arith.index_cast %add3A_446 : i32 to index
          %get3A_448 = arith.constant 0 : index
          %get3A_449 = tpu.vector_load %arg13[%get3A_447, %get3A_448] {strides = array<i32>} : memref<128x128xf32, #tpu.memory_space<vmem>>, vector<1x16xf32>,
          %get3A_450 = vector.shape_cast %get3A_449 : vector<1x16xf32> to vector<16xf32>
          %mul3A_451 = vector.broadcast %squeeze3A_442 : f32 to vector<16xf32>
          %mul3A_452 = arith.mulf %get3A_450, %mul3A_451 : vector<16xf32>
          %swap3A_453 = arith.index_cast %squeeze3A_444 : i32 to index
          %swap3A_454 = arith.constant 0 : index
          %swap3A_455 = tpu.vector_load %arg14[%swap3A_453, %swap3A_454] {strides = array<i32>} : memref<640x128xf32, #tpu.memory_space<vmem>>, vector<1x16xf32>,
          %swap3A_456 = vector.shape_cast %swap3A_455 : vector<1x16xf32> to vector<16xf32>
          %swap3A_457 = vector.shape_cast %mul3A_452 : vector<16xf32> to vector<1x16xf32>
          tpu.vector_store %arg14[%swap3A_453, %swap3A_454], %swap3A_457 {add = true, strides = array<i32>} : memref<640x128xf32, #tpu.memory_space<vmem>>, vector<1x16xf32>,
          %add3A_458 = arith.constant 3 : i32
          %add3A_459 = arith.addi %mul3A_97, %add3A_458 : i32
          %get3A_460 = arith.index_cast %add3A_459 : i32 to index
          %get3A_461 = arith.constant 16 : index
          %get3A_462 = tpu.vector_load %arg13[%get3A_460, %get3A_461] {strides = array<i32>} : memref<128x128xf32, #tpu.memory_space<vmem>>, vector<1x16xf32>,
          %get3A_463 = vector.shape_cast %get3A_462 : vector<1x16xf32> to vector<16xf32>
          %mul3A_464 = vector.broadcast %squeeze3A_442 : f32 to vector<16xf32>
          %mul3A_465 = arith.mulf %get3A_463, %mul3A_464 : vector<16xf32>
          %swap3A_466 = arith.index_cast %squeeze3A_444 : i32 to index
          %swap3A_467 = arith.constant 16 : index
          %swap3A_468 = tpu.vector_load %arg14[%swap3A_466, %swap3A_467] {strides = array<i32>} : memref<640x128xf32, #tpu.memory_space<vmem>>, vector<1x16xf32>,
          %swap3A_469 = vector.shape_cast %swap3A_468 : vector<1x16xf32> to vector<16xf32>
          %swap3A_470 = vector.shape_cast %mul3A_465 : vector<16xf32> to vector<1x16xf32>
          tpu.vector_store %arg14[%swap3A_466, %swap3A_467], %swap3A_470 {add = true, strides = array<i32>} : memref<640x128xf32, #tpu.memory_space<vmem>>, vector<1x16xf32>,
          %add3A_471 = arith.constant 3 : i32
          %add3A_472 = arith.addi %mul3A_97, %add3A_471 : i32
          %get3A_473 = arith.index_cast %add3A_472 : i32 to index
          %get3A_474 = arith.constant 32 : index
          %get3A_475 = tpu.vector_load %arg13[%get3A_473, %get3A_474] {strides = array<i32>} : memref<128x128xf32, #tpu.memory_space<vmem>>, vector<1x16xf32>,
          %get3A_476 = vector.shape_cast %get3A_475 : vector<1x16xf32> to vector<16xf32>
          %mul3A_477 = vector.broadcast %squeeze3A_442 : f32 to vector<16xf32>
          %mul3A_478 = arith.mulf %get3A_476, %mul3A_477 : vector<16xf32>
          %swap3A_479 = arith.index_cast %squeeze3A_444 : i32 to index
          %swap3A_480 = arith.constant 32 : index
          %swap3A_481 = tpu.vector_load %arg14[%swap3A_479, %swap3A_480] {strides = array<i32>} : memref<640x128xf32, #tpu.memory_space<vmem>>, vector<1x16xf32>,
          %swap3A_482 = vector.shape_cast %swap3A_481 : vector<1x16xf32> to vector<16xf32>
          %swap3A_483 = vector.shape_cast %mul3A_478 : vector<16xf32> to vector<1x16xf32>
          tpu.vector_store %arg14[%swap3A_479, %swap3A_480], %swap3A_483 {add = true, strides = array<i32>} : memref<640x128xf32, #tpu.memory_space<vmem>>, vector<1x16xf32>,
          %add3A_484 = arith.constant 3 : i32
          %add3A_485 = arith.addi %mul3A_97, %add3A_484 : i32
          %get3A_486 = arith.index_cast %add3A_485 : i32 to index
          %get3A_487 = arith.constant 48 : index
          %get3A_488 = tpu.vector_load %arg13[%get3A_486, %get3A_487] {strides = array<i32>} : memref<128x128xf32, #tpu.memory_space<vmem>>, vector<1x16xf32>,
          %get3A_489 = vector.shape_cast %get3A_488 : vector<1x16xf32> to vector<16xf32>
          %mul3A_490 = vector.broadcast %squeeze3A_442 : f32 to vector<16xf32>
          %mul3A_491 = arith.mulf %get3A_489, %mul3A_490 : vector<16xf32>
          %swap3A_492 = arith.index_cast %squeeze3A_444 : i32 to index
          %swap3A_493 = arith.constant 48 : index
          %swap3A_494 = tpu.vector_load %arg14[%swap3A_492, %swap3A_493] {strides = array<i32>} : memref<640x128xf32, #tpu.memory_space<vmem>>, vector<1x16xf32>,
          %swap3A_495 = vector.shape_cast %swap3A_494 : vector<1x16xf32> to vector<16xf32>
          %swap3A_496 = vector.shape_cast %mul3A_491 : vector<16xf32> to vector<1x16xf32>
          tpu.vector_store %arg14[%swap3A_492, %swap3A_493], %swap3A_496 {add = true, strides = array<i32>} : memref<640x128xf32, #tpu.memory_space<vmem>>, vector<1x16xf32>,
          %add3A_497 = arith.constant 3 : i32
          %add3A_498 = arith.addi %mul3A_97, %add3A_497 : i32
          %get3A_499 = arith.index_cast %add3A_498 : i32 to index
          %get3A_500 = arith.constant 64 : index
          %get3A_501 = tpu.vector_load %arg13[%get3A_499, %get3A_500] {strides = array<i32>} : memref<128x128xf32, #tpu.memory_space<vmem>>, vector<1x16xf32>,
          %get3A_502 = vector.shape_cast %get3A_501 : vector<1x16xf32> to vector<16xf32>
          %mul3A_503 = vector.broadcast %squeeze3A_442 : f32 to vector<16xf32>
          %mul3A_504 = arith.mulf %get3A_502, %mul3A_503 : vector<16xf32>
          %swap3A_505 = arith.index_cast %squeeze3A_444 : i32 to index
          %swap3A_506 = arith.constant 64 : index
          %swap3A_507 = tpu.vector_load %arg14[%swap3A_505, %swap3A_506] {strides = array<i32>} : memref<640x128xf32, #tpu.memory_space<vmem>>, vector<1x16xf32>,
          %swap3A_508 = vector.shape_cast %swap3A_507 : vector<1x16xf32> to vector<16xf32>
          %swap3A_509 = vector.shape_cast %mul3A_504 : vector<16xf32> to vector<1x16xf32>
          tpu.vector_store %arg14[%swap3A_505, %swap3A_506], %swap3A_509 {add = true, strides = array<i32>} : memref<640x128xf32, #tpu.memory_space<vmem>>, vector<1x16xf32>,
          %add3A_510 = arith.constant 3 : i32
          %add3A_511 = arith.addi %mul3A_97, %add3A_510 : i32
          %get3A_512 = arith.index_cast %add3A_511 : i32 to index
          %get3A_513 = arith.constant 80 : index
          %get3A_514 = tpu.vector_load %arg13[%get3A_512, %get3A_513] {strides = array<i32>} : memref<128x128xf32, #tpu.memory_space<vmem>>, vector<1x16xf32>,
          %get3A_515 = vector.shape_cast %get3A_514 : vector<1x16xf32> to vector<16xf32>
          %mul3A_516 = vector.broadcast %squeeze3A_442 : f32 to vector<16xf32>
          %mul3A_517 = arith.mulf %get3A_515, %mul3A_516 : vector<16xf32>
          %swap3A_518 = arith.index_cast %squeeze3A_444 : i32 to index
          %swap3A_519 = arith.constant 80 : index
          %swap3A_520 = tpu.vector_load %arg14[%swap3A_518, %swap3A_519] {strides = array<i32>} : memref<640x128xf32, #tpu.memory_space<vmem>>, vector<1x16xf32>,
          %swap3A_521 = vector.shape_cast %swap3A_520 : vector<1x16xf32> to vector<16xf32>
          %swap3A_522 = vector.shape_cast %mul3A_517 : vector<16xf32> to vector<1x16xf32>
          tpu.vector_store %arg14[%swap3A_518, %swap3A_519], %swap3A_522 {add = true, strides = array<i32>} : memref<640x128xf32, #tpu.memory_space<vmem>>, vector<1x16xf32>,
          %add3A_523 = arith.constant 3 : i32
          %add3A_524 = arith.addi %mul3A_97, %add3A_523 : i32
          %get3A_525 = arith.index_cast %add3A_524 : i32 to index
          %get3A_526 = arith.constant 96 : index
          %get3A_527 = tpu.vector_load %arg13[%get3A_525, %get3A_526] {strides = array<i32>} : memref<128x128xf32, #tpu.memory_space<vmem>>, vector<1x16xf32>,
          %get3A_528 = vector.shape_cast %get3A_527 : vector<1x16xf32> to vector<16xf32>
          %mul3A_529 = vector.broadcast %squeeze3A_442 : f32 to vector<16xf32>
          %mul3A_530 = arith.mulf %get3A_528, %mul3A_529 : vector<16xf32>
          %swap3A_531 = arith.index_cast %squeeze3A_444 : i32 to index
          %swap3A_532 = arith.constant 96 : index
          %swap3A_533 = tpu.vector_load %arg14[%swap3A_531, %swap3A_532] {strides = array<i32>} : memref<640x128xf32, #tpu.memory_space<vmem>>, vector<1x16xf32>,
          %swap3A_534 = vector.shape_cast %swap3A_533 : vector<1x16xf32> to vector<16xf32>
          %swap3A_535 = vector.shape_cast %mul3A_530 : vector<16xf32> to vector<1x16xf32>
          tpu.vector_store %arg14[%swap3A_531, %swap3A_532], %swap3A_535 {add = true, strides = array<i32>} : memref<640x128xf32, #tpu.memory_space<vmem>>, vector<1x16xf32>,
          %add3A_536 = arith.constant 3 : i32
          %add3A_537 = arith.addi %mul3A_97, %add3A_536 : i32
          %get3A_538 = arith.index_cast %add3A_537 : i32 to index
          %get3A_539 = arith.constant 112 : index
          %get3A_540 = tpu.vector_load %arg13[%get3A_538, %get3A_539] {strides = array<i32>} : memref<128x128xf32, #tpu.memory_space<vmem>>, vector<1x16xf32>,
          %get3A_541 = vector.shape_cast %get3A_540 : vector<1x16xf32> to vector<16xf32>
          %mul3A_542 = vector.broadcast %squeeze3A_442 : f32 to vector<16xf32>
          %mul3A_543 = arith.mulf %get3A_541, %mul3A_542 : vector<16xf32>
          %swap3A_544 = arith.index_cast %squeeze3A_444 : i32 to index
          %swap3A_545 = arith.constant 112 : index
          %swap3A_546 = tpu.vector_load %arg14[%swap3A_544, %swap3A_545] {strides = array<i32>} : memref<640x128xf32, #tpu.memory_space<vmem>>, vector<1x16xf32>,
          %swap3A_547 = vector.shape_cast %swap3A_546 : vector<1x16xf32> to vector<16xf32>
          %swap3A_548 = vector.shape_cast %mul3A_543 : vector<16xf32> to vector<1x16xf32>
          tpu.vector_store %arg14[%swap3A_544, %swap3A_545], %swap3A_548 {add = true, strides = array<i32>} : memref<640x128xf32, #tpu.memory_space<vmem>>, vector<1x16xf32>,
          %slice3A_549 = vector.extract_strided_slice %select_n3A_111 {offsets = [4], sizes = [1], strides = [1]} : vector<16xf32> to vector<1xf32>
          %squeeze3A_550 = vector.extract %slice3A_549[0] : f32 from vector<1xf32>
          %slice3A_551 = vector.extract_strided_slice %min3A_117 {offsets = [4], sizes = [1], strides = [1]} : vector<16xi32> to vector<1xi32>
          %squeeze3A_552 = vector.extract %slice3A_551[0] : i32 from vector<1xi32>
          %add3A_553 = arith.constant 4 : i32
          %add3A_554 = arith.addi %mul3A_97, %add3A_553 : i32
          %get3A_555 = arith.index_cast %add3A_554 : i32 to index
          %get3A_556 = arith.constant 0 : index
          %get3A_557 = tpu.vector_load %arg13[%get3A_555, %get3A_556] {strides = array<i32>} : memref<128x128xf32, #tpu.memory_space<vmem>>, vector<1x16xf32>,
          %get3A_558 = vector.shape_cast %get3A_557 : vector<1x16xf32> to vector<16xf32>
          %mul3A_559 = vector.broadcast %squeeze3A_550 : f32 to vector<16xf32>
          %mul3A_560 = arith.mulf %get3A_558, %mul3A_559 : vector<16xf32>
          %swap3A_561 = arith.index_cast %squeeze3A_552 : i32 to index
          %swap3A_562 = arith.constant 0 : index
          %swap3A_563 = tpu.vector_load %arg14[%swap3A_561, %swap3A_562] {strides = array<i32>} : memref<640x128xf32, #tpu.memory_space<vmem>>, vector<1x16xf32>,
          %swap3A_564 = vector.shape_cast %swap3A_563 : vector<1x16xf32> to vector<16xf32>
          %swap3A_565 = vector.shape_cast %mul3A_560 : vector<16xf32> to vector<1x16xf32>
          tpu.vector_store %arg14[%swap3A_561, %swap3A_562], %swap3A_565 {add = true, strides = array<i32>} : memref<640x128xf32, #tpu.memory_space<vmem>>, vector<1x16xf32>,
          %add3A_566 = arith.constant 4 : i32
          %add3A_567 = arith.addi %mul3A_97, %add3A_566 : i32
          %get3A_568 = arith.index_cast %add3A_567 : i32 to index
          %get3A_569 = arith.constant 16 : index
          %get3A_570 = tpu.vector_load %arg13[%get3A_568, %get3A_569] {strides = array<i32>} : memref<128x128xf32, #tpu.memory_space<vmem>>, vector<1x16xf32>,
          %get3A_571 = vector.shape_cast %get3A_570 : vector<1x16xf32> to vector<16xf32>
          %mul3A_572 = vector.broadcast %squeeze3A_550 : f32 to vector<16xf32>
          %mul3A_573 = arith.mulf %get3A_571, %mul3A_572 : vector<16xf32>
          %swap3A_574 = arith.index_cast %squeeze3A_552 : i32 to index
          %swap3A_575 = arith.constant 16 : index
          %swap3A_576 = tpu.vector_load %arg14[%swap3A_574, %swap3A_575] {strides = array<i32>} : memref<640x128xf32, #tpu.memory_space<vmem>>, vector<1x16xf32>,
          %swap3A_577 = vector.shape_cast %swap3A_576 : vector<1x16xf32> to vector<16xf32>
          %swap3A_578 = vector.shape_cast %mul3A_573 : vector<16xf32> to vector<1x16xf32>
          tpu.vector_store %arg14[%swap3A_574, %swap3A_575], %swap3A_578 {add = true, strides = array<i32>} : memref<640x128xf32, #tpu.memory_space<vmem>>, vector<1x16xf32>,
          %add3A_579 = arith.constant 4 : i32
          %add3A_580 = arith.addi %mul3A_97, %add3A_579 : i32
          %get3A_581 = arith.index_cast %add3A_580 : i32 to index
          %get3A_582 = arith.constant 32 : index
          %get3A_583 = tpu.vector_load %arg13[%get3A_581, %get3A_582] {strides = array<i32>} : memref<128x128xf32, #tpu.memory_space<vmem>>, vector<1x16xf32>,
          %get3A_584 = vector.shape_cast %get3A_583 : vector<1x16xf32> to vector<16xf32>
          %mul3A_585 = vector.broadcast %squeeze3A_550 : f32 to vector<16xf32>
          %mul3A_586 = arith.mulf %get3A_584, %mul3A_585 : vector<16xf32>
          %swap3A_587 = arith.index_cast %squeeze3A_552 : i32 to index
          %swap3A_588 = arith.constant 32 : index
          %swap3A_589 = tpu.vector_load %arg14[%swap3A_587, %swap3A_588] {strides = array<i32>} : memref<640x128xf32, #tpu.memory_space<vmem>>, vector<1x16xf32>,
          %swap3A_590 = vector.shape_cast %swap3A_589 : vector<1x16xf32> to vector<16xf32>
          %swap3A_591 = vector.shape_cast %mul3A_586 : vector<16xf32> to vector<1x16xf32>
          tpu.vector_store %arg14[%swap3A_587, %swap3A_588], %swap3A_591 {add = true, strides = array<i32>} : memref<640x128xf32, #tpu.memory_space<vmem>>, vector<1x16xf32>,
          %add3A_592 = arith.constant 4 : i32
          %add3A_593 = arith.addi %mul3A_97, %add3A_592 : i32
          %get3A_594 = arith.index_cast %add3A_593 : i32 to index
          %get3A_595 = arith.constant 48 : index
          %get3A_596 = tpu.vector_load %arg13[%get3A_594, %get3A_595] {strides = array<i32>} : memref<128x128xf32, #tpu.memory_space<vmem>>, vector<1x16xf32>,
          %get3A_597 = vector.shape_cast %get3A_596 : vector<1x16xf32> to vector<16xf32>
          %mul3A_598 = vector.broadcast %squeeze3A_550 : f32 to vector<16xf32>
          %mul3A_599 = arith.mulf %get3A_597, %mul3A_598 : vector<16xf32>
          %swap3A_600 = arith.index_cast %squeeze3A_552 : i32 to index
          %swap3A_601 = arith.constant 48 : index
          %swap3A_602 = tpu.vector_load %arg14[%swap3A_600, %swap3A_601] {strides = array<i32>} : memref<640x128xf32, #tpu.memory_space<vmem>>, vector<1x16xf32>,
          %swap3A_603 = vector.shape_cast %swap3A_602 : vector<1x16xf32> to vector<16xf32>
          %swap3A_604 = vector.shape_cast %mul3A_599 : vector<16xf32> to vector<1x16xf32>
          tpu.vector_store %arg14[%swap3A_600, %swap3A_601], %swap3A_604 {add = true, strides = array<i32>} : memref<640x128xf32, #tpu.memory_space<vmem>>, vector<1x16xf32>,
          %add3A_605 = arith.constant 4 : i32
          %add3A_606 = arith.addi %mul3A_97, %add3A_605 : i32
          %get3A_607 = arith.index_cast %add3A_606 : i32 to index
          %get3A_608 = arith.constant 64 : index
          %get3A_609 = tpu.vector_load %arg13[%get3A_607, %get3A_608] {strides = array<i32>} : memref<128x128xf32, #tpu.memory_space<vmem>>, vector<1x16xf32>,
          %get3A_610 = vector.shape_cast %get3A_609 : vector<1x16xf32> to vector<16xf32>
          %mul3A_611 = vector.broadcast %squeeze3A_550 : f32 to vector<16xf32>
          %mul3A_612 = arith.mulf %get3A_610, %mul3A_611 : vector<16xf32>
          %swap3A_613 = arith.index_cast %squeeze3A_552 : i32 to index
          %swap3A_614 = arith.constant 64 : index
          %swap3A_615 = tpu.vector_load %arg14[%swap3A_613, %swap3A_614] {strides = array<i32>} : memref<640x128xf32, #tpu.memory_space<vmem>>, vector<1x16xf32>,
          %swap3A_616 = vector.shape_cast %swap3A_615 : vector<1x16xf32> to vector<16xf32>
          %swap3A_617 = vector.shape_cast %mul3A_612 : vector<16xf32> to vector<1x16xf32>
          tpu.vector_store %arg14[%swap3A_613, %swap3A_614], %swap3A_617 {add = true, strides = array<i32>} : memref<640x128xf32, #tpu.memory_space<vmem>>, vector<1x16xf32>,
          %add3A_618 = arith.constant 4 : i32
          %add3A_619 = arith.addi %mul3A_97, %add3A_618 : i32
          %get3A_620 = arith.index_cast %add3A_619 : i32 to index
          %get3A_621 = arith.constant 80 : index
          %get3A_622 = tpu.vector_load %arg13[%get3A_620, %get3A_621] {strides = array<i32>} : memref<128x128xf32, #tpu.memory_space<vmem>>, vector<1x16xf32>,
          %get3A_623 = vector.shape_cast %get3A_622 : vector<1x16xf32> to vector<16xf32>
          %mul3A_624 = vector.broadcast %squeeze3A_550 : f32 to vector<16xf32>
          %mul3A_625 = arith.mulf %get3A_623, %mul3A_624 : vector<16xf32>
          %swap3A_626 = arith.index_cast %squeeze3A_552 : i32 to index
          %swap3A_627 = arith.constant 80 : index
          %swap3A_628 = tpu.vector_load %arg14[%swap3A_626, %swap3A_627] {strides = array<i32>} : memref<640x128xf32, #tpu.memory_space<vmem>>, vector<1x16xf32>,
          %swap3A_629 = vector.shape_cast %swap3A_628 : vector<1x16xf32> to vector<16xf32>
          %swap3A_630 = vector.shape_cast %mul3A_625 : vector<16xf32> to vector<1x16xf32>
          tpu.vector_store %arg14[%swap3A_626, %swap3A_627], %swap3A_630 {add = true, strides = array<i32>} : memref<640x128xf32, #tpu.memory_space<vmem>>, vector<1x16xf32>,
          %add3A_631 = arith.constant 4 : i32
          %add3A_632 = arith.addi %mul3A_97, %add3A_631 : i32
          %get3A_633 = arith.index_cast %add3A_632 : i32 to index
          %get3A_634 = arith.constant 96 : index
          %get3A_635 = tpu.vector_load %arg13[%get3A_633, %get3A_634] {strides = array<i32>} : memref<128x128xf32, #tpu.memory_space<vmem>>, vector<1x16xf32>,
          %get3A_636 = vector.shape_cast %get3A_635 : vector<1x16xf32> to vector<16xf32>
          %mul3A_637 = vector.broadcast %squeeze3A_550 : f32 to vector<16xf32>
          %mul3A_638 = arith.mulf %get3A_636, %mul3A_637 : vector<16xf32>
          %swap3A_639 = arith.index_cast %squeeze3A_552 : i32 to index
          %swap3A_640 = arith.constant 96 : index
          %swap3A_641 = tpu.vector_load %arg14[%swap3A_639, %swap3A_640] {strides = array<i32>} : memref<640x128xf32, #tpu.memory_space<vmem>>, vector<1x16xf32>,
          %swap3A_642 = vector.shape_cast %swap3A_641 : vector<1x16xf32> to vector<16xf32>
          %swap3A_643 = vector.shape_cast %mul3A_638 : vector<16xf32> to vector<1x16xf32>
          tpu.vector_store %arg14[%swap3A_639, %swap3A_640], %swap3A_643 {add = true, strides = array<i32>} : memref<640x128xf32, #tpu.memory_space<vmem>>, vector<1x16xf32>,
          %add3A_644 = arith.constant 4 : i32
          %add3A_645 = arith.addi %mul3A_97, %add3A_644 : i32
          %get3A_646 = arith.index_cast %add3A_645 : i32 to index
          %get3A_647 = arith.constant 112 : index
          %get3A_648 = tpu.vector_load %arg13[%get3A_646, %get3A_647] {strides = array<i32>} : memref<128x128xf32, #tpu.memory_space<vmem>>, vector<1x16xf32>,
          %get3A_649 = vector.shape_cast %get3A_648 : vector<1x16xf32> to vector<16xf32>
          %mul3A_650 = vector.broadcast %squeeze3A_550 : f32 to vector<16xf32>
          %mul3A_651 = arith.mulf %get3A_649, %mul3A_650 : vector<16xf32>
          %swap3A_652 = arith.index_cast %squeeze3A_552 : i32 to index
          %swap3A_653 = arith.constant 112 : index
          %swap3A_654 = tpu.vector_load %arg14[%swap3A_652, %swap3A_653] {strides = array<i32>} : memref<640x128xf32, #tpu.memory_space<vmem>>, vector<1x16xf32>,
          %swap3A_655 = vector.shape_cast %swap3A_654 : vector<1x16xf32> to vector<16xf32>
          %swap3A_656 = vector.shape_cast %mul3A_651 : vector<16xf32> to vector<1x16xf32>
          tpu.vector_store %arg14[%swap3A_652, %swap3A_653], %swap3A_656 {add = true, strides = array<i32>} : memref<640x128xf32, #tpu.memory_space<vmem>>, vector<1x16xf32>,
          %slice3A_657 = vector.extract_strided_slice %select_n3A_111 {offsets = [5], sizes = [1], strides = [1]} : vector<16xf32> to vector<1xf32>
          %squeeze3A_658 = vector.extract %slice3A_657[0] : f32 from vector<1xf32>
          %slice3A_659 = vector.extract_strided_slice %min3A_117 {offsets = [5], sizes = [1], strides = [1]} : vector<16xi32> to vector<1xi32>
          %squeeze3A_660 = vector.extract %slice3A_659[0] : i32 from vector<1xi32>
          %add3A_661 = arith.constant 5 : i32
          %add3A_662 = arith.addi %mul3A_97, %add3A_661 : i32
          %get3A_663 = arith.index_cast %add3A_662 : i32 to index
          %get3A_664 = arith.constant 0 : index
          %get3A_665 = tpu.vector_load %arg13[%get3A_663, %get3A_664] {strides = array<i32>} : memref<128x128xf32, #tpu.memory_space<vmem>>, vector<1x16xf32>,
          %get3A_666 = vector.shape_cast %get3A_665 : vector<1x16xf32> to vector<16xf32>
          %mul3A_667 = vector.broadcast %squeeze3A_658 : f32 to vector<16xf32>
          %mul3A_668 = arith.mulf %get3A_666, %mul3A_667 : vector<16xf32>
          %swap3A_669 = arith.index_cast %squeeze3A_660 : i32 to index
          %swap3A_670 = arith.constant 0 : index
          %swap3A_671 = tpu.vector_load %arg14[%swap3A_669, %swap3A_670] {strides = array<i32>} : memref<640x128xf32, #tpu.memory_space<vmem>>, vector<1x16xf32>,
          %swap3A_672 = vector.shape_cast %swap3A_671 : vector<1x16xf32> to vector<16xf32>
          %swap3A_673 = vector.shape_cast %mul3A_668 : vector<16xf32> to vector<1x16xf32>
          tpu.vector_store %arg14[%swap3A_669, %swap3A_670], %swap3A_673 {add = true, strides = array<i32>} : memref<640x128xf32, #tpu.memory_space<vmem>>, vector<1x16xf32>,
          %add3A_674 = arith.constant 5 : i32
          %add3A_675 = arith.addi %mul3A_97, %add3A_674 : i32
          %get3A_676 = arith.index_cast %add3A_675 : i32 to index
          %get3A_677 = arith.constant 16 : index
          %get3A_678 = tpu.vector_load %arg13[%get3A_676, %get3A_677] {strides = array<i32>} : memref<128x128xf32, #tpu.memory_space<vmem>>, vector<1x16xf32>,
          %get3A_679 = vector.shape_cast %get3A_678 : vector<1x16xf32> to vector<16xf32>
          %mul3A_680 = vector.broadcast %squeeze3A_658 : f32 to vector<16xf32>
          %mul3A_681 = arith.mulf %get3A_679, %mul3A_680 : vector<16xf32>
          %swap3A_682 = arith.index_cast %squeeze3A_660 : i32 to index
          %swap3A_683 = arith.constant 16 : index
          %swap3A_684 = tpu.vector_load %arg14[%swap3A_682, %swap3A_683] {strides = array<i32>} : memref<640x128xf32, #tpu.memory_space<vmem>>, vector<1x16xf32>,
          %swap3A_685 = vector.shape_cast %swap3A_684 : vector<1x16xf32> to vector<16xf32>
          %swap3A_686 = vector.shape_cast %mul3A_681 : vector<16xf32> to vector<1x16xf32>
          tpu.vector_store %arg14[%swap3A_682, %swap3A_683], %swap3A_686 {add = true, strides = array<i32>} : memref<640x128xf32, #tpu.memory_space<vmem>>, vector<1x16xf32>,
          %add3A_687 = arith.constant 5 : i32
          %add3A_688 = arith.addi %mul3A_97, %add3A_687 : i32
          %get3A_689 = arith.index_cast %add3A_688 : i32 to index
          %get3A_690 = arith.constant 32 : index
          %get3A_691 = tpu.vector_load %arg13[%get3A_689, %get3A_690] {strides = array<i32>} : memref<128x128xf32, #tpu.memory_space<vmem>>, vector<1x16xf32>,
          %get3A_692 = vector.shape_cast %get3A_691 : vector<1x16xf32> to vector<16xf32>
          %mul3A_693 = vector.broadcast %squeeze3A_658 : f32 to vector<16xf32>
          %mul3A_694 = arith.mulf %get3A_692, %mul3A_693 : vector<16xf32>
          %swap3A_695 = arith.index_cast %squeeze3A_660 : i32 to index
          %swap3A_696 = arith.constant 32 : index
          %swap3A_697 = tpu.vector_load %arg14[%swap3A_695, %swap3A_696] {strides = array<i32>} : memref<640x128xf32, #tpu.memory_space<vmem>>, vector<1x16xf32>,
          %swap3A_698 = vector.shape_cast %swap3A_697 : vector<1x16xf32> to vector<16xf32>
          %swap3A_699 = vector.shape_cast %mul3A_694 : vector<16xf32> to vector<1x16xf32>
          tpu.vector_store %arg14[%swap3A_695, %swap3A_696], %swap3A_699 {add = true, strides = array<i32>} : memref<640x128xf32, #tpu.memory_space<vmem>>, vector<1x16xf32>,
          %add3A_700 = arith.constant 5 : i32
          %add3A_701 = arith.addi %mul3A_97, %add3A_700 : i32
          %get3A_702 = arith.index_cast %add3A_701 : i32 to index
          %get3A_703 = arith.constant 48 : index
          %get3A_704 = tpu.vector_load %arg13[%get3A_702, %get3A_703] {strides = array<i32>} : memref<128x128xf32, #tpu.memory_space<vmem>>, vector<1x16xf32>,
          %get3A_705 = vector.shape_cast %get3A_704 : vector<1x16xf32> to vector<16xf32>
          %mul3A_706 = vector.broadcast %squeeze3A_658 : f32 to vector<16xf32>
          %mul3A_707 = arith.mulf %get3A_705, %mul3A_706 : vector<16xf32>
          %swap3A_708 = arith.index_cast %squeeze3A_660 : i32 to index
          %swap3A_709 = arith.constant 48 : index
          %swap3A_710 = tpu.vector_load %arg14[%swap3A_708, %swap3A_709] {strides = array<i32>} : memref<640x128xf32, #tpu.memory_space<vmem>>, vector<1x16xf32>,
          %swap3A_711 = vector.shape_cast %swap3A_710 : vector<1x16xf32> to vector<16xf32>
          %swap3A_712 = vector.shape_cast %mul3A_707 : vector<16xf32> to vector<1x16xf32>
          tpu.vector_store %arg14[%swap3A_708, %swap3A_709], %swap3A_712 {add = true, strides = array<i32>} : memref<640x128xf32, #tpu.memory_space<vmem>>, vector<1x16xf32>,
          %add3A_713 = arith.constant 5 : i32
          %add3A_714 = arith.addi %mul3A_97, %add3A_713 : i32
          %get3A_715 = arith.index_cast %add3A_714 : i32 to index
          %get3A_716 = arith.constant 64 : index
          %get3A_717 = tpu.vector_load %arg13[%get3A_715, %get3A_716] {strides = array<i32>} : memref<128x128xf32, #tpu.memory_space<vmem>>, vector<1x16xf32>,
          %get3A_718 = vector.shape_cast %get3A_717 : vector<1x16xf32> to vector<16xf32>
          %mul3A_719 = vector.broadcast %squeeze3A_658 : f32 to vector<16xf32>
          %mul3A_720 = arith.mulf %get3A_718, %mul3A_719 : vector<16xf32>
          %swap3A_721 = arith.index_cast %squeeze3A_660 : i32 to index
          %swap3A_722 = arith.constant 64 : index
          %swap3A_723 = tpu.vector_load %arg14[%swap3A_721, %swap3A_722] {strides = array<i32>} : memref<640x128xf32, #tpu.memory_space<vmem>>, vector<1x16xf32>,
          %swap3A_724 = vector.shape_cast %swap3A_723 : vector<1x16xf32> to vector<16xf32>
          %swap3A_725 = vector.shape_cast %mul3A_720 : vector<16xf32> to vector<1x16xf32>
          tpu.vector_store %arg14[%swap3A_721, %swap3A_722], %swap3A_725 {add = true, strides = array<i32>} : memref<640x128xf32, #tpu.memory_space<vmem>>, vector<1x16xf32>,
          %add3A_726 = arith.constant 5 : i32
          %add3A_727 = arith.addi %mul3A_97, %add3A_726 : i32
          %get3A_728 = arith.index_cast %add3A_727 : i32 to index
          %get3A_729 = arith.constant 80 : index
          %get3A_730 = tpu.vector_load %arg13[%get3A_728, %get3A_729] {strides = array<i32>} : memref<128x128xf32, #tpu.memory_space<vmem>>, vector<1x16xf32>,
          %get3A_731 = vector.shape_cast %get3A_730 : vector<1x16xf32> to vector<16xf32>
          %mul3A_732 = vector.broadcast %squeeze3A_658 : f32 to vector<16xf32>
          %mul3A_733 = arith.mulf %get3A_731, %mul3A_732 : vector<16xf32>
          %swap3A_734 = arith.index_cast %squeeze3A_660 : i32 to index
          %swap3A_735 = arith.constant 80 : index
          %swap3A_736 = tpu.vector_load %arg14[%swap3A_734, %swap3A_735] {strides = array<i32>} : memref<640x128xf32, #tpu.memory_space<vmem>>, vector<1x16xf32>,
          %swap3A_737 = vector.shape_cast %swap3A_736 : vector<1x16xf32> to vector<16xf32>
          %swap3A_738 = vector.shape_cast %mul3A_733 : vector<16xf32> to vector<1x16xf32>
          tpu.vector_store %arg14[%swap3A_734, %swap3A_735], %swap3A_738 {add = true, strides = array<i32>} : memref<640x128xf32, #tpu.memory_space<vmem>>, vector<1x16xf32>,
          %add3A_739 = arith.constant 5 : i32
          %add3A_740 = arith.addi %mul3A_97, %add3A_739 : i32
          %get3A_741 = arith.index_cast %add3A_740 : i32 to index
          %get3A_742 = arith.constant 96 : index
          %get3A_743 = tpu.vector_load %arg13[%get3A_741, %get3A_742] {strides = array<i32>} : memref<128x128xf32, #tpu.memory_space<vmem>>, vector<1x16xf32>,
          %get3A_744 = vector.shape_cast %get3A_743 : vector<1x16xf32> to vector<16xf32>
          %mul3A_745 = vector.broadcast %squeeze3A_658 : f32 to vector<16xf32>
          %mul3A_746 = arith.mulf %get3A_744, %mul3A_745 : vector<16xf32>
          %swap3A_747 = arith.index_cast %squeeze3A_660 : i32 to index
          %swap3A_748 = arith.constant 96 : index
          %swap3A_749 = tpu.vector_load %arg14[%swap3A_747, %swap3A_748] {strides = array<i32>} : memref<640x128xf32, #tpu.memory_space<vmem>>, vector<1x16xf32>,
          %swap3A_750 = vector.shape_cast %swap3A_749 : vector<1x16xf32> to vector<16xf32>
          %swap3A_751 = vector.shape_cast %mul3A_746 : vector<16xf32> to vector<1x16xf32>
          tpu.vector_store %arg14[%swap3A_747, %swap3A_748], %swap3A_751 {add = true, strides = array<i32>} : memref<640x128xf32, #tpu.memory_space<vmem>>, vector<1x16xf32>,
          %add3A_752 = arith.constant 5 : i32
          %add3A_753 = arith.addi %mul3A_97, %add3A_752 : i32
          %get3A_754 = arith.index_cast %add3A_753 : i32 to index
          %get3A_755 = arith.constant 112 : index
          %get3A_756 = tpu.vector_load %arg13[%get3A_754, %get3A_755] {strides = array<i32>} : memref<128x128xf32, #tpu.memory_space<vmem>>, vector<1x16xf32>,
          %get3A_757 = vector.shape_cast %get3A_756 : vector<1x16xf32> to vector<16xf32>
          %mul3A_758 = vector.broadcast %squeeze3A_658 : f32 to vector<16xf32>
          %mul3A_759 = arith.mulf %get3A_757, %mul3A_758 : vector<16xf32>
          %swap3A_760 = arith.index_cast %squeeze3A_660 : i32 to index
          %swap3A_761 = arith.constant 112 : index
          %swap3A_762 = tpu.vector_load %arg14[%swap3A_760, %swap3A_761] {strides = array<i32>} : memref<640x128xf32, #tpu.memory_space<vmem>>, vector<1x16xf32>,
          %swap3A_763 = vector.shape_cast %swap3A_762 : vector<1x16xf32> to vector<16xf32>
          %swap3A_764 = vector.shape_cast %mul3A_759 : vector<16xf32> to vector<1x16xf32>
          tpu.vector_store %arg14[%swap3A_760, %swap3A_761], %swap3A_764 {add = true, strides = array<i32>} : memref<640x128xf32, #tpu.memory_space<vmem>>, vector<1x16xf32>,
          %slice3A_765 = vector.extract_strided_slice %select_n3A_111 {offsets = [6], sizes = [1], strides = [1]} : vector<16xf32> to vector<1xf32>
          %squeeze3A_766 = vector.extract %slice3A_765[0] : f32 from vector<1xf32>
          %slice3A_767 = vector.extract_strided_slice %min3A_117 {offsets = [6], sizes = [1], strides = [1]} : vector<16xi32> to vector<1xi32>
          %squeeze3A_768 = vector.extract %slice3A_767[0] : i32 from vector<1xi32>
          %add3A_769 = arith.constant 6 : i32
          %add3A_770 = arith.addi %mul3A_97, %add3A_769 : i32
          %get3A_771 = arith.index_cast %add3A_770 : i32 to index
          %get3A_772 = arith.constant 0 : index
          %get3A_773 = tpu.vector_load %arg13[%get3A_771, %get3A_772] {strides = array<i32>} : memref<128x128xf32, #tpu.memory_space<vmem>>, vector<1x16xf32>,
          %get3A_774 = vector.shape_cast %get3A_773 : vector<1x16xf32> to vector<16xf32>
          %mul3A_775 = vector.broadcast %squeeze3A_766 : f32 to vector<16xf32>
          %mul3A_776 = arith.mulf %get3A_774, %mul3A_775 : vector<16xf32>
          %swap3A_777 = arith.index_cast %squeeze3A_768 : i32 to index
          %swap3A_778 = arith.constant 0 : index
          %swap3A_779 = tpu.vector_load %arg14[%swap3A_777, %swap3A_778] {strides = array<i32>} : memref<640x128xf32, #tpu.memory_space<vmem>>, vector<1x16xf32>,
          %swap3A_780 = vector.shape_cast %swap3A_779 : vector<1x16xf32> to vector<16xf32>
          %swap3A_781 = vector.shape_cast %mul3A_776 : vector<16xf32> to vector<1x16xf32>
          tpu.vector_store %arg14[%swap3A_777, %swap3A_778], %swap3A_781 {add = true, strides = array<i32>} : memref<640x128xf32, #tpu.memory_space<vmem>>, vector<1x16xf32>,
          %add3A_782 = arith.constant 6 : i32
          %add3A_783 = arith.addi %mul3A_97, %add3A_782 : i32
          %get3A_784 = arith.index_cast %add3A_783 : i32 to index
          %get3A_785 = arith.constant 16 : index
          %get3A_786 = tpu.vector_load %arg13[%get3A_784, %get3A_785] {strides = array<i32>} : memref<128x128xf32, #tpu.memory_space<vmem>>, vector<1x16xf32>,
          %get3A_787 = vector.shape_cast %get3A_786 : vector<1x16xf32> to vector<16xf32>
          %mul3A_788 = vector.broadcast %squeeze3A_766 : f32 to vector<16xf32>
          %mul3A_789 = arith.mulf %get3A_787, %mul3A_788 : vector<16xf32>
          %swap3A_790 = arith.index_cast %squeeze3A_768 : i32 to index
          %swap3A_791 = arith.constant 16 : index
          %swap3A_792 = tpu.vector_load %arg14[%swap3A_790, %swap3A_791] {strides = array<i32>} : memref<640x128xf32, #tpu.memory_space<vmem>>, vector<1x16xf32>,
          %swap3A_793 = vector.shape_cast %swap3A_792 : vector<1x16xf32> to vector<16xf32>
          %swap3A_794 = vector.shape_cast %mul3A_789 : vector<16xf32> to vector<1x16xf32>
          tpu.vector_store %arg14[%swap3A_790, %swap3A_791], %swap3A_794 {add = true, strides = array<i32>} : memref<640x128xf32, #tpu.memory_space<vmem>>, vector<1x16xf32>,
          %add3A_795 = arith.constant 6 : i32
          %add3A_796 = arith.addi %mul3A_97, %add3A_795 : i32
          %get3A_797 = arith.index_cast %add3A_796 : i32 to index
          %get3A_798 = arith.constant 32 : index
          %get3A_799 = tpu.vector_load %arg13[%get3A_797, %get3A_798] {strides = array<i32>} : memref<128x128xf32, #tpu.memory_space<vmem>>, vector<1x16xf32>,
          %get3A_800 = vector.shape_cast %get3A_799 : vector<1x16xf32> to vector<16xf32>
          %mul3A_801 = vector.broadcast %squeeze3A_766 : f32 to vector<16xf32>
          %mul3A_802 = arith.mulf %get3A_800, %mul3A_801 : vector<16xf32>
          %swap3A_803 = arith.index_cast %squeeze3A_768 : i32 to index
          %swap3A_804 = arith.constant 32 : index
          %swap3A_805 = tpu.vector_load %arg14[%swap3A_803, %swap3A_804] {strides = array<i32>} : memref<640x128xf32, #tpu.memory_space<vmem>>, vector<1x16xf32>,
          %swap3A_806 = vector.shape_cast %swap3A_805 : vector<1x16xf32> to vector<16xf32>
          %swap3A_807 = vector.shape_cast %mul3A_802 : vector<16xf32> to vector<1x16xf32>
          tpu.vector_store %arg14[%swap3A_803, %swap3A_804], %swap3A_807 {add = true, strides = array<i32>} : memref<640x128xf32, #tpu.memory_space<vmem>>, vector<1x16xf32>,
          %add3A_808 = arith.constant 6 : i32
          %add3A_809 = arith.addi %mul3A_97, %add3A_808 : i32
          %get3A_810 = arith.index_cast %add3A_809 : i32 to index
          %get3A_811 = arith.constant 48 : index
          %get3A_812 = tpu.vector_load %arg13[%get3A_810, %get3A_811] {strides = array<i32>} : memref<128x128xf32, #tpu.memory_space<vmem>>, vector<1x16xf32>,
          %get3A_813 = vector.shape_cast %get3A_812 : vector<1x16xf32> to vector<16xf32>
          %mul3A_814 = vector.broadcast %squeeze3A_766 : f32 to vector<16xf32>
          %mul3A_815 = arith.mulf %get3A_813, %mul3A_814 : vector<16xf32>
          %swap3A_816 = arith.index_cast %squeeze3A_768 : i32 to index
          %swap3A_817 = arith.constant 48 : index
          %swap3A_818 = tpu.vector_load %arg14[%swap3A_816, %swap3A_817] {strides = array<i32>} : memref<640x128xf32, #tpu.memory_space<vmem>>, vector<1x16xf32>,
          %swap3A_819 = vector.shape_cast %swap3A_818 : vector<1x16xf32> to vector<16xf32>
          %swap3A_820 = vector.shape_cast %mul3A_815 : vector<16xf32> to vector<1x16xf32>
          tpu.vector_store %arg14[%swap3A_816, %swap3A_817], %swap3A_820 {add = true, strides = array<i32>} : memref<640x128xf32, #tpu.memory_space<vmem>>, vector<1x16xf32>,
          %add3A_821 = arith.constant 6 : i32
          %add3A_822 = arith.addi %mul3A_97, %add3A_821 : i32
          %get3A_823 = arith.index_cast %add3A_822 : i32 to index
          %get3A_824 = arith.constant 64 : index
          %get3A_825 = tpu.vector_load %arg13[%get3A_823, %get3A_824] {strides = array<i32>} : memref<128x128xf32, #tpu.memory_space<vmem>>, vector<1x16xf32>,
          %get3A_826 = vector.shape_cast %get3A_825 : vector<1x16xf32> to vector<16xf32>
          %mul3A_827 = vector.broadcast %squeeze3A_766 : f32 to vector<16xf32>
          %mul3A_828 = arith.mulf %get3A_826, %mul3A_827 : vector<16xf32>
          %swap3A_829 = arith.index_cast %squeeze3A_768 : i32 to index
          %swap3A_830 = arith.constant 64 : index
          %swap3A_831 = tpu.vector_load %arg14[%swap3A_829, %swap3A_830] {strides = array<i32>} : memref<640x128xf32, #tpu.memory_space<vmem>>, vector<1x16xf32>,
          %swap3A_832 = vector.shape_cast %swap3A_831 : vector<1x16xf32> to vector<16xf32>
          %swap3A_833 = vector.shape_cast %mul3A_828 : vector<16xf32> to vector<1x16xf32>
          tpu.vector_store %arg14[%swap3A_829, %swap3A_830], %swap3A_833 {add = true, strides = array<i32>} : memref<640x128xf32, #tpu.memory_space<vmem>>, vector<1x16xf32>,
          %add3A_834 = arith.constant 6 : i32
          %add3A_835 = arith.addi %mul3A_97, %add3A_834 : i32
          %get3A_836 = arith.index_cast %add3A_835 : i32 to index
          %get3A_837 = arith.constant 80 : index
          %get3A_838 = tpu.vector_load %arg13[%get3A_836, %get3A_837] {strides = array<i32>} : memref<128x128xf32, #tpu.memory_space<vmem>>, vector<1x16xf32>,
          %get3A_839 = vector.shape_cast %get3A_838 : vector<1x16xf32> to vector<16xf32>
          %mul3A_840 = vector.broadcast %squeeze3A_766 : f32 to vector<16xf32>
          %mul3A_841 = arith.mulf %get3A_839, %mul3A_840 : vector<16xf32>
          %swap3A_842 = arith.index_cast %squeeze3A_768 : i32 to index
          %swap3A_843 = arith.constant 80 : index
          %swap3A_844 = tpu.vector_load %arg14[%swap3A_842, %swap3A_843] {strides = array<i32>} : memref<640x128xf32, #tpu.memory_space<vmem>>, vector<1x16xf32>,
          %swap3A_845 = vector.shape_cast %swap3A_844 : vector<1x16xf32> to vector<16xf32>
          %swap3A_846 = vector.shape_cast %mul3A_841 : vector<16xf32> to vector<1x16xf32>
          tpu.vector_store %arg14[%swap3A_842, %swap3A_843], %swap3A_846 {add = true, strides = array<i32>} : memref<640x128xf32, #tpu.memory_space<vmem>>, vector<1x16xf32>,
          %add3A_847 = arith.constant 6 : i32
          %add3A_848 = arith.addi %mul3A_97, %add3A_847 : i32
          %get3A_849 = arith.index_cast %add3A_848 : i32 to index
          %get3A_850 = arith.constant 96 : index
          %get3A_851 = tpu.vector_load %arg13[%get3A_849, %get3A_850] {strides = array<i32>} : memref<128x128xf32, #tpu.memory_space<vmem>>, vector<1x16xf32>,
          %get3A_852 = vector.shape_cast %get3A_851 : vector<1x16xf32> to vector<16xf32>
          %mul3A_853 = vector.broadcast %squeeze3A_766 : f32 to vector<16xf32>
          %mul3A_854 = arith.mulf %get3A_852, %mul3A_853 : vector<16xf32>
          %swap3A_855 = arith.index_cast %squeeze3A_768 : i32 to index
          %swap3A_856 = arith.constant 96 : index
          %swap3A_857 = tpu.vector_load %arg14[%swap3A_855, %swap3A_856] {strides = array<i32>} : memref<640x128xf32, #tpu.memory_space<vmem>>, vector<1x16xf32>,
          %swap3A_858 = vector.shape_cast %swap3A_857 : vector<1x16xf32> to vector<16xf32>
          %swap3A_859 = vector.shape_cast %mul3A_854 : vector<16xf32> to vector<1x16xf32>
          tpu.vector_store %arg14[%swap3A_855, %swap3A_856], %swap3A_859 {add = true, strides = array<i32>} : memref<640x128xf32, #tpu.memory_space<vmem>>, vector<1x16xf32>,
          %add3A_860 = arith.constant 6 : i32
          %add3A_861 = arith.addi %mul3A_97, %add3A_860 : i32
          %get3A_862 = arith.index_cast %add3A_861 : i32 to index
          %get3A_863 = arith.constant 112 : index
          %get3A_864 = tpu.vector_load %arg13[%get3A_862, %get3A_863] {strides = array<i32>} : memref<128x128xf32, #tpu.memory_space<vmem>>, vector<1x16xf32>,
          %get3A_865 = vector.shape_cast %get3A_864 : vector<1x16xf32> to vector<16xf32>
          %mul3A_866 = vector.broadcast %squeeze3A_766 : f32 to vector<16xf32>
          %mul3A_867 = arith.mulf %get3A_865, %mul3A_866 : vector<16xf32>
          %swap3A_868 = arith.index_cast %squeeze3A_768 : i32 to index
          %swap3A_869 = arith.constant 112 : index
          %swap3A_870 = tpu.vector_load %arg14[%swap3A_868, %swap3A_869] {strides = array<i32>} : memref<640x128xf32, #tpu.memory_space<vmem>>, vector<1x16xf32>,
          %swap3A_871 = vector.shape_cast %swap3A_870 : vector<1x16xf32> to vector<16xf32>
          %swap3A_872 = vector.shape_cast %mul3A_867 : vector<16xf32> to vector<1x16xf32>
          tpu.vector_store %arg14[%swap3A_868, %swap3A_869], %swap3A_872 {add = true, strides = array<i32>} : memref<640x128xf32, #tpu.memory_space<vmem>>, vector<1x16xf32>,
          %slice3A_873 = vector.extract_strided_slice %select_n3A_111 {offsets = [7], sizes = [1], strides = [1]} : vector<16xf32> to vector<1xf32>
          %squeeze3A_874 = vector.extract %slice3A_873[0] : f32 from vector<1xf32>
          %slice3A_875 = vector.extract_strided_slice %min3A_117 {offsets = [7], sizes = [1], strides = [1]} : vector<16xi32> to vector<1xi32>
          %squeeze3A_876 = vector.extract %slice3A_875[0] : i32 from vector<1xi32>
          %add3A_877 = arith.constant 7 : i32
          %add3A_878 = arith.addi %mul3A_97, %add3A_877 : i32
          %get3A_879 = arith.index_cast %add3A_878 : i32 to index
          %get3A_880 = arith.constant 0 : index
          %get3A_881 = tpu.vector_load %arg13[%get3A_879, %get3A_880] {strides = array<i32>} : memref<128x128xf32, #tpu.memory_space<vmem>>, vector<1x16xf32>,
          %get3A_882 = vector.shape_cast %get3A_881 : vector<1x16xf32> to vector<16xf32>
          %mul3A_883 = vector.broadcast %squeeze3A_874 : f32 to vector<16xf32>
          %mul3A_884 = arith.mulf %get3A_882, %mul3A_883 : vector<16xf32>
          %swap3A_885 = arith.index_cast %squeeze3A_876 : i32 to index
          %swap3A_886 = arith.constant 0 : index
          %swap3A_887 = tpu.vector_load %arg14[%swap3A_885, %swap3A_886] {strides = array<i32>} : memref<640x128xf32, #tpu.memory_space<vmem>>, vector<1x16xf32>,
          %swap3A_888 = vector.shape_cast %swap3A_887 : vector<1x16xf32> to vector<16xf32>
          %swap3A_889 = vector.shape_cast %mul3A_884 : vector<16xf32> to vector<1x16xf32>
          tpu.vector_store %arg14[%swap3A_885, %swap3A_886], %swap3A_889 {add = true, strides = array<i32>} : memref<640x128xf32, #tpu.memory_space<vmem>>, vector<1x16xf32>,
          %add3A_890 = arith.constant 7 : i32
          %add3A_891 = arith.addi %mul3A_97, %add3A_890 : i32
          %get3A_892 = arith.index_cast %add3A_891 : i32 to index
          %get3A_893 = arith.constant 16 : index
          %get3A_894 = tpu.vector_load %arg13[%get3A_892, %get3A_893] {strides = array<i32>} : memref<128x128xf32, #tpu.memory_space<vmem>>, vector<1x16xf32>,
          %get3A_895 = vector.shape_cast %get3A_894 : vector<1x16xf32> to vector<16xf32>
          %mul3A_896 = vector.broadcast %squeeze3A_874 : f32 to vector<16xf32>
          %mul3A_897 = arith.mulf %get3A_895, %mul3A_896 : vector<16xf32>
          %swap3A_898 = arith.index_cast %squeeze3A_876 : i32 to index
          %swap3A_899 = arith.constant 16 : index
          %swap3A_900 = tpu.vector_load %arg14[%swap3A_898, %swap3A_899] {strides = array<i32>} : memref<640x128xf32, #tpu.memory_space<vmem>>, vector<1x16xf32>,
          %swap3A_901 = vector.shape_cast %swap3A_900 : vector<1x16xf32> to vector<16xf32>
          %swap3A_902 = vector.shape_cast %mul3A_897 : vector<16xf32> to vector<1x16xf32>
          tpu.vector_store %arg14[%swap3A_898, %swap3A_899], %swap3A_902 {add = true, strides = array<i32>} : memref<640x128xf32, #tpu.memory_space<vmem>>, vector<1x16xf32>,
          %add3A_903 = arith.constant 7 : i32
          %add3A_904 = arith.addi %mul3A_97, %add3A_903 : i32
          %get3A_905 = arith.index_cast %add3A_904 : i32 to index
          %get3A_906 = arith.constant 32 : index
          %get3A_907 = tpu.vector_load %arg13[%get3A_905, %get3A_906] {strides = array<i32>} : memref<128x128xf32, #tpu.memory_space<vmem>>, vector<1x16xf32>,
          %get3A_908 = vector.shape_cast %get3A_907 : vector<1x16xf32> to vector<16xf32>
          %mul3A_909 = vector.broadcast %squeeze3A_874 : f32 to vector<16xf32>
          %mul3A_910 = arith.mulf %get3A_908, %mul3A_909 : vector<16xf32>
          %swap3A_911 = arith.index_cast %squeeze3A_876 : i32 to index
          %swap3A_912 = arith.constant 32 : index
          %swap3A_913 = tpu.vector_load %arg14[%swap3A_911, %swap3A_912] {strides = array<i32>} : memref<640x128xf32, #tpu.memory_space<vmem>>, vector<1x16xf32>,
          %swap3A_914 = vector.shape_cast %swap3A_913 : vector<1x16xf32> to vector<16xf32>
          %swap3A_915 = vector.shape_cast %mul3A_910 : vector<16xf32> to vector<1x16xf32>
          tpu.vector_store %arg14[%swap3A_911, %swap3A_912], %swap3A_915 {add = true, strides = array<i32>} : memref<640x128xf32, #tpu.memory_space<vmem>>, vector<1x16xf32>,
          %add3A_916 = arith.constant 7 : i32
          %add3A_917 = arith.addi %mul3A_97, %add3A_916 : i32
          %get3A_918 = arith.index_cast %add3A_917 : i32 to index
          %get3A_919 = arith.constant 48 : index
          %get3A_920 = tpu.vector_load %arg13[%get3A_918, %get3A_919] {strides = array<i32>} : memref<128x128xf32, #tpu.memory_space<vmem>>, vector<1x16xf32>,
          %get3A_921 = vector.shape_cast %get3A_920 : vector<1x16xf32> to vector<16xf32>
          %mul3A_922 = vector.broadcast %squeeze3A_874 : f32 to vector<16xf32>
          %mul3A_923 = arith.mulf %get3A_921, %mul3A_922 : vector<16xf32>
          %swap3A_924 = arith.index_cast %squeeze3A_876 : i32 to index
          %swap3A_925 = arith.constant 48 : index
          %swap3A_926 = tpu.vector_load %arg14[%swap3A_924, %swap3A_925] {strides = array<i32>} : memref<640x128xf32, #tpu.memory_space<vmem>>, vector<1x16xf32>,
          %swap3A_927 = vector.shape_cast %swap3A_926 : vector<1x16xf32> to vector<16xf32>
          %swap3A_928 = vector.shape_cast %mul3A_923 : vector<16xf32> to vector<1x16xf32>
          tpu.vector_store %arg14[%swap3A_924, %swap3A_925], %swap3A_928 {add = true, strides = array<i32>} : memref<640x128xf32, #tpu.memory_space<vmem>>, vector<1x16xf32>,
          %add3A_929 = arith.constant 7 : i32
          %add3A_930 = arith.addi %mul3A_97, %add3A_929 : i32
          %get3A_931 = arith.index_cast %add3A_930 : i32 to index
          %get3A_932 = arith.constant 64 : index
          %get3A_933 = tpu.vector_load %arg13[%get3A_931, %get3A_932] {strides = array<i32>} : memref<128x128xf32, #tpu.memory_space<vmem>>, vector<1x16xf32>,
          %get3A_934 = vector.shape_cast %get3A_933 : vector<1x16xf32> to vector<16xf32>
          %mul3A_935 = vector.broadcast %squeeze3A_874 : f32 to vector<16xf32>
          %mul3A_936 = arith.mulf %get3A_934, %mul3A_935 : vector<16xf32>
          %swap3A_937 = arith.index_cast %squeeze3A_876 : i32 to index
          %swap3A_938 = arith.constant 64 : index
          %swap3A_939 = tpu.vector_load %arg14[%swap3A_937, %swap3A_938] {strides = array<i32>} : memref<640x128xf32, #tpu.memory_space<vmem>>, vector<1x16xf32>,
          %swap3A_940 = vector.shape_cast %swap3A_939 : vector<1x16xf32> to vector<16xf32>
          %swap3A_941 = vector.shape_cast %mul3A_936 : vector<16xf32> to vector<1x16xf32>
          tpu.vector_store %arg14[%swap3A_937, %swap3A_938], %swap3A_941 {add = true, strides = array<i32>} : memref<640x128xf32, #tpu.memory_space<vmem>>, vector<1x16xf32>,
          %add3A_942 = arith.constant 7 : i32
          %add3A_943 = arith.addi %mul3A_97, %add3A_942 : i32
          %get3A_944 = arith.index_cast %add3A_943 : i32 to index
          %get3A_945 = arith.constant 80 : index
          %get3A_946 = tpu.vector_load %arg13[%get3A_944, %get3A_945] {strides = array<i32>} : memref<128x128xf32, #tpu.memory_space<vmem>>, vector<1x16xf32>,
          %get3A_947 = vector.shape_cast %get3A_946 : vector<1x16xf32> to vector<16xf32>
          %mul3A_948 = vector.broadcast %squeeze3A_874 : f32 to vector<16xf32>
          %mul3A_949 = arith.mulf %get3A_947, %mul3A_948 : vector<16xf32>
          %swap3A_950 = arith.index_cast %squeeze3A_876 : i32 to index
          %swap3A_951 = arith.constant 80 : index
          %swap3A_952 = tpu.vector_load %arg14[%swap3A_950, %swap3A_951] {strides = array<i32>} : memref<640x128xf32, #tpu.memory_space<vmem>>, vector<1x16xf32>,
          %swap3A_953 = vector.shape_cast %swap3A_952 : vector<1x16xf32> to vector<16xf32>
          %swap3A_954 = vector.shape_cast %mul3A_949 : vector<16xf32> to vector<1x16xf32>
          tpu.vector_store %arg14[%swap3A_950, %swap3A_951], %swap3A_954 {add = true, strides = array<i32>} : memref<640x128xf32, #tpu.memory_space<vmem>>, vector<1x16xf32>,
          %add3A_955 = arith.constant 7 : i32
          %add3A_956 = arith.addi %mul3A_97, %add3A_955 : i32
          %get3A_957 = arith.index_cast %add3A_956 : i32 to index
          %get3A_958 = arith.constant 96 : index
          %get3A_959 = tpu.vector_load %arg13[%get3A_957, %get3A_958] {strides = array<i32>} : memref<128x128xf32, #tpu.memory_space<vmem>>, vector<1x16xf32>,
          %get3A_960 = vector.shape_cast %get3A_959 : vector<1x16xf32> to vector<16xf32>
          %mul3A_961 = vector.broadcast %squeeze3A_874 : f32 to vector<16xf32>
          %mul3A_962 = arith.mulf %get3A_960, %mul3A_961 : vector<16xf32>
          %swap3A_963 = arith.index_cast %squeeze3A_876 : i32 to index
          %swap3A_964 = arith.constant 96 : index
          %swap3A_965 = tpu.vector_load %arg14[%swap3A_963, %swap3A_964] {strides = array<i32>} : memref<640x128xf32, #tpu.memory_space<vmem>>, vector<1x16xf32>,
          %swap3A_966 = vector.shape_cast %swap3A_965 : vector<1x16xf32> to vector<16xf32>
          %swap3A_967 = vector.shape_cast %mul3A_962 : vector<16xf32> to vector<1x16xf32>
          tpu.vector_store %arg14[%swap3A_963, %swap3A_964], %swap3A_967 {add = true, strides = array<i32>} : memref<640x128xf32, #tpu.memory_space<vmem>>, vector<1x16xf32>,
          %add3A_968 = arith.constant 7 : i32
          %add3A_969 = arith.addi %mul3A_97, %add3A_968 : i32
          %get3A_970 = arith.index_cast %add3A_969 : i32 to index
          %get3A_971 = arith.constant 112 : index
          %get3A_972 = tpu.vector_load %arg13[%get3A_970, %get3A_971] {strides = array<i32>} : memref<128x128xf32, #tpu.memory_space<vmem>>, vector<1x16xf32>,
          %get3A_973 = vector.shape_cast %get3A_972 : vector<1x16xf32> to vector<16xf32>
          %mul3A_974 = vector.broadcast %squeeze3A_874 : f32 to vector<16xf32>
          %mul3A_975 = arith.mulf %get3A_973, %mul3A_974 : vector<16xf32>
          %swap3A_976 = arith.index_cast %squeeze3A_876 : i32 to index
          %swap3A_977 = arith.constant 112 : index
          %swap3A_978 = tpu.vector_load %arg14[%swap3A_976, %swap3A_977] {strides = array<i32>} : memref<640x128xf32, #tpu.memory_space<vmem>>, vector<1x16xf32>,
          %swap3A_979 = vector.shape_cast %swap3A_978 : vector<1x16xf32> to vector<16xf32>
          %swap3A_980 = vector.shape_cast %mul3A_975 : vector<16xf32> to vector<1x16xf32>
          tpu.vector_store %arg14[%swap3A_976, %swap3A_977], %swap3A_980 {add = true, strides = array<i32>} : memref<640x128xf32, #tpu.memory_space<vmem>>, vector<1x16xf32>,
          %slice3A_981 = vector.extract_strided_slice %select_n3A_111 {offsets = [8], sizes = [1], strides = [1]} : vector<16xf32> to vector<1xf32>
          %squeeze3A_982 = vector.extract %slice3A_981[0] : f32 from vector<1xf32>
          %slice3A_983 = vector.extract_strided_slice %min3A_117 {offsets = [8], sizes = [1], strides = [1]} : vector<16xi32> to vector<1xi32>
          %squeeze3A_984 = vector.extract %slice3A_983[0] : i32 from vector<1xi32>
          %add3A_985 = arith.constant 8 : i32
          %add3A_986 = arith.addi %mul3A_97, %add3A_985 : i32
          %get3A_987 = arith.index_cast %add3A_986 : i32 to index
          %get3A_988 = arith.constant 0 : index
          %get3A_989 = tpu.vector_load %arg13[%get3A_987, %get3A_988] {strides = array<i32>} : memref<128x128xf32, #tpu.memory_space<vmem>>, vector<1x16xf32>,
          %get3A_990 = vector.shape_cast %get3A_989 : vector<1x16xf32> to vector<16xf32>
          %mul3A_991 = vector.broadcast %squeeze3A_982 : f32 to vector<16xf32>
          %mul3A_992 = arith.mulf %get3A_990, %mul3A_991 : vector<16xf32>
          %swap3A_993 = arith.index_cast %squeeze3A_984 : i32 to index
          %swap3A_994 = arith.constant 0 : index
          %swap3A_995 = tpu.vector_load %arg14[%swap3A_993, %swap3A_994] {strides = array<i32>} : memref<640x128xf32, #tpu.memory_space<vmem>>, vector<1x16xf32>,
          %swap3A_996 = vector.shape_cast %swap3A_995 : vector<1x16xf32> to vector<16xf32>
          %swap3A_997 = vector.shape_cast %mul3A_992 : vector<16xf32> to vector<1x16xf32>
          tpu.vector_store %arg14[%swap3A_993, %swap3A_994], %swap3A_997 {add = true, strides = array<i32>} : memref<640x128xf32, #tpu.memory_space<vmem>>, vector<1x16xf32>,
          %add3A_998 = arith.constant 8 : i32
          %add3A_999 = arith.addi %mul3A_97, %add3A_998 : i32
          %get3A_1000 = arith.index_cast %add3A_999 : i32 to index
          %get3A_1001 = arith.constant 16 : index
          %get3A_1002 = tpu.vector_load %arg13[%get3A_1000, %get3A_1001] {strides = array<i32>} : memref<128x128xf32, #tpu.memory_space<vmem>>, vector<1x16xf32>,
          %get3A_1003 = vector.shape_cast %get3A_1002 : vector<1x16xf32> to vector<16xf32>
          %mul3A_1004 = vector.broadcast %squeeze3A_982 : f32 to vector<16xf32>
          %mul3A_1005 = arith.mulf %get3A_1003, %mul3A_1004 : vector<16xf32>
          %swap3A_1006 = arith.index_cast %squeeze3A_984 : i32 to index
          %swap3A_1007 = arith.constant 16 : index
          %swap3A_1008 = tpu.vector_load %arg14[%swap3A_1006, %swap3A_1007] {strides = array<i32>} : memref<640x128xf32, #tpu.memory_space<vmem>>, vector<1x16xf32>,
          %swap3A_1009 = vector.shape_cast %swap3A_1008 : vector<1x16xf32> to vector<16xf32>
          %swap3A_1010 = vector.shape_cast %mul3A_1005 : vector<16xf32> to vector<1x16xf32>
          tpu.vector_store %arg14[%swap3A_1006, %swap3A_1007], %swap3A_1010 {add = true, strides = array<i32>} : memref<640x128xf32, #tpu.memory_space<vmem>>, vector<1x16xf32>,
          %add3A_1011 = arith.constant 8 : i32
          %add3A_1012 = arith.addi %mul3A_97, %add3A_1011 : i32
          %get3A_1013 = arith.index_cast %add3A_1012 : i32 to index
          %get3A_1014 = arith.constant 32 : index
          %get3A_1015 = tpu.vector_load %arg13[%get3A_1013, %get3A_1014] {strides = array<i32>} : memref<128x128xf32, #tpu.memory_space<vmem>>, vector<1x16xf32>,
          %get3A_1016 = vector.shape_cast %get3A_1015 : vector<1x16xf32> to vector<16xf32>
          %mul3A_1017 = vector.broadcast %squeeze3A_982 : f32 to vector<16xf32>
          %mul3A_1018 = arith.mulf %get3A_1016, %mul3A_1017 : vector<16xf32>
          %swap3A_1019 = arith.index_cast %squeeze3A_984 : i32 to index
          %swap3A_1020 = arith.constant 32 : index
          %swap3A_1021 = tpu.vector_load %arg14[%swap3A_1019, %swap3A_1020] {strides = array<i32>} : memref<640x128xf32, #tpu.memory_space<vmem>>, vector<1x16xf32>,
          %swap3A_1022 = vector.shape_cast %swap3A_1021 : vector<1x16xf32> to vector<16xf32>
          %swap3A_1023 = vector.shape_cast %mul3A_1018 : vector<16xf32> to vector<1x16xf32>
          tpu.vector_store %arg14[%swap3A_1019, %swap3A_1020], %swap3A_1023 {add = true, strides = array<i32>} : memref<640x128xf32, #tpu.memory_space<vmem>>, vector<1x16xf32>,
          %add3A_1024 = arith.constant 8 : i32
          %add3A_1025 = arith.addi %mul3A_97, %add3A_1024 : i32
          %get3A_1026 = arith.index_cast %add3A_1025 : i32 to index
          %get3A_1027 = arith.constant 48 : index
          %get3A_1028 = tpu.vector_load %arg13[%get3A_1026, %get3A_1027] {strides = array<i32>} : memref<128x128xf32, #tpu.memory_space<vmem>>, vector<1x16xf32>,
          %get3A_1029 = vector.shape_cast %get3A_1028 : vector<1x16xf32> to vector<16xf32>
          %mul3A_1030 = vector.broadcast %squeeze3A_982 : f32 to vector<16xf32>
          %mul3A_1031 = arith.mulf %get3A_1029, %mul3A_1030 : vector<16xf32>
          %swap3A_1032 = arith.index_cast %squeeze3A_984 : i32 to index
          %swap3A_1033 = arith.constant 48 : index
          %swap3A_1034 = tpu.vector_load %arg14[%swap3A_1032, %swap3A_1033] {strides = array<i32>} : memref<640x128xf32, #tpu.memory_space<vmem>>, vector<1x16xf32>,
          %swap3A_1035 = vector.shape_cast %swap3A_1034 : vector<1x16xf32> to vector<16xf32>
          %swap3A_1036 = vector.shape_cast %mul3A_1031 : vector<16xf32> to vector<1x16xf32>
          tpu.vector_store %arg14[%swap3A_1032, %swap3A_1033], %swap3A_1036 {add = true, strides = array<i32>} : memref<640x128xf32, #tpu.memory_space<vmem>>, vector<1x16xf32>,
          %add3A_1037 = arith.constant 8 : i32
          %add3A_1038 = arith.addi %mul3A_97, %add3A_1037 : i32
          %get3A_1039 = arith.index_cast %add3A_1038 : i32 to index
          %get3A_1040 = arith.constant 64 : index
          %get3A_1041 = tpu.vector_load %arg13[%get3A_1039, %get3A_1040] {strides = array<i32>} : memref<128x128xf32, #tpu.memory_space<vmem>>, vector<1x16xf32>,
          %get3A_1042 = vector.shape_cast %get3A_1041 : vector<1x16xf32> to vector<16xf32>
          %mul3A_1043 = vector.broadcast %squeeze3A_982 : f32 to vector<16xf32>
          %mul3A_1044 = arith.mulf %get3A_1042, %mul3A_1043 : vector<16xf32>
          %swap3A_1045 = arith.index_cast %squeeze3A_984 : i32 to index
          %swap3A_1046 = arith.constant 64 : index
          %swap3A_1047 = tpu.vector_load %arg14[%swap3A_1045, %swap3A_1046] {strides = array<i32>} : memref<640x128xf32, #tpu.memory_space<vmem>>, vector<1x16xf32>,
          %swap3A_1048 = vector.shape_cast %swap3A_1047 : vector<1x16xf32> to vector<16xf32>
          %swap3A_1049 = vector.shape_cast %mul3A_1044 : vector<16xf32> to vector<1x16xf32>
          tpu.vector_store %arg14[%swap3A_1045, %swap3A_1046], %swap3A_1049 {add = true, strides = array<i32>} : memref<640x128xf32, #tpu.memory_space<vmem>>, vector<1x16xf32>,
          %add3A_1050 = arith.constant 8 : i32
          %add3A_1051 = arith.addi %mul3A_97, %add3A_1050 : i32
          %get3A_1052 = arith.index_cast %add3A_1051 : i32 to index
          %get3A_1053 = arith.constant 80 : index
          %get3A_1054 = tpu.vector_load %arg13[%get3A_1052, %get3A_1053] {strides = array<i32>} : memref<128x128xf32, #tpu.memory_space<vmem>>, vector<1x16xf32>,
          %get3A_1055 = vector.shape_cast %get3A_1054 : vector<1x16xf32> to vector<16xf32>
          %mul3A_1056 = vector.broadcast %squeeze3A_982 : f32 to vector<16xf32>
          %mul3A_1057 = arith.mulf %get3A_1055, %mul3A_1056 : vector<16xf32>
          %swap3A_1058 = arith.index_cast %squeeze3A_984 : i32 to index
          %swap3A_1059 = arith.constant 80 : index
          %swap3A_1060 = tpu.vector_load %arg14[%swap3A_1058, %swap3A_1059] {strides = array<i32>} : memref<640x128xf32, #tpu.memory_space<vmem>>, vector<1x16xf32>,
          %swap3A_1061 = vector.shape_cast %swap3A_1060 : vector<1x16xf32> to vector<16xf32>
          %swap3A_1062 = vector.shape_cast %mul3A_1057 : vector<16xf32> to vector<1x16xf32>
          tpu.vector_store %arg14[%swap3A_1058, %swap3A_1059], %swap3A_1062 {add = true, strides = array<i32>} : memref<640x128xf32, #tpu.memory_space<vmem>>, vector<1x16xf32>,
          %add3A_1063 = arith.constant 8 : i32
          %add3A_1064 = arith.addi %mul3A_97, %add3A_1063 : i32
          %get3A_1065 = arith.index_cast %add3A_1064 : i32 to index
          %get3A_1066 = arith.constant 96 : index
          %get3A_1067 = tpu.vector_load %arg13[%get3A_1065, %get3A_1066] {strides = array<i32>} : memref<128x128xf32, #tpu.memory_space<vmem>>, vector<1x16xf32>,
          %get3A_1068 = vector.shape_cast %get3A_1067 : vector<1x16xf32> to vector<16xf32>
          %mul3A_1069 = vector.broadcast %squeeze3A_982 : f32 to vector<16xf32>
          %mul3A_1070 = arith.mulf %get3A_1068, %mul3A_1069 : vector<16xf32>
          %swap3A_1071 = arith.index_cast %squeeze3A_984 : i32 to index
          %swap3A_1072 = arith.constant 96 : index
          %swap3A_1073 = tpu.vector_load %arg14[%swap3A_1071, %swap3A_1072] {strides = array<i32>} : memref<640x128xf32, #tpu.memory_space<vmem>>, vector<1x16xf32>,
          %swap3A_1074 = vector.shape_cast %swap3A_1073 : vector<1x16xf32> to vector<16xf32>
          %swap3A_1075 = vector.shape_cast %mul3A_1070 : vector<16xf32> to vector<1x16xf32>
          tpu.vector_store %arg14[%swap3A_1071, %swap3A_1072], %swap3A_1075 {add = true, strides = array<i32>} : memref<640x128xf32, #tpu.memory_space<vmem>>, vector<1x16xf32>,
          %add3A_1076 = arith.constant 8 : i32
          %add3A_1077 = arith.addi %mul3A_97, %add3A_1076 : i32
          %get3A_1078 = arith.index_cast %add3A_1077 : i32 to index
          %get3A_1079 = arith.constant 112 : index
          %get3A_1080 = tpu.vector_load %arg13[%get3A_1078, %get3A_1079] {strides = array<i32>} : memref<128x128xf32, #tpu.memory_space<vmem>>, vector<1x16xf32>,
          %get3A_1081 = vector.shape_cast %get3A_1080 : vector<1x16xf32> to vector<16xf32>
          %mul3A_1082 = vector.broadcast %squeeze3A_982 : f32 to vector<16xf32>
          %mul3A_1083 = arith.mulf %get3A_1081, %mul3A_1082 : vector<16xf32>
          %swap3A_1084 = arith.index_cast %squeeze3A_984 : i32 to index
          %swap3A_1085 = arith.constant 112 : index
          %swap3A_1086 = tpu.vector_load %arg14[%swap3A_1084, %swap3A_1085] {strides = array<i32>} : memref<640x128xf32, #tpu.memory_space<vmem>>, vector<1x16xf32>,
          %swap3A_1087 = vector.shape_cast %swap3A_1086 : vector<1x16xf32> to vector<16xf32>
          %swap3A_1088 = vector.shape_cast %mul3A_1083 : vector<16xf32> to vector<1x16xf32>
          tpu.vector_store %arg14[%swap3A_1084, %swap3A_1085], %swap3A_1088 {add = true, strides = array<i32>} : memref<640x128xf32, #tpu.memory_space<vmem>>, vector<1x16xf32>,
          %slice3A_1089 = vector.extract_strided_slice %select_n3A_111 {offsets = [9], sizes = [1], strides = [1]} : vector<16xf32> to vector<1xf32>
          %squeeze3A_1090 = vector.extract %slice3A_1089[0] : f32 from vector<1xf32>
          %slice3A_1091 = vector.extract_strided_slice %min3A_117 {offsets = [9], sizes = [1], strides = [1]} : vector<16xi32> to vector<1xi32>
          %squeeze3A_1092 = vector.extract %slice3A_1091[0] : i32 from vector<1xi32>
          %add3A_1093 = arith.constant 9 : i32
          %add3A_1094 = arith.addi %mul3A_97, %add3A_1093 : i32
          %get3A_1095 = arith.index_cast %add3A_1094 : i32 to index
          %get3A_1096 = arith.constant 0 : index
          %get3A_1097 = tpu.vector_load %arg13[%get3A_1095, %get3A_1096] {strides = array<i32>} : memref<128x128xf32, #tpu.memory_space<vmem>>, vector<1x16xf32>,
          %get3A_1098 = vector.shape_cast %get3A_1097 : vector<1x16xf32> to vector<16xf32>
          %mul3A_1099 = vector.broadcast %squeeze3A_1090 : f32 to vector<16xf32>
          %mul3A_1100 = arith.mulf %get3A_1098, %mul3A_1099 : vector<16xf32>
          %swap3A_1101 = arith.index_cast %squeeze3A_1092 : i32 to index
          %swap3A_1102 = arith.constant 0 : index
          %swap3A_1103 = tpu.vector_load %arg14[%swap3A_1101, %swap3A_1102] {strides = array<i32>} : memref<640x128xf32, #tpu.memory_space<vmem>>, vector<1x16xf32>,
          %swap3A_1104 = vector.shape_cast %swap3A_1103 : vector<1x16xf32> to vector<16xf32>
          %swap3A_1105 = vector.shape_cast %mul3A_1100 : vector<16xf32> to vector<1x16xf32>
          tpu.vector_store %arg14[%swap3A_1101, %swap3A_1102], %swap3A_1105 {add = true, strides = array<i32>} : memref<640x128xf32, #tpu.memory_space<vmem>>, vector<1x16xf32>,
          %add3A_1106 = arith.constant 9 : i32
          %add3A_1107 = arith.addi %mul3A_97, %add3A_1106 : i32
          %get3A_1108 = arith.index_cast %add3A_1107 : i32 to index
          %get3A_1109 = arith.constant 16 : index
          %get3A_1110 = tpu.vector_load %arg13[%get3A_1108, %get3A_1109] {strides = array<i32>} : memref<128x128xf32, #tpu.memory_space<vmem>>, vector<1x16xf32>,
          %get3A_1111 = vector.shape_cast %get3A_1110 : vector<1x16xf32> to vector<16xf32>
          %mul3A_1112 = vector.broadcast %squeeze3A_1090 : f32 to vector<16xf32>
          %mul3A_1113 = arith.mulf %get3A_1111, %mul3A_1112 : vector<16xf32>
          %swap3A_1114 = arith.index_cast %squeeze3A_1092 : i32 to index
          %swap3A_1115 = arith.constant 16 : index
          %swap3A_1116 = tpu.vector_load %arg14[%swap3A_1114, %swap3A_1115] {strides = array<i32>} : memref<640x128xf32, #tpu.memory_space<vmem>>, vector<1x16xf32>,
          %swap3A_1117 = vector.shape_cast %swap3A_1116 : vector<1x16xf32> to vector<16xf32>
          %swap3A_1118 = vector.shape_cast %mul3A_1113 : vector<16xf32> to vector<1x16xf32>
          tpu.vector_store %arg14[%swap3A_1114, %swap3A_1115], %swap3A_1118 {add = true, strides = array<i32>} : memref<640x128xf32, #tpu.memory_space<vmem>>, vector<1x16xf32>,
          %add3A_1119 = arith.constant 9 : i32
          %add3A_1120 = arith.addi %mul3A_97, %add3A_1119 : i32
          %get3A_1121 = arith.index_cast %add3A_1120 : i32 to index
          %get3A_1122 = arith.constant 32 : index
          %get3A_1123 = tpu.vector_load %arg13[%get3A_1121, %get3A_1122] {strides = array<i32>} : memref<128x128xf32, #tpu.memory_space<vmem>>, vector<1x16xf32>,
          %get3A_1124 = vector.shape_cast %get3A_1123 : vector<1x16xf32> to vector<16xf32>
          %mul3A_1125 = vector.broadcast %squeeze3A_1090 : f32 to vector<16xf32>
          %mul3A_1126 = arith.mulf %get3A_1124, %mul3A_1125 : vector<16xf32>
          %swap3A_1127 = arith.index_cast %squeeze3A_1092 : i32 to index
          %swap3A_1128 = arith.constant 32 : index
          %swap3A_1129 = tpu.vector_load %arg14[%swap3A_1127, %swap3A_1128] {strides = array<i32>} : memref<640x128xf32, #tpu.memory_space<vmem>>, vector<1x16xf32>,
          %swap3A_1130 = vector.shape_cast %swap3A_1129 : vector<1x16xf32> to vector<16xf32>
          %swap3A_1131 = vector.shape_cast %mul3A_1126 : vector<16xf32> to vector<1x16xf32>
          tpu.vector_store %arg14[%swap3A_1127, %swap3A_1128], %swap3A_1131 {add = true, strides = array<i32>} : memref<640x128xf32, #tpu.memory_space<vmem>>, vector<1x16xf32>,
          %add3A_1132 = arith.constant 9 : i32
          %add3A_1133 = arith.addi %mul3A_97, %add3A_1132 : i32
          %get3A_1134 = arith.index_cast %add3A_1133 : i32 to index
          %get3A_1135 = arith.constant 48 : index
          %get3A_1136 = tpu.vector_load %arg13[%get3A_1134, %get3A_1135] {strides = array<i32>} : memref<128x128xf32, #tpu.memory_space<vmem>>, vector<1x16xf32>,
          %get3A_1137 = vector.shape_cast %get3A_1136 : vector<1x16xf32> to vector<16xf32>
          %mul3A_1138 = vector.broadcast %squeeze3A_1090 : f32 to vector<16xf32>
          %mul3A_1139 = arith.mulf %get3A_1137, %mul3A_1138 : vector<16xf32>
          %swap3A_1140 = arith.index_cast %squeeze3A_1092 : i32 to index
          %swap3A_1141 = arith.constant 48 : index
          %swap3A_1142 = tpu.vector_load %arg14[%swap3A_1140, %swap3A_1141] {strides = array<i32>} : memref<640x128xf32, #tpu.memory_space<vmem>>, vector<1x16xf32>,
          %swap3A_1143 = vector.shape_cast %swap3A_1142 : vector<1x16xf32> to vector<16xf32>
          %swap3A_1144 = vector.shape_cast %mul3A_1139 : vector<16xf32> to vector<1x16xf32>
          tpu.vector_store %arg14[%swap3A_1140, %swap3A_1141], %swap3A_1144 {add = true, strides = array<i32>} : memref<640x128xf32, #tpu.memory_space<vmem>>, vector<1x16xf32>,
          %add3A_1145 = arith.constant 9 : i32
          %add3A_1146 = arith.addi %mul3A_97, %add3A_1145 : i32
          %get3A_1147 = arith.index_cast %add3A_1146 : i32 to index
          %get3A_1148 = arith.constant 64 : index
          %get3A_1149 = tpu.vector_load %arg13[%get3A_1147, %get3A_1148] {strides = array<i32>} : memref<128x128xf32, #tpu.memory_space<vmem>>, vector<1x16xf32>,
          %get3A_1150 = vector.shape_cast %get3A_1149 : vector<1x16xf32> to vector<16xf32>
          %mul3A_1151 = vector.broadcast %squeeze3A_1090 : f32 to vector<16xf32>
          %mul3A_1152 = arith.mulf %get3A_1150, %mul3A_1151 : vector<16xf32>
          %swap3A_1153 = arith.index_cast %squeeze3A_1092 : i32 to index
          %swap3A_1154 = arith.constant 64 : index
          %swap3A_1155 = tpu.vector_load %arg14[%swap3A_1153, %swap3A_1154] {strides = array<i32>} : memref<640x128xf32, #tpu.memory_space<vmem>>, vector<1x16xf32>,
          %swap3A_1156 = vector.shape_cast %swap3A_1155 : vector<1x16xf32> to vector<16xf32>
          %swap3A_1157 = vector.shape_cast %mul3A_1152 : vector<16xf32> to vector<1x16xf32>
          tpu.vector_store %arg14[%swap3A_1153, %swap3A_1154], %swap3A_1157 {add = true, strides = array<i32>} : memref<640x128xf32, #tpu.memory_space<vmem>>, vector<1x16xf32>,
          %add3A_1158 = arith.constant 9 : i32
          %add3A_1159 = arith.addi %mul3A_97, %add3A_1158 : i32
          %get3A_1160 = arith.index_cast %add3A_1159 : i32 to index
          %get3A_1161 = arith.constant 80 : index
          %get3A_1162 = tpu.vector_load %arg13[%get3A_1160, %get3A_1161] {strides = array<i32>} : memref<128x128xf32, #tpu.memory_space<vmem>>, vector<1x16xf32>,
          %get3A_1163 = vector.shape_cast %get3A_1162 : vector<1x16xf32> to vector<16xf32>
          %mul3A_1164 = vector.broadcast %squeeze3A_1090 : f32 to vector<16xf32>
          %mul3A_1165 = arith.mulf %get3A_1163, %mul3A_1164 : vector<16xf32>
          %swap3A_1166 = arith.index_cast %squeeze3A_1092 : i32 to index
          %swap3A_1167 = arith.constant 80 : index
          %swap3A_1168 = tpu.vector_load %arg14[%swap3A_1166, %swap3A_1167] {strides = array<i32>} : memref<640x128xf32, #tpu.memory_space<vmem>>, vector<1x16xf32>,
          %swap3A_1169 = vector.shape_cast %swap3A_1168 : vector<1x16xf32> to vector<16xf32>
          %swap3A_1170 = vector.shape_cast %mul3A_1165 : vector<16xf32> to vector<1x16xf32>
          tpu.vector_store %arg14[%swap3A_1166, %swap3A_1167], %swap3A_1170 {add = true, strides = array<i32>} : memref<640x128xf32, #tpu.memory_space<vmem>>, vector<1x16xf32>,
          %add3A_1171 = arith.constant 9 : i32
          %add3A_1172 = arith.addi %mul3A_97, %add3A_1171 : i32
          %get3A_1173 = arith.index_cast %add3A_1172 : i32 to index
          %get3A_1174 = arith.constant 96 : index
          %get3A_1175 = tpu.vector_load %arg13[%get3A_1173, %get3A_1174] {strides = array<i32>} : memref<128x128xf32, #tpu.memory_space<vmem>>, vector<1x16xf32>,
          %get3A_1176 = vector.shape_cast %get3A_1175 : vector<1x16xf32> to vector<16xf32>
          %mul3A_1177 = vector.broadcast %squeeze3A_1090 : f32 to vector<16xf32>
          %mul3A_1178 = arith.mulf %get3A_1176, %mul3A_1177 : vector<16xf32>
          %swap3A_1179 = arith.index_cast %squeeze3A_1092 : i32 to index
          %swap3A_1180 = arith.constant 96 : index
          %swap3A_1181 = tpu.vector_load %arg14[%swap3A_1179, %swap3A_1180] {strides = array<i32>} : memref<640x128xf32, #tpu.memory_space<vmem>>, vector<1x16xf32>,
          %swap3A_1182 = vector.shape_cast %swap3A_1181 : vector<1x16xf32> to vector<16xf32>
          %swap3A_1183 = vector.shape_cast %mul3A_1178 : vector<16xf32> to vector<1x16xf32>
          tpu.vector_store %arg14[%swap3A_1179, %swap3A_1180], %swap3A_1183 {add = true, strides = array<i32>} : memref<640x128xf32, #tpu.memory_space<vmem>>, vector<1x16xf32>,
          %add3A_1184 = arith.constant 9 : i32
          %add3A_1185 = arith.addi %mul3A_97, %add3A_1184 : i32
          %get3A_1186 = arith.index_cast %add3A_1185 : i32 to index
          %get3A_1187 = arith.constant 112 : index
          %get3A_1188 = tpu.vector_load %arg13[%get3A_1186, %get3A_1187] {strides = array<i32>} : memref<128x128xf32, #tpu.memory_space<vmem>>, vector<1x16xf32>,
          %get3A_1189 = vector.shape_cast %get3A_1188 : vector<1x16xf32> to vector<16xf32>
          %mul3A_1190 = vector.broadcast %squeeze3A_1090 : f32 to vector<16xf32>
          %mul3A_1191 = arith.mulf %get3A_1189, %mul3A_1190 : vector<16xf32>
          %swap3A_1192 = arith.index_cast %squeeze3A_1092 : i32 to index
          %swap3A_1193 = arith.constant 112 : index
          %swap3A_1194 = tpu.vector_load %arg14[%swap3A_1192, %swap3A_1193] {strides = array<i32>} : memref<640x128xf32, #tpu.memory_space<vmem>>, vector<1x16xf32>,
          %swap3A_1195 = vector.shape_cast %swap3A_1194 : vector<1x16xf32> to vector<16xf32>
          %swap3A_1196 = vector.shape_cast %mul3A_1191 : vector<16xf32> to vector<1x16xf32>
          tpu.vector_store %arg14[%swap3A_1192, %swap3A_1193], %swap3A_1196 {add = true, strides = array<i32>} : memref<640x128xf32, #tpu.memory_space<vmem>>, vector<1x16xf32>,
          %slice3A_1197 = vector.extract_strided_slice %select_n3A_111 {offsets = [10], sizes = [1], strides = [1]} : vector<16xf32> to vector<1xf32>
          %squeeze3A_1198 = vector.extract %slice3A_1197[0] : f32 from vector<1xf32>
          %slice3A_1199 = vector.extract_strided_slice %min3A_117 {offsets = [10], sizes = [1], strides = [1]} : vector<16xi32> to vector<1xi32>
          %squeeze3A_1200 = vector.extract %slice3A_1199[0] : i32 from vector<1xi32>
          %add3A_1201 = arith.constant 10 : i32
          %add3A_1202 = arith.addi %mul3A_97, %add3A_1201 : i32
          %get3A_1203 = arith.index_cast %add3A_1202 : i32 to index
          %get3A_1204 = arith.constant 0 : index
          %get3A_1205 = tpu.vector_load %arg13[%get3A_1203, %get3A_1204] {strides = array<i32>} : memref<128x128xf32, #tpu.memory_space<vmem>>, vector<1x16xf32>,
          %get3A_1206 = vector.shape_cast %get3A_1205 : vector<1x16xf32> to vector<16xf32>
          %mul3A_1207 = vector.broadcast %squeeze3A_1198 : f32 to vector<16xf32>
          %mul3A_1208 = arith.mulf %get3A_1206, %mul3A_1207 : vector<16xf32>
          %swap3A_1209 = arith.index_cast %squeeze3A_1200 : i32 to index
          %swap3A_1210 = arith.constant 0 : index
          %swap3A_1211 = tpu.vector_load %arg14[%swap3A_1209, %swap3A_1210] {strides = array<i32>} : memref<640x128xf32, #tpu.memory_space<vmem>>, vector<1x16xf32>,
          %swap3A_1212 = vector.shape_cast %swap3A_1211 : vector<1x16xf32> to vector<16xf32>
          %swap3A_1213 = vector.shape_cast %mul3A_1208 : vector<16xf32> to vector<1x16xf32>
          tpu.vector_store %arg14[%swap3A_1209, %swap3A_1210], %swap3A_1213 {add = true, strides = array<i32>} : memref<640x128xf32, #tpu.memory_space<vmem>>, vector<1x16xf32>,
          %add3A_1214 = arith.constant 10 : i32
          %add3A_1215 = arith.addi %mul3A_97, %add3A_1214 : i32
          %get3A_1216 = arith.index_cast %add3A_1215 : i32 to index
          %get3A_1217 = arith.constant 16 : index
          %get3A_1218 = tpu.vector_load %arg13[%get3A_1216, %get3A_1217] {strides = array<i32>} : memref<128x128xf32, #tpu.memory_space<vmem>>, vector<1x16xf32>,
          %get3A_1219 = vector.shape_cast %get3A_1218 : vector<1x16xf32> to vector<16xf32>
          %mul3A_1220 = vector.broadcast %squeeze3A_1198 : f32 to vector<16xf32>
          %mul3A_1221 = arith.mulf %get3A_1219, %mul3A_1220 : vector<16xf32>
          %swap3A_1222 = arith.index_cast %squeeze3A_1200 : i32 to index
          %swap3A_1223 = arith.constant 16 : index
          %swap3A_1224 = tpu.vector_load %arg14[%swap3A_1222, %swap3A_1223] {strides = array<i32>} : memref<640x128xf32, #tpu.memory_space<vmem>>, vector<1x16xf32>,
          %swap3A_1225 = vector.shape_cast %swap3A_1224 : vector<1x16xf32> to vector<16xf32>
          %swap3A_1226 = vector.shape_cast %mul3A_1221 : vector<16xf32> to vector<1x16xf32>
          tpu.vector_store %arg14[%swap3A_1222, %swap3A_1223], %swap3A_1226 {add = true, strides = array<i32>} : memref<640x128xf32, #tpu.memory_space<vmem>>, vector<1x16xf32>,
          %add3A_1227 = arith.constant 10 : i32
          %add3A_1228 = arith.addi %mul3A_97, %add3A_1227 : i32
          %get3A_1229 = arith.index_cast %add3A_1228 : i32 to index
          %get3A_1230 = arith.constant 32 : index
          %get3A_1231 = tpu.vector_load %arg13[%get3A_1229, %get3A_1230] {strides = array<i32>} : memref<128x128xf32, #tpu.memory_space<vmem>>, vector<1x16xf32>,
          %get3A_1232 = vector.shape_cast %get3A_1231 : vector<1x16xf32> to vector<16xf32>
          %mul3A_1233 = vector.broadcast %squeeze3A_1198 : f32 to vector<16xf32>
          %mul3A_1234 = arith.mulf %get3A_1232, %mul3A_1233 : vector<16xf32>
          %swap3A_1235 = arith.index_cast %squeeze3A_1200 : i32 to index
          %swap3A_1236 = arith.constant 32 : index
          %swap3A_1237 = tpu.vector_load %arg14[%swap3A_1235, %swap3A_1236] {strides = array<i32>} : memref<640x128xf32, #tpu.memory_space<vmem>>, vector<1x16xf32>,
          %swap3A_1238 = vector.shape_cast %swap3A_1237 : vector<1x16xf32> to vector<16xf32>
          %swap3A_1239 = vector.shape_cast %mul3A_1234 : vector<16xf32> to vector<1x16xf32>
          tpu.vector_store %arg14[%swap3A_1235, %swap3A_1236], %swap3A_1239 {add = true, strides = array<i32>} : memref<640x128xf32, #tpu.memory_space<vmem>>, vector<1x16xf32>,
          %add3A_1240 = arith.constant 10 : i32
          %add3A_1241 = arith.addi %mul3A_97, %add3A_1240 : i32
          %get3A_1242 = arith.index_cast %add3A_1241 : i32 to index
          %get3A_1243 = arith.constant 48 : index
          %get3A_1244 = tpu.vector_load %arg13[%get3A_1242, %get3A_1243] {strides = array<i32>} : memref<128x128xf32, #tpu.memory_space<vmem>>, vector<1x16xf32>,
          %get3A_1245 = vector.shape_cast %get3A_1244 : vector<1x16xf32> to vector<16xf32>
          %mul3A_1246 = vector.broadcast %squeeze3A_1198 : f32 to vector<16xf32>
          %mul3A_1247 = arith.mulf %get3A_1245, %mul3A_1246 : vector<16xf32>
          %swap3A_1248 = arith.index_cast %squeeze3A_1200 : i32 to index
          %swap3A_1249 = arith.constant 48 : index
          %swap3A_1250 = tpu.vector_load %arg14[%swap3A_1248, %swap3A_1249] {strides = array<i32>} : memref<640x128xf32, #tpu.memory_space<vmem>>, vector<1x16xf32>,
          %swap3A_1251 = vector.shape_cast %swap3A_1250 : vector<1x16xf32> to vector<16xf32>
          %swap3A_1252 = vector.shape_cast %mul3A_1247 : vector<16xf32> to vector<1x16xf32>
          tpu.vector_store %arg14[%swap3A_1248, %swap3A_1249], %swap3A_1252 {add = true, strides = array<i32>} : memref<640x128xf32, #tpu.memory_space<vmem>>, vector<1x16xf32>,
          %add3A_1253 = arith.constant 10 : i32
          %add3A_1254 = arith.addi %mul3A_97, %add3A_1253 : i32
          %get3A_1255 = arith.index_cast %add3A_1254 : i32 to index
          %get3A_1256 = arith.constant 64 : index
          %get3A_1257 = tpu.vector_load %arg13[%get3A_1255, %get3A_1256] {strides = array<i32>} : memref<128x128xf32, #tpu.memory_space<vmem>>, vector<1x16xf32>,
          %get3A_1258 = vector.shape_cast %get3A_1257 : vector<1x16xf32> to vector<16xf32>
          %mul3A_1259 = vector.broadcast %squeeze3A_1198 : f32 to vector<16xf32>
          %mul3A_1260 = arith.mulf %get3A_1258, %mul3A_1259 : vector<16xf32>
          %swap3A_1261 = arith.index_cast %squeeze3A_1200 : i32 to index
          %swap3A_1262 = arith.constant 64 : index
          %swap3A_1263 = tpu.vector_load %arg14[%swap3A_1261, %swap3A_1262] {strides = array<i32>} : memref<640x128xf32, #tpu.memory_space<vmem>>, vector<1x16xf32>,
          %swap3A_1264 = vector.shape_cast %swap3A_1263 : vector<1x16xf32> to vector<16xf32>
          %swap3A_1265 = vector.shape_cast %mul3A_1260 : vector<16xf32> to vector<1x16xf32>
          tpu.vector_store %arg14[%swap3A_1261, %swap3A_1262], %swap3A_1265 {add = true, strides = array<i32>} : memref<640x128xf32, #tpu.memory_space<vmem>>, vector<1x16xf32>,
          %add3A_1266 = arith.constant 10 : i32
          %add3A_1267 = arith.addi %mul3A_97, %add3A_1266 : i32
          %get3A_1268 = arith.index_cast %add3A_1267 : i32 to index
          %get3A_1269 = arith.constant 80 : index
          %get3A_1270 = tpu.vector_load %arg13[%get3A_1268, %get3A_1269] {strides = array<i32>} : memref<128x128xf32, #tpu.memory_space<vmem>>, vector<1x16xf32>,
          %get3A_1271 = vector.shape_cast %get3A_1270 : vector<1x16xf32> to vector<16xf32>
          %mul3A_1272 = vector.broadcast %squeeze3A_1198 : f32 to vector<16xf32>
          %mul3A_1273 = arith.mulf %get3A_1271, %mul3A_1272 : vector<16xf32>
          %swap3A_1274 = arith.index_cast %squeeze3A_1200 : i32 to index
          %swap3A_1275 = arith.constant 80 : index
          %swap3A_1276 = tpu.vector_load %arg14[%swap3A_1274, %swap3A_1275] {strides = array<i32>} : memref<640x128xf32, #tpu.memory_space<vmem>>, vector<1x16xf32>,
          %swap3A_1277 = vector.shape_cast %swap3A_1276 : vector<1x16xf32> to vector<16xf32>
          %swap3A_1278 = vector.shape_cast %mul3A_1273 : vector<16xf32> to vector<1x16xf32>
          tpu.vector_store %arg14[%swap3A_1274, %swap3A_1275], %swap3A_1278 {add = true, strides = array<i32>} : memref<640x128xf32, #tpu.memory_space<vmem>>, vector<1x16xf32>,
          %add3A_1279 = arith.constant 10 : i32
          %add3A_1280 = arith.addi %mul3A_97, %add3A_1279 : i32
          %get3A_1281 = arith.index_cast %add3A_1280 : i32 to index
          %get3A_1282 = arith.constant 96 : index
          %get3A_1283 = tpu.vector_load %arg13[%get3A_1281, %get3A_1282] {strides = array<i32>} : memref<128x128xf32, #tpu.memory_space<vmem>>, vector<1x16xf32>,
          %get3A_1284 = vector.shape_cast %get3A_1283 : vector<1x16xf32> to vector<16xf32>
          %mul3A_1285 = vector.broadcast %squeeze3A_1198 : f32 to vector<16xf32>
          %mul3A_1286 = arith.mulf %get3A_1284, %mul3A_1285 : vector<16xf32>
          %swap3A_1287 = arith.index_cast %squeeze3A_1200 : i32 to index
          %swap3A_1288 = arith.constant 96 : index
          %swap3A_1289 = tpu.vector_load %arg14[%swap3A_1287, %swap3A_1288] {strides = array<i32>} : memref<640x128xf32, #tpu.memory_space<vmem>>, vector<1x16xf32>,
          %swap3A_1290 = vector.shape_cast %swap3A_1289 : vector<1x16xf32> to vector<16xf32>
          %swap3A_1291 = vector.shape_cast %mul3A_1286 : vector<16xf32> to vector<1x16xf32>
          tpu.vector_store %arg14[%swap3A_1287, %swap3A_1288], %swap3A_1291 {add = true, strides = array<i32>} : memref<640x128xf32, #tpu.memory_space<vmem>>, vector<1x16xf32>,
          %add3A_1292 = arith.constant 10 : i32
          %add3A_1293 = arith.addi %mul3A_97, %add3A_1292 : i32
          %get3A_1294 = arith.index_cast %add3A_1293 : i32 to index
          %get3A_1295 = arith.constant 112 : index
          %get3A_1296 = tpu.vector_load %arg13[%get3A_1294, %get3A_1295] {strides = array<i32>} : memref<128x128xf32, #tpu.memory_space<vmem>>, vector<1x16xf32>,
          %get3A_1297 = vector.shape_cast %get3A_1296 : vector<1x16xf32> to vector<16xf32>
          %mul3A_1298 = vector.broadcast %squeeze3A_1198 : f32 to vector<16xf32>
          %mul3A_1299 = arith.mulf %get3A_1297, %mul3A_1298 : vector<16xf32>
          %swap3A_1300 = arith.index_cast %squeeze3A_1200 : i32 to index
          %swap3A_1301 = arith.constant 112 : index
          %swap3A_1302 = tpu.vector_load %arg14[%swap3A_1300, %swap3A_1301] {strides = array<i32>} : memref<640x128xf32, #tpu.memory_space<vmem>>, vector<1x16xf32>,
          %swap3A_1303 = vector.shape_cast %swap3A_1302 : vector<1x16xf32> to vector<16xf32>
          %swap3A_1304 = vector.shape_cast %mul3A_1299 : vector<16xf32> to vector<1x16xf32>
          tpu.vector_store %arg14[%swap3A_1300, %swap3A_1301], %swap3A_1304 {add = true, strides = array<i32>} : memref<640x128xf32, #tpu.memory_space<vmem>>, vector<1x16xf32>,
          %slice3A_1305 = vector.extract_strided_slice %select_n3A_111 {offsets = [11], sizes = [1], strides = [1]} : vector<16xf32> to vector<1xf32>
          %squeeze3A_1306 = vector.extract %slice3A_1305[0] : f32 from vector<1xf32>
          %slice3A_1307 = vector.extract_strided_slice %min3A_117 {offsets = [11], sizes = [1], strides = [1]} : vector<16xi32> to vector<1xi32>
          %squeeze3A_1308 = vector.extract %slice3A_1307[0] : i32 from vector<1xi32>
          %add3A_1309 = arith.constant 11 : i32
          %add3A_1310 = arith.addi %mul3A_97, %add3A_1309 : i32
          %get3A_1311 = arith.index_cast %add3A_1310 : i32 to index
          %get3A_1312 = arith.constant 0 : index
          %get3A_1313 = tpu.vector_load %arg13[%get3A_1311, %get3A_1312] {strides = array<i32>} : memref<128x128xf32, #tpu.memory_space<vmem>>, vector<1x16xf32>,
          %get3A_1314 = vector.shape_cast %get3A_1313 : vector<1x16xf32> to vector<16xf32>
          %mul3A_1315 = vector.broadcast %squeeze3A_1306 : f32 to vector<16xf32>
          %mul3A_1316 = arith.mulf %get3A_1314, %mul3A_1315 : vector<16xf32>
          %swap3A_1317 = arith.index_cast %squeeze3A_1308 : i32 to index
          %swap3A_1318 = arith.constant 0 : index
          %swap3A_1319 = tpu.vector_load %arg14[%swap3A_1317, %swap3A_1318] {strides = array<i32>} : memref<640x128xf32, #tpu.memory_space<vmem>>, vector<1x16xf32>,
          %swap3A_1320 = vector.shape_cast %swap3A_1319 : vector<1x16xf32> to vector<16xf32>
          %swap3A_1321 = vector.shape_cast %mul3A_1316 : vector<16xf32> to vector<1x16xf32>
          tpu.vector_store %arg14[%swap3A_1317, %swap3A_1318], %swap3A_1321 {add = true, strides = array<i32>} : memref<640x128xf32, #tpu.memory_space<vmem>>, vector<1x16xf32>,
          %add3A_1322 = arith.constant 11 : i32
          %add3A_1323 = arith.addi %mul3A_97, %add3A_1322 : i32
          %get3A_1324 = arith.index_cast %add3A_1323 : i32 to index
          %get3A_1325 = arith.constant 16 : index
          %get3A_1326 = tpu.vector_load %arg13[%get3A_1324, %get3A_1325] {strides = array<i32>} : memref<128x128xf32, #tpu.memory_space<vmem>>, vector<1x16xf32>,
          %get3A_1327 = vector.shape_cast %get3A_1326 : vector<1x16xf32> to vector<16xf32>
          %mul3A_1328 = vector.broadcast %squeeze3A_1306 : f32 to vector<16xf32>
          %mul3A_1329 = arith.mulf %get3A_1327, %mul3A_1328 : vector<16xf32>
          %swap3A_1330 = arith.index_cast %squeeze3A_1308 : i32 to index
          %swap3A_1331 = arith.constant 16 : index
          %swap3A_1332 = tpu.vector_load %arg14[%swap3A_1330, %swap3A_1331] {strides = array<i32>} : memref<640x128xf32, #tpu.memory_space<vmem>>, vector<1x16xf32>,
          %swap3A_1333 = vector.shape_cast %swap3A_1332 : vector<1x16xf32> to vector<16xf32>
          %swap3A_1334 = vector.shape_cast %mul3A_1329 : vector<16xf32> to vector<1x16xf32>
          tpu.vector_store %arg14[%swap3A_1330, %swap3A_1331], %swap3A_1334 {add = true, strides = array<i32>} : memref<640x128xf32, #tpu.memory_space<vmem>>, vector<1x16xf32>,
          %add3A_1335 = arith.constant 11 : i32
          %add3A_1336 = arith.addi %mul3A_97, %add3A_1335 : i32
          %get3A_1337 = arith.index_cast %add3A_1336 : i32 to index
          %get3A_1338 = arith.constant 32 : index
          %get3A_1339 = tpu.vector_load %arg13[%get3A_1337, %get3A_1338] {strides = array<i32>} : memref<128x128xf32, #tpu.memory_space<vmem>>, vector<1x16xf32>,
          %get3A_1340 = vector.shape_cast %get3A_1339 : vector<1x16xf32> to vector<16xf32>
          %mul3A_1341 = vector.broadcast %squeeze3A_1306 : f32 to vector<16xf32>
          %mul3A_1342 = arith.mulf %get3A_1340, %mul3A_1341 : vector<16xf32>
          %swap3A_1343 = arith.index_cast %squeeze3A_1308 : i32 to index
          %swap3A_1344 = arith.constant 32 : index
          %swap3A_1345 = tpu.vector_load %arg14[%swap3A_1343, %swap3A_1344] {strides = array<i32>} : memref<640x128xf32, #tpu.memory_space<vmem>>, vector<1x16xf32>,
          %swap3A_1346 = vector.shape_cast %swap3A_1345 : vector<1x16xf32> to vector<16xf32>
          %swap3A_1347 = vector.shape_cast %mul3A_1342 : vector<16xf32> to vector<1x16xf32>
          tpu.vector_store %arg14[%swap3A_1343, %swap3A_1344], %swap3A_1347 {add = true, strides = array<i32>} : memref<640x128xf32, #tpu.memory_space<vmem>>, vector<1x16xf32>,
          %add3A_1348 = arith.constant 11 : i32
          %add3A_1349 = arith.addi %mul3A_97, %add3A_1348 : i32
          %get3A_1350 = arith.index_cast %add3A_1349 : i32 to index
          %get3A_1351 = arith.constant 48 : index
          %get3A_1352 = tpu.vector_load %arg13[%get3A_1350, %get3A_1351] {strides = array<i32>} : memref<128x128xf32, #tpu.memory_space<vmem>>, vector<1x16xf32>,
          %get3A_1353 = vector.shape_cast %get3A_1352 : vector<1x16xf32> to vector<16xf32>
          %mul3A_1354 = vector.broadcast %squeeze3A_1306 : f32 to vector<16xf32>
          %mul3A_1355 = arith.mulf %get3A_1353, %mul3A_1354 : vector<16xf32>
          %swap3A_1356 = arith.index_cast %squeeze3A_1308 : i32 to index
          %swap3A_1357 = arith.constant 48 : index
          %swap3A_1358 = tpu.vector_load %arg14[%swap3A_1356, %swap3A_1357] {strides = array<i32>} : memref<640x128xf32, #tpu.memory_space<vmem>>, vector<1x16xf32>,
          %swap3A_1359 = vector.shape_cast %swap3A_1358 : vector<1x16xf32> to vector<16xf32>
          %swap3A_1360 = vector.shape_cast %mul3A_1355 : vector<16xf32> to vector<1x16xf32>
          tpu.vector_store %arg14[%swap3A_1356, %swap3A_1357], %swap3A_1360 {add = true, strides = array<i32>} : memref<640x128xf32, #tpu.memory_space<vmem>>, vector<1x16xf32>,
          %add3A_1361 = arith.constant 11 : i32
          %add3A_1362 = arith.addi %mul3A_97, %add3A_1361 : i32
          %get3A_1363 = arith.index_cast %add3A_1362 : i32 to index
          %get3A_1364 = arith.constant 64 : index
          %get3A_1365 = tpu.vector_load %arg13[%get3A_1363, %get3A_1364] {strides = array<i32>} : memref<128x128xf32, #tpu.memory_space<vmem>>, vector<1x16xf32>,
          %get3A_1366 = vector.shape_cast %get3A_1365 : vector<1x16xf32> to vector<16xf32>
          %mul3A_1367 = vector.broadcast %squeeze3A_1306 : f32 to vector<16xf32>
          %mul3A_1368 = arith.mulf %get3A_1366, %mul3A_1367 : vector<16xf32>
          %swap3A_1369 = arith.index_cast %squeeze3A_1308 : i32 to index
          %swap3A_1370 = arith.constant 64 : index
          %swap3A_1371 = tpu.vector_load %arg14[%swap3A_1369, %swap3A_1370] {strides = array<i32>} : memref<640x128xf32, #tpu.memory_space<vmem>>, vector<1x16xf32>,
          %swap3A_1372 = vector.shape_cast %swap3A_1371 : vector<1x16xf32> to vector<16xf32>
          %swap3A_1373 = vector.shape_cast %mul3A_1368 : vector<16xf32> to vector<1x16xf32>
          tpu.vector_store %arg14[%swap3A_1369, %swap3A_1370], %swap3A_1373 {add = true, strides = array<i32>} : memref<640x128xf32, #tpu.memory_space<vmem>>, vector<1x16xf32>,
          %add3A_1374 = arith.constant 11 : i32
          %add3A_1375 = arith.addi %mul3A_97, %add3A_1374 : i32
          %get3A_1376 = arith.index_cast %add3A_1375 : i32 to index
          %get3A_1377 = arith.constant 80 : index
          %get3A_1378 = tpu.vector_load %arg13[%get3A_1376, %get3A_1377] {strides = array<i32>} : memref<128x128xf32, #tpu.memory_space<vmem>>, vector<1x16xf32>,
          %get3A_1379 = vector.shape_cast %get3A_1378 : vector<1x16xf32> to vector<16xf32>
          %mul3A_1380 = vector.broadcast %squeeze3A_1306 : f32 to vector<16xf32>
          %mul3A_1381 = arith.mulf %get3A_1379, %mul3A_1380 : vector<16xf32>
          %swap3A_1382 = arith.index_cast %squeeze3A_1308 : i32 to index
          %swap3A_1383 = arith.constant 80 : index
          %swap3A_1384 = tpu.vector_load %arg14[%swap3A_1382, %swap3A_1383] {strides = array<i32>} : memref<640x128xf32, #tpu.memory_space<vmem>>, vector<1x16xf32>,
          %swap3A_1385 = vector.shape_cast %swap3A_1384 : vector<1x16xf32> to vector<16xf32>
          %swap3A_1386 = vector.shape_cast %mul3A_1381 : vector<16xf32> to vector<1x16xf32>
          tpu.vector_store %arg14[%swap3A_1382, %swap3A_1383], %swap3A_1386 {add = true, strides = array<i32>} : memref<640x128xf32, #tpu.memory_space<vmem>>, vector<1x16xf32>,
          %add3A_1387 = arith.constant 11 : i32
          %add3A_1388 = arith.addi %mul3A_97, %add3A_1387 : i32
          %get3A_1389 = arith.index_cast %add3A_1388 : i32 to index
          %get3A_1390 = arith.constant 96 : index
          %get3A_1391 = tpu.vector_load %arg13[%get3A_1389, %get3A_1390] {strides = array<i32>} : memref<128x128xf32, #tpu.memory_space<vmem>>, vector<1x16xf32>,
          %get3A_1392 = vector.shape_cast %get3A_1391 : vector<1x16xf32> to vector<16xf32>
          %mul3A_1393 = vector.broadcast %squeeze3A_1306 : f32 to vector<16xf32>
          %mul3A_1394 = arith.mulf %get3A_1392, %mul3A_1393 : vector<16xf32>
          %swap3A_1395 = arith.index_cast %squeeze3A_1308 : i32 to index
          %swap3A_1396 = arith.constant 96 : index
          %swap3A_1397 = tpu.vector_load %arg14[%swap3A_1395, %swap3A_1396] {strides = array<i32>} : memref<640x128xf32, #tpu.memory_space<vmem>>, vector<1x16xf32>,
          %swap3A_1398 = vector.shape_cast %swap3A_1397 : vector<1x16xf32> to vector<16xf32>
          %swap3A_1399 = vector.shape_cast %mul3A_1394 : vector<16xf32> to vector<1x16xf32>
          tpu.vector_store %arg14[%swap3A_1395, %swap3A_1396], %swap3A_1399 {add = true, strides = array<i32>} : memref<640x128xf32, #tpu.memory_space<vmem>>, vector<1x16xf32>,
          %add3A_1400 = arith.constant 11 : i32
          %add3A_1401 = arith.addi %mul3A_97, %add3A_1400 : i32
          %get3A_1402 = arith.index_cast %add3A_1401 : i32 to index
          %get3A_1403 = arith.constant 112 : index
          %get3A_1404 = tpu.vector_load %arg13[%get3A_1402, %get3A_1403] {strides = array<i32>} : memref<128x128xf32, #tpu.memory_space<vmem>>, vector<1x16xf32>,
          %get3A_1405 = vector.shape_cast %get3A_1404 : vector<1x16xf32> to vector<16xf32>
          %mul3A_1406 = vector.broadcast %squeeze3A_1306 : f32 to vector<16xf32>
          %mul3A_1407 = arith.mulf %get3A_1405, %mul3A_1406 : vector<16xf32>
          %swap3A_1408 = arith.index_cast %squeeze3A_1308 : i32 to index
          %swap3A_1409 = arith.constant 112 : index
          %swap3A_1410 = tpu.vector_load %arg14[%swap3A_1408, %swap3A_1409] {strides = array<i32>} : memref<640x128xf32, #tpu.memory_space<vmem>>, vector<1x16xf32>,
          %swap3A_1411 = vector.shape_cast %swap3A_1410 : vector<1x16xf32> to vector<16xf32>
          %swap3A_1412 = vector.shape_cast %mul3A_1407 : vector<16xf32> to vector<1x16xf32>
          tpu.vector_store %arg14[%swap3A_1408, %swap3A_1409], %swap3A_1412 {add = true, strides = array<i32>} : memref<640x128xf32, #tpu.memory_space<vmem>>, vector<1x16xf32>,
          %slice3A_1413 = vector.extract_strided_slice %select_n3A_111 {offsets = [12], sizes = [1], strides = [1]} : vector<16xf32> to vector<1xf32>
          %squeeze3A_1414 = vector.extract %slice3A_1413[0] : f32 from vector<1xf32>
          %slice3A_1415 = vector.extract_strided_slice %min3A_117 {offsets = [12], sizes = [1], strides = [1]} : vector<16xi32> to vector<1xi32>
          %squeeze3A_1416 = vector.extract %slice3A_1415[0] : i32 from vector<1xi32>
          %add3A_1417 = arith.constant 12 : i32
          %add3A_1418 = arith.addi %mul3A_97, %add3A_1417 : i32
          %get3A_1419 = arith.index_cast %add3A_1418 : i32 to index
          %get3A_1420 = arith.constant 0 : index
          %get3A_1421 = tpu.vector_load %arg13[%get3A_1419, %get3A_1420] {strides = array<i32>} : memref<128x128xf32, #tpu.memory_space<vmem>>, vector<1x16xf32>,
          %get3A_1422 = vector.shape_cast %get3A_1421 : vector<1x16xf32> to vector<16xf32>
          %mul3A_1423 = vector.broadcast %squeeze3A_1414 : f32 to vector<16xf32>
          %mul3A_1424 = arith.mulf %get3A_1422, %mul3A_1423 : vector<16xf32>
          %swap3A_1425 = arith.index_cast %squeeze3A_1416 : i32 to index
          %swap3A_1426 = arith.constant 0 : index
          %swap3A_1427 = tpu.vector_load %arg14[%swap3A_1425, %swap3A_1426] {strides = array<i32>} : memref<640x128xf32, #tpu.memory_space<vmem>>, vector<1x16xf32>,
          %swap3A_1428 = vector.shape_cast %swap3A_1427 : vector<1x16xf32> to vector<16xf32>
          %swap3A_1429 = vector.shape_cast %mul3A_1424 : vector<16xf32> to vector<1x16xf32>
          tpu.vector_store %arg14[%swap3A_1425, %swap3A_1426], %swap3A_1429 {add = true, strides = array<i32>} : memref<640x128xf32, #tpu.memory_space<vmem>>, vector<1x16xf32>,
          %add3A_1430 = arith.constant 12 : i32
          %add3A_1431 = arith.addi %mul3A_97, %add3A_1430 : i32
          %get3A_1432 = arith.index_cast %add3A_1431 : i32 to index
          %get3A_1433 = arith.constant 16 : index
          %get3A_1434 = tpu.vector_load %arg13[%get3A_1432, %get3A_1433] {strides = array<i32>} : memref<128x128xf32, #tpu.memory_space<vmem>>, vector<1x16xf32>,
          %get3A_1435 = vector.shape_cast %get3A_1434 : vector<1x16xf32> to vector<16xf32>
          %mul3A_1436 = vector.broadcast %squeeze3A_1414 : f32 to vector<16xf32>
          %mul3A_1437 = arith.mulf %get3A_1435, %mul3A_1436 : vector<16xf32>
          %swap3A_1438 = arith.index_cast %squeeze3A_1416 : i32 to index
          %swap3A_1439 = arith.constant 16 : index
          %swap3A_1440 = tpu.vector_load %arg14[%swap3A_1438, %swap3A_1439] {strides = array<i32>} : memref<640x128xf32, #tpu.memory_space<vmem>>, vector<1x16xf32>,
          %swap3A_1441 = vector.shape_cast %swap3A_1440 : vector<1x16xf32> to vector<16xf32>
          %swap3A_1442 = vector.shape_cast %mul3A_1437 : vector<16xf32> to vector<1x16xf32>
          tpu.vector_store %arg14[%swap3A_1438, %swap3A_1439], %swap3A_1442 {add = true, strides = array<i32>} : memref<640x128xf32, #tpu.memory_space<vmem>>, vector<1x16xf32>,
          %add3A_1443 = arith.constant 12 : i32
          %add3A_1444 = arith.addi %mul3A_97, %add3A_1443 : i32
          %get3A_1445 = arith.index_cast %add3A_1444 : i32 to index
          %get3A_1446 = arith.constant 32 : index
          %get3A_1447 = tpu.vector_load %arg13[%get3A_1445, %get3A_1446] {strides = array<i32>} : memref<128x128xf32, #tpu.memory_space<vmem>>, vector<1x16xf32>,
          %get3A_1448 = vector.shape_cast %get3A_1447 : vector<1x16xf32> to vector<16xf32>
          %mul3A_1449 = vector.broadcast %squeeze3A_1414 : f32 to vector<16xf32>
          %mul3A_1450 = arith.mulf %get3A_1448, %mul3A_1449 : vector<16xf32>
          %swap3A_1451 = arith.index_cast %squeeze3A_1416 : i32 to index
          %swap3A_1452 = arith.constant 32 : index
          %swap3A_1453 = tpu.vector_load %arg14[%swap3A_1451, %swap3A_1452] {strides = array<i32>} : memref<640x128xf32, #tpu.memory_space<vmem>>, vector<1x16xf32>,
          %swap3A_1454 = vector.shape_cast %swap3A_1453 : vector<1x16xf32> to vector<16xf32>
          %swap3A_1455 = vector.shape_cast %mul3A_1450 : vector<16xf32> to vector<1x16xf32>
          tpu.vector_store %arg14[%swap3A_1451, %swap3A_1452], %swap3A_1455 {add = true, strides = array<i32>} : memref<640x128xf32, #tpu.memory_space<vmem>>, vector<1x16xf32>,
          %add3A_1456 = arith.constant 12 : i32
          %add3A_1457 = arith.addi %mul3A_97, %add3A_1456 : i32
          %get3A_1458 = arith.index_cast %add3A_1457 : i32 to index
          %get3A_1459 = arith.constant 48 : index
          %get3A_1460 = tpu.vector_load %arg13[%get3A_1458, %get3A_1459] {strides = array<i32>} : memref<128x128xf32, #tpu.memory_space<vmem>>, vector<1x16xf32>,
          %get3A_1461 = vector.shape_cast %get3A_1460 : vector<1x16xf32> to vector<16xf32>
          %mul3A_1462 = vector.broadcast %squeeze3A_1414 : f32 to vector<16xf32>
          %mul3A_1463 = arith.mulf %get3A_1461, %mul3A_1462 : vector<16xf32>
          %swap3A_1464 = arith.index_cast %squeeze3A_1416 : i32 to index
          %swap3A_1465 = arith.constant 48 : index
          %swap3A_1466 = tpu.vector_load %arg14[%swap3A_1464, %swap3A_1465] {strides = array<i32>} : memref<640x128xf32, #tpu.memory_space<vmem>>, vector<1x16xf32>,
          %swap3A_1467 = vector.shape_cast %swap3A_1466 : vector<1x16xf32> to vector<16xf32>
          %swap3A_1468 = vector.shape_cast %mul3A_1463 : vector<16xf32> to vector<1x16xf32>
          tpu.vector_store %arg14[%swap3A_1464, %swap3A_1465], %swap3A_1468 {add = true, strides = array<i32>} : memref<640x128xf32, #tpu.memory_space<vmem>>, vector<1x16xf32>,
          %add3A_1469 = arith.constant 12 : i32
          %add3A_1470 = arith.addi %mul3A_97, %add3A_1469 : i32
          %get3A_1471 = arith.index_cast %add3A_1470 : i32 to index
          %get3A_1472 = arith.constant 64 : index
          %get3A_1473 = tpu.vector_load %arg13[%get3A_1471, %get3A_1472] {strides = array<i32>} : memref<128x128xf32, #tpu.memory_space<vmem>>, vector<1x16xf32>,
          %get3A_1474 = vector.shape_cast %get3A_1473 : vector<1x16xf32> to vector<16xf32>
          %mul3A_1475 = vector.broadcast %squeeze3A_1414 : f32 to vector<16xf32>
          %mul3A_1476 = arith.mulf %get3A_1474, %mul3A_1475 : vector<16xf32>
          %swap3A_1477 = arith.index_cast %squeeze3A_1416 : i32 to index
          %swap3A_1478 = arith.constant 64 : index
          %swap3A_1479 = tpu.vector_load %arg14[%swap3A_1477, %swap3A_1478] {strides = array<i32>} : memref<640x128xf32, #tpu.memory_space<vmem>>, vector<1x16xf32>,
          %swap3A_1480 = vector.shape_cast %swap3A_1479 : vector<1x16xf32> to vector<16xf32>
          %swap3A_1481 = vector.shape_cast %mul3A_1476 : vector<16xf32> to vector<1x16xf32>
          tpu.vector_store %arg14[%swap3A_1477, %swap3A_1478], %swap3A_1481 {add = true, strides = array<i32>} : memref<640x128xf32, #tpu.memory_space<vmem>>, vector<1x16xf32>,
          %add3A_1482 = arith.constant 12 : i32
          %add3A_1483 = arith.addi %mul3A_97, %add3A_1482 : i32
          %get3A_1484 = arith.index_cast %add3A_1483 : i32 to index
          %get3A_1485 = arith.constant 80 : index
          %get3A_1486 = tpu.vector_load %arg13[%get3A_1484, %get3A_1485] {strides = array<i32>} : memref<128x128xf32, #tpu.memory_space<vmem>>, vector<1x16xf32>,
          %get3A_1487 = vector.shape_cast %get3A_1486 : vector<1x16xf32> to vector<16xf32>
          %mul3A_1488 = vector.broadcast %squeeze3A_1414 : f32 to vector<16xf32>
          %mul3A_1489 = arith.mulf %get3A_1487, %mul3A_1488 : vector<16xf32>
          %swap3A_1490 = arith.index_cast %squeeze3A_1416 : i32 to index
          %swap3A_1491 = arith.constant 80 : index
          %swap3A_1492 = tpu.vector_load %arg14[%swap3A_1490, %swap3A_1491] {strides = array<i32>} : memref<640x128xf32, #tpu.memory_space<vmem>>, vector<1x16xf32>,
          %swap3A_1493 = vector.shape_cast %swap3A_1492 : vector<1x16xf32> to vector<16xf32>
          %swap3A_1494 = vector.shape_cast %mul3A_1489 : vector<16xf32> to vector<1x16xf32>
          tpu.vector_store %arg14[%swap3A_1490, %swap3A_1491], %swap3A_1494 {add = true, strides = array<i32>} : memref<640x128xf32, #tpu.memory_space<vmem>>, vector<1x16xf32>,
          %add3A_1495 = arith.constant 12 : i32
          %add3A_1496 = arith.addi %mul3A_97, %add3A_1495 : i32
          %get3A_1497 = arith.index_cast %add3A_1496 : i32 to index
          %get3A_1498 = arith.constant 96 : index
          %get3A_1499 = tpu.vector_load %arg13[%get3A_1497, %get3A_1498] {strides = array<i32>} : memref<128x128xf32, #tpu.memory_space<vmem>>, vector<1x16xf32>,
          %get3A_1500 = vector.shape_cast %get3A_1499 : vector<1x16xf32> to vector<16xf32>
          %mul3A_1501 = vector.broadcast %squeeze3A_1414 : f32 to vector<16xf32>
          %mul3A_1502 = arith.mulf %get3A_1500, %mul3A_1501 : vector<16xf32>
          %swap3A_1503 = arith.index_cast %squeeze3A_1416 : i32 to index
          %swap3A_1504 = arith.constant 96 : index
          %swap3A_1505 = tpu.vector_load %arg14[%swap3A_1503, %swap3A_1504] {strides = array<i32>} : memref<640x128xf32, #tpu.memory_space<vmem>>, vector<1x16xf32>,
          %swap3A_1506 = vector.shape_cast %swap3A_1505 : vector<1x16xf32> to vector<16xf32>
          %swap3A_1507 = vector.shape_cast %mul3A_1502 : vector<16xf32> to vector<1x16xf32>
          tpu.vector_store %arg14[%swap3A_1503, %swap3A_1504], %swap3A_1507 {add = true, strides = array<i32>} : memref<640x128xf32, #tpu.memory_space<vmem>>, vector<1x16xf32>,
          %add3A_1508 = arith.constant 12 : i32
          %add3A_1509 = arith.addi %mul3A_97, %add3A_1508 : i32
          %get3A_1510 = arith.index_cast %add3A_1509 : i32 to index
          %get3A_1511 = arith.constant 112 : index
          %get3A_1512 = tpu.vector_load %arg13[%get3A_1510, %get3A_1511] {strides = array<i32>} : memref<128x128xf32, #tpu.memory_space<vmem>>, vector<1x16xf32>,
          %get3A_1513 = vector.shape_cast %get3A_1512 : vector<1x16xf32> to vector<16xf32>
          %mul3A_1514 = vector.broadcast %squeeze3A_1414 : f32 to vector<16xf32>
          %mul3A_1515 = arith.mulf %get3A_1513, %mul3A_1514 : vector<16xf32>
          %swap3A_1516 = arith.index_cast %squeeze3A_1416 : i32 to index
          %swap3A_1517 = arith.constant 112 : index
          %swap3A_1518 = tpu.vector_load %arg14[%swap3A_1516, %swap3A_1517] {strides = array<i32>} : memref<640x128xf32, #tpu.memory_space<vmem>>, vector<1x16xf32>,
          %swap3A_1519 = vector.shape_cast %swap3A_1518 : vector<1x16xf32> to vector<16xf32>
          %swap3A_1520 = vector.shape_cast %mul3A_1515 : vector<16xf32> to vector<1x16xf32>
          tpu.vector_store %arg14[%swap3A_1516, %swap3A_1517], %swap3A_1520 {add = true, strides = array<i32>} : memref<640x128xf32, #tpu.memory_space<vmem>>, vector<1x16xf32>,
          %slice3A_1521 = vector.extract_strided_slice %select_n3A_111 {offsets = [13], sizes = [1], strides = [1]} : vector<16xf32> to vector<1xf32>
          %squeeze3A_1522 = vector.extract %slice3A_1521[0] : f32 from vector<1xf32>
          %slice3A_1523 = vector.extract_strided_slice %min3A_117 {offsets = [13], sizes = [1], strides = [1]} : vector<16xi32> to vector<1xi32>
          %squeeze3A_1524 = vector.extract %slice3A_1523[0] : i32 from vector<1xi32>
          %add3A_1525 = arith.constant 13 : i32
          %add3A_1526 = arith.addi %mul3A_97, %add3A_1525 : i32
          %get3A_1527 = arith.index_cast %add3A_1526 : i32 to index
          %get3A_1528 = arith.constant 0 : index
          %get3A_1529 = tpu.vector_load %arg13[%get3A_1527, %get3A_1528] {strides = array<i32>} : memref<128x128xf32, #tpu.memory_space<vmem>>, vector<1x16xf32>,
          %get3A_1530 = vector.shape_cast %get3A_1529 : vector<1x16xf32> to vector<16xf32>
          %mul3A_1531 = vector.broadcast %squeeze3A_1522 : f32 to vector<16xf32>
          %mul3A_1532 = arith.mulf %get3A_1530, %mul3A_1531 : vector<16xf32>
          %swap3A_1533 = arith.index_cast %squeeze3A_1524 : i32 to index
          %swap3A_1534 = arith.constant 0 : index
          %swap3A_1535 = tpu.vector_load %arg14[%swap3A_1533, %swap3A_1534] {strides = array<i32>} : memref<640x128xf32, #tpu.memory_space<vmem>>, vector<1x16xf32>,
          %swap3A_1536 = vector.shape_cast %swap3A_1535 : vector<1x16xf32> to vector<16xf32>
          %swap3A_1537 = vector.shape_cast %mul3A_1532 : vector<16xf32> to vector<1x16xf32>
          tpu.vector_store %arg14[%swap3A_1533, %swap3A_1534], %swap3A_1537 {add = true, strides = array<i32>} : memref<640x128xf32, #tpu.memory_space<vmem>>, vector<1x16xf32>,
          %add3A_1538 = arith.constant 13 : i32
          %add3A_1539 = arith.addi %mul3A_97, %add3A_1538 : i32
          %get3A_1540 = arith.index_cast %add3A_1539 : i32 to index
          %get3A_1541 = arith.constant 16 : index
          %get3A_1542 = tpu.vector_load %arg13[%get3A_1540, %get3A_1541] {strides = array<i32>} : memref<128x128xf32, #tpu.memory_space<vmem>>, vector<1x16xf32>,
          %get3A_1543 = vector.shape_cast %get3A_1542 : vector<1x16xf32> to vector<16xf32>
          %mul3A_1544 = vector.broadcast %squeeze3A_1522 : f32 to vector<16xf32>
          %mul3A_1545 = arith.mulf %get3A_1543, %mul3A_1544 : vector<16xf32>
          %swap3A_1546 = arith.index_cast %squeeze3A_1524 : i32 to index
          %swap3A_1547 = arith.constant 16 : index
          %swap3A_1548 = tpu.vector_load %arg14[%swap3A_1546, %swap3A_1547] {strides = array<i32>} : memref<640x128xf32, #tpu.memory_space<vmem>>, vector<1x16xf32>,
          %swap3A_1549 = vector.shape_cast %swap3A_1548 : vector<1x16xf32> to vector<16xf32>
          %swap3A_1550 = vector.shape_cast %mul3A_1545 : vector<16xf32> to vector<1x16xf32>
          tpu.vector_store %arg14[%swap3A_1546, %swap3A_1547], %swap3A_1550 {add = true, strides = array<i32>} : memref<640x128xf32, #tpu.memory_space<vmem>>, vector<1x16xf32>,
          %add3A_1551 = arith.constant 13 : i32
          %add3A_1552 = arith.addi %mul3A_97, %add3A_1551 : i32
          %get3A_1553 = arith.index_cast %add3A_1552 : i32 to index
          %get3A_1554 = arith.constant 32 : index
          %get3A_1555 = tpu.vector_load %arg13[%get3A_1553, %get3A_1554] {strides = array<i32>} : memref<128x128xf32, #tpu.memory_space<vmem>>, vector<1x16xf32>,
          %get3A_1556 = vector.shape_cast %get3A_1555 : vector<1x16xf32> to vector<16xf32>
          %mul3A_1557 = vector.broadcast %squeeze3A_1522 : f32 to vector<16xf32>
          %mul3A_1558 = arith.mulf %get3A_1556, %mul3A_1557 : vector<16xf32>
          %swap3A_1559 = arith.index_cast %squeeze3A_1524 : i32 to index
          %swap3A_1560 = arith.constant 32 : index
          %swap3A_1561 = tpu.vector_load %arg14[%swap3A_1559, %swap3A_1560] {strides = array<i32>} : memref<640x128xf32, #tpu.memory_space<vmem>>, vector<1x16xf32>,
          %swap3A_1562 = vector.shape_cast %swap3A_1561 : vector<1x16xf32> to vector<16xf32>
          %swap3A_1563 = vector.shape_cast %mul3A_1558 : vector<16xf32> to vector<1x16xf32>
          tpu.vector_store %arg14[%swap3A_1559, %swap3A_1560], %swap3A_1563 {add = true, strides = array<i32>} : memref<640x128xf32, #tpu.memory_space<vmem>>, vector<1x16xf32>,
          %add3A_1564 = arith.constant 13 : i32
          %add3A_1565 = arith.addi %mul3A_97, %add3A_1564 : i32
          %get3A_1566 = arith.index_cast %add3A_1565 : i32 to index
          %get3A_1567 = arith.constant 48 : index
          %get3A_1568 = tpu.vector_load %arg13[%get3A_1566, %get3A_1567] {strides = array<i32>} : memref<128x128xf32, #tpu.memory_space<vmem>>, vector<1x16xf32>,
          %get3A_1569 = vector.shape_cast %get3A_1568 : vector<1x16xf32> to vector<16xf32>
          %mul3A_1570 = vector.broadcast %squeeze3A_1522 : f32 to vector<16xf32>
          %mul3A_1571 = arith.mulf %get3A_1569, %mul3A_1570 : vector<16xf32>
          %swap3A_1572 = arith.index_cast %squeeze3A_1524 : i32 to index
          %swap3A_1573 = arith.constant 48 : index
          %swap3A_1574 = tpu.vector_load %arg14[%swap3A_1572, %swap3A_1573] {strides = array<i32>} : memref<640x128xf32, #tpu.memory_space<vmem>>, vector<1x16xf32>,
          %swap3A_1575 = vector.shape_cast %swap3A_1574 : vector<1x16xf32> to vector<16xf32>
          %swap3A_1576 = vector.shape_cast %mul3A_1571 : vector<16xf32> to vector<1x16xf32>
          tpu.vector_store %arg14[%swap3A_1572, %swap3A_1573], %swap3A_1576 {add = true, strides = array<i32>} : memref<640x128xf32, #tpu.memory_space<vmem>>, vector<1x16xf32>,
          %add3A_1577 = arith.constant 13 : i32
          %add3A_1578 = arith.addi %mul3A_97, %add3A_1577 : i32
          %get3A_1579 = arith.index_cast %add3A_1578 : i32 to index
          %get3A_1580 = arith.constant 64 : index
          %get3A_1581 = tpu.vector_load %arg13[%get3A_1579, %get3A_1580] {strides = array<i32>} : memref<128x128xf32, #tpu.memory_space<vmem>>, vector<1x16xf32>,
          %get3A_1582 = vector.shape_cast %get3A_1581 : vector<1x16xf32> to vector<16xf32>
          %mul3A_1583 = vector.broadcast %squeeze3A_1522 : f32 to vector<16xf32>
          %mul3A_1584 = arith.mulf %get3A_1582, %mul3A_1583 : vector<16xf32>
          %swap3A_1585 = arith.index_cast %squeeze3A_1524 : i32 to index
          %swap3A_1586 = arith.constant 64 : index
          %swap3A_1587 = tpu.vector_load %arg14[%swap3A_1585, %swap3A_1586] {strides = array<i32>} : memref<640x128xf32, #tpu.memory_space<vmem>>, vector<1x16xf32>,
          %swap3A_1588 = vector.shape_cast %swap3A_1587 : vector<1x16xf32> to vector<16xf32>
          %swap3A_1589 = vector.shape_cast %mul3A_1584 : vector<16xf32> to vector<1x16xf32>
          tpu.vector_store %arg14[%swap3A_1585, %swap3A_1586], %swap3A_1589 {add = true, strides = array<i32>} : memref<640x128xf32, #tpu.memory_space<vmem>>, vector<1x16xf32>,
          %add3A_1590 = arith.constant 13 : i32
          %add3A_1591 = arith.addi %mul3A_97, %add3A_1590 : i32
          %get3A_1592 = arith.index_cast %add3A_1591 : i32 to index
          %get3A_1593 = arith.constant 80 : index
          %get3A_1594 = tpu.vector_load %arg13[%get3A_1592, %get3A_1593] {strides = array<i32>} : memref<128x128xf32, #tpu.memory_space<vmem>>, vector<1x16xf32>,
          %get3A_1595 = vector.shape_cast %get3A_1594 : vector<1x16xf32> to vector<16xf32>
          %mul3A_1596 = vector.broadcast %squeeze3A_1522 : f32 to vector<16xf32>
          %mul3A_1597 = arith.mulf %get3A_1595, %mul3A_1596 : vector<16xf32>
          %swap3A_1598 = arith.index_cast %squeeze3A_1524 : i32 to index
          %swap3A_1599 = arith.constant 80 : index
          %swap3A_1600 = tpu.vector_load %arg14[%swap3A_1598, %swap3A_1599] {strides = array<i32>} : memref<640x128xf32, #tpu.memory_space<vmem>>, vector<1x16xf32>,
          %swap3A_1601 = vector.shape_cast %swap3A_1600 : vector<1x16xf32> to vector<16xf32>
          %swap3A_1602 = vector.shape_cast %mul3A_1597 : vector<16xf32> to vector<1x16xf32>
          tpu.vector_store %arg14[%swap3A_1598, %swap3A_1599], %swap3A_1602 {add = true, strides = array<i32>} : memref<640x128xf32, #tpu.memory_space<vmem>>, vector<1x16xf32>,
          %add3A_1603 = arith.constant 13 : i32
          %add3A_1604 = arith.addi %mul3A_97, %add3A_1603 : i32
          %get3A_1605 = arith.index_cast %add3A_1604 : i32 to index
          %get3A_1606 = arith.constant 96 : index
          %get3A_1607 = tpu.vector_load %arg13[%get3A_1605, %get3A_1606] {strides = array<i32>} : memref<128x128xf32, #tpu.memory_space<vmem>>, vector<1x16xf32>,
          %get3A_1608 = vector.shape_cast %get3A_1607 : vector<1x16xf32> to vector<16xf32>
          %mul3A_1609 = vector.broadcast %squeeze3A_1522 : f32 to vector<16xf32>
          %mul3A_1610 = arith.mulf %get3A_1608, %mul3A_1609 : vector<16xf32>
          %swap3A_1611 = arith.index_cast %squeeze3A_1524 : i32 to index
          %swap3A_1612 = arith.constant 96 : index
          %swap3A_1613 = tpu.vector_load %arg14[%swap3A_1611, %swap3A_1612] {strides = array<i32>} : memref<640x128xf32, #tpu.memory_space<vmem>>, vector<1x16xf32>,
          %swap3A_1614 = vector.shape_cast %swap3A_1613 : vector<1x16xf32> to vector<16xf32>
          %swap3A_1615 = vector.shape_cast %mul3A_1610 : vector<16xf32> to vector<1x16xf32>
          tpu.vector_store %arg14[%swap3A_1611, %swap3A_1612], %swap3A_1615 {add = true, strides = array<i32>} : memref<640x128xf32, #tpu.memory_space<vmem>>, vector<1x16xf32>,
          %add3A_1616 = arith.constant 13 : i32
          %add3A_1617 = arith.addi %mul3A_97, %add3A_1616 : i32
          %get3A_1618 = arith.index_cast %add3A_1617 : i32 to index
          %get3A_1619 = arith.constant 112 : index
          %get3A_1620 = tpu.vector_load %arg13[%get3A_1618, %get3A_1619] {strides = array<i32>} : memref<128x128xf32, #tpu.memory_space<vmem>>, vector<1x16xf32>,
          %get3A_1621 = vector.shape_cast %get3A_1620 : vector<1x16xf32> to vector<16xf32>
          %mul3A_1622 = vector.broadcast %squeeze3A_1522 : f32 to vector<16xf32>
          %mul3A_1623 = arith.mulf %get3A_1621, %mul3A_1622 : vector<16xf32>
          %swap3A_1624 = arith.index_cast %squeeze3A_1524 : i32 to index
          %swap3A_1625 = arith.constant 112 : index
          %swap3A_1626 = tpu.vector_load %arg14[%swap3A_1624, %swap3A_1625] {strides = array<i32>} : memref<640x128xf32, #tpu.memory_space<vmem>>, vector<1x16xf32>,
          %swap3A_1627 = vector.shape_cast %swap3A_1626 : vector<1x16xf32> to vector<16xf32>
          %swap3A_1628 = vector.shape_cast %mul3A_1623 : vector<16xf32> to vector<1x16xf32>
          tpu.vector_store %arg14[%swap3A_1624, %swap3A_1625], %swap3A_1628 {add = true, strides = array<i32>} : memref<640x128xf32, #tpu.memory_space<vmem>>, vector<1x16xf32>,
          %slice3A_1629 = vector.extract_strided_slice %select_n3A_111 {offsets = [14], sizes = [1], strides = [1]} : vector<16xf32> to vector<1xf32>
          %squeeze3A_1630 = vector.extract %slice3A_1629[0] : f32 from vector<1xf32>
          %slice3A_1631 = vector.extract_strided_slice %min3A_117 {offsets = [14], sizes = [1], strides = [1]} : vector<16xi32> to vector<1xi32>
          %squeeze3A_1632 = vector.extract %slice3A_1631[0] : i32 from vector<1xi32>
          %add3A_1633 = arith.constant 14 : i32
          %add3A_1634 = arith.addi %mul3A_97, %add3A_1633 : i32
          %get3A_1635 = arith.index_cast %add3A_1634 : i32 to index
          %get3A_1636 = arith.constant 0 : index
          %get3A_1637 = tpu.vector_load %arg13[%get3A_1635, %get3A_1636] {strides = array<i32>} : memref<128x128xf32, #tpu.memory_space<vmem>>, vector<1x16xf32>,
          %get3A_1638 = vector.shape_cast %get3A_1637 : vector<1x16xf32> to vector<16xf32>
          %mul3A_1639 = vector.broadcast %squeeze3A_1630 : f32 to vector<16xf32>
          %mul3A_1640 = arith.mulf %get3A_1638, %mul3A_1639 : vector<16xf32>
          %swap3A_1641 = arith.index_cast %squeeze3A_1632 : i32 to index
          %swap3A_1642 = arith.constant 0 : index
          %swap3A_1643 = tpu.vector_load %arg14[%swap3A_1641, %swap3A_1642] {strides = array<i32>} : memref<640x128xf32, #tpu.memory_space<vmem>>, vector<1x16xf32>,
          %swap3A_1644 = vector.shape_cast %swap3A_1643 : vector<1x16xf32> to vector<16xf32>
          %swap3A_1645 = vector.shape_cast %mul3A_1640 : vector<16xf32> to vector<1x16xf32>
          tpu.vector_store %arg14[%swap3A_1641, %swap3A_1642], %swap3A_1645 {add = true, strides = array<i32>} : memref<640x128xf32, #tpu.memory_space<vmem>>, vector<1x16xf32>,
          %add3A_1646 = arith.constant 14 : i32
          %add3A_1647 = arith.addi %mul3A_97, %add3A_1646 : i32
          %get3A_1648 = arith.index_cast %add3A_1647 : i32 to index
          %get3A_1649 = arith.constant 16 : index
          %get3A_1650 = tpu.vector_load %arg13[%get3A_1648, %get3A_1649] {strides = array<i32>} : memref<128x128xf32, #tpu.memory_space<vmem>>, vector<1x16xf32>,
          %get3A_1651 = vector.shape_cast %get3A_1650 : vector<1x16xf32> to vector<16xf32>
          %mul3A_1652 = vector.broadcast %squeeze3A_1630 : f32 to vector<16xf32>
          %mul3A_1653 = arith.mulf %get3A_1651, %mul3A_1652 : vector<16xf32>
          %swap3A_1654 = arith.index_cast %squeeze3A_1632 : i32 to index
          %swap3A_1655 = arith.constant 16 : index
          %swap3A_1656 = tpu.vector_load %arg14[%swap3A_1654, %swap3A_1655] {strides = array<i32>} : memref<640x128xf32, #tpu.memory_space<vmem>>, vector<1x16xf32>,
          %swap3A_1657 = vector.shape_cast %swap3A_1656 : vector<1x16xf32> to vector<16xf32>
          %swap3A_1658 = vector.shape_cast %mul3A_1653 : vector<16xf32> to vector<1x16xf32>
          tpu.vector_store %arg14[%swap3A_1654, %swap3A_1655], %swap3A_1658 {add = true, strides = array<i32>} : memref<640x128xf32, #tpu.memory_space<vmem>>, vector<1x16xf32>,
          %add3A_1659 = arith.constant 14 : i32
          %add3A_1660 = arith.addi %mul3A_97, %add3A_1659 : i32
          %get3A_1661 = arith.index_cast %add3A_1660 : i32 to index
          %get3A_1662 = arith.constant 32 : index
          %get3A_1663 = tpu.vector_load %arg13[%get3A_1661, %get3A_1662] {strides = array<i32>} : memref<128x128xf32, #tpu.memory_space<vmem>>, vector<1x16xf32>,
          %get3A_1664 = vector.shape_cast %get3A_1663 : vector<1x16xf32> to vector<16xf32>
          %mul3A_1665 = vector.broadcast %squeeze3A_1630 : f32 to vector<16xf32>
          %mul3A_1666 = arith.mulf %get3A_1664, %mul3A_1665 : vector<16xf32>
          %swap3A_1667 = arith.index_cast %squeeze3A_1632 : i32 to index
          %swap3A_1668 = arith.constant 32 : index
          %swap3A_1669 = tpu.vector_load %arg14[%swap3A_1667, %swap3A_1668] {strides = array<i32>} : memref<640x128xf32, #tpu.memory_space<vmem>>, vector<1x16xf32>,
          %swap3A_1670 = vector.shape_cast %swap3A_1669 : vector<1x16xf32> to vector<16xf32>
          %swap3A_1671 = vector.shape_cast %mul3A_1666 : vector<16xf32> to vector<1x16xf32>
          tpu.vector_store %arg14[%swap3A_1667, %swap3A_1668], %swap3A_1671 {add = true, strides = array<i32>} : memref<640x128xf32, #tpu.memory_space<vmem>>, vector<1x16xf32>,
          %add3A_1672 = arith.constant 14 : i32
          %add3A_1673 = arith.addi %mul3A_97, %add3A_1672 : i32
          %get3A_1674 = arith.index_cast %add3A_1673 : i32 to index
          %get3A_1675 = arith.constant 48 : index
          %get3A_1676 = tpu.vector_load %arg13[%get3A_1674, %get3A_1675] {strides = array<i32>} : memref<128x128xf32, #tpu.memory_space<vmem>>, vector<1x16xf32>,
          %get3A_1677 = vector.shape_cast %get3A_1676 : vector<1x16xf32> to vector<16xf32>
          %mul3A_1678 = vector.broadcast %squeeze3A_1630 : f32 to vector<16xf32>
          %mul3A_1679 = arith.mulf %get3A_1677, %mul3A_1678 : vector<16xf32>
          %swap3A_1680 = arith.index_cast %squeeze3A_1632 : i32 to index
          %swap3A_1681 = arith.constant 48 : index
          %swap3A_1682 = tpu.vector_load %arg14[%swap3A_1680, %swap3A_1681] {strides = array<i32>} : memref<640x128xf32, #tpu.memory_space<vmem>>, vector<1x16xf32>,
          %swap3A_1683 = vector.shape_cast %swap3A_1682 : vector<1x16xf32> to vector<16xf32>
          %swap3A_1684 = vector.shape_cast %mul3A_1679 : vector<16xf32> to vector<1x16xf32>
          tpu.vector_store %arg14[%swap3A_1680, %swap3A_1681], %swap3A_1684 {add = true, strides = array<i32>} : memref<640x128xf32, #tpu.memory_space<vmem>>, vector<1x16xf32>,
          %add3A_1685 = arith.constant 14 : i32
          %add3A_1686 = arith.addi %mul3A_97, %add3A_1685 : i32
          %get3A_1687 = arith.index_cast %add3A_1686 : i32 to index
          %get3A_1688 = arith.constant 64 : index
          %get3A_1689 = tpu.vector_load %arg13[%get3A_1687, %get3A_1688] {strides = array<i32>} : memref<128x128xf32, #tpu.memory_space<vmem>>, vector<1x16xf32>,
          %get3A_1690 = vector.shape_cast %get3A_1689 : vector<1x16xf32> to vector<16xf32>
          %mul3A_1691 = vector.broadcast %squeeze3A_1630 : f32 to vector<16xf32>
          %mul3A_1692 = arith.mulf %get3A_1690, %mul3A_1691 : vector<16xf32>
          %swap3A_1693 = arith.index_cast %squeeze3A_1632 : i32 to index
          %swap3A_1694 = arith.constant 64 : index
          %swap3A_1695 = tpu.vector_load %arg14[%swap3A_1693, %swap3A_1694] {strides = array<i32>} : memref<640x128xf32, #tpu.memory_space<vmem>>, vector<1x16xf32>,
          %swap3A_1696 = vector.shape_cast %swap3A_1695 : vector<1x16xf32> to vector<16xf32>
          %swap3A_1697 = vector.shape_cast %mul3A_1692 : vector<16xf32> to vector<1x16xf32>
          tpu.vector_store %arg14[%swap3A_1693, %swap3A_1694], %swap3A_1697 {add = true, strides = array<i32>} : memref<640x128xf32, #tpu.memory_space<vmem>>, vector<1x16xf32>,
          %add3A_1698 = arith.constant 14 : i32
          %add3A_1699 = arith.addi %mul3A_97, %add3A_1698 : i32
          %get3A_1700 = arith.index_cast %add3A_1699 : i32 to index
          %get3A_1701 = arith.constant 80 : index
          %get3A_1702 = tpu.vector_load %arg13[%get3A_1700, %get3A_1701] {strides = array<i32>} : memref<128x128xf32, #tpu.memory_space<vmem>>, vector<1x16xf32>,
          %get3A_1703 = vector.shape_cast %get3A_1702 : vector<1x16xf32> to vector<16xf32>
          %mul3A_1704 = vector.broadcast %squeeze3A_1630 : f32 to vector<16xf32>
          %mul3A_1705 = arith.mulf %get3A_1703, %mul3A_1704 : vector<16xf32>
          %swap3A_1706 = arith.index_cast %squeeze3A_1632 : i32 to index
          %swap3A_1707 = arith.constant 80 : index
          %swap3A_1708 = tpu.vector_load %arg14[%swap3A_1706, %swap3A_1707] {strides = array<i32>} : memref<640x128xf32, #tpu.memory_space<vmem>>, vector<1x16xf32>,
          %swap3A_1709 = vector.shape_cast %swap3A_1708 : vector<1x16xf32> to vector<16xf32>
          %swap3A_1710 = vector.shape_cast %mul3A_1705 : vector<16xf32> to vector<1x16xf32>
          tpu.vector_store %arg14[%swap3A_1706, %swap3A_1707], %swap3A_1710 {add = true, strides = array<i32>} : memref<640x128xf32, #tpu.memory_space<vmem>>, vector<1x16xf32>,
          %add3A_1711 = arith.constant 14 : i32
          %add3A_1712 = arith.addi %mul3A_97, %add3A_1711 : i32
          %get3A_1713 = arith.index_cast %add3A_1712 : i32 to index
          %get3A_1714 = arith.constant 96 : index
          %get3A_1715 = tpu.vector_load %arg13[%get3A_1713, %get3A_1714] {strides = array<i32>} : memref<128x128xf32, #tpu.memory_space<vmem>>, vector<1x16xf32>,
          %get3A_1716 = vector.shape_cast %get3A_1715 : vector<1x16xf32> to vector<16xf32>
          %mul3A_1717 = vector.broadcast %squeeze3A_1630 : f32 to vector<16xf32>
          %mul3A_1718 = arith.mulf %get3A_1716, %mul3A_1717 : vector<16xf32>
          %swap3A_1719 = arith.index_cast %squeeze3A_1632 : i32 to index
          %swap3A_1720 = arith.constant 96 : index
          %swap3A_1721 = tpu.vector_load %arg14[%swap3A_1719, %swap3A_1720] {strides = array<i32>} : memref<640x128xf32, #tpu.memory_space<vmem>>, vector<1x16xf32>,
          %swap3A_1722 = vector.shape_cast %swap3A_1721 : vector<1x16xf32> to vector<16xf32>
          %swap3A_1723 = vector.shape_cast %mul3A_1718 : vector<16xf32> to vector<1x16xf32>
          tpu.vector_store %arg14[%swap3A_1719, %swap3A_1720], %swap3A_1723 {add = true, strides = array<i32>} : memref<640x128xf32, #tpu.memory_space<vmem>>, vector<1x16xf32>,
          %add3A_1724 = arith.constant 14 : i32
          %add3A_1725 = arith.addi %mul3A_97, %add3A_1724 : i32
          %get3A_1726 = arith.index_cast %add3A_1725 : i32 to index
          %get3A_1727 = arith.constant 112 : index
          %get3A_1728 = tpu.vector_load %arg13[%get3A_1726, %get3A_1727] {strides = array<i32>} : memref<128x128xf32, #tpu.memory_space<vmem>>, vector<1x16xf32>,
          %get3A_1729 = vector.shape_cast %get3A_1728 : vector<1x16xf32> to vector<16xf32>
          %mul3A_1730 = vector.broadcast %squeeze3A_1630 : f32 to vector<16xf32>
          %mul3A_1731 = arith.mulf %get3A_1729, %mul3A_1730 : vector<16xf32>
          %swap3A_1732 = arith.index_cast %squeeze3A_1632 : i32 to index
          %swap3A_1733 = arith.constant 112 : index
          %swap3A_1734 = tpu.vector_load %arg14[%swap3A_1732, %swap3A_1733] {strides = array<i32>} : memref<640x128xf32, #tpu.memory_space<vmem>>, vector<1x16xf32>,
          %swap3A_1735 = vector.shape_cast %swap3A_1734 : vector<1x16xf32> to vector<16xf32>
          %swap3A_1736 = vector.shape_cast %mul3A_1731 : vector<16xf32> to vector<1x16xf32>
          tpu.vector_store %arg14[%swap3A_1732, %swap3A_1733], %swap3A_1736 {add = true, strides = array<i32>} : memref<640x128xf32, #tpu.memory_space<vmem>>, vector<1x16xf32>,
          %slice3A_1737 = vector.extract_strided_slice %select_n3A_111 {offsets = [15], sizes = [1], strides = [1]} : vector<16xf32> to vector<1xf32>
          %squeeze3A_1738 = vector.extract %slice3A_1737[0] : f32 from vector<1xf32>
          %slice3A_1739 = vector.extract_strided_slice %min3A_117 {offsets = [15], sizes = [1], strides = [1]} : vector<16xi32> to vector<1xi32>
          %squeeze3A_1740 = vector.extract %slice3A_1739[0] : i32 from vector<1xi32>
          %add3A_1741 = arith.constant 15 : i32
          %add3A_1742 = arith.addi %mul3A_97, %add3A_1741 : i32
          %get3A_1743 = arith.index_cast %add3A_1742 : i32 to index
          %get3A_1744 = arith.constant 0 : index
          %get3A_1745 = tpu.vector_load %arg13[%get3A_1743, %get3A_1744] {strides = array<i32>} : memref<128x128xf32, #tpu.memory_space<vmem>>, vector<1x16xf32>,
          %get3A_1746 = vector.shape_cast %get3A_1745 : vector<1x16xf32> to vector<16xf32>
          %mul3A_1747 = vector.broadcast %squeeze3A_1738 : f32 to vector<16xf32>
          %mul3A_1748 = arith.mulf %get3A_1746, %mul3A_1747 : vector<16xf32>
          %swap3A_1749 = arith.index_cast %squeeze3A_1740 : i32 to index
          %swap3A_1750 = arith.constant 0 : index
          %swap3A_1751 = tpu.vector_load %arg14[%swap3A_1749, %swap3A_1750] {strides = array<i32>} : memref<640x128xf32, #tpu.memory_space<vmem>>, vector<1x16xf32>,
          %swap3A_1752 = vector.shape_cast %swap3A_1751 : vector<1x16xf32> to vector<16xf32>
          %swap3A_1753 = vector.shape_cast %mul3A_1748 : vector<16xf32> to vector<1x16xf32>
          tpu.vector_store %arg14[%swap3A_1749, %swap3A_1750], %swap3A_1753 {add = true, strides = array<i32>} : memref<640x128xf32, #tpu.memory_space<vmem>>, vector<1x16xf32>,
          %add3A_1754 = arith.constant 15 : i32
          %add3A_1755 = arith.addi %mul3A_97, %add3A_1754 : i32
          %get3A_1756 = arith.index_cast %add3A_1755 : i32 to index
          %get3A_1757 = arith.constant 16 : index
          %get3A_1758 = tpu.vector_load %arg13[%get3A_1756, %get3A_1757] {strides = array<i32>} : memref<128x128xf32, #tpu.memory_space<vmem>>, vector<1x16xf32>,
          %get3A_1759 = vector.shape_cast %get3A_1758 : vector<1x16xf32> to vector<16xf32>
          %mul3A_1760 = vector.broadcast %squeeze3A_1738 : f32 to vector<16xf32>
          %mul3A_1761 = arith.mulf %get3A_1759, %mul3A_1760 : vector<16xf32>
          %swap3A_1762 = arith.index_cast %squeeze3A_1740 : i32 to index
          %swap3A_1763 = arith.constant 16 : index
          %swap3A_1764 = tpu.vector_load %arg14[%swap3A_1762, %swap3A_1763] {strides = array<i32>} : memref<640x128xf32, #tpu.memory_space<vmem>>, vector<1x16xf32>,
          %swap3A_1765 = vector.shape_cast %swap3A_1764 : vector<1x16xf32> to vector<16xf32>
          %swap3A_1766 = vector.shape_cast %mul3A_1761 : vector<16xf32> to vector<1x16xf32>
          tpu.vector_store %arg14[%swap3A_1762, %swap3A_1763], %swap3A_1766 {add = true, strides = array<i32>} : memref<640x128xf32, #tpu.memory_space<vmem>>, vector<1x16xf32>,
          %add3A_1767 = arith.constant 15 : i32
          %add3A_1768 = arith.addi %mul3A_97, %add3A_1767 : i32
          %get3A_1769 = arith.index_cast %add3A_1768 : i32 to index
          %get3A_1770 = arith.constant 32 : index
          %get3A_1771 = tpu.vector_load %arg13[%get3A_1769, %get3A_1770] {strides = array<i32>} : memref<128x128xf32, #tpu.memory_space<vmem>>, vector<1x16xf32>,
          %get3A_1772 = vector.shape_cast %get3A_1771 : vector<1x16xf32> to vector<16xf32>
          %mul3A_1773 = vector.broadcast %squeeze3A_1738 : f32 to vector<16xf32>
          %mul3A_1774 = arith.mulf %get3A_1772, %mul3A_1773 : vector<16xf32>
          %swap3A_1775 = arith.index_cast %squeeze3A_1740 : i32 to index
          %swap3A_1776 = arith.constant 32 : index
          %swap3A_1777 = tpu.vector_load %arg14[%swap3A_1775, %swap3A_1776] {strides = array<i32>} : memref<640x128xf32, #tpu.memory_space<vmem>>, vector<1x16xf32>,
          %swap3A_1778 = vector.shape_cast %swap3A_1777 : vector<1x16xf32> to vector<16xf32>
          %swap3A_1779 = vector.shape_cast %mul3A_1774 : vector<16xf32> to vector<1x16xf32>
          tpu.vector_store %arg14[%swap3A_1775, %swap3A_1776], %swap3A_1779 {add = true, strides = array<i32>} : memref<640x128xf32, #tpu.memory_space<vmem>>, vector<1x16xf32>,
          %add3A_1780 = arith.constant 15 : i32
          %add3A_1781 = arith.addi %mul3A_97, %add3A_1780 : i32
          %get3A_1782 = arith.index_cast %add3A_1781 : i32 to index
          %get3A_1783 = arith.constant 48 : index
          %get3A_1784 = tpu.vector_load %arg13[%get3A_1782, %get3A_1783] {strides = array<i32>} : memref<128x128xf32, #tpu.memory_space<vmem>>, vector<1x16xf32>,
          %get3A_1785 = vector.shape_cast %get3A_1784 : vector<1x16xf32> to vector<16xf32>
          %mul3A_1786 = vector.broadcast %squeeze3A_1738 : f32 to vector<16xf32>
          %mul3A_1787 = arith.mulf %get3A_1785, %mul3A_1786 : vector<16xf32>
          %swap3A_1788 = arith.index_cast %squeeze3A_1740 : i32 to index
          %swap3A_1789 = arith.constant 48 : index
          %swap3A_1790 = tpu.vector_load %arg14[%swap3A_1788, %swap3A_1789] {strides = array<i32>} : memref<640x128xf32, #tpu.memory_space<vmem>>, vector<1x16xf32>,
          %swap3A_1791 = vector.shape_cast %swap3A_1790 : vector<1x16xf32> to vector<16xf32>
          %swap3A_1792 = vector.shape_cast %mul3A_1787 : vector<16xf32> to vector<1x16xf32>
          tpu.vector_store %arg14[%swap3A_1788, %swap3A_1789], %swap3A_1792 {add = true, strides = array<i32>} : memref<640x128xf32, #tpu.memory_space<vmem>>, vector<1x16xf32>,
          %add3A_1793 = arith.constant 15 : i32
          %add3A_1794 = arith.addi %mul3A_97, %add3A_1793 : i32
          %get3A_1795 = arith.index_cast %add3A_1794 : i32 to index
          %get3A_1796 = arith.constant 64 : index
          %get3A_1797 = tpu.vector_load %arg13[%get3A_1795, %get3A_1796] {strides = array<i32>} : memref<128x128xf32, #tpu.memory_space<vmem>>, vector<1x16xf32>,
          %get3A_1798 = vector.shape_cast %get3A_1797 : vector<1x16xf32> to vector<16xf32>
          %mul3A_1799 = vector.broadcast %squeeze3A_1738 : f32 to vector<16xf32>
          %mul3A_1800 = arith.mulf %get3A_1798, %mul3A_1799 : vector<16xf32>
          %swap3A_1801 = arith.index_cast %squeeze3A_1740 : i32 to index
          %swap3A_1802 = arith.constant 64 : index
          %swap3A_1803 = tpu.vector_load %arg14[%swap3A_1801, %swap3A_1802] {strides = array<i32>} : memref<640x128xf32, #tpu.memory_space<vmem>>, vector<1x16xf32>,
          %swap3A_1804 = vector.shape_cast %swap3A_1803 : vector<1x16xf32> to vector<16xf32>
          %swap3A_1805 = vector.shape_cast %mul3A_1800 : vector<16xf32> to vector<1x16xf32>
          tpu.vector_store %arg14[%swap3A_1801, %swap3A_1802], %swap3A_1805 {add = true, strides = array<i32>} : memref<640x128xf32, #tpu.memory_space<vmem>>, vector<1x16xf32>,
          %add3A_1806 = arith.constant 15 : i32
          %add3A_1807 = arith.addi %mul3A_97, %add3A_1806 : i32
          %get3A_1808 = arith.index_cast %add3A_1807 : i32 to index
          %get3A_1809 = arith.constant 80 : index
          %get3A_1810 = tpu.vector_load %arg13[%get3A_1808, %get3A_1809] {strides = array<i32>} : memref<128x128xf32, #tpu.memory_space<vmem>>, vector<1x16xf32>,
          %get3A_1811 = vector.shape_cast %get3A_1810 : vector<1x16xf32> to vector<16xf32>
          %mul3A_1812 = vector.broadcast %squeeze3A_1738 : f32 to vector<16xf32>
          %mul3A_1813 = arith.mulf %get3A_1811, %mul3A_1812 : vector<16xf32>
          %swap3A_1814 = arith.index_cast %squeeze3A_1740 : i32 to index
          %swap3A_1815 = arith.constant 80 : index
          %swap3A_1816 = tpu.vector_load %arg14[%swap3A_1814, %swap3A_1815] {strides = array<i32>} : memref<640x128xf32, #tpu.memory_space<vmem>>, vector<1x16xf32>,
          %swap3A_1817 = vector.shape_cast %swap3A_1816 : vector<1x16xf32> to vector<16xf32>
          %swap3A_1818 = vector.shape_cast %mul3A_1813 : vector<16xf32> to vector<1x16xf32>
          tpu.vector_store %arg14[%swap3A_1814, %swap3A_1815], %swap3A_1818 {add = true, strides = array<i32>} : memref<640x128xf32, #tpu.memory_space<vmem>>, vector<1x16xf32>,
          %add3A_1819 = arith.constant 15 : i32
          %add3A_1820 = arith.addi %mul3A_97, %add3A_1819 : i32
          %get3A_1821 = arith.index_cast %add3A_1820 : i32 to index
          %get3A_1822 = arith.constant 96 : index
          %get3A_1823 = tpu.vector_load %arg13[%get3A_1821, %get3A_1822] {strides = array<i32>} : memref<128x128xf32, #tpu.memory_space<vmem>>, vector<1x16xf32>,
          %get3A_1824 = vector.shape_cast %get3A_1823 : vector<1x16xf32> to vector<16xf32>
          %mul3A_1825 = vector.broadcast %squeeze3A_1738 : f32 to vector<16xf32>
          %mul3A_1826 = arith.mulf %get3A_1824, %mul3A_1825 : vector<16xf32>
          %swap3A_1827 = arith.index_cast %squeeze3A_1740 : i32 to index
          %swap3A_1828 = arith.constant 96 : index
          %swap3A_1829 = tpu.vector_load %arg14[%swap3A_1827, %swap3A_1828] {strides = array<i32>} : memref<640x128xf32, #tpu.memory_space<vmem>>, vector<1x16xf32>,
          %swap3A_1830 = vector.shape_cast %swap3A_1829 : vector<1x16xf32> to vector<16xf32>
          %swap3A_1831 = vector.shape_cast %mul3A_1826 : vector<16xf32> to vector<1x16xf32>
          tpu.vector_store %arg14[%swap3A_1827, %swap3A_1828], %swap3A_1831 {add = true, strides = array<i32>} : memref<640x128xf32, #tpu.memory_space<vmem>>, vector<1x16xf32>,
          %add3A_1832 = arith.constant 15 : i32
          %add3A_1833 = arith.addi %mul3A_97, %add3A_1832 : i32
          %get3A_1834 = arith.index_cast %add3A_1833 : i32 to index
          %get3A_1835 = arith.constant 112 : index
          %get3A_1836 = tpu.vector_load %arg13[%get3A_1834, %get3A_1835] {strides = array<i32>} : memref<128x128xf32, #tpu.memory_space<vmem>>, vector<1x16xf32>,
          %get3A_1837 = vector.shape_cast %get3A_1836 : vector<1x16xf32> to vector<16xf32>
          %mul3A_1838 = vector.broadcast %squeeze3A_1738 : f32 to vector<16xf32>
          %mul3A_1839 = arith.mulf %get3A_1837, %mul3A_1838 : vector<16xf32>
          %swap3A_1840 = arith.index_cast %squeeze3A_1740 : i32 to index
          %swap3A_1841 = arith.constant 112 : index
          %swap3A_1842 = tpu.vector_load %arg14[%swap3A_1840, %swap3A_1841] {strides = array<i32>} : memref<640x128xf32, #tpu.memory_space<vmem>>, vector<1x16xf32>,
          %swap3A_1843 = vector.shape_cast %swap3A_1842 : vector<1x16xf32> to vector<16xf32>
          %swap3A_1844 = vector.shape_cast %mul3A_1839 : vector<16xf32> to vector<1x16xf32>
          tpu.vector_store %arg14[%swap3A_1840, %swap3A_1841], %swap3A_1844 {add = true, strides = array<i32>} : memref<640x128xf32, #tpu.memory_space<vmem>>, vector<1x16xf32>,
        }
        %scan3A_94 = arith.constant 8 : i32
      }
      %while3A_71 = arith.constant 1 : i32
      scf.for %while3A_76 = %while3A_69 to %while3A_65 step %while3A_71  : i32 {
        %mul3A_77 = arith.constant 128 : i32
        %mul3A_78 = arith.muli %while3A_76, %mul3A_77 : i32
        %add3A_79 = arith.addi %multiple_of3A_27, %mul3A_78 : i32
        %multiple_of3A_80 = tpu.assume_multiple %add3A_79, 8 : i32
        "tpu.region"() ({
          %run_scoped3A = tpu.sem_alloc : memref<!tpu.dma_semaphore, #tpu.memory_space<semaphore_mem>>
          %dma_start3A_95 = tpu.memref_slice %arg3[%multiple_of3A_80] : memref<60160xi32, #tpu.memory_space<hbm>> -> memref<128xi32, #tpu.memory_space<hbm>>
          %dma_start3A_96 = tpu.memref_slice %arg3[%multiple_of3A_80] : memref<60160xi32, #tpu.memory_space<hbm>> -> memref<128xi32, #tpu.memory_space<hbm>>
          tpu.enqueue_dma source(%dma_start3A_96 : memref<128xi32, #tpu.memory_space<hbm>>) target(%arg9 : memref<128xi32, #tpu.memory_space<vmem>>) target_semaphore(%run_scoped3A : memref<!tpu.dma_semaphore, #tpu.memory_space<semaphore_mem>>)
          %dma_wait3A_97 = tpu.memref_slice %arg3[%multiple_of3A_80] : memref<60160xi32, #tpu.memory_space<hbm>> -> memref<128xi32, #tpu.memory_space<hbm>>
          %dma_wait3A_98 = tpu.memref_slice %arg3[%multiple_of3A_80] : memref<60160xi32, #tpu.memory_space<hbm>> -> memref<128xi32, #tpu.memory_space<hbm>>
          tpu.wait_dma2 semaphore(%run_scoped3A : memref<!tpu.dma_semaphore, #tpu.memory_space<semaphore_mem>>) src(%dma_wait3A_98 : memref<128xi32, #tpu.memory_space<hbm>>) dst(%arg9 : memref<128xi32, #tpu.memory_space<vmem>>)
          tpu.yield
        }) : () -> ()
        "tpu.region"() ({
          %run_scoped3A = tpu.sem_alloc : memref<!tpu.dma_semaphore, #tpu.memory_space<semaphore_mem>>
          %dma_start3A_95 = tpu.memref_slice %arg4[%multiple_of3A_80] : memref<60160xi32, #tpu.memory_space<hbm>> -> memref<128xi32, #tpu.memory_space<hbm>>
          %dma_start3A_96 = tpu.memref_slice %arg4[%multiple_of3A_80] : memref<60160xi32, #tpu.memory_space<hbm>> -> memref<128xi32, #tpu.memory_space<hbm>>
          tpu.enqueue_dma source(%dma_start3A_96 : memref<128xi32, #tpu.memory_space<hbm>>) target(%arg10 : memref<128xi32, #tpu.memory_space<vmem>>) target_semaphore(%run_scoped3A : memref<!tpu.dma_semaphore, #tpu.memory_space<semaphore_mem>>)
          %dma_wait3A_97 = tpu.memref_slice %arg4[%multiple_of3A_80] : memref<60160xi32, #tpu.memory_space<hbm>> -> memref<128xi32, #tpu.memory_space<hbm>>
          %dma_wait3A_98 = tpu.memref_slice %arg4[%multiple_of3A_80] : memref<60160xi32, #tpu.memory_space<hbm>> -> memref<128xi32, #tpu.memory_space<hbm>>
          tpu.wait_dma2 semaphore(%run_scoped3A : memref<!tpu.dma_semaphore, #tpu.memory_space<semaphore_mem>>) src(%dma_wait3A_98 : memref<128xi32, #tpu.memory_space<hbm>>) dst(%arg10 : memref<128xi32, #tpu.memory_space<vmem>>)
          tpu.yield
        }) : () -> ()
        "tpu.region"() ({
          %run_scoped3A = tpu.sem_alloc : memref<!tpu.dma_semaphore, #tpu.memory_space<semaphore_mem>>
          %dma_start3A_95 = tpu.memref_slice %arg5[%multiple_of3A_80] : memref<60160xf32, #tpu.memory_space<hbm>> -> memref<128xf32, #tpu.memory_space<hbm>>
          %dma_start3A_96 = tpu.memref_slice %arg5[%multiple_of3A_80] : memref<60160xf32, #tpu.memory_space<hbm>> -> memref<128xf32, #tpu.memory_space<hbm>>
          tpu.enqueue_dma source(%dma_start3A_96 : memref<128xf32, #tpu.memory_space<hbm>>) target(%arg11 : memref<128xf32, #tpu.memory_space<vmem>>) target_semaphore(%run_scoped3A : memref<!tpu.dma_semaphore, #tpu.memory_space<semaphore_mem>>)
          %dma_wait3A_97 = tpu.memref_slice %arg5[%multiple_of3A_80] : memref<60160xf32, #tpu.memory_space<hbm>> -> memref<128xf32, #tpu.memory_space<hbm>>
          %dma_wait3A_98 = tpu.memref_slice %arg5[%multiple_of3A_80] : memref<60160xf32, #tpu.memory_space<hbm>> -> memref<128xf32, #tpu.memory_space<hbm>>
          tpu.wait_dma2 semaphore(%run_scoped3A : memref<!tpu.dma_semaphore, #tpu.memory_space<semaphore_mem>>) src(%dma_wait3A_98 : memref<128xf32, #tpu.memory_space<hbm>>) dst(%arg11 : memref<128xf32, #tpu.memory_space<vmem>>)
          tpu.yield
        }) : () -> ()
        %scan3A_81 = arith.constant 0 : i32
        %scan3A_82 = arith.constant 8 : i32
        %scan3A_83 = arith.addi %scan3A_81, %scan3A_82 : i32
        %scan3A_84 = arith.constant 1 : i32
        scf.for %scan3A_95 = %scan3A_81 to %scan3A_83 step %scan3A_84  : i32 {
          %mul3A_96 = arith.constant 16 : i32
          %mul3A_97 = arith.muli %scan3A_95, %mul3A_96 : i32
          %get3A_98 = arith.index_cast %mul3A_97 : i32 to index
          %get3A_99 = tpu.vector_load %arg9[%get3A_98] {strides = array<i32>} : memref<128xi32, #tpu.memory_space<vmem>>, vector<16xi32>,
          %get3A_100 = vector.shape_cast %get3A_99 : vector<16xi32> to vector<16xi32>
          %add3A_101 = vector.broadcast %mul3A_63 : i32 to vector<16xi32>
          %add3A_102 = arith.addi %get3A_100, %add3A_101 : vector<16xi32>
          %mul3A_103 = arith.constant 16 : i32
          %mul3A_104 = arith.muli %scan3A_95, %mul3A_103 : i32
          %swap3A = arith.index_cast %mul3A_104 : i32 to index
          %swap3A_105 = tpu.vector_load %arg12[%swap3A] {strides = array<i32>} : memref<128xi32, #tpu.memory_space<vmem>>, vector<16xi32>,
          %swap3A_106 = vector.shape_cast %swap3A_105 : vector<16xi32> to vector<16xi32>
          %swap3A_107 = vector.shape_cast %add3A_102 : vector<16xi32> to vector<16xi32>
          tpu.vector_store %arg12[%swap3A], %swap3A_107 {strides = array<i32>} : memref<128xi32, #tpu.memory_space<vmem>>, vector<16xi32>,
        }
        %scan3A_85 = arith.constant 8 : i32
        %dma_start3A = arith.constant 0 : i32
        %dma_start3A_86 = arith.constant 0 : i32
        %dma_start3A_87 = tpu.memref_slice %arg2[%dma_start3A, %dma_start3A_86] : memref<160000x128xf32, #tpu.memory_space<hbm>> -> memref<160000x128xf32, #tpu.memory_space<hbm>>
        tpu.enqueue_indirect_dma source(%dma_start3A_87 : memref<160000x128xf32, #tpu.memory_space<hbm>>) target(%arg13 : memref<128x128xf32, #tpu.memory_space<vmem>>) offsets(%arg12 : memref<128xi32, #tpu.memory_space<vmem>>) semaphore(%arg16 : memref<!tpu.dma_semaphore, #tpu.memory_space<semaphore_mem>>)
        %dma_wait3A = arith.constant 0 : i32
        %dma_wait3A_88 = arith.constant 0 : i32
        %dma_wait3A_89 = tpu.memref_slice %arg2[%dma_wait3A, %dma_wait3A_88] : memref<160000x128xf32, #tpu.memory_space<hbm>> -> memref<160000x128xf32, #tpu.memory_space<hbm>>
        tpu.wait_indirect_dma semaphore(%arg16 : memref<!tpu.dma_semaphore, #tpu.memory_space<semaphore_mem>>) src(%dma_wait3A_89 : memref<160000x128xf32, #tpu.memory_space<hbm>>) dst(%arg13 : memref<128x128xf32, #tpu.memory_space<vmem>>)
        %scan3A_90 = arith.constant 0 : i32
        %scan3A_91 = arith.constant 8 : i32
        %scan3A_92 = arith.addi %scan3A_90, %scan3A_91 : i32
        %scan3A_93 = arith.constant 1 : i32
        scf.for %scan3A_95 = %scan3A_90 to %scan3A_92 step %scan3A_93  : i32 {
          %mul3A_96 = arith.constant 16 : i32
          %mul3A_97 = arith.muli %scan3A_95, %mul3A_96 : i32
          %get3A_98 = arith.index_cast %mul3A_97 : i32 to index
          %get3A_99 = tpu.vector_load %arg11[%get3A_98] {strides = array<i32>} : memref<128xf32, #tpu.memory_space<vmem>>, vector<16xf32>,
          %get3A_100 = vector.shape_cast %get3A_99 : vector<16xf32> to vector<16xf32>
          %get3A_101 = arith.index_cast %mul3A_97 : i32 to index
          %get3A_102 = tpu.vector_load %arg10[%get3A_101] {strides = array<i32>} : memref<128xi32, #tpu.memory_space<vmem>>, vector<16xi32>,
          %get3A_103 = vector.shape_cast %get3A_102 : vector<16xi32> to vector<16xi32>
          %add3A_104 = arith.addi %multiple_of3A_80, %mul3A_97 : i32
          %add3A_105 = vector.broadcast %add3A_104 : i32 to vector<16xi32>
          %add3A_106 = arith.addi %add3A_105, %iota3A : vector<16xi32>
          %ge3A = vector.broadcast %squeeze3A : i32 to vector<16xi32>
          %ge3A_107 = arith.cmpi sge, %add3A_106, %ge3A : vector<16xi32>
          %lt3A = vector.broadcast %squeeze3A_8 : i32 to vector<16xi32>
          %lt3A_108 = arith.cmpi slt, %add3A_106, %lt3A : vector<16xi32>
          %and3A_109 = arith.andi %ge3A_107, %lt3A_108 : vector<16xi1>
          %jit3A_110 = arith.constant 0.000000e+00 : f32
          %broadcast_in_dim3A = vector.broadcast %jit3A_110 : f32 to vector<16xf32>
          %select_n3A_111 = arith.select %and3A_109, %get3A_100, %broadcast_in_dim3A : vector<16xi1>, vector<16xf32>
          %sub3A_112 = vector.broadcast %mul3A_2 : i32 to vector<16xi32>
          %sub3A_113 = arith.subi %get3A_103, %sub3A_112 : vector<16xi32>
          %jit3A_114 = arith.constant 0 : i32
          %jit3A_115 = arith.constant 639 : i32
          %max3A = vector.broadcast %jit3A_114 : i32 to vector<16xi32>
          %max3A_116 = arith.maxsi %max3A, %sub3A_113 : vector<16xi32>
          %min3A = vector.broadcast %jit3A_115 : i32 to vector<16xi32>
          %min3A_117 = arith.minsi %min3A, %max3A_116 : vector<16xi32>
          %slice3A_118 = vector.extract_strided_slice %select_n3A_111 {offsets = [0], sizes = [1], strides = [1]} : vector<16xf32> to vector<1xf32>
          %squeeze3A_119 = vector.extract %slice3A_118[0] : f32 from vector<1xf32>
          %slice3A_120 = vector.extract_strided_slice %min3A_117 {offsets = [0], sizes = [1], strides = [1]} : vector<16xi32> to vector<1xi32>
          %squeeze3A_121 = vector.extract %slice3A_120[0] : i32 from vector<1xi32>
          %add3A_122 = arith.constant 0 : i32
          %add3A_123 = arith.addi %mul3A_97, %add3A_122 : i32
          %get3A_124 = arith.index_cast %add3A_123 : i32 to index
          %get3A_125 = arith.constant 0 : index
          %get3A_126 = tpu.vector_load %arg13[%get3A_124, %get3A_125] {strides = array<i32>} : memref<128x128xf32, #tpu.memory_space<vmem>>, vector<1x16xf32>,
          %get3A_127 = vector.shape_cast %get3A_126 : vector<1x16xf32> to vector<16xf32>
          %mul3A_128 = vector.broadcast %squeeze3A_119 : f32 to vector<16xf32>
          %mul3A_129 = arith.mulf %get3A_127, %mul3A_128 : vector<16xf32>
          %swap3A = arith.index_cast %squeeze3A_121 : i32 to index
          %swap3A_130 = arith.constant 0 : index
          %swap3A_131 = tpu.vector_load %arg14[%swap3A, %swap3A_130] {strides = array<i32>} : memref<640x128xf32, #tpu.memory_space<vmem>>, vector<1x16xf32>,
          %swap3A_132 = vector.shape_cast %swap3A_131 : vector<1x16xf32> to vector<16xf32>
          %swap3A_133 = vector.shape_cast %mul3A_129 : vector<16xf32> to vector<1x16xf32>
          tpu.vector_store %arg14[%swap3A, %swap3A_130], %swap3A_133 {add = true, strides = array<i32>} : memref<640x128xf32, #tpu.memory_space<vmem>>, vector<1x16xf32>,
          %add3A_134 = arith.constant 0 : i32
          %add3A_135 = arith.addi %mul3A_97, %add3A_134 : i32
          %get3A_136 = arith.index_cast %add3A_135 : i32 to index
          %get3A_137 = arith.constant 16 : index
          %get3A_138 = tpu.vector_load %arg13[%get3A_136, %get3A_137] {strides = array<i32>} : memref<128x128xf32, #tpu.memory_space<vmem>>, vector<1x16xf32>,
          %get3A_139 = vector.shape_cast %get3A_138 : vector<1x16xf32> to vector<16xf32>
          %mul3A_140 = vector.broadcast %squeeze3A_119 : f32 to vector<16xf32>
          %mul3A_141 = arith.mulf %get3A_139, %mul3A_140 : vector<16xf32>
          %swap3A_142 = arith.index_cast %squeeze3A_121 : i32 to index
          %swap3A_143 = arith.constant 16 : index
          %swap3A_144 = tpu.vector_load %arg14[%swap3A_142, %swap3A_143] {strides = array<i32>} : memref<640x128xf32, #tpu.memory_space<vmem>>, vector<1x16xf32>,
          %swap3A_145 = vector.shape_cast %swap3A_144 : vector<1x16xf32> to vector<16xf32>
          %swap3A_146 = vector.shape_cast %mul3A_141 : vector<16xf32> to vector<1x16xf32>
          tpu.vector_store %arg14[%swap3A_142, %swap3A_143], %swap3A_146 {add = true, strides = array<i32>} : memref<640x128xf32, #tpu.memory_space<vmem>>, vector<1x16xf32>,
          %add3A_147 = arith.constant 0 : i32
          %add3A_148 = arith.addi %mul3A_97, %add3A_147 : i32
          %get3A_149 = arith.index_cast %add3A_148 : i32 to index
          %get3A_150 = arith.constant 32 : index
          %get3A_151 = tpu.vector_load %arg13[%get3A_149, %get3A_150] {strides = array<i32>} : memref<128x128xf32, #tpu.memory_space<vmem>>, vector<1x16xf32>,
          %get3A_152 = vector.shape_cast %get3A_151 : vector<1x16xf32> to vector<16xf32>
          %mul3A_153 = vector.broadcast %squeeze3A_119 : f32 to vector<16xf32>
          %mul3A_154 = arith.mulf %get3A_152, %mul3A_153 : vector<16xf32>
          %swap3A_155 = arith.index_cast %squeeze3A_121 : i32 to index
          %swap3A_156 = arith.constant 32 : index
          %swap3A_157 = tpu.vector_load %arg14[%swap3A_155, %swap3A_156] {strides = array<i32>} : memref<640x128xf32, #tpu.memory_space<vmem>>, vector<1x16xf32>,
          %swap3A_158 = vector.shape_cast %swap3A_157 : vector<1x16xf32> to vector<16xf32>
          %swap3A_159 = vector.shape_cast %mul3A_154 : vector<16xf32> to vector<1x16xf32>
          tpu.vector_store %arg14[%swap3A_155, %swap3A_156], %swap3A_159 {add = true, strides = array<i32>} : memref<640x128xf32, #tpu.memory_space<vmem>>, vector<1x16xf32>,
          %add3A_160 = arith.constant 0 : i32
          %add3A_161 = arith.addi %mul3A_97, %add3A_160 : i32
          %get3A_162 = arith.index_cast %add3A_161 : i32 to index
          %get3A_163 = arith.constant 48 : index
          %get3A_164 = tpu.vector_load %arg13[%get3A_162, %get3A_163] {strides = array<i32>} : memref<128x128xf32, #tpu.memory_space<vmem>>, vector<1x16xf32>,
          %get3A_165 = vector.shape_cast %get3A_164 : vector<1x16xf32> to vector<16xf32>
          %mul3A_166 = vector.broadcast %squeeze3A_119 : f32 to vector<16xf32>
          %mul3A_167 = arith.mulf %get3A_165, %mul3A_166 : vector<16xf32>
          %swap3A_168 = arith.index_cast %squeeze3A_121 : i32 to index
          %swap3A_169 = arith.constant 48 : index
          %swap3A_170 = tpu.vector_load %arg14[%swap3A_168, %swap3A_169] {strides = array<i32>} : memref<640x128xf32, #tpu.memory_space<vmem>>, vector<1x16xf32>,
          %swap3A_171 = vector.shape_cast %swap3A_170 : vector<1x16xf32> to vector<16xf32>
          %swap3A_172 = vector.shape_cast %mul3A_167 : vector<16xf32> to vector<1x16xf32>
          tpu.vector_store %arg14[%swap3A_168, %swap3A_169], %swap3A_172 {add = true, strides = array<i32>} : memref<640x128xf32, #tpu.memory_space<vmem>>, vector<1x16xf32>,
          %add3A_173 = arith.constant 0 : i32
          %add3A_174 = arith.addi %mul3A_97, %add3A_173 : i32
          %get3A_175 = arith.index_cast %add3A_174 : i32 to index
          %get3A_176 = arith.constant 64 : index
          %get3A_177 = tpu.vector_load %arg13[%get3A_175, %get3A_176] {strides = array<i32>} : memref<128x128xf32, #tpu.memory_space<vmem>>, vector<1x16xf32>,
          %get3A_178 = vector.shape_cast %get3A_177 : vector<1x16xf32> to vector<16xf32>
          %mul3A_179 = vector.broadcast %squeeze3A_119 : f32 to vector<16xf32>
          %mul3A_180 = arith.mulf %get3A_178, %mul3A_179 : vector<16xf32>
          %swap3A_181 = arith.index_cast %squeeze3A_121 : i32 to index
          %swap3A_182 = arith.constant 64 : index
          %swap3A_183 = tpu.vector_load %arg14[%swap3A_181, %swap3A_182] {strides = array<i32>} : memref<640x128xf32, #tpu.memory_space<vmem>>, vector<1x16xf32>,
          %swap3A_184 = vector.shape_cast %swap3A_183 : vector<1x16xf32> to vector<16xf32>
          %swap3A_185 = vector.shape_cast %mul3A_180 : vector<16xf32> to vector<1x16xf32>
          tpu.vector_store %arg14[%swap3A_181, %swap3A_182], %swap3A_185 {add = true, strides = array<i32>} : memref<640x128xf32, #tpu.memory_space<vmem>>, vector<1x16xf32>,
          %add3A_186 = arith.constant 0 : i32
          %add3A_187 = arith.addi %mul3A_97, %add3A_186 : i32
          %get3A_188 = arith.index_cast %add3A_187 : i32 to index
          %get3A_189 = arith.constant 80 : index
          %get3A_190 = tpu.vector_load %arg13[%get3A_188, %get3A_189] {strides = array<i32>} : memref<128x128xf32, #tpu.memory_space<vmem>>, vector<1x16xf32>,
          %get3A_191 = vector.shape_cast %get3A_190 : vector<1x16xf32> to vector<16xf32>
          %mul3A_192 = vector.broadcast %squeeze3A_119 : f32 to vector<16xf32>
          %mul3A_193 = arith.mulf %get3A_191, %mul3A_192 : vector<16xf32>
          %swap3A_194 = arith.index_cast %squeeze3A_121 : i32 to index
          %swap3A_195 = arith.constant 80 : index
          %swap3A_196 = tpu.vector_load %arg14[%swap3A_194, %swap3A_195] {strides = array<i32>} : memref<640x128xf32, #tpu.memory_space<vmem>>, vector<1x16xf32>,
          %swap3A_197 = vector.shape_cast %swap3A_196 : vector<1x16xf32> to vector<16xf32>
          %swap3A_198 = vector.shape_cast %mul3A_193 : vector<16xf32> to vector<1x16xf32>
          tpu.vector_store %arg14[%swap3A_194, %swap3A_195], %swap3A_198 {add = true, strides = array<i32>} : memref<640x128xf32, #tpu.memory_space<vmem>>, vector<1x16xf32>,
          %add3A_199 = arith.constant 0 : i32
          %add3A_200 = arith.addi %mul3A_97, %add3A_199 : i32
          %get3A_201 = arith.index_cast %add3A_200 : i32 to index
          %get3A_202 = arith.constant 96 : index
          %get3A_203 = tpu.vector_load %arg13[%get3A_201, %get3A_202] {strides = array<i32>} : memref<128x128xf32, #tpu.memory_space<vmem>>, vector<1x16xf32>,
          %get3A_204 = vector.shape_cast %get3A_203 : vector<1x16xf32> to vector<16xf32>
          %mul3A_205 = vector.broadcast %squeeze3A_119 : f32 to vector<16xf32>
          %mul3A_206 = arith.mulf %get3A_204, %mul3A_205 : vector<16xf32>
          %swap3A_207 = arith.index_cast %squeeze3A_121 : i32 to index
          %swap3A_208 = arith.constant 96 : index
          %swap3A_209 = tpu.vector_load %arg14[%swap3A_207, %swap3A_208] {strides = array<i32>} : memref<640x128xf32, #tpu.memory_space<vmem>>, vector<1x16xf32>,
          %swap3A_210 = vector.shape_cast %swap3A_209 : vector<1x16xf32> to vector<16xf32>
          %swap3A_211 = vector.shape_cast %mul3A_206 : vector<16xf32> to vector<1x16xf32>
          tpu.vector_store %arg14[%swap3A_207, %swap3A_208], %swap3A_211 {add = true, strides = array<i32>} : memref<640x128xf32, #tpu.memory_space<vmem>>, vector<1x16xf32>,
          %add3A_212 = arith.constant 0 : i32
          %add3A_213 = arith.addi %mul3A_97, %add3A_212 : i32
          %get3A_214 = arith.index_cast %add3A_213 : i32 to index
          %get3A_215 = arith.constant 112 : index
          %get3A_216 = tpu.vector_load %arg13[%get3A_214, %get3A_215] {strides = array<i32>} : memref<128x128xf32, #tpu.memory_space<vmem>>, vector<1x16xf32>,
          %get3A_217 = vector.shape_cast %get3A_216 : vector<1x16xf32> to vector<16xf32>
          %mul3A_218 = vector.broadcast %squeeze3A_119 : f32 to vector<16xf32>
          %mul3A_219 = arith.mulf %get3A_217, %mul3A_218 : vector<16xf32>
          %swap3A_220 = arith.index_cast %squeeze3A_121 : i32 to index
          %swap3A_221 = arith.constant 112 : index
          %swap3A_222 = tpu.vector_load %arg14[%swap3A_220, %swap3A_221] {strides = array<i32>} : memref<640x128xf32, #tpu.memory_space<vmem>>, vector<1x16xf32>,
          %swap3A_223 = vector.shape_cast %swap3A_222 : vector<1x16xf32> to vector<16xf32>
          %swap3A_224 = vector.shape_cast %mul3A_219 : vector<16xf32> to vector<1x16xf32>
          tpu.vector_store %arg14[%swap3A_220, %swap3A_221], %swap3A_224 {add = true, strides = array<i32>} : memref<640x128xf32, #tpu.memory_space<vmem>>, vector<1x16xf32>,
          %slice3A_225 = vector.extract_strided_slice %select_n3A_111 {offsets = [1], sizes = [1], strides = [1]} : vector<16xf32> to vector<1xf32>
          %squeeze3A_226 = vector.extract %slice3A_225[0] : f32 from vector<1xf32>
          %slice3A_227 = vector.extract_strided_slice %min3A_117 {offsets = [1], sizes = [1], strides = [1]} : vector<16xi32> to vector<1xi32>
          %squeeze3A_228 = vector.extract %slice3A_227[0] : i32 from vector<1xi32>
          %add3A_229 = arith.constant 1 : i32
          %add3A_230 = arith.addi %mul3A_97, %add3A_229 : i32
          %get3A_231 = arith.index_cast %add3A_230 : i32 to index
          %get3A_232 = arith.constant 0 : index
          %get3A_233 = tpu.vector_load %arg13[%get3A_231, %get3A_232] {strides = array<i32>} : memref<128x128xf32, #tpu.memory_space<vmem>>, vector<1x16xf32>,
          %get3A_234 = vector.shape_cast %get3A_233 : vector<1x16xf32> to vector<16xf32>
          %mul3A_235 = vector.broadcast %squeeze3A_226 : f32 to vector<16xf32>
          %mul3A_236 = arith.mulf %get3A_234, %mul3A_235 : vector<16xf32>
          %swap3A_237 = arith.index_cast %squeeze3A_228 : i32 to index
          %swap3A_238 = arith.constant 0 : index
          %swap3A_239 = tpu.vector_load %arg14[%swap3A_237, %swap3A_238] {strides = array<i32>} : memref<640x128xf32, #tpu.memory_space<vmem>>, vector<1x16xf32>,
          %swap3A_240 = vector.shape_cast %swap3A_239 : vector<1x16xf32> to vector<16xf32>
          %swap3A_241 = vector.shape_cast %mul3A_236 : vector<16xf32> to vector<1x16xf32>
          tpu.vector_store %arg14[%swap3A_237, %swap3A_238], %swap3A_241 {add = true, strides = array<i32>} : memref<640x128xf32, #tpu.memory_space<vmem>>, vector<1x16xf32>,
          %add3A_242 = arith.constant 1 : i32
          %add3A_243 = arith.addi %mul3A_97, %add3A_242 : i32
          %get3A_244 = arith.index_cast %add3A_243 : i32 to index
          %get3A_245 = arith.constant 16 : index
          %get3A_246 = tpu.vector_load %arg13[%get3A_244, %get3A_245] {strides = array<i32>} : memref<128x128xf32, #tpu.memory_space<vmem>>, vector<1x16xf32>,
          %get3A_247 = vector.shape_cast %get3A_246 : vector<1x16xf32> to vector<16xf32>
          %mul3A_248 = vector.broadcast %squeeze3A_226 : f32 to vector<16xf32>
          %mul3A_249 = arith.mulf %get3A_247, %mul3A_248 : vector<16xf32>
          %swap3A_250 = arith.index_cast %squeeze3A_228 : i32 to index
          %swap3A_251 = arith.constant 16 : index
          %swap3A_252 = tpu.vector_load %arg14[%swap3A_250, %swap3A_251] {strides = array<i32>} : memref<640x128xf32, #tpu.memory_space<vmem>>, vector<1x16xf32>,
          %swap3A_253 = vector.shape_cast %swap3A_252 : vector<1x16xf32> to vector<16xf32>
          %swap3A_254 = vector.shape_cast %mul3A_249 : vector<16xf32> to vector<1x16xf32>
          tpu.vector_store %arg14[%swap3A_250, %swap3A_251], %swap3A_254 {add = true, strides = array<i32>} : memref<640x128xf32, #tpu.memory_space<vmem>>, vector<1x16xf32>,
          %add3A_255 = arith.constant 1 : i32
          %add3A_256 = arith.addi %mul3A_97, %add3A_255 : i32
          %get3A_257 = arith.index_cast %add3A_256 : i32 to index
          %get3A_258 = arith.constant 32 : index
          %get3A_259 = tpu.vector_load %arg13[%get3A_257, %get3A_258] {strides = array<i32>} : memref<128x128xf32, #tpu.memory_space<vmem>>, vector<1x16xf32>,
          %get3A_260 = vector.shape_cast %get3A_259 : vector<1x16xf32> to vector<16xf32>
          %mul3A_261 = vector.broadcast %squeeze3A_226 : f32 to vector<16xf32>
          %mul3A_262 = arith.mulf %get3A_260, %mul3A_261 : vector<16xf32>
          %swap3A_263 = arith.index_cast %squeeze3A_228 : i32 to index
          %swap3A_264 = arith.constant 32 : index
          %swap3A_265 = tpu.vector_load %arg14[%swap3A_263, %swap3A_264] {strides = array<i32>} : memref<640x128xf32, #tpu.memory_space<vmem>>, vector<1x16xf32>,
          %swap3A_266 = vector.shape_cast %swap3A_265 : vector<1x16xf32> to vector<16xf32>
          %swap3A_267 = vector.shape_cast %mul3A_262 : vector<16xf32> to vector<1x16xf32>
          tpu.vector_store %arg14[%swap3A_263, %swap3A_264], %swap3A_267 {add = true, strides = array<i32>} : memref<640x128xf32, #tpu.memory_space<vmem>>, vector<1x16xf32>,
          %add3A_268 = arith.constant 1 : i32
          %add3A_269 = arith.addi %mul3A_97, %add3A_268 : i32
          %get3A_270 = arith.index_cast %add3A_269 : i32 to index
          %get3A_271 = arith.constant 48 : index
          %get3A_272 = tpu.vector_load %arg13[%get3A_270, %get3A_271] {strides = array<i32>} : memref<128x128xf32, #tpu.memory_space<vmem>>, vector<1x16xf32>,
          %get3A_273 = vector.shape_cast %get3A_272 : vector<1x16xf32> to vector<16xf32>
          %mul3A_274 = vector.broadcast %squeeze3A_226 : f32 to vector<16xf32>
          %mul3A_275 = arith.mulf %get3A_273, %mul3A_274 : vector<16xf32>
          %swap3A_276 = arith.index_cast %squeeze3A_228 : i32 to index
          %swap3A_277 = arith.constant 48 : index
          %swap3A_278 = tpu.vector_load %arg14[%swap3A_276, %swap3A_277] {strides = array<i32>} : memref<640x128xf32, #tpu.memory_space<vmem>>, vector<1x16xf32>,
          %swap3A_279 = vector.shape_cast %swap3A_278 : vector<1x16xf32> to vector<16xf32>
          %swap3A_280 = vector.shape_cast %mul3A_275 : vector<16xf32> to vector<1x16xf32>
          tpu.vector_store %arg14[%swap3A_276, %swap3A_277], %swap3A_280 {add = true, strides = array<i32>} : memref<640x128xf32, #tpu.memory_space<vmem>>, vector<1x16xf32>,
          %add3A_281 = arith.constant 1 : i32
          %add3A_282 = arith.addi %mul3A_97, %add3A_281 : i32
          %get3A_283 = arith.index_cast %add3A_282 : i32 to index
          %get3A_284 = arith.constant 64 : index
          %get3A_285 = tpu.vector_load %arg13[%get3A_283, %get3A_284] {strides = array<i32>} : memref<128x128xf32, #tpu.memory_space<vmem>>, vector<1x16xf32>,
          %get3A_286 = vector.shape_cast %get3A_285 : vector<1x16xf32> to vector<16xf32>
          %mul3A_287 = vector.broadcast %squeeze3A_226 : f32 to vector<16xf32>
          %mul3A_288 = arith.mulf %get3A_286, %mul3A_287 : vector<16xf32>
          %swap3A_289 = arith.index_cast %squeeze3A_228 : i32 to index
          %swap3A_290 = arith.constant 64 : index
          %swap3A_291 = tpu.vector_load %arg14[%swap3A_289, %swap3A_290] {strides = array<i32>} : memref<640x128xf32, #tpu.memory_space<vmem>>, vector<1x16xf32>,
          %swap3A_292 = vector.shape_cast %swap3A_291 : vector<1x16xf32> to vector<16xf32>
          %swap3A_293 = vector.shape_cast %mul3A_288 : vector<16xf32> to vector<1x16xf32>
          tpu.vector_store %arg14[%swap3A_289, %swap3A_290], %swap3A_293 {add = true, strides = array<i32>} : memref<640x128xf32, #tpu.memory_space<vmem>>, vector<1x16xf32>,
          %add3A_294 = arith.constant 1 : i32
          %add3A_295 = arith.addi %mul3A_97, %add3A_294 : i32
          %get3A_296 = arith.index_cast %add3A_295 : i32 to index
          %get3A_297 = arith.constant 80 : index
          %get3A_298 = tpu.vector_load %arg13[%get3A_296, %get3A_297] {strides = array<i32>} : memref<128x128xf32, #tpu.memory_space<vmem>>, vector<1x16xf32>,
          %get3A_299 = vector.shape_cast %get3A_298 : vector<1x16xf32> to vector<16xf32>
          %mul3A_300 = vector.broadcast %squeeze3A_226 : f32 to vector<16xf32>
          %mul3A_301 = arith.mulf %get3A_299, %mul3A_300 : vector<16xf32>
          %swap3A_302 = arith.index_cast %squeeze3A_228 : i32 to index
          %swap3A_303 = arith.constant 80 : index
          %swap3A_304 = tpu.vector_load %arg14[%swap3A_302, %swap3A_303] {strides = array<i32>} : memref<640x128xf32, #tpu.memory_space<vmem>>, vector<1x16xf32>,
          %swap3A_305 = vector.shape_cast %swap3A_304 : vector<1x16xf32> to vector<16xf32>
          %swap3A_306 = vector.shape_cast %mul3A_301 : vector<16xf32> to vector<1x16xf32>
          tpu.vector_store %arg14[%swap3A_302, %swap3A_303], %swap3A_306 {add = true, strides = array<i32>} : memref<640x128xf32, #tpu.memory_space<vmem>>, vector<1x16xf32>,
          %add3A_307 = arith.constant 1 : i32
          %add3A_308 = arith.addi %mul3A_97, %add3A_307 : i32
          %get3A_309 = arith.index_cast %add3A_308 : i32 to index
          %get3A_310 = arith.constant 96 : index
          %get3A_311 = tpu.vector_load %arg13[%get3A_309, %get3A_310] {strides = array<i32>} : memref<128x128xf32, #tpu.memory_space<vmem>>, vector<1x16xf32>,
          %get3A_312 = vector.shape_cast %get3A_311 : vector<1x16xf32> to vector<16xf32>
          %mul3A_313 = vector.broadcast %squeeze3A_226 : f32 to vector<16xf32>
          %mul3A_314 = arith.mulf %get3A_312, %mul3A_313 : vector<16xf32>
          %swap3A_315 = arith.index_cast %squeeze3A_228 : i32 to index
          %swap3A_316 = arith.constant 96 : index
          %swap3A_317 = tpu.vector_load %arg14[%swap3A_315, %swap3A_316] {strides = array<i32>} : memref<640x128xf32, #tpu.memory_space<vmem>>, vector<1x16xf32>,
          %swap3A_318 = vector.shape_cast %swap3A_317 : vector<1x16xf32> to vector<16xf32>
          %swap3A_319 = vector.shape_cast %mul3A_314 : vector<16xf32> to vector<1x16xf32>
          tpu.vector_store %arg14[%swap3A_315, %swap3A_316], %swap3A_319 {add = true, strides = array<i32>} : memref<640x128xf32, #tpu.memory_space<vmem>>, vector<1x16xf32>,
          %add3A_320 = arith.constant 1 : i32
          %add3A_321 = arith.addi %mul3A_97, %add3A_320 : i32
          %get3A_322 = arith.index_cast %add3A_321 : i32 to index
          %get3A_323 = arith.constant 112 : index
          %get3A_324 = tpu.vector_load %arg13[%get3A_322, %get3A_323] {strides = array<i32>} : memref<128x128xf32, #tpu.memory_space<vmem>>, vector<1x16xf32>,
          %get3A_325 = vector.shape_cast %get3A_324 : vector<1x16xf32> to vector<16xf32>
          %mul3A_326 = vector.broadcast %squeeze3A_226 : f32 to vector<16xf32>
          %mul3A_327 = arith.mulf %get3A_325, %mul3A_326 : vector<16xf32>
          %swap3A_328 = arith.index_cast %squeeze3A_228 : i32 to index
          %swap3A_329 = arith.constant 112 : index
          %swap3A_330 = tpu.vector_load %arg14[%swap3A_328, %swap3A_329] {strides = array<i32>} : memref<640x128xf32, #tpu.memory_space<vmem>>, vector<1x16xf32>,
          %swap3A_331 = vector.shape_cast %swap3A_330 : vector<1x16xf32> to vector<16xf32>
          %swap3A_332 = vector.shape_cast %mul3A_327 : vector<16xf32> to vector<1x16xf32>
          tpu.vector_store %arg14[%swap3A_328, %swap3A_329], %swap3A_332 {add = true, strides = array<i32>} : memref<640x128xf32, #tpu.memory_space<vmem>>, vector<1x16xf32>,
          %slice3A_333 = vector.extract_strided_slice %select_n3A_111 {offsets = [2], sizes = [1], strides = [1]} : vector<16xf32> to vector<1xf32>
          %squeeze3A_334 = vector.extract %slice3A_333[0] : f32 from vector<1xf32>
          %slice3A_335 = vector.extract_strided_slice %min3A_117 {offsets = [2], sizes = [1], strides = [1]} : vector<16xi32> to vector<1xi32>
          %squeeze3A_336 = vector.extract %slice3A_335[0] : i32 from vector<1xi32>
          %add3A_337 = arith.constant 2 : i32
          %add3A_338 = arith.addi %mul3A_97, %add3A_337 : i32
          %get3A_339 = arith.index_cast %add3A_338 : i32 to index
          %get3A_340 = arith.constant 0 : index
          %get3A_341 = tpu.vector_load %arg13[%get3A_339, %get3A_340] {strides = array<i32>} : memref<128x128xf32, #tpu.memory_space<vmem>>, vector<1x16xf32>,
          %get3A_342 = vector.shape_cast %get3A_341 : vector<1x16xf32> to vector<16xf32>
          %mul3A_343 = vector.broadcast %squeeze3A_334 : f32 to vector<16xf32>
          %mul3A_344 = arith.mulf %get3A_342, %mul3A_343 : vector<16xf32>
          %swap3A_345 = arith.index_cast %squeeze3A_336 : i32 to index
          %swap3A_346 = arith.constant 0 : index
          %swap3A_347 = tpu.vector_load %arg14[%swap3A_345, %swap3A_346] {strides = array<i32>} : memref<640x128xf32, #tpu.memory_space<vmem>>, vector<1x16xf32>,
          %swap3A_348 = vector.shape_cast %swap3A_347 : vector<1x16xf32> to vector<16xf32>
          %swap3A_349 = vector.shape_cast %mul3A_344 : vector<16xf32> to vector<1x16xf32>
          tpu.vector_store %arg14[%swap3A_345, %swap3A_346], %swap3A_349 {add = true, strides = array<i32>} : memref<640x128xf32, #tpu.memory_space<vmem>>, vector<1x16xf32>,
          %add3A_350 = arith.constant 2 : i32
          %add3A_351 = arith.addi %mul3A_97, %add3A_350 : i32
          %get3A_352 = arith.index_cast %add3A_351 : i32 to index
          %get3A_353 = arith.constant 16 : index
          %get3A_354 = tpu.vector_load %arg13[%get3A_352, %get3A_353] {strides = array<i32>} : memref<128x128xf32, #tpu.memory_space<vmem>>, vector<1x16xf32>,
          %get3A_355 = vector.shape_cast %get3A_354 : vector<1x16xf32> to vector<16xf32>
          %mul3A_356 = vector.broadcast %squeeze3A_334 : f32 to vector<16xf32>
          %mul3A_357 = arith.mulf %get3A_355, %mul3A_356 : vector<16xf32>
          %swap3A_358 = arith.index_cast %squeeze3A_336 : i32 to index
          %swap3A_359 = arith.constant 16 : index
          %swap3A_360 = tpu.vector_load %arg14[%swap3A_358, %swap3A_359] {strides = array<i32>} : memref<640x128xf32, #tpu.memory_space<vmem>>, vector<1x16xf32>,
          %swap3A_361 = vector.shape_cast %swap3A_360 : vector<1x16xf32> to vector<16xf32>
          %swap3A_362 = vector.shape_cast %mul3A_357 : vector<16xf32> to vector<1x16xf32>
          tpu.vector_store %arg14[%swap3A_358, %swap3A_359], %swap3A_362 {add = true, strides = array<i32>} : memref<640x128xf32, #tpu.memory_space<vmem>>, vector<1x16xf32>,
          %add3A_363 = arith.constant 2 : i32
          %add3A_364 = arith.addi %mul3A_97, %add3A_363 : i32
          %get3A_365 = arith.index_cast %add3A_364 : i32 to index
          %get3A_366 = arith.constant 32 : index
          %get3A_367 = tpu.vector_load %arg13[%get3A_365, %get3A_366] {strides = array<i32>} : memref<128x128xf32, #tpu.memory_space<vmem>>, vector<1x16xf32>,
          %get3A_368 = vector.shape_cast %get3A_367 : vector<1x16xf32> to vector<16xf32>
          %mul3A_369 = vector.broadcast %squeeze3A_334 : f32 to vector<16xf32>
          %mul3A_370 = arith.mulf %get3A_368, %mul3A_369 : vector<16xf32>
          %swap3A_371 = arith.index_cast %squeeze3A_336 : i32 to index
          %swap3A_372 = arith.constant 32 : index
          %swap3A_373 = tpu.vector_load %arg14[%swap3A_371, %swap3A_372] {strides = array<i32>} : memref<640x128xf32, #tpu.memory_space<vmem>>, vector<1x16xf32>,
          %swap3A_374 = vector.shape_cast %swap3A_373 : vector<1x16xf32> to vector<16xf32>
          %swap3A_375 = vector.shape_cast %mul3A_370 : vector<16xf32> to vector<1x16xf32>
          tpu.vector_store %arg14[%swap3A_371, %swap3A_372], %swap3A_375 {add = true, strides = array<i32>} : memref<640x128xf32, #tpu.memory_space<vmem>>, vector<1x16xf32>,
          %add3A_376 = arith.constant 2 : i32
          %add3A_377 = arith.addi %mul3A_97, %add3A_376 : i32
          %get3A_378 = arith.index_cast %add3A_377 : i32 to index
          %get3A_379 = arith.constant 48 : index
          %get3A_380 = tpu.vector_load %arg13[%get3A_378, %get3A_379] {strides = array<i32>} : memref<128x128xf32, #tpu.memory_space<vmem>>, vector<1x16xf32>,
          %get3A_381 = vector.shape_cast %get3A_380 : vector<1x16xf32> to vector<16xf32>
          %mul3A_382 = vector.broadcast %squeeze3A_334 : f32 to vector<16xf32>
          %mul3A_383 = arith.mulf %get3A_381, %mul3A_382 : vector<16xf32>
          %swap3A_384 = arith.index_cast %squeeze3A_336 : i32 to index
          %swap3A_385 = arith.constant 48 : index
          %swap3A_386 = tpu.vector_load %arg14[%swap3A_384, %swap3A_385] {strides = array<i32>} : memref<640x128xf32, #tpu.memory_space<vmem>>, vector<1x16xf32>,
          %swap3A_387 = vector.shape_cast %swap3A_386 : vector<1x16xf32> to vector<16xf32>
          %swap3A_388 = vector.shape_cast %mul3A_383 : vector<16xf32> to vector<1x16xf32>
          tpu.vector_store %arg14[%swap3A_384, %swap3A_385], %swap3A_388 {add = true, strides = array<i32>} : memref<640x128xf32, #tpu.memory_space<vmem>>, vector<1x16xf32>,
          %add3A_389 = arith.constant 2 : i32
          %add3A_390 = arith.addi %mul3A_97, %add3A_389 : i32
          %get3A_391 = arith.index_cast %add3A_390 : i32 to index
          %get3A_392 = arith.constant 64 : index
          %get3A_393 = tpu.vector_load %arg13[%get3A_391, %get3A_392] {strides = array<i32>} : memref<128x128xf32, #tpu.memory_space<vmem>>, vector<1x16xf32>,
          %get3A_394 = vector.shape_cast %get3A_393 : vector<1x16xf32> to vector<16xf32>
          %mul3A_395 = vector.broadcast %squeeze3A_334 : f32 to vector<16xf32>
          %mul3A_396 = arith.mulf %get3A_394, %mul3A_395 : vector<16xf32>
          %swap3A_397 = arith.index_cast %squeeze3A_336 : i32 to index
          %swap3A_398 = arith.constant 64 : index
          %swap3A_399 = tpu.vector_load %arg14[%swap3A_397, %swap3A_398] {strides = array<i32>} : memref<640x128xf32, #tpu.memory_space<vmem>>, vector<1x16xf32>,
          %swap3A_400 = vector.shape_cast %swap3A_399 : vector<1x16xf32> to vector<16xf32>
          %swap3A_401 = vector.shape_cast %mul3A_396 : vector<16xf32> to vector<1x16xf32>
          tpu.vector_store %arg14[%swap3A_397, %swap3A_398], %swap3A_401 {add = true, strides = array<i32>} : memref<640x128xf32, #tpu.memory_space<vmem>>, vector<1x16xf32>,
          %add3A_402 = arith.constant 2 : i32
          %add3A_403 = arith.addi %mul3A_97, %add3A_402 : i32
          %get3A_404 = arith.index_cast %add3A_403 : i32 to index
          %get3A_405 = arith.constant 80 : index
          %get3A_406 = tpu.vector_load %arg13[%get3A_404, %get3A_405] {strides = array<i32>} : memref<128x128xf32, #tpu.memory_space<vmem>>, vector<1x16xf32>,
          %get3A_407 = vector.shape_cast %get3A_406 : vector<1x16xf32> to vector<16xf32>
          %mul3A_408 = vector.broadcast %squeeze3A_334 : f32 to vector<16xf32>
          %mul3A_409 = arith.mulf %get3A_407, %mul3A_408 : vector<16xf32>
          %swap3A_410 = arith.index_cast %squeeze3A_336 : i32 to index
          %swap3A_411 = arith.constant 80 : index
          %swap3A_412 = tpu.vector_load %arg14[%swap3A_410, %swap3A_411] {strides = array<i32>} : memref<640x128xf32, #tpu.memory_space<vmem>>, vector<1x16xf32>,
          %swap3A_413 = vector.shape_cast %swap3A_412 : vector<1x16xf32> to vector<16xf32>
          %swap3A_414 = vector.shape_cast %mul3A_409 : vector<16xf32> to vector<1x16xf32>
          tpu.vector_store %arg14[%swap3A_410, %swap3A_411], %swap3A_414 {add = true, strides = array<i32>} : memref<640x128xf32, #tpu.memory_space<vmem>>, vector<1x16xf32>,
          %add3A_415 = arith.constant 2 : i32
          %add3A_416 = arith.addi %mul3A_97, %add3A_415 : i32
          %get3A_417 = arith.index_cast %add3A_416 : i32 to index
          %get3A_418 = arith.constant 96 : index
          %get3A_419 = tpu.vector_load %arg13[%get3A_417, %get3A_418] {strides = array<i32>} : memref<128x128xf32, #tpu.memory_space<vmem>>, vector<1x16xf32>,
          %get3A_420 = vector.shape_cast %get3A_419 : vector<1x16xf32> to vector<16xf32>
          %mul3A_421 = vector.broadcast %squeeze3A_334 : f32 to vector<16xf32>
          %mul3A_422 = arith.mulf %get3A_420, %mul3A_421 : vector<16xf32>
          %swap3A_423 = arith.index_cast %squeeze3A_336 : i32 to index
          %swap3A_424 = arith.constant 96 : index
          %swap3A_425 = tpu.vector_load %arg14[%swap3A_423, %swap3A_424] {strides = array<i32>} : memref<640x128xf32, #tpu.memory_space<vmem>>, vector<1x16xf32>,
          %swap3A_426 = vector.shape_cast %swap3A_425 : vector<1x16xf32> to vector<16xf32>
          %swap3A_427 = vector.shape_cast %mul3A_422 : vector<16xf32> to vector<1x16xf32>
          tpu.vector_store %arg14[%swap3A_423, %swap3A_424], %swap3A_427 {add = true, strides = array<i32>} : memref<640x128xf32, #tpu.memory_space<vmem>>, vector<1x16xf32>,
          %add3A_428 = arith.constant 2 : i32
          %add3A_429 = arith.addi %mul3A_97, %add3A_428 : i32
          %get3A_430 = arith.index_cast %add3A_429 : i32 to index
          %get3A_431 = arith.constant 112 : index
          %get3A_432 = tpu.vector_load %arg13[%get3A_430, %get3A_431] {strides = array<i32>} : memref<128x128xf32, #tpu.memory_space<vmem>>, vector<1x16xf32>,
          %get3A_433 = vector.shape_cast %get3A_432 : vector<1x16xf32> to vector<16xf32>
          %mul3A_434 = vector.broadcast %squeeze3A_334 : f32 to vector<16xf32>
          %mul3A_435 = arith.mulf %get3A_433, %mul3A_434 : vector<16xf32>
          %swap3A_436 = arith.index_cast %squeeze3A_336 : i32 to index
          %swap3A_437 = arith.constant 112 : index
          %swap3A_438 = tpu.vector_load %arg14[%swap3A_436, %swap3A_437] {strides = array<i32>} : memref<640x128xf32, #tpu.memory_space<vmem>>, vector<1x16xf32>,
          %swap3A_439 = vector.shape_cast %swap3A_438 : vector<1x16xf32> to vector<16xf32>
          %swap3A_440 = vector.shape_cast %mul3A_435 : vector<16xf32> to vector<1x16xf32>
          tpu.vector_store %arg14[%swap3A_436, %swap3A_437], %swap3A_440 {add = true, strides = array<i32>} : memref<640x128xf32, #tpu.memory_space<vmem>>, vector<1x16xf32>,
          %slice3A_441 = vector.extract_strided_slice %select_n3A_111 {offsets = [3], sizes = [1], strides = [1]} : vector<16xf32> to vector<1xf32>
          %squeeze3A_442 = vector.extract %slice3A_441[0] : f32 from vector<1xf32>
          %slice3A_443 = vector.extract_strided_slice %min3A_117 {offsets = [3], sizes = [1], strides = [1]} : vector<16xi32> to vector<1xi32>
          %squeeze3A_444 = vector.extract %slice3A_443[0] : i32 from vector<1xi32>
          %add3A_445 = arith.constant 3 : i32
          %add3A_446 = arith.addi %mul3A_97, %add3A_445 : i32
          %get3A_447 = arith.index_cast %add3A_446 : i32 to index
          %get3A_448 = arith.constant 0 : index
          %get3A_449 = tpu.vector_load %arg13[%get3A_447, %get3A_448] {strides = array<i32>} : memref<128x128xf32, #tpu.memory_space<vmem>>, vector<1x16xf32>,
          %get3A_450 = vector.shape_cast %get3A_449 : vector<1x16xf32> to vector<16xf32>
          %mul3A_451 = vector.broadcast %squeeze3A_442 : f32 to vector<16xf32>
          %mul3A_452 = arith.mulf %get3A_450, %mul3A_451 : vector<16xf32>
          %swap3A_453 = arith.index_cast %squeeze3A_444 : i32 to index
          %swap3A_454 = arith.constant 0 : index
          %swap3A_455 = tpu.vector_load %arg14[%swap3A_453, %swap3A_454] {strides = array<i32>} : memref<640x128xf32, #tpu.memory_space<vmem>>, vector<1x16xf32>,
          %swap3A_456 = vector.shape_cast %swap3A_455 : vector<1x16xf32> to vector<16xf32>
          %swap3A_457 = vector.shape_cast %mul3A_452 : vector<16xf32> to vector<1x16xf32>
          tpu.vector_store %arg14[%swap3A_453, %swap3A_454], %swap3A_457 {add = true, strides = array<i32>} : memref<640x128xf32, #tpu.memory_space<vmem>>, vector<1x16xf32>,
          %add3A_458 = arith.constant 3 : i32
          %add3A_459 = arith.addi %mul3A_97, %add3A_458 : i32
          %get3A_460 = arith.index_cast %add3A_459 : i32 to index
          %get3A_461 = arith.constant 16 : index
          %get3A_462 = tpu.vector_load %arg13[%get3A_460, %get3A_461] {strides = array<i32>} : memref<128x128xf32, #tpu.memory_space<vmem>>, vector<1x16xf32>,
          %get3A_463 = vector.shape_cast %get3A_462 : vector<1x16xf32> to vector<16xf32>
          %mul3A_464 = vector.broadcast %squeeze3A_442 : f32 to vector<16xf32>
          %mul3A_465 = arith.mulf %get3A_463, %mul3A_464 : vector<16xf32>
          %swap3A_466 = arith.index_cast %squeeze3A_444 : i32 to index
          %swap3A_467 = arith.constant 16 : index
          %swap3A_468 = tpu.vector_load %arg14[%swap3A_466, %swap3A_467] {strides = array<i32>} : memref<640x128xf32, #tpu.memory_space<vmem>>, vector<1x16xf32>,
          %swap3A_469 = vector.shape_cast %swap3A_468 : vector<1x16xf32> to vector<16xf32>
          %swap3A_470 = vector.shape_cast %mul3A_465 : vector<16xf32> to vector<1x16xf32>
          tpu.vector_store %arg14[%swap3A_466, %swap3A_467], %swap3A_470 {add = true, strides = array<i32>} : memref<640x128xf32, #tpu.memory_space<vmem>>, vector<1x16xf32>,
          %add3A_471 = arith.constant 3 : i32
          %add3A_472 = arith.addi %mul3A_97, %add3A_471 : i32
          %get3A_473 = arith.index_cast %add3A_472 : i32 to index
          %get3A_474 = arith.constant 32 : index
          %get3A_475 = tpu.vector_load %arg13[%get3A_473, %get3A_474] {strides = array<i32>} : memref<128x128xf32, #tpu.memory_space<vmem>>, vector<1x16xf32>,
          %get3A_476 = vector.shape_cast %get3A_475 : vector<1x16xf32> to vector<16xf32>
          %mul3A_477 = vector.broadcast %squeeze3A_442 : f32 to vector<16xf32>
          %mul3A_478 = arith.mulf %get3A_476, %mul3A_477 : vector<16xf32>
          %swap3A_479 = arith.index_cast %squeeze3A_444 : i32 to index
          %swap3A_480 = arith.constant 32 : index
          %swap3A_481 = tpu.vector_load %arg14[%swap3A_479, %swap3A_480] {strides = array<i32>} : memref<640x128xf32, #tpu.memory_space<vmem>>, vector<1x16xf32>,
          %swap3A_482 = vector.shape_cast %swap3A_481 : vector<1x16xf32> to vector<16xf32>
          %swap3A_483 = vector.shape_cast %mul3A_478 : vector<16xf32> to vector<1x16xf32>
          tpu.vector_store %arg14[%swap3A_479, %swap3A_480], %swap3A_483 {add = true, strides = array<i32>} : memref<640x128xf32, #tpu.memory_space<vmem>>, vector<1x16xf32>,
          %add3A_484 = arith.constant 3 : i32
          %add3A_485 = arith.addi %mul3A_97, %add3A_484 : i32
          %get3A_486 = arith.index_cast %add3A_485 : i32 to index
          %get3A_487 = arith.constant 48 : index
          %get3A_488 = tpu.vector_load %arg13[%get3A_486, %get3A_487] {strides = array<i32>} : memref<128x128xf32, #tpu.memory_space<vmem>>, vector<1x16xf32>,
          %get3A_489 = vector.shape_cast %get3A_488 : vector<1x16xf32> to vector<16xf32>
          %mul3A_490 = vector.broadcast %squeeze3A_442 : f32 to vector<16xf32>
          %mul3A_491 = arith.mulf %get3A_489, %mul3A_490 : vector<16xf32>
          %swap3A_492 = arith.index_cast %squeeze3A_444 : i32 to index
          %swap3A_493 = arith.constant 48 : index
          %swap3A_494 = tpu.vector_load %arg14[%swap3A_492, %swap3A_493] {strides = array<i32>} : memref<640x128xf32, #tpu.memory_space<vmem>>, vector<1x16xf32>,
          %swap3A_495 = vector.shape_cast %swap3A_494 : vector<1x16xf32> to vector<16xf32>
          %swap3A_496 = vector.shape_cast %mul3A_491 : vector<16xf32> to vector<1x16xf32>
          tpu.vector_store %arg14[%swap3A_492, %swap3A_493], %swap3A_496 {add = true, strides = array<i32>} : memref<640x128xf32, #tpu.memory_space<vmem>>, vector<1x16xf32>,
          %add3A_497 = arith.constant 3 : i32
          %add3A_498 = arith.addi %mul3A_97, %add3A_497 : i32
          %get3A_499 = arith.index_cast %add3A_498 : i32 to index
          %get3A_500 = arith.constant 64 : index
          %get3A_501 = tpu.vector_load %arg13[%get3A_499, %get3A_500] {strides = array<i32>} : memref<128x128xf32, #tpu.memory_space<vmem>>, vector<1x16xf32>,
          %get3A_502 = vector.shape_cast %get3A_501 : vector<1x16xf32> to vector<16xf32>
          %mul3A_503 = vector.broadcast %squeeze3A_442 : f32 to vector<16xf32>
          %mul3A_504 = arith.mulf %get3A_502, %mul3A_503 : vector<16xf32>
          %swap3A_505 = arith.index_cast %squeeze3A_444 : i32 to index
          %swap3A_506 = arith.constant 64 : index
          %swap3A_507 = tpu.vector_load %arg14[%swap3A_505, %swap3A_506] {strides = array<i32>} : memref<640x128xf32, #tpu.memory_space<vmem>>, vector<1x16xf32>,
          %swap3A_508 = vector.shape_cast %swap3A_507 : vector<1x16xf32> to vector<16xf32>
          %swap3A_509 = vector.shape_cast %mul3A_504 : vector<16xf32> to vector<1x16xf32>
          tpu.vector_store %arg14[%swap3A_505, %swap3A_506], %swap3A_509 {add = true, strides = array<i32>} : memref<640x128xf32, #tpu.memory_space<vmem>>, vector<1x16xf32>,
          %add3A_510 = arith.constant 3 : i32
          %add3A_511 = arith.addi %mul3A_97, %add3A_510 : i32
          %get3A_512 = arith.index_cast %add3A_511 : i32 to index
          %get3A_513 = arith.constant 80 : index
          %get3A_514 = tpu.vector_load %arg13[%get3A_512, %get3A_513] {strides = array<i32>} : memref<128x128xf32, #tpu.memory_space<vmem>>, vector<1x16xf32>,
          %get3A_515 = vector.shape_cast %get3A_514 : vector<1x16xf32> to vector<16xf32>
          %mul3A_516 = vector.broadcast %squeeze3A_442 : f32 to vector<16xf32>
          %mul3A_517 = arith.mulf %get3A_515, %mul3A_516 : vector<16xf32>
          %swap3A_518 = arith.index_cast %squeeze3A_444 : i32 to index
          %swap3A_519 = arith.constant 80 : index
          %swap3A_520 = tpu.vector_load %arg14[%swap3A_518, %swap3A_519] {strides = array<i32>} : memref<640x128xf32, #tpu.memory_space<vmem>>, vector<1x16xf32>,
          %swap3A_521 = vector.shape_cast %swap3A_520 : vector<1x16xf32> to vector<16xf32>
          %swap3A_522 = vector.shape_cast %mul3A_517 : vector<16xf32> to vector<1x16xf32>
          tpu.vector_store %arg14[%swap3A_518, %swap3A_519], %swap3A_522 {add = true, strides = array<i32>} : memref<640x128xf32, #tpu.memory_space<vmem>>, vector<1x16xf32>,
          %add3A_523 = arith.constant 3 : i32
          %add3A_524 = arith.addi %mul3A_97, %add3A_523 : i32
          %get3A_525 = arith.index_cast %add3A_524 : i32 to index
          %get3A_526 = arith.constant 96 : index
          %get3A_527 = tpu.vector_load %arg13[%get3A_525, %get3A_526] {strides = array<i32>} : memref<128x128xf32, #tpu.memory_space<vmem>>, vector<1x16xf32>,
          %get3A_528 = vector.shape_cast %get3A_527 : vector<1x16xf32> to vector<16xf32>
          %mul3A_529 = vector.broadcast %squeeze3A_442 : f32 to vector<16xf32>
          %mul3A_530 = arith.mulf %get3A_528, %mul3A_529 : vector<16xf32>
          %swap3A_531 = arith.index_cast %squeeze3A_444 : i32 to index
          %swap3A_532 = arith.constant 96 : index
          %swap3A_533 = tpu.vector_load %arg14[%swap3A_531, %swap3A_532] {strides = array<i32>} : memref<640x128xf32, #tpu.memory_space<vmem>>, vector<1x16xf32>,
          %swap3A_534 = vector.shape_cast %swap3A_533 : vector<1x16xf32> to vector<16xf32>
          %swap3A_535 = vector.shape_cast %mul3A_530 : vector<16xf32> to vector<1x16xf32>
          tpu.vector_store %arg14[%swap3A_531, %swap3A_532], %swap3A_535 {add = true, strides = array<i32>} : memref<640x128xf32, #tpu.memory_space<vmem>>, vector<1x16xf32>,
          %add3A_536 = arith.constant 3 : i32
          %add3A_537 = arith.addi %mul3A_97, %add3A_536 : i32
          %get3A_538 = arith.index_cast %add3A_537 : i32 to index
          %get3A_539 = arith.constant 112 : index
          %get3A_540 = tpu.vector_load %arg13[%get3A_538, %get3A_539] {strides = array<i32>} : memref<128x128xf32, #tpu.memory_space<vmem>>, vector<1x16xf32>,
          %get3A_541 = vector.shape_cast %get3A_540 : vector<1x16xf32> to vector<16xf32>
          %mul3A_542 = vector.broadcast %squeeze3A_442 : f32 to vector<16xf32>
          %mul3A_543 = arith.mulf %get3A_541, %mul3A_542 : vector<16xf32>
          %swap3A_544 = arith.index_cast %squeeze3A_444 : i32 to index
          %swap3A_545 = arith.constant 112 : index
          %swap3A_546 = tpu.vector_load %arg14[%swap3A_544, %swap3A_545] {strides = array<i32>} : memref<640x128xf32, #tpu.memory_space<vmem>>, vector<1x16xf32>,
          %swap3A_547 = vector.shape_cast %swap3A_546 : vector<1x16xf32> to vector<16xf32>
          %swap3A_548 = vector.shape_cast %mul3A_543 : vector<16xf32> to vector<1x16xf32>
          tpu.vector_store %arg14[%swap3A_544, %swap3A_545], %swap3A_548 {add = true, strides = array<i32>} : memref<640x128xf32, #tpu.memory_space<vmem>>, vector<1x16xf32>,
          %slice3A_549 = vector.extract_strided_slice %select_n3A_111 {offsets = [4], sizes = [1], strides = [1]} : vector<16xf32> to vector<1xf32>
          %squeeze3A_550 = vector.extract %slice3A_549[0] : f32 from vector<1xf32>
          %slice3A_551 = vector.extract_strided_slice %min3A_117 {offsets = [4], sizes = [1], strides = [1]} : vector<16xi32> to vector<1xi32>
          %squeeze3A_552 = vector.extract %slice3A_551[0] : i32 from vector<1xi32>
          %add3A_553 = arith.constant 4 : i32
          %add3A_554 = arith.addi %mul3A_97, %add3A_553 : i32
          %get3A_555 = arith.index_cast %add3A_554 : i32 to index
          %get3A_556 = arith.constant 0 : index
          %get3A_557 = tpu.vector_load %arg13[%get3A_555, %get3A_556] {strides = array<i32>} : memref<128x128xf32, #tpu.memory_space<vmem>>, vector<1x16xf32>,
          %get3A_558 = vector.shape_cast %get3A_557 : vector<1x16xf32> to vector<16xf32>
          %mul3A_559 = vector.broadcast %squeeze3A_550 : f32 to vector<16xf32>
          %mul3A_560 = arith.mulf %get3A_558, %mul3A_559 : vector<16xf32>
          %swap3A_561 = arith.index_cast %squeeze3A_552 : i32 to index
          %swap3A_562 = arith.constant 0 : index
          %swap3A_563 = tpu.vector_load %arg14[%swap3A_561, %swap3A_562] {strides = array<i32>} : memref<640x128xf32, #tpu.memory_space<vmem>>, vector<1x16xf32>,
          %swap3A_564 = vector.shape_cast %swap3A_563 : vector<1x16xf32> to vector<16xf32>
          %swap3A_565 = vector.shape_cast %mul3A_560 : vector<16xf32> to vector<1x16xf32>
          tpu.vector_store %arg14[%swap3A_561, %swap3A_562], %swap3A_565 {add = true, strides = array<i32>} : memref<640x128xf32, #tpu.memory_space<vmem>>, vector<1x16xf32>,
          %add3A_566 = arith.constant 4 : i32
          %add3A_567 = arith.addi %mul3A_97, %add3A_566 : i32
          %get3A_568 = arith.index_cast %add3A_567 : i32 to index
          %get3A_569 = arith.constant 16 : index
          %get3A_570 = tpu.vector_load %arg13[%get3A_568, %get3A_569] {strides = array<i32>} : memref<128x128xf32, #tpu.memory_space<vmem>>, vector<1x16xf32>,
          %get3A_571 = vector.shape_cast %get3A_570 : vector<1x16xf32> to vector<16xf32>
          %mul3A_572 = vector.broadcast %squeeze3A_550 : f32 to vector<16xf32>
          %mul3A_573 = arith.mulf %get3A_571, %mul3A_572 : vector<16xf32>
          %swap3A_574 = arith.index_cast %squeeze3A_552 : i32 to index
          %swap3A_575 = arith.constant 16 : index
          %swap3A_576 = tpu.vector_load %arg14[%swap3A_574, %swap3A_575] {strides = array<i32>} : memref<640x128xf32, #tpu.memory_space<vmem>>, vector<1x16xf32>,
          %swap3A_577 = vector.shape_cast %swap3A_576 : vector<1x16xf32> to vector<16xf32>
          %swap3A_578 = vector.shape_cast %mul3A_573 : vector<16xf32> to vector<1x16xf32>
          tpu.vector_store %arg14[%swap3A_574, %swap3A_575], %swap3A_578 {add = true, strides = array<i32>} : memref<640x128xf32, #tpu.memory_space<vmem>>, vector<1x16xf32>,
          %add3A_579 = arith.constant 4 : i32
          %add3A_580 = arith.addi %mul3A_97, %add3A_579 : i32
          %get3A_581 = arith.index_cast %add3A_580 : i32 to index
          %get3A_582 = arith.constant 32 : index
          %get3A_583 = tpu.vector_load %arg13[%get3A_581, %get3A_582] {strides = array<i32>} : memref<128x128xf32, #tpu.memory_space<vmem>>, vector<1x16xf32>,
          %get3A_584 = vector.shape_cast %get3A_583 : vector<1x16xf32> to vector<16xf32>
          %mul3A_585 = vector.broadcast %squeeze3A_550 : f32 to vector<16xf32>
          %mul3A_586 = arith.mulf %get3A_584, %mul3A_585 : vector<16xf32>
          %swap3A_587 = arith.index_cast %squeeze3A_552 : i32 to index
          %swap3A_588 = arith.constant 32 : index
          %swap3A_589 = tpu.vector_load %arg14[%swap3A_587, %swap3A_588] {strides = array<i32>} : memref<640x128xf32, #tpu.memory_space<vmem>>, vector<1x16xf32>,
          %swap3A_590 = vector.shape_cast %swap3A_589 : vector<1x16xf32> to vector<16xf32>
          %swap3A_591 = vector.shape_cast %mul3A_586 : vector<16xf32> to vector<1x16xf32>
          tpu.vector_store %arg14[%swap3A_587, %swap3A_588], %swap3A_591 {add = true, strides = array<i32>} : memref<640x128xf32, #tpu.memory_space<vmem>>, vector<1x16xf32>,
          %add3A_592 = arith.constant 4 : i32
          %add3A_593 = arith.addi %mul3A_97, %add3A_592 : i32
          %get3A_594 = arith.index_cast %add3A_593 : i32 to index
          %get3A_595 = arith.constant 48 : index
          %get3A_596 = tpu.vector_load %arg13[%get3A_594, %get3A_595] {strides = array<i32>} : memref<128x128xf32, #tpu.memory_space<vmem>>, vector<1x16xf32>,
          %get3A_597 = vector.shape_cast %get3A_596 : vector<1x16xf32> to vector<16xf32>
          %mul3A_598 = vector.broadcast %squeeze3A_550 : f32 to vector<16xf32>
          %mul3A_599 = arith.mulf %get3A_597, %mul3A_598 : vector<16xf32>
          %swap3A_600 = arith.index_cast %squeeze3A_552 : i32 to index
          %swap3A_601 = arith.constant 48 : index
          %swap3A_602 = tpu.vector_load %arg14[%swap3A_600, %swap3A_601] {strides = array<i32>} : memref<640x128xf32, #tpu.memory_space<vmem>>, vector<1x16xf32>,
          %swap3A_603 = vector.shape_cast %swap3A_602 : vector<1x16xf32> to vector<16xf32>
          %swap3A_604 = vector.shape_cast %mul3A_599 : vector<16xf32> to vector<1x16xf32>
          tpu.vector_store %arg14[%swap3A_600, %swap3A_601], %swap3A_604 {add = true, strides = array<i32>} : memref<640x128xf32, #tpu.memory_space<vmem>>, vector<1x16xf32>,
          %add3A_605 = arith.constant 4 : i32
          %add3A_606 = arith.addi %mul3A_97, %add3A_605 : i32
          %get3A_607 = arith.index_cast %add3A_606 : i32 to index
          %get3A_608 = arith.constant 64 : index
          %get3A_609 = tpu.vector_load %arg13[%get3A_607, %get3A_608] {strides = array<i32>} : memref<128x128xf32, #tpu.memory_space<vmem>>, vector<1x16xf32>,
          %get3A_610 = vector.shape_cast %get3A_609 : vector<1x16xf32> to vector<16xf32>
          %mul3A_611 = vector.broadcast %squeeze3A_550 : f32 to vector<16xf32>
          %mul3A_612 = arith.mulf %get3A_610, %mul3A_611 : vector<16xf32>
          %swap3A_613 = arith.index_cast %squeeze3A_552 : i32 to index
          %swap3A_614 = arith.constant 64 : index
          %swap3A_615 = tpu.vector_load %arg14[%swap3A_613, %swap3A_614] {strides = array<i32>} : memref<640x128xf32, #tpu.memory_space<vmem>>, vector<1x16xf32>,
          %swap3A_616 = vector.shape_cast %swap3A_615 : vector<1x16xf32> to vector<16xf32>
          %swap3A_617 = vector.shape_cast %mul3A_612 : vector<16xf32> to vector<1x16xf32>
          tpu.vector_store %arg14[%swap3A_613, %swap3A_614], %swap3A_617 {add = true, strides = array<i32>} : memref<640x128xf32, #tpu.memory_space<vmem>>, vector<1x16xf32>,
          %add3A_618 = arith.constant 4 : i32
          %add3A_619 = arith.addi %mul3A_97, %add3A_618 : i32
          %get3A_620 = arith.index_cast %add3A_619 : i32 to index
          %get3A_621 = arith.constant 80 : index
          %get3A_622 = tpu.vector_load %arg13[%get3A_620, %get3A_621] {strides = array<i32>} : memref<128x128xf32, #tpu.memory_space<vmem>>, vector<1x16xf32>,
          %get3A_623 = vector.shape_cast %get3A_622 : vector<1x16xf32> to vector<16xf32>
          %mul3A_624 = vector.broadcast %squeeze3A_550 : f32 to vector<16xf32>
          %mul3A_625 = arith.mulf %get3A_623, %mul3A_624 : vector<16xf32>
          %swap3A_626 = arith.index_cast %squeeze3A_552 : i32 to index
          %swap3A_627 = arith.constant 80 : index
          %swap3A_628 = tpu.vector_load %arg14[%swap3A_626, %swap3A_627] {strides = array<i32>} : memref<640x128xf32, #tpu.memory_space<vmem>>, vector<1x16xf32>,
          %swap3A_629 = vector.shape_cast %swap3A_628 : vector<1x16xf32> to vector<16xf32>
          %swap3A_630 = vector.shape_cast %mul3A_625 : vector<16xf32> to vector<1x16xf32>
          tpu.vector_store %arg14[%swap3A_626, %swap3A_627], %swap3A_630 {add = true, strides = array<i32>} : memref<640x128xf32, #tpu.memory_space<vmem>>, vector<1x16xf32>,
          %add3A_631 = arith.constant 4 : i32
          %add3A_632 = arith.addi %mul3A_97, %add3A_631 : i32
          %get3A_633 = arith.index_cast %add3A_632 : i32 to index
          %get3A_634 = arith.constant 96 : index
          %get3A_635 = tpu.vector_load %arg13[%get3A_633, %get3A_634] {strides = array<i32>} : memref<128x128xf32, #tpu.memory_space<vmem>>, vector<1x16xf32>,
          %get3A_636 = vector.shape_cast %get3A_635 : vector<1x16xf32> to vector<16xf32>
          %mul3A_637 = vector.broadcast %squeeze3A_550 : f32 to vector<16xf32>
          %mul3A_638 = arith.mulf %get3A_636, %mul3A_637 : vector<16xf32>
          %swap3A_639 = arith.index_cast %squeeze3A_552 : i32 to index
          %swap3A_640 = arith.constant 96 : index
          %swap3A_641 = tpu.vector_load %arg14[%swap3A_639, %swap3A_640] {strides = array<i32>} : memref<640x128xf32, #tpu.memory_space<vmem>>, vector<1x16xf32>,
          %swap3A_642 = vector.shape_cast %swap3A_641 : vector<1x16xf32> to vector<16xf32>
          %swap3A_643 = vector.shape_cast %mul3A_638 : vector<16xf32> to vector<1x16xf32>
          tpu.vector_store %arg14[%swap3A_639, %swap3A_640], %swap3A_643 {add = true, strides = array<i32>} : memref<640x128xf32, #tpu.memory_space<vmem>>, vector<1x16xf32>,
          %add3A_644 = arith.constant 4 : i32
          %add3A_645 = arith.addi %mul3A_97, %add3A_644 : i32
          %get3A_646 = arith.index_cast %add3A_645 : i32 to index
          %get3A_647 = arith.constant 112 : index
          %get3A_648 = tpu.vector_load %arg13[%get3A_646, %get3A_647] {strides = array<i32>} : memref<128x128xf32, #tpu.memory_space<vmem>>, vector<1x16xf32>,
          %get3A_649 = vector.shape_cast %get3A_648 : vector<1x16xf32> to vector<16xf32>
          %mul3A_650 = vector.broadcast %squeeze3A_550 : f32 to vector<16xf32>
          %mul3A_651 = arith.mulf %get3A_649, %mul3A_650 : vector<16xf32>
          %swap3A_652 = arith.index_cast %squeeze3A_552 : i32 to index
          %swap3A_653 = arith.constant 112 : index
          %swap3A_654 = tpu.vector_load %arg14[%swap3A_652, %swap3A_653] {strides = array<i32>} : memref<640x128xf32, #tpu.memory_space<vmem>>, vector<1x16xf32>,
          %swap3A_655 = vector.shape_cast %swap3A_654 : vector<1x16xf32> to vector<16xf32>
          %swap3A_656 = vector.shape_cast %mul3A_651 : vector<16xf32> to vector<1x16xf32>
          tpu.vector_store %arg14[%swap3A_652, %swap3A_653], %swap3A_656 {add = true, strides = array<i32>} : memref<640x128xf32, #tpu.memory_space<vmem>>, vector<1x16xf32>,
          %slice3A_657 = vector.extract_strided_slice %select_n3A_111 {offsets = [5], sizes = [1], strides = [1]} : vector<16xf32> to vector<1xf32>
          %squeeze3A_658 = vector.extract %slice3A_657[0] : f32 from vector<1xf32>
          %slice3A_659 = vector.extract_strided_slice %min3A_117 {offsets = [5], sizes = [1], strides = [1]} : vector<16xi32> to vector<1xi32>
          %squeeze3A_660 = vector.extract %slice3A_659[0] : i32 from vector<1xi32>
          %add3A_661 = arith.constant 5 : i32
          %add3A_662 = arith.addi %mul3A_97, %add3A_661 : i32
          %get3A_663 = arith.index_cast %add3A_662 : i32 to index
          %get3A_664 = arith.constant 0 : index
          %get3A_665 = tpu.vector_load %arg13[%get3A_663, %get3A_664] {strides = array<i32>} : memref<128x128xf32, #tpu.memory_space<vmem>>, vector<1x16xf32>,
          %get3A_666 = vector.shape_cast %get3A_665 : vector<1x16xf32> to vector<16xf32>
          %mul3A_667 = vector.broadcast %squeeze3A_658 : f32 to vector<16xf32>
          %mul3A_668 = arith.mulf %get3A_666, %mul3A_667 : vector<16xf32>
          %swap3A_669 = arith.index_cast %squeeze3A_660 : i32 to index
          %swap3A_670 = arith.constant 0 : index
          %swap3A_671 = tpu.vector_load %arg14[%swap3A_669, %swap3A_670] {strides = array<i32>} : memref<640x128xf32, #tpu.memory_space<vmem>>, vector<1x16xf32>,
          %swap3A_672 = vector.shape_cast %swap3A_671 : vector<1x16xf32> to vector<16xf32>
          %swap3A_673 = vector.shape_cast %mul3A_668 : vector<16xf32> to vector<1x16xf32>
          tpu.vector_store %arg14[%swap3A_669, %swap3A_670], %swap3A_673 {add = true, strides = array<i32>} : memref<640x128xf32, #tpu.memory_space<vmem>>, vector<1x16xf32>,
          %add3A_674 = arith.constant 5 : i32
          %add3A_675 = arith.addi %mul3A_97, %add3A_674 : i32
          %get3A_676 = arith.index_cast %add3A_675 : i32 to index
          %get3A_677 = arith.constant 16 : index
          %get3A_678 = tpu.vector_load %arg13[%get3A_676, %get3A_677] {strides = array<i32>} : memref<128x128xf32, #tpu.memory_space<vmem>>, vector<1x16xf32>,
          %get3A_679 = vector.shape_cast %get3A_678 : vector<1x16xf32> to vector<16xf32>
          %mul3A_680 = vector.broadcast %squeeze3A_658 : f32 to vector<16xf32>
          %mul3A_681 = arith.mulf %get3A_679, %mul3A_680 : vector<16xf32>
          %swap3A_682 = arith.index_cast %squeeze3A_660 : i32 to index
          %swap3A_683 = arith.constant 16 : index
          %swap3A_684 = tpu.vector_load %arg14[%swap3A_682, %swap3A_683] {strides = array<i32>} : memref<640x128xf32, #tpu.memory_space<vmem>>, vector<1x16xf32>,
          %swap3A_685 = vector.shape_cast %swap3A_684 : vector<1x16xf32> to vector<16xf32>
          %swap3A_686 = vector.shape_cast %mul3A_681 : vector<16xf32> to vector<1x16xf32>
          tpu.vector_store %arg14[%swap3A_682, %swap3A_683], %swap3A_686 {add = true, strides = array<i32>} : memref<640x128xf32, #tpu.memory_space<vmem>>, vector<1x16xf32>,
          %add3A_687 = arith.constant 5 : i32
          %add3A_688 = arith.addi %mul3A_97, %add3A_687 : i32
          %get3A_689 = arith.index_cast %add3A_688 : i32 to index
          %get3A_690 = arith.constant 32 : index
          %get3A_691 = tpu.vector_load %arg13[%get3A_689, %get3A_690] {strides = array<i32>} : memref<128x128xf32, #tpu.memory_space<vmem>>, vector<1x16xf32>,
          %get3A_692 = vector.shape_cast %get3A_691 : vector<1x16xf32> to vector<16xf32>
          %mul3A_693 = vector.broadcast %squeeze3A_658 : f32 to vector<16xf32>
          %mul3A_694 = arith.mulf %get3A_692, %mul3A_693 : vector<16xf32>
          %swap3A_695 = arith.index_cast %squeeze3A_660 : i32 to index
          %swap3A_696 = arith.constant 32 : index
          %swap3A_697 = tpu.vector_load %arg14[%swap3A_695, %swap3A_696] {strides = array<i32>} : memref<640x128xf32, #tpu.memory_space<vmem>>, vector<1x16xf32>,
          %swap3A_698 = vector.shape_cast %swap3A_697 : vector<1x16xf32> to vector<16xf32>
          %swap3A_699 = vector.shape_cast %mul3A_694 : vector<16xf32> to vector<1x16xf32>
          tpu.vector_store %arg14[%swap3A_695, %swap3A_696], %swap3A_699 {add = true, strides = array<i32>} : memref<640x128xf32, #tpu.memory_space<vmem>>, vector<1x16xf32>,
          %add3A_700 = arith.constant 5 : i32
          %add3A_701 = arith.addi %mul3A_97, %add3A_700 : i32
          %get3A_702 = arith.index_cast %add3A_701 : i32 to index
          %get3A_703 = arith.constant 48 : index
          %get3A_704 = tpu.vector_load %arg13[%get3A_702, %get3A_703] {strides = array<i32>} : memref<128x128xf32, #tpu.memory_space<vmem>>, vector<1x16xf32>,
          %get3A_705 = vector.shape_cast %get3A_704 : vector<1x16xf32> to vector<16xf32>
          %mul3A_706 = vector.broadcast %squeeze3A_658 : f32 to vector<16xf32>
          %mul3A_707 = arith.mulf %get3A_705, %mul3A_706 : vector<16xf32>
          %swap3A_708 = arith.index_cast %squeeze3A_660 : i32 to index
          %swap3A_709 = arith.constant 48 : index
          %swap3A_710 = tpu.vector_load %arg14[%swap3A_708, %swap3A_709] {strides = array<i32>} : memref<640x128xf32, #tpu.memory_space<vmem>>, vector<1x16xf32>,
          %swap3A_711 = vector.shape_cast %swap3A_710 : vector<1x16xf32> to vector<16xf32>
          %swap3A_712 = vector.shape_cast %mul3A_707 : vector<16xf32> to vector<1x16xf32>
          tpu.vector_store %arg14[%swap3A_708, %swap3A_709], %swap3A_712 {add = true, strides = array<i32>} : memref<640x128xf32, #tpu.memory_space<vmem>>, vector<1x16xf32>,
          %add3A_713 = arith.constant 5 : i32
          %add3A_714 = arith.addi %mul3A_97, %add3A_713 : i32
          %get3A_715 = arith.index_cast %add3A_714 : i32 to index
          %get3A_716 = arith.constant 64 : index
          %get3A_717 = tpu.vector_load %arg13[%get3A_715, %get3A_716] {strides = array<i32>} : memref<128x128xf32, #tpu.memory_space<vmem>>, vector<1x16xf32>,
          %get3A_718 = vector.shape_cast %get3A_717 : vector<1x16xf32> to vector<16xf32>
          %mul3A_719 = vector.broadcast %squeeze3A_658 : f32 to vector<16xf32>
          %mul3A_720 = arith.mulf %get3A_718, %mul3A_719 : vector<16xf32>
          %swap3A_721 = arith.index_cast %squeeze3A_660 : i32 to index
          %swap3A_722 = arith.constant 64 : index
          %swap3A_723 = tpu.vector_load %arg14[%swap3A_721, %swap3A_722] {strides = array<i32>} : memref<640x128xf32, #tpu.memory_space<vmem>>, vector<1x16xf32>,
          %swap3A_724 = vector.shape_cast %swap3A_723 : vector<1x16xf32> to vector<16xf32>
          %swap3A_725 = vector.shape_cast %mul3A_720 : vector<16xf32> to vector<1x16xf32>
          tpu.vector_store %arg14[%swap3A_721, %swap3A_722], %swap3A_725 {add = true, strides = array<i32>} : memref<640x128xf32, #tpu.memory_space<vmem>>, vector<1x16xf32>,
          %add3A_726 = arith.constant 5 : i32
          %add3A_727 = arith.addi %mul3A_97, %add3A_726 : i32
          %get3A_728 = arith.index_cast %add3A_727 : i32 to index
          %get3A_729 = arith.constant 80 : index
          %get3A_730 = tpu.vector_load %arg13[%get3A_728, %get3A_729] {strides = array<i32>} : memref<128x128xf32, #tpu.memory_space<vmem>>, vector<1x16xf32>,
          %get3A_731 = vector.shape_cast %get3A_730 : vector<1x16xf32> to vector<16xf32>
          %mul3A_732 = vector.broadcast %squeeze3A_658 : f32 to vector<16xf32>
          %mul3A_733 = arith.mulf %get3A_731, %mul3A_732 : vector<16xf32>
          %swap3A_734 = arith.index_cast %squeeze3A_660 : i32 to index
          %swap3A_735 = arith.constant 80 : index
          %swap3A_736 = tpu.vector_load %arg14[%swap3A_734, %swap3A_735] {strides = array<i32>} : memref<640x128xf32, #tpu.memory_space<vmem>>, vector<1x16xf32>,
          %swap3A_737 = vector.shape_cast %swap3A_736 : vector<1x16xf32> to vector<16xf32>
          %swap3A_738 = vector.shape_cast %mul3A_733 : vector<16xf32> to vector<1x16xf32>
          tpu.vector_store %arg14[%swap3A_734, %swap3A_735], %swap3A_738 {add = true, strides = array<i32>} : memref<640x128xf32, #tpu.memory_space<vmem>>, vector<1x16xf32>,
          %add3A_739 = arith.constant 5 : i32
          %add3A_740 = arith.addi %mul3A_97, %add3A_739 : i32
          %get3A_741 = arith.index_cast %add3A_740 : i32 to index
          %get3A_742 = arith.constant 96 : index
          %get3A_743 = tpu.vector_load %arg13[%get3A_741, %get3A_742] {strides = array<i32>} : memref<128x128xf32, #tpu.memory_space<vmem>>, vector<1x16xf32>,
          %get3A_744 = vector.shape_cast %get3A_743 : vector<1x16xf32> to vector<16xf32>
          %mul3A_745 = vector.broadcast %squeeze3A_658 : f32 to vector<16xf32>
          %mul3A_746 = arith.mulf %get3A_744, %mul3A_745 : vector<16xf32>
          %swap3A_747 = arith.index_cast %squeeze3A_660 : i32 to index
          %swap3A_748 = arith.constant 96 : index
          %swap3A_749 = tpu.vector_load %arg14[%swap3A_747, %swap3A_748] {strides = array<i32>} : memref<640x128xf32, #tpu.memory_space<vmem>>, vector<1x16xf32>,
          %swap3A_750 = vector.shape_cast %swap3A_749 : vector<1x16xf32> to vector<16xf32>
          %swap3A_751 = vector.shape_cast %mul3A_746 : vector<16xf32> to vector<1x16xf32>
          tpu.vector_store %arg14[%swap3A_747, %swap3A_748], %swap3A_751 {add = true, strides = array<i32>} : memref<640x128xf32, #tpu.memory_space<vmem>>, vector<1x16xf32>,
          %add3A_752 = arith.constant 5 : i32
          %add3A_753 = arith.addi %mul3A_97, %add3A_752 : i32
          %get3A_754 = arith.index_cast %add3A_753 : i32 to index
          %get3A_755 = arith.constant 112 : index
          %get3A_756 = tpu.vector_load %arg13[%get3A_754, %get3A_755] {strides = array<i32>} : memref<128x128xf32, #tpu.memory_space<vmem>>, vector<1x16xf32>,
          %get3A_757 = vector.shape_cast %get3A_756 : vector<1x16xf32> to vector<16xf32>
          %mul3A_758 = vector.broadcast %squeeze3A_658 : f32 to vector<16xf32>
          %mul3A_759 = arith.mulf %get3A_757, %mul3A_758 : vector<16xf32>
          %swap3A_760 = arith.index_cast %squeeze3A_660 : i32 to index
          %swap3A_761 = arith.constant 112 : index
          %swap3A_762 = tpu.vector_load %arg14[%swap3A_760, %swap3A_761] {strides = array<i32>} : memref<640x128xf32, #tpu.memory_space<vmem>>, vector<1x16xf32>,
          %swap3A_763 = vector.shape_cast %swap3A_762 : vector<1x16xf32> to vector<16xf32>
          %swap3A_764 = vector.shape_cast %mul3A_759 : vector<16xf32> to vector<1x16xf32>
          tpu.vector_store %arg14[%swap3A_760, %swap3A_761], %swap3A_764 {add = true, strides = array<i32>} : memref<640x128xf32, #tpu.memory_space<vmem>>, vector<1x16xf32>,
          %slice3A_765 = vector.extract_strided_slice %select_n3A_111 {offsets = [6], sizes = [1], strides = [1]} : vector<16xf32> to vector<1xf32>
          %squeeze3A_766 = vector.extract %slice3A_765[0] : f32 from vector<1xf32>
          %slice3A_767 = vector.extract_strided_slice %min3A_117 {offsets = [6], sizes = [1], strides = [1]} : vector<16xi32> to vector<1xi32>
          %squeeze3A_768 = vector.extract %slice3A_767[0] : i32 from vector<1xi32>
          %add3A_769 = arith.constant 6 : i32
          %add3A_770 = arith.addi %mul3A_97, %add3A_769 : i32
          %get3A_771 = arith.index_cast %add3A_770 : i32 to index
          %get3A_772 = arith.constant 0 : index
          %get3A_773 = tpu.vector_load %arg13[%get3A_771, %get3A_772] {strides = array<i32>} : memref<128x128xf32, #tpu.memory_space<vmem>>, vector<1x16xf32>,
          %get3A_774 = vector.shape_cast %get3A_773 : vector<1x16xf32> to vector<16xf32>
          %mul3A_775 = vector.broadcast %squeeze3A_766 : f32 to vector<16xf32>
          %mul3A_776 = arith.mulf %get3A_774, %mul3A_775 : vector<16xf32>
          %swap3A_777 = arith.index_cast %squeeze3A_768 : i32 to index
          %swap3A_778 = arith.constant 0 : index
          %swap3A_779 = tpu.vector_load %arg14[%swap3A_777, %swap3A_778] {strides = array<i32>} : memref<640x128xf32, #tpu.memory_space<vmem>>, vector<1x16xf32>,
          %swap3A_780 = vector.shape_cast %swap3A_779 : vector<1x16xf32> to vector<16xf32>
          %swap3A_781 = vector.shape_cast %mul3A_776 : vector<16xf32> to vector<1x16xf32>
          tpu.vector_store %arg14[%swap3A_777, %swap3A_778], %swap3A_781 {add = true, strides = array<i32>} : memref<640x128xf32, #tpu.memory_space<vmem>>, vector<1x16xf32>,
          %add3A_782 = arith.constant 6 : i32
          %add3A_783 = arith.addi %mul3A_97, %add3A_782 : i32
          %get3A_784 = arith.index_cast %add3A_783 : i32 to index
          %get3A_785 = arith.constant 16 : index
          %get3A_786 = tpu.vector_load %arg13[%get3A_784, %get3A_785] {strides = array<i32>} : memref<128x128xf32, #tpu.memory_space<vmem>>, vector<1x16xf32>,
          %get3A_787 = vector.shape_cast %get3A_786 : vector<1x16xf32> to vector<16xf32>
          %mul3A_788 = vector.broadcast %squeeze3A_766 : f32 to vector<16xf32>
          %mul3A_789 = arith.mulf %get3A_787, %mul3A_788 : vector<16xf32>
          %swap3A_790 = arith.index_cast %squeeze3A_768 : i32 to index
          %swap3A_791 = arith.constant 16 : index
          %swap3A_792 = tpu.vector_load %arg14[%swap3A_790, %swap3A_791] {strides = array<i32>} : memref<640x128xf32, #tpu.memory_space<vmem>>, vector<1x16xf32>,
          %swap3A_793 = vector.shape_cast %swap3A_792 : vector<1x16xf32> to vector<16xf32>
          %swap3A_794 = vector.shape_cast %mul3A_789 : vector<16xf32> to vector<1x16xf32>
          tpu.vector_store %arg14[%swap3A_790, %swap3A_791], %swap3A_794 {add = true, strides = array<i32>} : memref<640x128xf32, #tpu.memory_space<vmem>>, vector<1x16xf32>,
          %add3A_795 = arith.constant 6 : i32
          %add3A_796 = arith.addi %mul3A_97, %add3A_795 : i32
          %get3A_797 = arith.index_cast %add3A_796 : i32 to index
          %get3A_798 = arith.constant 32 : index
          %get3A_799 = tpu.vector_load %arg13[%get3A_797, %get3A_798] {strides = array<i32>} : memref<128x128xf32, #tpu.memory_space<vmem>>, vector<1x16xf32>,
          %get3A_800 = vector.shape_cast %get3A_799 : vector<1x16xf32> to vector<16xf32>
          %mul3A_801 = vector.broadcast %squeeze3A_766 : f32 to vector<16xf32>
          %mul3A_802 = arith.mulf %get3A_800, %mul3A_801 : vector<16xf32>
          %swap3A_803 = arith.index_cast %squeeze3A_768 : i32 to index
          %swap3A_804 = arith.constant 32 : index
          %swap3A_805 = tpu.vector_load %arg14[%swap3A_803, %swap3A_804] {strides = array<i32>} : memref<640x128xf32, #tpu.memory_space<vmem>>, vector<1x16xf32>,
          %swap3A_806 = vector.shape_cast %swap3A_805 : vector<1x16xf32> to vector<16xf32>
          %swap3A_807 = vector.shape_cast %mul3A_802 : vector<16xf32> to vector<1x16xf32>
          tpu.vector_store %arg14[%swap3A_803, %swap3A_804], %swap3A_807 {add = true, strides = array<i32>} : memref<640x128xf32, #tpu.memory_space<vmem>>, vector<1x16xf32>,
          %add3A_808 = arith.constant 6 : i32
          %add3A_809 = arith.addi %mul3A_97, %add3A_808 : i32
          %get3A_810 = arith.index_cast %add3A_809 : i32 to index
          %get3A_811 = arith.constant 48 : index
          %get3A_812 = tpu.vector_load %arg13[%get3A_810, %get3A_811] {strides = array<i32>} : memref<128x128xf32, #tpu.memory_space<vmem>>, vector<1x16xf32>,
          %get3A_813 = vector.shape_cast %get3A_812 : vector<1x16xf32> to vector<16xf32>
          %mul3A_814 = vector.broadcast %squeeze3A_766 : f32 to vector<16xf32>
          %mul3A_815 = arith.mulf %get3A_813, %mul3A_814 : vector<16xf32>
          %swap3A_816 = arith.index_cast %squeeze3A_768 : i32 to index
          %swap3A_817 = arith.constant 48 : index
          %swap3A_818 = tpu.vector_load %arg14[%swap3A_816, %swap3A_817] {strides = array<i32>} : memref<640x128xf32, #tpu.memory_space<vmem>>, vector<1x16xf32>,
          %swap3A_819 = vector.shape_cast %swap3A_818 : vector<1x16xf32> to vector<16xf32>
          %swap3A_820 = vector.shape_cast %mul3A_815 : vector<16xf32> to vector<1x16xf32>
          tpu.vector_store %arg14[%swap3A_816, %swap3A_817], %swap3A_820 {add = true, strides = array<i32>} : memref<640x128xf32, #tpu.memory_space<vmem>>, vector<1x16xf32>,
          %add3A_821 = arith.constant 6 : i32
          %add3A_822 = arith.addi %mul3A_97, %add3A_821 : i32
          %get3A_823 = arith.index_cast %add3A_822 : i32 to index
          %get3A_824 = arith.constant 64 : index
          %get3A_825 = tpu.vector_load %arg13[%get3A_823, %get3A_824] {strides = array<i32>} : memref<128x128xf32, #tpu.memory_space<vmem>>, vector<1x16xf32>,
          %get3A_826 = vector.shape_cast %get3A_825 : vector<1x16xf32> to vector<16xf32>
          %mul3A_827 = vector.broadcast %squeeze3A_766 : f32 to vector<16xf32>
          %mul3A_828 = arith.mulf %get3A_826, %mul3A_827 : vector<16xf32>
          %swap3A_829 = arith.index_cast %squeeze3A_768 : i32 to index
          %swap3A_830 = arith.constant 64 : index
          %swap3A_831 = tpu.vector_load %arg14[%swap3A_829, %swap3A_830] {strides = array<i32>} : memref<640x128xf32, #tpu.memory_space<vmem>>, vector<1x16xf32>,
          %swap3A_832 = vector.shape_cast %swap3A_831 : vector<1x16xf32> to vector<16xf32>
          %swap3A_833 = vector.shape_cast %mul3A_828 : vector<16xf32> to vector<1x16xf32>
          tpu.vector_store %arg14[%swap3A_829, %swap3A_830], %swap3A_833 {add = true, strides = array<i32>} : memref<640x128xf32, #tpu.memory_space<vmem>>, vector<1x16xf32>,
          %add3A_834 = arith.constant 6 : i32
          %add3A_835 = arith.addi %mul3A_97, %add3A_834 : i32
          %get3A_836 = arith.index_cast %add3A_835 : i32 to index
          %get3A_837 = arith.constant 80 : index
          %get3A_838 = tpu.vector_load %arg13[%get3A_836, %get3A_837] {strides = array<i32>} : memref<128x128xf32, #tpu.memory_space<vmem>>, vector<1x16xf32>,
          %get3A_839 = vector.shape_cast %get3A_838 : vector<1x16xf32> to vector<16xf32>
          %mul3A_840 = vector.broadcast %squeeze3A_766 : f32 to vector<16xf32>
          %mul3A_841 = arith.mulf %get3A_839, %mul3A_840 : vector<16xf32>
          %swap3A_842 = arith.index_cast %squeeze3A_768 : i32 to index
          %swap3A_843 = arith.constant 80 : index
          %swap3A_844 = tpu.vector_load %arg14[%swap3A_842, %swap3A_843] {strides = array<i32>} : memref<640x128xf32, #tpu.memory_space<vmem>>, vector<1x16xf32>,
          %swap3A_845 = vector.shape_cast %swap3A_844 : vector<1x16xf32> to vector<16xf32>
          %swap3A_846 = vector.shape_cast %mul3A_841 : vector<16xf32> to vector<1x16xf32>
          tpu.vector_store %arg14[%swap3A_842, %swap3A_843], %swap3A_846 {add = true, strides = array<i32>} : memref<640x128xf32, #tpu.memory_space<vmem>>, vector<1x16xf32>,
          %add3A_847 = arith.constant 6 : i32
          %add3A_848 = arith.addi %mul3A_97, %add3A_847 : i32
          %get3A_849 = arith.index_cast %add3A_848 : i32 to index
          %get3A_850 = arith.constant 96 : index
          %get3A_851 = tpu.vector_load %arg13[%get3A_849, %get3A_850] {strides = array<i32>} : memref<128x128xf32, #tpu.memory_space<vmem>>, vector<1x16xf32>,
          %get3A_852 = vector.shape_cast %get3A_851 : vector<1x16xf32> to vector<16xf32>
          %mul3A_853 = vector.broadcast %squeeze3A_766 : f32 to vector<16xf32>
          %mul3A_854 = arith.mulf %get3A_852, %mul3A_853 : vector<16xf32>
          %swap3A_855 = arith.index_cast %squeeze3A_768 : i32 to index
          %swap3A_856 = arith.constant 96 : index
          %swap3A_857 = tpu.vector_load %arg14[%swap3A_855, %swap3A_856] {strides = array<i32>} : memref<640x128xf32, #tpu.memory_space<vmem>>, vector<1x16xf32>,
          %swap3A_858 = vector.shape_cast %swap3A_857 : vector<1x16xf32> to vector<16xf32>
          %swap3A_859 = vector.shape_cast %mul3A_854 : vector<16xf32> to vector<1x16xf32>
          tpu.vector_store %arg14[%swap3A_855, %swap3A_856], %swap3A_859 {add = true, strides = array<i32>} : memref<640x128xf32, #tpu.memory_space<vmem>>, vector<1x16xf32>,
          %add3A_860 = arith.constant 6 : i32
          %add3A_861 = arith.addi %mul3A_97, %add3A_860 : i32
          %get3A_862 = arith.index_cast %add3A_861 : i32 to index
          %get3A_863 = arith.constant 112 : index
          %get3A_864 = tpu.vector_load %arg13[%get3A_862, %get3A_863] {strides = array<i32>} : memref<128x128xf32, #tpu.memory_space<vmem>>, vector<1x16xf32>,
          %get3A_865 = vector.shape_cast %get3A_864 : vector<1x16xf32> to vector<16xf32>
          %mul3A_866 = vector.broadcast %squeeze3A_766 : f32 to vector<16xf32>
          %mul3A_867 = arith.mulf %get3A_865, %mul3A_866 : vector<16xf32>
          %swap3A_868 = arith.index_cast %squeeze3A_768 : i32 to index
          %swap3A_869 = arith.constant 112 : index
          %swap3A_870 = tpu.vector_load %arg14[%swap3A_868, %swap3A_869] {strides = array<i32>} : memref<640x128xf32, #tpu.memory_space<vmem>>, vector<1x16xf32>,
          %swap3A_871 = vector.shape_cast %swap3A_870 : vector<1x16xf32> to vector<16xf32>
          %swap3A_872 = vector.shape_cast %mul3A_867 : vector<16xf32> to vector<1x16xf32>
          tpu.vector_store %arg14[%swap3A_868, %swap3A_869], %swap3A_872 {add = true, strides = array<i32>} : memref<640x128xf32, #tpu.memory_space<vmem>>, vector<1x16xf32>,
          %slice3A_873 = vector.extract_strided_slice %select_n3A_111 {offsets = [7], sizes = [1], strides = [1]} : vector<16xf32> to vector<1xf32>
          %squeeze3A_874 = vector.extract %slice3A_873[0] : f32 from vector<1xf32>
          %slice3A_875 = vector.extract_strided_slice %min3A_117 {offsets = [7], sizes = [1], strides = [1]} : vector<16xi32> to vector<1xi32>
          %squeeze3A_876 = vector.extract %slice3A_875[0] : i32 from vector<1xi32>
          %add3A_877 = arith.constant 7 : i32
          %add3A_878 = arith.addi %mul3A_97, %add3A_877 : i32
          %get3A_879 = arith.index_cast %add3A_878 : i32 to index
          %get3A_880 = arith.constant 0 : index
          %get3A_881 = tpu.vector_load %arg13[%get3A_879, %get3A_880] {strides = array<i32>} : memref<128x128xf32, #tpu.memory_space<vmem>>, vector<1x16xf32>,
          %get3A_882 = vector.shape_cast %get3A_881 : vector<1x16xf32> to vector<16xf32>
          %mul3A_883 = vector.broadcast %squeeze3A_874 : f32 to vector<16xf32>
          %mul3A_884 = arith.mulf %get3A_882, %mul3A_883 : vector<16xf32>
          %swap3A_885 = arith.index_cast %squeeze3A_876 : i32 to index
          %swap3A_886 = arith.constant 0 : index
          %swap3A_887 = tpu.vector_load %arg14[%swap3A_885, %swap3A_886] {strides = array<i32>} : memref<640x128xf32, #tpu.memory_space<vmem>>, vector<1x16xf32>,
          %swap3A_888 = vector.shape_cast %swap3A_887 : vector<1x16xf32> to vector<16xf32>
          %swap3A_889 = vector.shape_cast %mul3A_884 : vector<16xf32> to vector<1x16xf32>
          tpu.vector_store %arg14[%swap3A_885, %swap3A_886], %swap3A_889 {add = true, strides = array<i32>} : memref<640x128xf32, #tpu.memory_space<vmem>>, vector<1x16xf32>,
          %add3A_890 = arith.constant 7 : i32
          %add3A_891 = arith.addi %mul3A_97, %add3A_890 : i32
          %get3A_892 = arith.index_cast %add3A_891 : i32 to index
          %get3A_893 = arith.constant 16 : index
          %get3A_894 = tpu.vector_load %arg13[%get3A_892, %get3A_893] {strides = array<i32>} : memref<128x128xf32, #tpu.memory_space<vmem>>, vector<1x16xf32>,
          %get3A_895 = vector.shape_cast %get3A_894 : vector<1x16xf32> to vector<16xf32>
          %mul3A_896 = vector.broadcast %squeeze3A_874 : f32 to vector<16xf32>
          %mul3A_897 = arith.mulf %get3A_895, %mul3A_896 : vector<16xf32>
          %swap3A_898 = arith.index_cast %squeeze3A_876 : i32 to index
          %swap3A_899 = arith.constant 16 : index
          %swap3A_900 = tpu.vector_load %arg14[%swap3A_898, %swap3A_899] {strides = array<i32>} : memref<640x128xf32, #tpu.memory_space<vmem>>, vector<1x16xf32>,
          %swap3A_901 = vector.shape_cast %swap3A_900 : vector<1x16xf32> to vector<16xf32>
          %swap3A_902 = vector.shape_cast %mul3A_897 : vector<16xf32> to vector<1x16xf32>
          tpu.vector_store %arg14[%swap3A_898, %swap3A_899], %swap3A_902 {add = true, strides = array<i32>} : memref<640x128xf32, #tpu.memory_space<vmem>>, vector<1x16xf32>,
          %add3A_903 = arith.constant 7 : i32
          %add3A_904 = arith.addi %mul3A_97, %add3A_903 : i32
          %get3A_905 = arith.index_cast %add3A_904 : i32 to index
          %get3A_906 = arith.constant 32 : index
          %get3A_907 = tpu.vector_load %arg13[%get3A_905, %get3A_906] {strides = array<i32>} : memref<128x128xf32, #tpu.memory_space<vmem>>, vector<1x16xf32>,
          %get3A_908 = vector.shape_cast %get3A_907 : vector<1x16xf32> to vector<16xf32>
          %mul3A_909 = vector.broadcast %squeeze3A_874 : f32 to vector<16xf32>
          %mul3A_910 = arith.mulf %get3A_908, %mul3A_909 : vector<16xf32>
          %swap3A_911 = arith.index_cast %squeeze3A_876 : i32 to index
          %swap3A_912 = arith.constant 32 : index
          %swap3A_913 = tpu.vector_load %arg14[%swap3A_911, %swap3A_912] {strides = array<i32>} : memref<640x128xf32, #tpu.memory_space<vmem>>, vector<1x16xf32>,
          %swap3A_914 = vector.shape_cast %swap3A_913 : vector<1x16xf32> to vector<16xf32>
          %swap3A_915 = vector.shape_cast %mul3A_910 : vector<16xf32> to vector<1x16xf32>
          tpu.vector_store %arg14[%swap3A_911, %swap3A_912], %swap3A_915 {add = true, strides = array<i32>} : memref<640x128xf32, #tpu.memory_space<vmem>>, vector<1x16xf32>,
          %add3A_916 = arith.constant 7 : i32
          %add3A_917 = arith.addi %mul3A_97, %add3A_916 : i32
          %get3A_918 = arith.index_cast %add3A_917 : i32 to index
          %get3A_919 = arith.constant 48 : index
          %get3A_920 = tpu.vector_load %arg13[%get3A_918, %get3A_919] {strides = array<i32>} : memref<128x128xf32, #tpu.memory_space<vmem>>, vector<1x16xf32>,
          %get3A_921 = vector.shape_cast %get3A_920 : vector<1x16xf32> to vector<16xf32>
          %mul3A_922 = vector.broadcast %squeeze3A_874 : f32 to vector<16xf32>
          %mul3A_923 = arith.mulf %get3A_921, %mul3A_922 : vector<16xf32>
          %swap3A_924 = arith.index_cast %squeeze3A_876 : i32 to index
          %swap3A_925 = arith.constant 48 : index
          %swap3A_926 = tpu.vector_load %arg14[%swap3A_924, %swap3A_925] {strides = array<i32>} : memref<640x128xf32, #tpu.memory_space<vmem>>, vector<1x16xf32>,
          %swap3A_927 = vector.shape_cast %swap3A_926 : vector<1x16xf32> to vector<16xf32>
          %swap3A_928 = vector.shape_cast %mul3A_923 : vector<16xf32> to vector<1x16xf32>
          tpu.vector_store %arg14[%swap3A_924, %swap3A_925], %swap3A_928 {add = true, strides = array<i32>} : memref<640x128xf32, #tpu.memory_space<vmem>>, vector<1x16xf32>,
          %add3A_929 = arith.constant 7 : i32
          %add3A_930 = arith.addi %mul3A_97, %add3A_929 : i32
          %get3A_931 = arith.index_cast %add3A_930 : i32 to index
          %get3A_932 = arith.constant 64 : index
          %get3A_933 = tpu.vector_load %arg13[%get3A_931, %get3A_932] {strides = array<i32>} : memref<128x128xf32, #tpu.memory_space<vmem>>, vector<1x16xf32>,
          %get3A_934 = vector.shape_cast %get3A_933 : vector<1x16xf32> to vector<16xf32>
          %mul3A_935 = vector.broadcast %squeeze3A_874 : f32 to vector<16xf32>
          %mul3A_936 = arith.mulf %get3A_934, %mul3A_935 : vector<16xf32>
          %swap3A_937 = arith.index_cast %squeeze3A_876 : i32 to index
          %swap3A_938 = arith.constant 64 : index
          %swap3A_939 = tpu.vector_load %arg14[%swap3A_937, %swap3A_938] {strides = array<i32>} : memref<640x128xf32, #tpu.memory_space<vmem>>, vector<1x16xf32>,
          %swap3A_940 = vector.shape_cast %swap3A_939 : vector<1x16xf32> to vector<16xf32>
          %swap3A_941 = vector.shape_cast %mul3A_936 : vector<16xf32> to vector<1x16xf32>
          tpu.vector_store %arg14[%swap3A_937, %swap3A_938], %swap3A_941 {add = true, strides = array<i32>} : memref<640x128xf32, #tpu.memory_space<vmem>>, vector<1x16xf32>,
          %add3A_942 = arith.constant 7 : i32
          %add3A_943 = arith.addi %mul3A_97, %add3A_942 : i32
          %get3A_944 = arith.index_cast %add3A_943 : i32 to index
          %get3A_945 = arith.constant 80 : index
          %get3A_946 = tpu.vector_load %arg13[%get3A_944, %get3A_945] {strides = array<i32>} : memref<128x128xf32, #tpu.memory_space<vmem>>, vector<1x16xf32>,
          %get3A_947 = vector.shape_cast %get3A_946 : vector<1x16xf32> to vector<16xf32>
          %mul3A_948 = vector.broadcast %squeeze3A_874 : f32 to vector<16xf32>
          %mul3A_949 = arith.mulf %get3A_947, %mul3A_948 : vector<16xf32>
          %swap3A_950 = arith.index_cast %squeeze3A_876 : i32 to index
          %swap3A_951 = arith.constant 80 : index
          %swap3A_952 = tpu.vector_load %arg14[%swap3A_950, %swap3A_951] {strides = array<i32>} : memref<640x128xf32, #tpu.memory_space<vmem>>, vector<1x16xf32>,
          %swap3A_953 = vector.shape_cast %swap3A_952 : vector<1x16xf32> to vector<16xf32>
          %swap3A_954 = vector.shape_cast %mul3A_949 : vector<16xf32> to vector<1x16xf32>
          tpu.vector_store %arg14[%swap3A_950, %swap3A_951], %swap3A_954 {add = true, strides = array<i32>} : memref<640x128xf32, #tpu.memory_space<vmem>>, vector<1x16xf32>,
          %add3A_955 = arith.constant 7 : i32
          %add3A_956 = arith.addi %mul3A_97, %add3A_955 : i32
          %get3A_957 = arith.index_cast %add3A_956 : i32 to index
          %get3A_958 = arith.constant 96 : index
          %get3A_959 = tpu.vector_load %arg13[%get3A_957, %get3A_958] {strides = array<i32>} : memref<128x128xf32, #tpu.memory_space<vmem>>, vector<1x16xf32>,
          %get3A_960 = vector.shape_cast %get3A_959 : vector<1x16xf32> to vector<16xf32>
          %mul3A_961 = vector.broadcast %squeeze3A_874 : f32 to vector<16xf32>
          %mul3A_962 = arith.mulf %get3A_960, %mul3A_961 : vector<16xf32>
          %swap3A_963 = arith.index_cast %squeeze3A_876 : i32 to index
          %swap3A_964 = arith.constant 96 : index
          %swap3A_965 = tpu.vector_load %arg14[%swap3A_963, %swap3A_964] {strides = array<i32>} : memref<640x128xf32, #tpu.memory_space<vmem>>, vector<1x16xf32>,
          %swap3A_966 = vector.shape_cast %swap3A_965 : vector<1x16xf32> to vector<16xf32>
          %swap3A_967 = vector.shape_cast %mul3A_962 : vector<16xf32> to vector<1x16xf32>
          tpu.vector_store %arg14[%swap3A_963, %swap3A_964], %swap3A_967 {add = true, strides = array<i32>} : memref<640x128xf32, #tpu.memory_space<vmem>>, vector<1x16xf32>,
          %add3A_968 = arith.constant 7 : i32
          %add3A_969 = arith.addi %mul3A_97, %add3A_968 : i32
          %get3A_970 = arith.index_cast %add3A_969 : i32 to index
          %get3A_971 = arith.constant 112 : index
          %get3A_972 = tpu.vector_load %arg13[%get3A_970, %get3A_971] {strides = array<i32>} : memref<128x128xf32, #tpu.memory_space<vmem>>, vector<1x16xf32>,
          %get3A_973 = vector.shape_cast %get3A_972 : vector<1x16xf32> to vector<16xf32>
          %mul3A_974 = vector.broadcast %squeeze3A_874 : f32 to vector<16xf32>
          %mul3A_975 = arith.mulf %get3A_973, %mul3A_974 : vector<16xf32>
          %swap3A_976 = arith.index_cast %squeeze3A_876 : i32 to index
          %swap3A_977 = arith.constant 112 : index
          %swap3A_978 = tpu.vector_load %arg14[%swap3A_976, %swap3A_977] {strides = array<i32>} : memref<640x128xf32, #tpu.memory_space<vmem>>, vector<1x16xf32>,
          %swap3A_979 = vector.shape_cast %swap3A_978 : vector<1x16xf32> to vector<16xf32>
          %swap3A_980 = vector.shape_cast %mul3A_975 : vector<16xf32> to vector<1x16xf32>
          tpu.vector_store %arg14[%swap3A_976, %swap3A_977], %swap3A_980 {add = true, strides = array<i32>} : memref<640x128xf32, #tpu.memory_space<vmem>>, vector<1x16xf32>,
          %slice3A_981 = vector.extract_strided_slice %select_n3A_111 {offsets = [8], sizes = [1], strides = [1]} : vector<16xf32> to vector<1xf32>
          %squeeze3A_982 = vector.extract %slice3A_981[0] : f32 from vector<1xf32>
          %slice3A_983 = vector.extract_strided_slice %min3A_117 {offsets = [8], sizes = [1], strides = [1]} : vector<16xi32> to vector<1xi32>
          %squeeze3A_984 = vector.extract %slice3A_983[0] : i32 from vector<1xi32>
          %add3A_985 = arith.constant 8 : i32
          %add3A_986 = arith.addi %mul3A_97, %add3A_985 : i32
          %get3A_987 = arith.index_cast %add3A_986 : i32 to index
          %get3A_988 = arith.constant 0 : index
          %get3A_989 = tpu.vector_load %arg13[%get3A_987, %get3A_988] {strides = array<i32>} : memref<128x128xf32, #tpu.memory_space<vmem>>, vector<1x16xf32>,
          %get3A_990 = vector.shape_cast %get3A_989 : vector<1x16xf32> to vector<16xf32>
          %mul3A_991 = vector.broadcast %squeeze3A_982 : f32 to vector<16xf32>
          %mul3A_992 = arith.mulf %get3A_990, %mul3A_991 : vector<16xf32>
          %swap3A_993 = arith.index_cast %squeeze3A_984 : i32 to index
          %swap3A_994 = arith.constant 0 : index
          %swap3A_995 = tpu.vector_load %arg14[%swap3A_993, %swap3A_994] {strides = array<i32>} : memref<640x128xf32, #tpu.memory_space<vmem>>, vector<1x16xf32>,
          %swap3A_996 = vector.shape_cast %swap3A_995 : vector<1x16xf32> to vector<16xf32>
          %swap3A_997 = vector.shape_cast %mul3A_992 : vector<16xf32> to vector<1x16xf32>
          tpu.vector_store %arg14[%swap3A_993, %swap3A_994], %swap3A_997 {add = true, strides = array<i32>} : memref<640x128xf32, #tpu.memory_space<vmem>>, vector<1x16xf32>,
          %add3A_998 = arith.constant 8 : i32
          %add3A_999 = arith.addi %mul3A_97, %add3A_998 : i32
          %get3A_1000 = arith.index_cast %add3A_999 : i32 to index
          %get3A_1001 = arith.constant 16 : index
          %get3A_1002 = tpu.vector_load %arg13[%get3A_1000, %get3A_1001] {strides = array<i32>} : memref<128x128xf32, #tpu.memory_space<vmem>>, vector<1x16xf32>,
          %get3A_1003 = vector.shape_cast %get3A_1002 : vector<1x16xf32> to vector<16xf32>
          %mul3A_1004 = vector.broadcast %squeeze3A_982 : f32 to vector<16xf32>
          %mul3A_1005 = arith.mulf %get3A_1003, %mul3A_1004 : vector<16xf32>
          %swap3A_1006 = arith.index_cast %squeeze3A_984 : i32 to index
          %swap3A_1007 = arith.constant 16 : index
          %swap3A_1008 = tpu.vector_load %arg14[%swap3A_1006, %swap3A_1007] {strides = array<i32>} : memref<640x128xf32, #tpu.memory_space<vmem>>, vector<1x16xf32>,
          %swap3A_1009 = vector.shape_cast %swap3A_1008 : vector<1x16xf32> to vector<16xf32>
          %swap3A_1010 = vector.shape_cast %mul3A_1005 : vector<16xf32> to vector<1x16xf32>
          tpu.vector_store %arg14[%swap3A_1006, %swap3A_1007], %swap3A_1010 {add = true, strides = array<i32>} : memref<640x128xf32, #tpu.memory_space<vmem>>, vector<1x16xf32>,
          %add3A_1011 = arith.constant 8 : i32
          %add3A_1012 = arith.addi %mul3A_97, %add3A_1011 : i32
          %get3A_1013 = arith.index_cast %add3A_1012 : i32 to index
          %get3A_1014 = arith.constant 32 : index
          %get3A_1015 = tpu.vector_load %arg13[%get3A_1013, %get3A_1014] {strides = array<i32>} : memref<128x128xf32, #tpu.memory_space<vmem>>, vector<1x16xf32>,
          %get3A_1016 = vector.shape_cast %get3A_1015 : vector<1x16xf32> to vector<16xf32>
          %mul3A_1017 = vector.broadcast %squeeze3A_982 : f32 to vector<16xf32>
          %mul3A_1018 = arith.mulf %get3A_1016, %mul3A_1017 : vector<16xf32>
          %swap3A_1019 = arith.index_cast %squeeze3A_984 : i32 to index
          %swap3A_1020 = arith.constant 32 : index
          %swap3A_1021 = tpu.vector_load %arg14[%swap3A_1019, %swap3A_1020] {strides = array<i32>} : memref<640x128xf32, #tpu.memory_space<vmem>>, vector<1x16xf32>,
          %swap3A_1022 = vector.shape_cast %swap3A_1021 : vector<1x16xf32> to vector<16xf32>
          %swap3A_1023 = vector.shape_cast %mul3A_1018 : vector<16xf32> to vector<1x16xf32>
          tpu.vector_store %arg14[%swap3A_1019, %swap3A_1020], %swap3A_1023 {add = true, strides = array<i32>} : memref<640x128xf32, #tpu.memory_space<vmem>>, vector<1x16xf32>,
          %add3A_1024 = arith.constant 8 : i32
          %add3A_1025 = arith.addi %mul3A_97, %add3A_1024 : i32
          %get3A_1026 = arith.index_cast %add3A_1025 : i32 to index
          %get3A_1027 = arith.constant 48 : index
          %get3A_1028 = tpu.vector_load %arg13[%get3A_1026, %get3A_1027] {strides = array<i32>} : memref<128x128xf32, #tpu.memory_space<vmem>>, vector<1x16xf32>,
          %get3A_1029 = vector.shape_cast %get3A_1028 : vector<1x16xf32> to vector<16xf32>
          %mul3A_1030 = vector.broadcast %squeeze3A_982 : f32 to vector<16xf32>
          %mul3A_1031 = arith.mulf %get3A_1029, %mul3A_1030 : vector<16xf32>
          %swap3A_1032 = arith.index_cast %squeeze3A_984 : i32 to index
          %swap3A_1033 = arith.constant 48 : index
          %swap3A_1034 = tpu.vector_load %arg14[%swap3A_1032, %swap3A_1033] {strides = array<i32>} : memref<640x128xf32, #tpu.memory_space<vmem>>, vector<1x16xf32>,
          %swap3A_1035 = vector.shape_cast %swap3A_1034 : vector<1x16xf32> to vector<16xf32>
          %swap3A_1036 = vector.shape_cast %mul3A_1031 : vector<16xf32> to vector<1x16xf32>
          tpu.vector_store %arg14[%swap3A_1032, %swap3A_1033], %swap3A_1036 {add = true, strides = array<i32>} : memref<640x128xf32, #tpu.memory_space<vmem>>, vector<1x16xf32>,
          %add3A_1037 = arith.constant 8 : i32
          %add3A_1038 = arith.addi %mul3A_97, %add3A_1037 : i32
          %get3A_1039 = arith.index_cast %add3A_1038 : i32 to index
          %get3A_1040 = arith.constant 64 : index
          %get3A_1041 = tpu.vector_load %arg13[%get3A_1039, %get3A_1040] {strides = array<i32>} : memref<128x128xf32, #tpu.memory_space<vmem>>, vector<1x16xf32>,
          %get3A_1042 = vector.shape_cast %get3A_1041 : vector<1x16xf32> to vector<16xf32>
          %mul3A_1043 = vector.broadcast %squeeze3A_982 : f32 to vector<16xf32>
          %mul3A_1044 = arith.mulf %get3A_1042, %mul3A_1043 : vector<16xf32>
          %swap3A_1045 = arith.index_cast %squeeze3A_984 : i32 to index
          %swap3A_1046 = arith.constant 64 : index
          %swap3A_1047 = tpu.vector_load %arg14[%swap3A_1045, %swap3A_1046] {strides = array<i32>} : memref<640x128xf32, #tpu.memory_space<vmem>>, vector<1x16xf32>,
          %swap3A_1048 = vector.shape_cast %swap3A_1047 : vector<1x16xf32> to vector<16xf32>
          %swap3A_1049 = vector.shape_cast %mul3A_1044 : vector<16xf32> to vector<1x16xf32>
          tpu.vector_store %arg14[%swap3A_1045, %swap3A_1046], %swap3A_1049 {add = true, strides = array<i32>} : memref<640x128xf32, #tpu.memory_space<vmem>>, vector<1x16xf32>,
          %add3A_1050 = arith.constant 8 : i32
          %add3A_1051 = arith.addi %mul3A_97, %add3A_1050 : i32
          %get3A_1052 = arith.index_cast %add3A_1051 : i32 to index
          %get3A_1053 = arith.constant 80 : index
          %get3A_1054 = tpu.vector_load %arg13[%get3A_1052, %get3A_1053] {strides = array<i32>} : memref<128x128xf32, #tpu.memory_space<vmem>>, vector<1x16xf32>,
          %get3A_1055 = vector.shape_cast %get3A_1054 : vector<1x16xf32> to vector<16xf32>
          %mul3A_1056 = vector.broadcast %squeeze3A_982 : f32 to vector<16xf32>
          %mul3A_1057 = arith.mulf %get3A_1055, %mul3A_1056 : vector<16xf32>
          %swap3A_1058 = arith.index_cast %squeeze3A_984 : i32 to index
          %swap3A_1059 = arith.constant 80 : index
          %swap3A_1060 = tpu.vector_load %arg14[%swap3A_1058, %swap3A_1059] {strides = array<i32>} : memref<640x128xf32, #tpu.memory_space<vmem>>, vector<1x16xf32>,
          %swap3A_1061 = vector.shape_cast %swap3A_1060 : vector<1x16xf32> to vector<16xf32>
          %swap3A_1062 = vector.shape_cast %mul3A_1057 : vector<16xf32> to vector<1x16xf32>
          tpu.vector_store %arg14[%swap3A_1058, %swap3A_1059], %swap3A_1062 {add = true, strides = array<i32>} : memref<640x128xf32, #tpu.memory_space<vmem>>, vector<1x16xf32>,
          %add3A_1063 = arith.constant 8 : i32
          %add3A_1064 = arith.addi %mul3A_97, %add3A_1063 : i32
          %get3A_1065 = arith.index_cast %add3A_1064 : i32 to index
          %get3A_1066 = arith.constant 96 : index
          %get3A_1067 = tpu.vector_load %arg13[%get3A_1065, %get3A_1066] {strides = array<i32>} : memref<128x128xf32, #tpu.memory_space<vmem>>, vector<1x16xf32>,
          %get3A_1068 = vector.shape_cast %get3A_1067 : vector<1x16xf32> to vector<16xf32>
          %mul3A_1069 = vector.broadcast %squeeze3A_982 : f32 to vector<16xf32>
          %mul3A_1070 = arith.mulf %get3A_1068, %mul3A_1069 : vector<16xf32>
          %swap3A_1071 = arith.index_cast %squeeze3A_984 : i32 to index
          %swap3A_1072 = arith.constant 96 : index
          %swap3A_1073 = tpu.vector_load %arg14[%swap3A_1071, %swap3A_1072] {strides = array<i32>} : memref<640x128xf32, #tpu.memory_space<vmem>>, vector<1x16xf32>,
          %swap3A_1074 = vector.shape_cast %swap3A_1073 : vector<1x16xf32> to vector<16xf32>
          %swap3A_1075 = vector.shape_cast %mul3A_1070 : vector<16xf32> to vector<1x16xf32>
          tpu.vector_store %arg14[%swap3A_1071, %swap3A_1072], %swap3A_1075 {add = true, strides = array<i32>} : memref<640x128xf32, #tpu.memory_space<vmem>>, vector<1x16xf32>,
          %add3A_1076 = arith.constant 8 : i32
          %add3A_1077 = arith.addi %mul3A_97, %add3A_1076 : i32
          %get3A_1078 = arith.index_cast %add3A_1077 : i32 to index
          %get3A_1079 = arith.constant 112 : index
          %get3A_1080 = tpu.vector_load %arg13[%get3A_1078, %get3A_1079] {strides = array<i32>} : memref<128x128xf32, #tpu.memory_space<vmem>>, vector<1x16xf32>,
          %get3A_1081 = vector.shape_cast %get3A_1080 : vector<1x16xf32> to vector<16xf32>
          %mul3A_1082 = vector.broadcast %squeeze3A_982 : f32 to vector<16xf32>
          %mul3A_1083 = arith.mulf %get3A_1081, %mul3A_1082 : vector<16xf32>
          %swap3A_1084 = arith.index_cast %squeeze3A_984 : i32 to index
          %swap3A_1085 = arith.constant 112 : index
          %swap3A_1086 = tpu.vector_load %arg14[%swap3A_1084, %swap3A_1085] {strides = array<i32>} : memref<640x128xf32, #tpu.memory_space<vmem>>, vector<1x16xf32>,
          %swap3A_1087 = vector.shape_cast %swap3A_1086 : vector<1x16xf32> to vector<16xf32>
          %swap3A_1088 = vector.shape_cast %mul3A_1083 : vector<16xf32> to vector<1x16xf32>
          tpu.vector_store %arg14[%swap3A_1084, %swap3A_1085], %swap3A_1088 {add = true, strides = array<i32>} : memref<640x128xf32, #tpu.memory_space<vmem>>, vector<1x16xf32>,
          %slice3A_1089 = vector.extract_strided_slice %select_n3A_111 {offsets = [9], sizes = [1], strides = [1]} : vector<16xf32> to vector<1xf32>
          %squeeze3A_1090 = vector.extract %slice3A_1089[0] : f32 from vector<1xf32>
          %slice3A_1091 = vector.extract_strided_slice %min3A_117 {offsets = [9], sizes = [1], strides = [1]} : vector<16xi32> to vector<1xi32>
          %squeeze3A_1092 = vector.extract %slice3A_1091[0] : i32 from vector<1xi32>
          %add3A_1093 = arith.constant 9 : i32
          %add3A_1094 = arith.addi %mul3A_97, %add3A_1093 : i32
          %get3A_1095 = arith.index_cast %add3A_1094 : i32 to index
          %get3A_1096 = arith.constant 0 : index
          %get3A_1097 = tpu.vector_load %arg13[%get3A_1095, %get3A_1096] {strides = array<i32>} : memref<128x128xf32, #tpu.memory_space<vmem>>, vector<1x16xf32>,
          %get3A_1098 = vector.shape_cast %get3A_1097 : vector<1x16xf32> to vector<16xf32>
          %mul3A_1099 = vector.broadcast %squeeze3A_1090 : f32 to vector<16xf32>
          %mul3A_1100 = arith.mulf %get3A_1098, %mul3A_1099 : vector<16xf32>
          %swap3A_1101 = arith.index_cast %squeeze3A_1092 : i32 to index
          %swap3A_1102 = arith.constant 0 : index
          %swap3A_1103 = tpu.vector_load %arg14[%swap3A_1101, %swap3A_1102] {strides = array<i32>} : memref<640x128xf32, #tpu.memory_space<vmem>>, vector<1x16xf32>,
          %swap3A_1104 = vector.shape_cast %swap3A_1103 : vector<1x16xf32> to vector<16xf32>
          %swap3A_1105 = vector.shape_cast %mul3A_1100 : vector<16xf32> to vector<1x16xf32>
          tpu.vector_store %arg14[%swap3A_1101, %swap3A_1102], %swap3A_1105 {add = true, strides = array<i32>} : memref<640x128xf32, #tpu.memory_space<vmem>>, vector<1x16xf32>,
          %add3A_1106 = arith.constant 9 : i32
          %add3A_1107 = arith.addi %mul3A_97, %add3A_1106 : i32
          %get3A_1108 = arith.index_cast %add3A_1107 : i32 to index
          %get3A_1109 = arith.constant 16 : index
          %get3A_1110 = tpu.vector_load %arg13[%get3A_1108, %get3A_1109] {strides = array<i32>} : memref<128x128xf32, #tpu.memory_space<vmem>>, vector<1x16xf32>,
          %get3A_1111 = vector.shape_cast %get3A_1110 : vector<1x16xf32> to vector<16xf32>
          %mul3A_1112 = vector.broadcast %squeeze3A_1090 : f32 to vector<16xf32>
          %mul3A_1113 = arith.mulf %get3A_1111, %mul3A_1112 : vector<16xf32>
          %swap3A_1114 = arith.index_cast %squeeze3A_1092 : i32 to index
          %swap3A_1115 = arith.constant 16 : index
          %swap3A_1116 = tpu.vector_load %arg14[%swap3A_1114, %swap3A_1115] {strides = array<i32>} : memref<640x128xf32, #tpu.memory_space<vmem>>, vector<1x16xf32>,
          %swap3A_1117 = vector.shape_cast %swap3A_1116 : vector<1x16xf32> to vector<16xf32>
          %swap3A_1118 = vector.shape_cast %mul3A_1113 : vector<16xf32> to vector<1x16xf32>
          tpu.vector_store %arg14[%swap3A_1114, %swap3A_1115], %swap3A_1118 {add = true, strides = array<i32>} : memref<640x128xf32, #tpu.memory_space<vmem>>, vector<1x16xf32>,
          %add3A_1119 = arith.constant 9 : i32
          %add3A_1120 = arith.addi %mul3A_97, %add3A_1119 : i32
          %get3A_1121 = arith.index_cast %add3A_1120 : i32 to index
          %get3A_1122 = arith.constant 32 : index
          %get3A_1123 = tpu.vector_load %arg13[%get3A_1121, %get3A_1122] {strides = array<i32>} : memref<128x128xf32, #tpu.memory_space<vmem>>, vector<1x16xf32>,
          %get3A_1124 = vector.shape_cast %get3A_1123 : vector<1x16xf32> to vector<16xf32>
          %mul3A_1125 = vector.broadcast %squeeze3A_1090 : f32 to vector<16xf32>
          %mul3A_1126 = arith.mulf %get3A_1124, %mul3A_1125 : vector<16xf32>
          %swap3A_1127 = arith.index_cast %squeeze3A_1092 : i32 to index
          %swap3A_1128 = arith.constant 32 : index
          %swap3A_1129 = tpu.vector_load %arg14[%swap3A_1127, %swap3A_1128] {strides = array<i32>} : memref<640x128xf32, #tpu.memory_space<vmem>>, vector<1x16xf32>,
          %swap3A_1130 = vector.shape_cast %swap3A_1129 : vector<1x16xf32> to vector<16xf32>
          %swap3A_1131 = vector.shape_cast %mul3A_1126 : vector<16xf32> to vector<1x16xf32>
          tpu.vector_store %arg14[%swap3A_1127, %swap3A_1128], %swap3A_1131 {add = true, strides = array<i32>} : memref<640x128xf32, #tpu.memory_space<vmem>>, vector<1x16xf32>,
          %add3A_1132 = arith.constant 9 : i32
          %add3A_1133 = arith.addi %mul3A_97, %add3A_1132 : i32
          %get3A_1134 = arith.index_cast %add3A_1133 : i32 to index
          %get3A_1135 = arith.constant 48 : index
          %get3A_1136 = tpu.vector_load %arg13[%get3A_1134, %get3A_1135] {strides = array<i32>} : memref<128x128xf32, #tpu.memory_space<vmem>>, vector<1x16xf32>,
          %get3A_1137 = vector.shape_cast %get3A_1136 : vector<1x16xf32> to vector<16xf32>
          %mul3A_1138 = vector.broadcast %squeeze3A_1090 : f32 to vector<16xf32>
          %mul3A_1139 = arith.mulf %get3A_1137, %mul3A_1138 : vector<16xf32>
          %swap3A_1140 = arith.index_cast %squeeze3A_1092 : i32 to index
          %swap3A_1141 = arith.constant 48 : index
          %swap3A_1142 = tpu.vector_load %arg14[%swap3A_1140, %swap3A_1141] {strides = array<i32>} : memref<640x128xf32, #tpu.memory_space<vmem>>, vector<1x16xf32>,
          %swap3A_1143 = vector.shape_cast %swap3A_1142 : vector<1x16xf32> to vector<16xf32>
          %swap3A_1144 = vector.shape_cast %mul3A_1139 : vector<16xf32> to vector<1x16xf32>
          tpu.vector_store %arg14[%swap3A_1140, %swap3A_1141], %swap3A_1144 {add = true, strides = array<i32>} : memref<640x128xf32, #tpu.memory_space<vmem>>, vector<1x16xf32>,
          %add3A_1145 = arith.constant 9 : i32
          %add3A_1146 = arith.addi %mul3A_97, %add3A_1145 : i32
          %get3A_1147 = arith.index_cast %add3A_1146 : i32 to index
          %get3A_1148 = arith.constant 64 : index
          %get3A_1149 = tpu.vector_load %arg13[%get3A_1147, %get3A_1148] {strides = array<i32>} : memref<128x128xf32, #tpu.memory_space<vmem>>, vector<1x16xf32>,
          %get3A_1150 = vector.shape_cast %get3A_1149 : vector<1x16xf32> to vector<16xf32>
          %mul3A_1151 = vector.broadcast %squeeze3A_1090 : f32 to vector<16xf32>
          %mul3A_1152 = arith.mulf %get3A_1150, %mul3A_1151 : vector<16xf32>
          %swap3A_1153 = arith.index_cast %squeeze3A_1092 : i32 to index
          %swap3A_1154 = arith.constant 64 : index
          %swap3A_1155 = tpu.vector_load %arg14[%swap3A_1153, %swap3A_1154] {strides = array<i32>} : memref<640x128xf32, #tpu.memory_space<vmem>>, vector<1x16xf32>,
          %swap3A_1156 = vector.shape_cast %swap3A_1155 : vector<1x16xf32> to vector<16xf32>
          %swap3A_1157 = vector.shape_cast %mul3A_1152 : vector<16xf32> to vector<1x16xf32>
          tpu.vector_store %arg14[%swap3A_1153, %swap3A_1154], %swap3A_1157 {add = true, strides = array<i32>} : memref<640x128xf32, #tpu.memory_space<vmem>>, vector<1x16xf32>,
          %add3A_1158 = arith.constant 9 : i32
          %add3A_1159 = arith.addi %mul3A_97, %add3A_1158 : i32
          %get3A_1160 = arith.index_cast %add3A_1159 : i32 to index
          %get3A_1161 = arith.constant 80 : index
          %get3A_1162 = tpu.vector_load %arg13[%get3A_1160, %get3A_1161] {strides = array<i32>} : memref<128x128xf32, #tpu.memory_space<vmem>>, vector<1x16xf32>,
          %get3A_1163 = vector.shape_cast %get3A_1162 : vector<1x16xf32> to vector<16xf32>
          %mul3A_1164 = vector.broadcast %squeeze3A_1090 : f32 to vector<16xf32>
          %mul3A_1165 = arith.mulf %get3A_1163, %mul3A_1164 : vector<16xf32>
          %swap3A_1166 = arith.index_cast %squeeze3A_1092 : i32 to index
          %swap3A_1167 = arith.constant 80 : index
          %swap3A_1168 = tpu.vector_load %arg14[%swap3A_1166, %swap3A_1167] {strides = array<i32>} : memref<640x128xf32, #tpu.memory_space<vmem>>, vector<1x16xf32>,
          %swap3A_1169 = vector.shape_cast %swap3A_1168 : vector<1x16xf32> to vector<16xf32>
          %swap3A_1170 = vector.shape_cast %mul3A_1165 : vector<16xf32> to vector<1x16xf32>
          tpu.vector_store %arg14[%swap3A_1166, %swap3A_1167], %swap3A_1170 {add = true, strides = array<i32>} : memref<640x128xf32, #tpu.memory_space<vmem>>, vector<1x16xf32>,
          %add3A_1171 = arith.constant 9 : i32
          %add3A_1172 = arith.addi %mul3A_97, %add3A_1171 : i32
          %get3A_1173 = arith.index_cast %add3A_1172 : i32 to index
          %get3A_1174 = arith.constant 96 : index
          %get3A_1175 = tpu.vector_load %arg13[%get3A_1173, %get3A_1174] {strides = array<i32>} : memref<128x128xf32, #tpu.memory_space<vmem>>, vector<1x16xf32>,
          %get3A_1176 = vector.shape_cast %get3A_1175 : vector<1x16xf32> to vector<16xf32>
          %mul3A_1177 = vector.broadcast %squeeze3A_1090 : f32 to vector<16xf32>
          %mul3A_1178 = arith.mulf %get3A_1176, %mul3A_1177 : vector<16xf32>
          %swap3A_1179 = arith.index_cast %squeeze3A_1092 : i32 to index
          %swap3A_1180 = arith.constant 96 : index
          %swap3A_1181 = tpu.vector_load %arg14[%swap3A_1179, %swap3A_1180] {strides = array<i32>} : memref<640x128xf32, #tpu.memory_space<vmem>>, vector<1x16xf32>,
          %swap3A_1182 = vector.shape_cast %swap3A_1181 : vector<1x16xf32> to vector<16xf32>
          %swap3A_1183 = vector.shape_cast %mul3A_1178 : vector<16xf32> to vector<1x16xf32>
          tpu.vector_store %arg14[%swap3A_1179, %swap3A_1180], %swap3A_1183 {add = true, strides = array<i32>} : memref<640x128xf32, #tpu.memory_space<vmem>>, vector<1x16xf32>,
          %add3A_1184 = arith.constant 9 : i32
          %add3A_1185 = arith.addi %mul3A_97, %add3A_1184 : i32
          %get3A_1186 = arith.index_cast %add3A_1185 : i32 to index
          %get3A_1187 = arith.constant 112 : index
          %get3A_1188 = tpu.vector_load %arg13[%get3A_1186, %get3A_1187] {strides = array<i32>} : memref<128x128xf32, #tpu.memory_space<vmem>>, vector<1x16xf32>,
          %get3A_1189 = vector.shape_cast %get3A_1188 : vector<1x16xf32> to vector<16xf32>
          %mul3A_1190 = vector.broadcast %squeeze3A_1090 : f32 to vector<16xf32>
          %mul3A_1191 = arith.mulf %get3A_1189, %mul3A_1190 : vector<16xf32>
          %swap3A_1192 = arith.index_cast %squeeze3A_1092 : i32 to index
          %swap3A_1193 = arith.constant 112 : index
          %swap3A_1194 = tpu.vector_load %arg14[%swap3A_1192, %swap3A_1193] {strides = array<i32>} : memref<640x128xf32, #tpu.memory_space<vmem>>, vector<1x16xf32>,
          %swap3A_1195 = vector.shape_cast %swap3A_1194 : vector<1x16xf32> to vector<16xf32>
          %swap3A_1196 = vector.shape_cast %mul3A_1191 : vector<16xf32> to vector<1x16xf32>
          tpu.vector_store %arg14[%swap3A_1192, %swap3A_1193], %swap3A_1196 {add = true, strides = array<i32>} : memref<640x128xf32, #tpu.memory_space<vmem>>, vector<1x16xf32>,
          %slice3A_1197 = vector.extract_strided_slice %select_n3A_111 {offsets = [10], sizes = [1], strides = [1]} : vector<16xf32> to vector<1xf32>
          %squeeze3A_1198 = vector.extract %slice3A_1197[0] : f32 from vector<1xf32>
          %slice3A_1199 = vector.extract_strided_slice %min3A_117 {offsets = [10], sizes = [1], strides = [1]} : vector<16xi32> to vector<1xi32>
          %squeeze3A_1200 = vector.extract %slice3A_1199[0] : i32 from vector<1xi32>
          %add3A_1201 = arith.constant 10 : i32
          %add3A_1202 = arith.addi %mul3A_97, %add3A_1201 : i32
          %get3A_1203 = arith.index_cast %add3A_1202 : i32 to index
          %get3A_1204 = arith.constant 0 : index
          %get3A_1205 = tpu.vector_load %arg13[%get3A_1203, %get3A_1204] {strides = array<i32>} : memref<128x128xf32, #tpu.memory_space<vmem>>, vector<1x16xf32>,
          %get3A_1206 = vector.shape_cast %get3A_1205 : vector<1x16xf32> to vector<16xf32>
          %mul3A_1207 = vector.broadcast %squeeze3A_1198 : f32 to vector<16xf32>
          %mul3A_1208 = arith.mulf %get3A_1206, %mul3A_1207 : vector<16xf32>
          %swap3A_1209 = arith.index_cast %squeeze3A_1200 : i32 to index
          %swap3A_1210 = arith.constant 0 : index
          %swap3A_1211 = tpu.vector_load %arg14[%swap3A_1209, %swap3A_1210] {strides = array<i32>} : memref<640x128xf32, #tpu.memory_space<vmem>>, vector<1x16xf32>,
          %swap3A_1212 = vector.shape_cast %swap3A_1211 : vector<1x16xf32> to vector<16xf32>
          %swap3A_1213 = vector.shape_cast %mul3A_1208 : vector<16xf32> to vector<1x16xf32>
          tpu.vector_store %arg14[%swap3A_1209, %swap3A_1210], %swap3A_1213 {add = true, strides = array<i32>} : memref<640x128xf32, #tpu.memory_space<vmem>>, vector<1x16xf32>,
          %add3A_1214 = arith.constant 10 : i32
          %add3A_1215 = arith.addi %mul3A_97, %add3A_1214 : i32
          %get3A_1216 = arith.index_cast %add3A_1215 : i32 to index
          %get3A_1217 = arith.constant 16 : index
          %get3A_1218 = tpu.vector_load %arg13[%get3A_1216, %get3A_1217] {strides = array<i32>} : memref<128x128xf32, #tpu.memory_space<vmem>>, vector<1x16xf32>,
          %get3A_1219 = vector.shape_cast %get3A_1218 : vector<1x16xf32> to vector<16xf32>
          %mul3A_1220 = vector.broadcast %squeeze3A_1198 : f32 to vector<16xf32>
          %mul3A_1221 = arith.mulf %get3A_1219, %mul3A_1220 : vector<16xf32>
          %swap3A_1222 = arith.index_cast %squeeze3A_1200 : i32 to index
          %swap3A_1223 = arith.constant 16 : index
          %swap3A_1224 = tpu.vector_load %arg14[%swap3A_1222, %swap3A_1223] {strides = array<i32>} : memref<640x128xf32, #tpu.memory_space<vmem>>, vector<1x16xf32>,
          %swap3A_1225 = vector.shape_cast %swap3A_1224 : vector<1x16xf32> to vector<16xf32>
          %swap3A_1226 = vector.shape_cast %mul3A_1221 : vector<16xf32> to vector<1x16xf32>
          tpu.vector_store %arg14[%swap3A_1222, %swap3A_1223], %swap3A_1226 {add = true, strides = array<i32>} : memref<640x128xf32, #tpu.memory_space<vmem>>, vector<1x16xf32>,
          %add3A_1227 = arith.constant 10 : i32
          %add3A_1228 = arith.addi %mul3A_97, %add3A_1227 : i32
          %get3A_1229 = arith.index_cast %add3A_1228 : i32 to index
          %get3A_1230 = arith.constant 32 : index
          %get3A_1231 = tpu.vector_load %arg13[%get3A_1229, %get3A_1230] {strides = array<i32>} : memref<128x128xf32, #tpu.memory_space<vmem>>, vector<1x16xf32>,
          %get3A_1232 = vector.shape_cast %get3A_1231 : vector<1x16xf32> to vector<16xf32>
          %mul3A_1233 = vector.broadcast %squeeze3A_1198 : f32 to vector<16xf32>
          %mul3A_1234 = arith.mulf %get3A_1232, %mul3A_1233 : vector<16xf32>
          %swap3A_1235 = arith.index_cast %squeeze3A_1200 : i32 to index
          %swap3A_1236 = arith.constant 32 : index
          %swap3A_1237 = tpu.vector_load %arg14[%swap3A_1235, %swap3A_1236] {strides = array<i32>} : memref<640x128xf32, #tpu.memory_space<vmem>>, vector<1x16xf32>,
          %swap3A_1238 = vector.shape_cast %swap3A_1237 : vector<1x16xf32> to vector<16xf32>
          %swap3A_1239 = vector.shape_cast %mul3A_1234 : vector<16xf32> to vector<1x16xf32>
          tpu.vector_store %arg14[%swap3A_1235, %swap3A_1236], %swap3A_1239 {add = true, strides = array<i32>} : memref<640x128xf32, #tpu.memory_space<vmem>>, vector<1x16xf32>,
          %add3A_1240 = arith.constant 10 : i32
          %add3A_1241 = arith.addi %mul3A_97, %add3A_1240 : i32
          %get3A_1242 = arith.index_cast %add3A_1241 : i32 to index
          %get3A_1243 = arith.constant 48 : index
          %get3A_1244 = tpu.vector_load %arg13[%get3A_1242, %get3A_1243] {strides = array<i32>} : memref<128x128xf32, #tpu.memory_space<vmem>>, vector<1x16xf32>,
          %get3A_1245 = vector.shape_cast %get3A_1244 : vector<1x16xf32> to vector<16xf32>
          %mul3A_1246 = vector.broadcast %squeeze3A_1198 : f32 to vector<16xf32>
          %mul3A_1247 = arith.mulf %get3A_1245, %mul3A_1246 : vector<16xf32>
          %swap3A_1248 = arith.index_cast %squeeze3A_1200 : i32 to index
          %swap3A_1249 = arith.constant 48 : index
          %swap3A_1250 = tpu.vector_load %arg14[%swap3A_1248, %swap3A_1249] {strides = array<i32>} : memref<640x128xf32, #tpu.memory_space<vmem>>, vector<1x16xf32>,
          %swap3A_1251 = vector.shape_cast %swap3A_1250 : vector<1x16xf32> to vector<16xf32>
          %swap3A_1252 = vector.shape_cast %mul3A_1247 : vector<16xf32> to vector<1x16xf32>
          tpu.vector_store %arg14[%swap3A_1248, %swap3A_1249], %swap3A_1252 {add = true, strides = array<i32>} : memref<640x128xf32, #tpu.memory_space<vmem>>, vector<1x16xf32>,
          %add3A_1253 = arith.constant 10 : i32
          %add3A_1254 = arith.addi %mul3A_97, %add3A_1253 : i32
          %get3A_1255 = arith.index_cast %add3A_1254 : i32 to index
          %get3A_1256 = arith.constant 64 : index
          %get3A_1257 = tpu.vector_load %arg13[%get3A_1255, %get3A_1256] {strides = array<i32>} : memref<128x128xf32, #tpu.memory_space<vmem>>, vector<1x16xf32>,
          %get3A_1258 = vector.shape_cast %get3A_1257 : vector<1x16xf32> to vector<16xf32>
          %mul3A_1259 = vector.broadcast %squeeze3A_1198 : f32 to vector<16xf32>
          %mul3A_1260 = arith.mulf %get3A_1258, %mul3A_1259 : vector<16xf32>
          %swap3A_1261 = arith.index_cast %squeeze3A_1200 : i32 to index
          %swap3A_1262 = arith.constant 64 : index
          %swap3A_1263 = tpu.vector_load %arg14[%swap3A_1261, %swap3A_1262] {strides = array<i32>} : memref<640x128xf32, #tpu.memory_space<vmem>>, vector<1x16xf32>,
          %swap3A_1264 = vector.shape_cast %swap3A_1263 : vector<1x16xf32> to vector<16xf32>
          %swap3A_1265 = vector.shape_cast %mul3A_1260 : vector<16xf32> to vector<1x16xf32>
          tpu.vector_store %arg14[%swap3A_1261, %swap3A_1262], %swap3A_1265 {add = true, strides = array<i32>} : memref<640x128xf32, #tpu.memory_space<vmem>>, vector<1x16xf32>,
          %add3A_1266 = arith.constant 10 : i32
          %add3A_1267 = arith.addi %mul3A_97, %add3A_1266 : i32
          %get3A_1268 = arith.index_cast %add3A_1267 : i32 to index
          %get3A_1269 = arith.constant 80 : index
          %get3A_1270 = tpu.vector_load %arg13[%get3A_1268, %get3A_1269] {strides = array<i32>} : memref<128x128xf32, #tpu.memory_space<vmem>>, vector<1x16xf32>,
          %get3A_1271 = vector.shape_cast %get3A_1270 : vector<1x16xf32> to vector<16xf32>
          %mul3A_1272 = vector.broadcast %squeeze3A_1198 : f32 to vector<16xf32>
          %mul3A_1273 = arith.mulf %get3A_1271, %mul3A_1272 : vector<16xf32>
          %swap3A_1274 = arith.index_cast %squeeze3A_1200 : i32 to index
          %swap3A_1275 = arith.constant 80 : index
          %swap3A_1276 = tpu.vector_load %arg14[%swap3A_1274, %swap3A_1275] {strides = array<i32>} : memref<640x128xf32, #tpu.memory_space<vmem>>, vector<1x16xf32>,
          %swap3A_1277 = vector.shape_cast %swap3A_1276 : vector<1x16xf32> to vector<16xf32>
          %swap3A_1278 = vector.shape_cast %mul3A_1273 : vector<16xf32> to vector<1x16xf32>
          tpu.vector_store %arg14[%swap3A_1274, %swap3A_1275], %swap3A_1278 {add = true, strides = array<i32>} : memref<640x128xf32, #tpu.memory_space<vmem>>, vector<1x16xf32>,
          %add3A_1279 = arith.constant 10 : i32
          %add3A_1280 = arith.addi %mul3A_97, %add3A_1279 : i32
          %get3A_1281 = arith.index_cast %add3A_1280 : i32 to index
          %get3A_1282 = arith.constant 96 : index
          %get3A_1283 = tpu.vector_load %arg13[%get3A_1281, %get3A_1282] {strides = array<i32>} : memref<128x128xf32, #tpu.memory_space<vmem>>, vector<1x16xf32>,
          %get3A_1284 = vector.shape_cast %get3A_1283 : vector<1x16xf32> to vector<16xf32>
          %mul3A_1285 = vector.broadcast %squeeze3A_1198 : f32 to vector<16xf32>
          %mul3A_1286 = arith.mulf %get3A_1284, %mul3A_1285 : vector<16xf32>
          %swap3A_1287 = arith.index_cast %squeeze3A_1200 : i32 to index
          %swap3A_1288 = arith.constant 96 : index
          %swap3A_1289 = tpu.vector_load %arg14[%swap3A_1287, %swap3A_1288] {strides = array<i32>} : memref<640x128xf32, #tpu.memory_space<vmem>>, vector<1x16xf32>,
          %swap3A_1290 = vector.shape_cast %swap3A_1289 : vector<1x16xf32> to vector<16xf32>
          %swap3A_1291 = vector.shape_cast %mul3A_1286 : vector<16xf32> to vector<1x16xf32>
          tpu.vector_store %arg14[%swap3A_1287, %swap3A_1288], %swap3A_1291 {add = true, strides = array<i32>} : memref<640x128xf32, #tpu.memory_space<vmem>>, vector<1x16xf32>,
          %add3A_1292 = arith.constant 10 : i32
          %add3A_1293 = arith.addi %mul3A_97, %add3A_1292 : i32
          %get3A_1294 = arith.index_cast %add3A_1293 : i32 to index
          %get3A_1295 = arith.constant 112 : index
          %get3A_1296 = tpu.vector_load %arg13[%get3A_1294, %get3A_1295] {strides = array<i32>} : memref<128x128xf32, #tpu.memory_space<vmem>>, vector<1x16xf32>,
          %get3A_1297 = vector.shape_cast %get3A_1296 : vector<1x16xf32> to vector<16xf32>
          %mul3A_1298 = vector.broadcast %squeeze3A_1198 : f32 to vector<16xf32>
          %mul3A_1299 = arith.mulf %get3A_1297, %mul3A_1298 : vector<16xf32>
          %swap3A_1300 = arith.index_cast %squeeze3A_1200 : i32 to index
          %swap3A_1301 = arith.constant 112 : index
          %swap3A_1302 = tpu.vector_load %arg14[%swap3A_1300, %swap3A_1301] {strides = array<i32>} : memref<640x128xf32, #tpu.memory_space<vmem>>, vector<1x16xf32>,
          %swap3A_1303 = vector.shape_cast %swap3A_1302 : vector<1x16xf32> to vector<16xf32>
          %swap3A_1304 = vector.shape_cast %mul3A_1299 : vector<16xf32> to vector<1x16xf32>
          tpu.vector_store %arg14[%swap3A_1300, %swap3A_1301], %swap3A_1304 {add = true, strides = array<i32>} : memref<640x128xf32, #tpu.memory_space<vmem>>, vector<1x16xf32>,
          %slice3A_1305 = vector.extract_strided_slice %select_n3A_111 {offsets = [11], sizes = [1], strides = [1]} : vector<16xf32> to vector<1xf32>
          %squeeze3A_1306 = vector.extract %slice3A_1305[0] : f32 from vector<1xf32>
          %slice3A_1307 = vector.extract_strided_slice %min3A_117 {offsets = [11], sizes = [1], strides = [1]} : vector<16xi32> to vector<1xi32>
          %squeeze3A_1308 = vector.extract %slice3A_1307[0] : i32 from vector<1xi32>
          %add3A_1309 = arith.constant 11 : i32
          %add3A_1310 = arith.addi %mul3A_97, %add3A_1309 : i32
          %get3A_1311 = arith.index_cast %add3A_1310 : i32 to index
          %get3A_1312 = arith.constant 0 : index
          %get3A_1313 = tpu.vector_load %arg13[%get3A_1311, %get3A_1312] {strides = array<i32>} : memref<128x128xf32, #tpu.memory_space<vmem>>, vector<1x16xf32>,
          %get3A_1314 = vector.shape_cast %get3A_1313 : vector<1x16xf32> to vector<16xf32>
          %mul3A_1315 = vector.broadcast %squeeze3A_1306 : f32 to vector<16xf32>
          %mul3A_1316 = arith.mulf %get3A_1314, %mul3A_1315 : vector<16xf32>
          %swap3A_1317 = arith.index_cast %squeeze3A_1308 : i32 to index
          %swap3A_1318 = arith.constant 0 : index
          %swap3A_1319 = tpu.vector_load %arg14[%swap3A_1317, %swap3A_1318] {strides = array<i32>} : memref<640x128xf32, #tpu.memory_space<vmem>>, vector<1x16xf32>,
          %swap3A_1320 = vector.shape_cast %swap3A_1319 : vector<1x16xf32> to vector<16xf32>
          %swap3A_1321 = vector.shape_cast %mul3A_1316 : vector<16xf32> to vector<1x16xf32>
          tpu.vector_store %arg14[%swap3A_1317, %swap3A_1318], %swap3A_1321 {add = true, strides = array<i32>} : memref<640x128xf32, #tpu.memory_space<vmem>>, vector<1x16xf32>,
          %add3A_1322 = arith.constant 11 : i32
          %add3A_1323 = arith.addi %mul3A_97, %add3A_1322 : i32
          %get3A_1324 = arith.index_cast %add3A_1323 : i32 to index
          %get3A_1325 = arith.constant 16 : index
          %get3A_1326 = tpu.vector_load %arg13[%get3A_1324, %get3A_1325] {strides = array<i32>} : memref<128x128xf32, #tpu.memory_space<vmem>>, vector<1x16xf32>,
          %get3A_1327 = vector.shape_cast %get3A_1326 : vector<1x16xf32> to vector<16xf32>
          %mul3A_1328 = vector.broadcast %squeeze3A_1306 : f32 to vector<16xf32>
          %mul3A_1329 = arith.mulf %get3A_1327, %mul3A_1328 : vector<16xf32>
          %swap3A_1330 = arith.index_cast %squeeze3A_1308 : i32 to index
          %swap3A_1331 = arith.constant 16 : index
          %swap3A_1332 = tpu.vector_load %arg14[%swap3A_1330, %swap3A_1331] {strides = array<i32>} : memref<640x128xf32, #tpu.memory_space<vmem>>, vector<1x16xf32>,
          %swap3A_1333 = vector.shape_cast %swap3A_1332 : vector<1x16xf32> to vector<16xf32>
          %swap3A_1334 = vector.shape_cast %mul3A_1329 : vector<16xf32> to vector<1x16xf32>
          tpu.vector_store %arg14[%swap3A_1330, %swap3A_1331], %swap3A_1334 {add = true, strides = array<i32>} : memref<640x128xf32, #tpu.memory_space<vmem>>, vector<1x16xf32>,
          %add3A_1335 = arith.constant 11 : i32
          %add3A_1336 = arith.addi %mul3A_97, %add3A_1335 : i32
          %get3A_1337 = arith.index_cast %add3A_1336 : i32 to index
          %get3A_1338 = arith.constant 32 : index
          %get3A_1339 = tpu.vector_load %arg13[%get3A_1337, %get3A_1338] {strides = array<i32>} : memref<128x128xf32, #tpu.memory_space<vmem>>, vector<1x16xf32>,
          %get3A_1340 = vector.shape_cast %get3A_1339 : vector<1x16xf32> to vector<16xf32>
          %mul3A_1341 = vector.broadcast %squeeze3A_1306 : f32 to vector<16xf32>
          %mul3A_1342 = arith.mulf %get3A_1340, %mul3A_1341 : vector<16xf32>
          %swap3A_1343 = arith.index_cast %squeeze3A_1308 : i32 to index
          %swap3A_1344 = arith.constant 32 : index
          %swap3A_1345 = tpu.vector_load %arg14[%swap3A_1343, %swap3A_1344] {strides = array<i32>} : memref<640x128xf32, #tpu.memory_space<vmem>>, vector<1x16xf32>,
          %swap3A_1346 = vector.shape_cast %swap3A_1345 : vector<1x16xf32> to vector<16xf32>
          %swap3A_1347 = vector.shape_cast %mul3A_1342 : vector<16xf32> to vector<1x16xf32>
          tpu.vector_store %arg14[%swap3A_1343, %swap3A_1344], %swap3A_1347 {add = true, strides = array<i32>} : memref<640x128xf32, #tpu.memory_space<vmem>>, vector<1x16xf32>,
          %add3A_1348 = arith.constant 11 : i32
          %add3A_1349 = arith.addi %mul3A_97, %add3A_1348 : i32
          %get3A_1350 = arith.index_cast %add3A_1349 : i32 to index
          %get3A_1351 = arith.constant 48 : index
          %get3A_1352 = tpu.vector_load %arg13[%get3A_1350, %get3A_1351] {strides = array<i32>} : memref<128x128xf32, #tpu.memory_space<vmem>>, vector<1x16xf32>,
          %get3A_1353 = vector.shape_cast %get3A_1352 : vector<1x16xf32> to vector<16xf32>
          %mul3A_1354 = vector.broadcast %squeeze3A_1306 : f32 to vector<16xf32>
          %mul3A_1355 = arith.mulf %get3A_1353, %mul3A_1354 : vector<16xf32>
          %swap3A_1356 = arith.index_cast %squeeze3A_1308 : i32 to index
          %swap3A_1357 = arith.constant 48 : index
          %swap3A_1358 = tpu.vector_load %arg14[%swap3A_1356, %swap3A_1357] {strides = array<i32>} : memref<640x128xf32, #tpu.memory_space<vmem>>, vector<1x16xf32>,
          %swap3A_1359 = vector.shape_cast %swap3A_1358 : vector<1x16xf32> to vector<16xf32>
          %swap3A_1360 = vector.shape_cast %mul3A_1355 : vector<16xf32> to vector<1x16xf32>
          tpu.vector_store %arg14[%swap3A_1356, %swap3A_1357], %swap3A_1360 {add = true, strides = array<i32>} : memref<640x128xf32, #tpu.memory_space<vmem>>, vector<1x16xf32>,
          %add3A_1361 = arith.constant 11 : i32
          %add3A_1362 = arith.addi %mul3A_97, %add3A_1361 : i32
          %get3A_1363 = arith.index_cast %add3A_1362 : i32 to index
          %get3A_1364 = arith.constant 64 : index
          %get3A_1365 = tpu.vector_load %arg13[%get3A_1363, %get3A_1364] {strides = array<i32>} : memref<128x128xf32, #tpu.memory_space<vmem>>, vector<1x16xf32>,
          %get3A_1366 = vector.shape_cast %get3A_1365 : vector<1x16xf32> to vector<16xf32>
          %mul3A_1367 = vector.broadcast %squeeze3A_1306 : f32 to vector<16xf32>
          %mul3A_1368 = arith.mulf %get3A_1366, %mul3A_1367 : vector<16xf32>
          %swap3A_1369 = arith.index_cast %squeeze3A_1308 : i32 to index
          %swap3A_1370 = arith.constant 64 : index
          %swap3A_1371 = tpu.vector_load %arg14[%swap3A_1369, %swap3A_1370] {strides = array<i32>} : memref<640x128xf32, #tpu.memory_space<vmem>>, vector<1x16xf32>,
          %swap3A_1372 = vector.shape_cast %swap3A_1371 : vector<1x16xf32> to vector<16xf32>
          %swap3A_1373 = vector.shape_cast %mul3A_1368 : vector<16xf32> to vector<1x16xf32>
          tpu.vector_store %arg14[%swap3A_1369, %swap3A_1370], %swap3A_1373 {add = true, strides = array<i32>} : memref<640x128xf32, #tpu.memory_space<vmem>>, vector<1x16xf32>,
          %add3A_1374 = arith.constant 11 : i32
          %add3A_1375 = arith.addi %mul3A_97, %add3A_1374 : i32
          %get3A_1376 = arith.index_cast %add3A_1375 : i32 to index
          %get3A_1377 = arith.constant 80 : index
          %get3A_1378 = tpu.vector_load %arg13[%get3A_1376, %get3A_1377] {strides = array<i32>} : memref<128x128xf32, #tpu.memory_space<vmem>>, vector<1x16xf32>,
          %get3A_1379 = vector.shape_cast %get3A_1378 : vector<1x16xf32> to vector<16xf32>
          %mul3A_1380 = vector.broadcast %squeeze3A_1306 : f32 to vector<16xf32>
          %mul3A_1381 = arith.mulf %get3A_1379, %mul3A_1380 : vector<16xf32>
          %swap3A_1382 = arith.index_cast %squeeze3A_1308 : i32 to index
          %swap3A_1383 = arith.constant 80 : index
          %swap3A_1384 = tpu.vector_load %arg14[%swap3A_1382, %swap3A_1383] {strides = array<i32>} : memref<640x128xf32, #tpu.memory_space<vmem>>, vector<1x16xf32>,
          %swap3A_1385 = vector.shape_cast %swap3A_1384 : vector<1x16xf32> to vector<16xf32>
          %swap3A_1386 = vector.shape_cast %mul3A_1381 : vector<16xf32> to vector<1x16xf32>
          tpu.vector_store %arg14[%swap3A_1382, %swap3A_1383], %swap3A_1386 {add = true, strides = array<i32>} : memref<640x128xf32, #tpu.memory_space<vmem>>, vector<1x16xf32>,
          %add3A_1387 = arith.constant 11 : i32
          %add3A_1388 = arith.addi %mul3A_97, %add3A_1387 : i32
          %get3A_1389 = arith.index_cast %add3A_1388 : i32 to index
          %get3A_1390 = arith.constant 96 : index
          %get3A_1391 = tpu.vector_load %arg13[%get3A_1389, %get3A_1390] {strides = array<i32>} : memref<128x128xf32, #tpu.memory_space<vmem>>, vector<1x16xf32>,
          %get3A_1392 = vector.shape_cast %get3A_1391 : vector<1x16xf32> to vector<16xf32>
          %mul3A_1393 = vector.broadcast %squeeze3A_1306 : f32 to vector<16xf32>
          %mul3A_1394 = arith.mulf %get3A_1392, %mul3A_1393 : vector<16xf32>
          %swap3A_1395 = arith.index_cast %squeeze3A_1308 : i32 to index
          %swap3A_1396 = arith.constant 96 : index
          %swap3A_1397 = tpu.vector_load %arg14[%swap3A_1395, %swap3A_1396] {strides = array<i32>} : memref<640x128xf32, #tpu.memory_space<vmem>>, vector<1x16xf32>,
          %swap3A_1398 = vector.shape_cast %swap3A_1397 : vector<1x16xf32> to vector<16xf32>
          %swap3A_1399 = vector.shape_cast %mul3A_1394 : vector<16xf32> to vector<1x16xf32>
          tpu.vector_store %arg14[%swap3A_1395, %swap3A_1396], %swap3A_1399 {add = true, strides = array<i32>} : memref<640x128xf32, #tpu.memory_space<vmem>>, vector<1x16xf32>,
          %add3A_1400 = arith.constant 11 : i32
          %add3A_1401 = arith.addi %mul3A_97, %add3A_1400 : i32
          %get3A_1402 = arith.index_cast %add3A_1401 : i32 to index
          %get3A_1403 = arith.constant 112 : index
          %get3A_1404 = tpu.vector_load %arg13[%get3A_1402, %get3A_1403] {strides = array<i32>} : memref<128x128xf32, #tpu.memory_space<vmem>>, vector<1x16xf32>,
          %get3A_1405 = vector.shape_cast %get3A_1404 : vector<1x16xf32> to vector<16xf32>
          %mul3A_1406 = vector.broadcast %squeeze3A_1306 : f32 to vector<16xf32>
          %mul3A_1407 = arith.mulf %get3A_1405, %mul3A_1406 : vector<16xf32>
          %swap3A_1408 = arith.index_cast %squeeze3A_1308 : i32 to index
          %swap3A_1409 = arith.constant 112 : index
          %swap3A_1410 = tpu.vector_load %arg14[%swap3A_1408, %swap3A_1409] {strides = array<i32>} : memref<640x128xf32, #tpu.memory_space<vmem>>, vector<1x16xf32>,
          %swap3A_1411 = vector.shape_cast %swap3A_1410 : vector<1x16xf32> to vector<16xf32>
          %swap3A_1412 = vector.shape_cast %mul3A_1407 : vector<16xf32> to vector<1x16xf32>
          tpu.vector_store %arg14[%swap3A_1408, %swap3A_1409], %swap3A_1412 {add = true, strides = array<i32>} : memref<640x128xf32, #tpu.memory_space<vmem>>, vector<1x16xf32>,
          %slice3A_1413 = vector.extract_strided_slice %select_n3A_111 {offsets = [12], sizes = [1], strides = [1]} : vector<16xf32> to vector<1xf32>
          %squeeze3A_1414 = vector.extract %slice3A_1413[0] : f32 from vector<1xf32>
          %slice3A_1415 = vector.extract_strided_slice %min3A_117 {offsets = [12], sizes = [1], strides = [1]} : vector<16xi32> to vector<1xi32>
          %squeeze3A_1416 = vector.extract %slice3A_1415[0] : i32 from vector<1xi32>
          %add3A_1417 = arith.constant 12 : i32
          %add3A_1418 = arith.addi %mul3A_97, %add3A_1417 : i32
          %get3A_1419 = arith.index_cast %add3A_1418 : i32 to index
          %get3A_1420 = arith.constant 0 : index
          %get3A_1421 = tpu.vector_load %arg13[%get3A_1419, %get3A_1420] {strides = array<i32>} : memref<128x128xf32, #tpu.memory_space<vmem>>, vector<1x16xf32>,
          %get3A_1422 = vector.shape_cast %get3A_1421 : vector<1x16xf32> to vector<16xf32>
          %mul3A_1423 = vector.broadcast %squeeze3A_1414 : f32 to vector<16xf32>
          %mul3A_1424 = arith.mulf %get3A_1422, %mul3A_1423 : vector<16xf32>
          %swap3A_1425 = arith.index_cast %squeeze3A_1416 : i32 to index
          %swap3A_1426 = arith.constant 0 : index
          %swap3A_1427 = tpu.vector_load %arg14[%swap3A_1425, %swap3A_1426] {strides = array<i32>} : memref<640x128xf32, #tpu.memory_space<vmem>>, vector<1x16xf32>,
          %swap3A_1428 = vector.shape_cast %swap3A_1427 : vector<1x16xf32> to vector<16xf32>
          %swap3A_1429 = vector.shape_cast %mul3A_1424 : vector<16xf32> to vector<1x16xf32>
          tpu.vector_store %arg14[%swap3A_1425, %swap3A_1426], %swap3A_1429 {add = true, strides = array<i32>} : memref<640x128xf32, #tpu.memory_space<vmem>>, vector<1x16xf32>,
          %add3A_1430 = arith.constant 12 : i32
          %add3A_1431 = arith.addi %mul3A_97, %add3A_1430 : i32
          %get3A_1432 = arith.index_cast %add3A_1431 : i32 to index
          %get3A_1433 = arith.constant 16 : index
          %get3A_1434 = tpu.vector_load %arg13[%get3A_1432, %get3A_1433] {strides = array<i32>} : memref<128x128xf32, #tpu.memory_space<vmem>>, vector<1x16xf32>,
          %get3A_1435 = vector.shape_cast %get3A_1434 : vector<1x16xf32> to vector<16xf32>
          %mul3A_1436 = vector.broadcast %squeeze3A_1414 : f32 to vector<16xf32>
          %mul3A_1437 = arith.mulf %get3A_1435, %mul3A_1436 : vector<16xf32>
          %swap3A_1438 = arith.index_cast %squeeze3A_1416 : i32 to index
          %swap3A_1439 = arith.constant 16 : index
          %swap3A_1440 = tpu.vector_load %arg14[%swap3A_1438, %swap3A_1439] {strides = array<i32>} : memref<640x128xf32, #tpu.memory_space<vmem>>, vector<1x16xf32>,
          %swap3A_1441 = vector.shape_cast %swap3A_1440 : vector<1x16xf32> to vector<16xf32>
          %swap3A_1442 = vector.shape_cast %mul3A_1437 : vector<16xf32> to vector<1x16xf32>
          tpu.vector_store %arg14[%swap3A_1438, %swap3A_1439], %swap3A_1442 {add = true, strides = array<i32>} : memref<640x128xf32, #tpu.memory_space<vmem>>, vector<1x16xf32>,
          %add3A_1443 = arith.constant 12 : i32
          %add3A_1444 = arith.addi %mul3A_97, %add3A_1443 : i32
          %get3A_1445 = arith.index_cast %add3A_1444 : i32 to index
          %get3A_1446 = arith.constant 32 : index
          %get3A_1447 = tpu.vector_load %arg13[%get3A_1445, %get3A_1446] {strides = array<i32>} : memref<128x128xf32, #tpu.memory_space<vmem>>, vector<1x16xf32>,
          %get3A_1448 = vector.shape_cast %get3A_1447 : vector<1x16xf32> to vector<16xf32>
          %mul3A_1449 = vector.broadcast %squeeze3A_1414 : f32 to vector<16xf32>
          %mul3A_1450 = arith.mulf %get3A_1448, %mul3A_1449 : vector<16xf32>
          %swap3A_1451 = arith.index_cast %squeeze3A_1416 : i32 to index
          %swap3A_1452 = arith.constant 32 : index
          %swap3A_1453 = tpu.vector_load %arg14[%swap3A_1451, %swap3A_1452] {strides = array<i32>} : memref<640x128xf32, #tpu.memory_space<vmem>>, vector<1x16xf32>,
          %swap3A_1454 = vector.shape_cast %swap3A_1453 : vector<1x16xf32> to vector<16xf32>
          %swap3A_1455 = vector.shape_cast %mul3A_1450 : vector<16xf32> to vector<1x16xf32>
          tpu.vector_store %arg14[%swap3A_1451, %swap3A_1452], %swap3A_1455 {add = true, strides = array<i32>} : memref<640x128xf32, #tpu.memory_space<vmem>>, vector<1x16xf32>,
          %add3A_1456 = arith.constant 12 : i32
          %add3A_1457 = arith.addi %mul3A_97, %add3A_1456 : i32
          %get3A_1458 = arith.index_cast %add3A_1457 : i32 to index
          %get3A_1459 = arith.constant 48 : index
          %get3A_1460 = tpu.vector_load %arg13[%get3A_1458, %get3A_1459] {strides = array<i32>} : memref<128x128xf32, #tpu.memory_space<vmem>>, vector<1x16xf32>,
          %get3A_1461 = vector.shape_cast %get3A_1460 : vector<1x16xf32> to vector<16xf32>
          %mul3A_1462 = vector.broadcast %squeeze3A_1414 : f32 to vector<16xf32>
          %mul3A_1463 = arith.mulf %get3A_1461, %mul3A_1462 : vector<16xf32>
          %swap3A_1464 = arith.index_cast %squeeze3A_1416 : i32 to index
          %swap3A_1465 = arith.constant 48 : index
          %swap3A_1466 = tpu.vector_load %arg14[%swap3A_1464, %swap3A_1465] {strides = array<i32>} : memref<640x128xf32, #tpu.memory_space<vmem>>, vector<1x16xf32>,
          %swap3A_1467 = vector.shape_cast %swap3A_1466 : vector<1x16xf32> to vector<16xf32>
          %swap3A_1468 = vector.shape_cast %mul3A_1463 : vector<16xf32> to vector<1x16xf32>
          tpu.vector_store %arg14[%swap3A_1464, %swap3A_1465], %swap3A_1468 {add = true, strides = array<i32>} : memref<640x128xf32, #tpu.memory_space<vmem>>, vector<1x16xf32>,
          %add3A_1469 = arith.constant 12 : i32
          %add3A_1470 = arith.addi %mul3A_97, %add3A_1469 : i32
          %get3A_1471 = arith.index_cast %add3A_1470 : i32 to index
          %get3A_1472 = arith.constant 64 : index
          %get3A_1473 = tpu.vector_load %arg13[%get3A_1471, %get3A_1472] {strides = array<i32>} : memref<128x128xf32, #tpu.memory_space<vmem>>, vector<1x16xf32>,
          %get3A_1474 = vector.shape_cast %get3A_1473 : vector<1x16xf32> to vector<16xf32>
          %mul3A_1475 = vector.broadcast %squeeze3A_1414 : f32 to vector<16xf32>
          %mul3A_1476 = arith.mulf %get3A_1474, %mul3A_1475 : vector<16xf32>
          %swap3A_1477 = arith.index_cast %squeeze3A_1416 : i32 to index
          %swap3A_1478 = arith.constant 64 : index
          %swap3A_1479 = tpu.vector_load %arg14[%swap3A_1477, %swap3A_1478] {strides = array<i32>} : memref<640x128xf32, #tpu.memory_space<vmem>>, vector<1x16xf32>,
          %swap3A_1480 = vector.shape_cast %swap3A_1479 : vector<1x16xf32> to vector<16xf32>
          %swap3A_1481 = vector.shape_cast %mul3A_1476 : vector<16xf32> to vector<1x16xf32>
          tpu.vector_store %arg14[%swap3A_1477, %swap3A_1478], %swap3A_1481 {add = true, strides = array<i32>} : memref<640x128xf32, #tpu.memory_space<vmem>>, vector<1x16xf32>,
          %add3A_1482 = arith.constant 12 : i32
          %add3A_1483 = arith.addi %mul3A_97, %add3A_1482 : i32
          %get3A_1484 = arith.index_cast %add3A_1483 : i32 to index
          %get3A_1485 = arith.constant 80 : index
          %get3A_1486 = tpu.vector_load %arg13[%get3A_1484, %get3A_1485] {strides = array<i32>} : memref<128x128xf32, #tpu.memory_space<vmem>>, vector<1x16xf32>,
          %get3A_1487 = vector.shape_cast %get3A_1486 : vector<1x16xf32> to vector<16xf32>
          %mul3A_1488 = vector.broadcast %squeeze3A_1414 : f32 to vector<16xf32>
          %mul3A_1489 = arith.mulf %get3A_1487, %mul3A_1488 : vector<16xf32>
          %swap3A_1490 = arith.index_cast %squeeze3A_1416 : i32 to index
          %swap3A_1491 = arith.constant 80 : index
          %swap3A_1492 = tpu.vector_load %arg14[%swap3A_1490, %swap3A_1491] {strides = array<i32>} : memref<640x128xf32, #tpu.memory_space<vmem>>, vector<1x16xf32>,
          %swap3A_1493 = vector.shape_cast %swap3A_1492 : vector<1x16xf32> to vector<16xf32>
          %swap3A_1494 = vector.shape_cast %mul3A_1489 : vector<16xf32> to vector<1x16xf32>
          tpu.vector_store %arg14[%swap3A_1490, %swap3A_1491], %swap3A_1494 {add = true, strides = array<i32>} : memref<640x128xf32, #tpu.memory_space<vmem>>, vector<1x16xf32>,
          %add3A_1495 = arith.constant 12 : i32
          %add3A_1496 = arith.addi %mul3A_97, %add3A_1495 : i32
          %get3A_1497 = arith.index_cast %add3A_1496 : i32 to index
          %get3A_1498 = arith.constant 96 : index
          %get3A_1499 = tpu.vector_load %arg13[%get3A_1497, %get3A_1498] {strides = array<i32>} : memref<128x128xf32, #tpu.memory_space<vmem>>, vector<1x16xf32>,
          %get3A_1500 = vector.shape_cast %get3A_1499 : vector<1x16xf32> to vector<16xf32>
          %mul3A_1501 = vector.broadcast %squeeze3A_1414 : f32 to vector<16xf32>
          %mul3A_1502 = arith.mulf %get3A_1500, %mul3A_1501 : vector<16xf32>
          %swap3A_1503 = arith.index_cast %squeeze3A_1416 : i32 to index
          %swap3A_1504 = arith.constant 96 : index
          %swap3A_1505 = tpu.vector_load %arg14[%swap3A_1503, %swap3A_1504] {strides = array<i32>} : memref<640x128xf32, #tpu.memory_space<vmem>>, vector<1x16xf32>,
          %swap3A_1506 = vector.shape_cast %swap3A_1505 : vector<1x16xf32> to vector<16xf32>
          %swap3A_1507 = vector.shape_cast %mul3A_1502 : vector<16xf32> to vector<1x16xf32>
          tpu.vector_store %arg14[%swap3A_1503, %swap3A_1504], %swap3A_1507 {add = true, strides = array<i32>} : memref<640x128xf32, #tpu.memory_space<vmem>>, vector<1x16xf32>,
          %add3A_1508 = arith.constant 12 : i32
          %add3A_1509 = arith.addi %mul3A_97, %add3A_1508 : i32
          %get3A_1510 = arith.index_cast %add3A_1509 : i32 to index
          %get3A_1511 = arith.constant 112 : index
          %get3A_1512 = tpu.vector_load %arg13[%get3A_1510, %get3A_1511] {strides = array<i32>} : memref<128x128xf32, #tpu.memory_space<vmem>>, vector<1x16xf32>,
          %get3A_1513 = vector.shape_cast %get3A_1512 : vector<1x16xf32> to vector<16xf32>
          %mul3A_1514 = vector.broadcast %squeeze3A_1414 : f32 to vector<16xf32>
          %mul3A_1515 = arith.mulf %get3A_1513, %mul3A_1514 : vector<16xf32>
          %swap3A_1516 = arith.index_cast %squeeze3A_1416 : i32 to index
          %swap3A_1517 = arith.constant 112 : index
          %swap3A_1518 = tpu.vector_load %arg14[%swap3A_1516, %swap3A_1517] {strides = array<i32>} : memref<640x128xf32, #tpu.memory_space<vmem>>, vector<1x16xf32>,
          %swap3A_1519 = vector.shape_cast %swap3A_1518 : vector<1x16xf32> to vector<16xf32>
          %swap3A_1520 = vector.shape_cast %mul3A_1515 : vector<16xf32> to vector<1x16xf32>
          tpu.vector_store %arg14[%swap3A_1516, %swap3A_1517], %swap3A_1520 {add = true, strides = array<i32>} : memref<640x128xf32, #tpu.memory_space<vmem>>, vector<1x16xf32>,
          %slice3A_1521 = vector.extract_strided_slice %select_n3A_111 {offsets = [13], sizes = [1], strides = [1]} : vector<16xf32> to vector<1xf32>
          %squeeze3A_1522 = vector.extract %slice3A_1521[0] : f32 from vector<1xf32>
          %slice3A_1523 = vector.extract_strided_slice %min3A_117 {offsets = [13], sizes = [1], strides = [1]} : vector<16xi32> to vector<1xi32>
          %squeeze3A_1524 = vector.extract %slice3A_1523[0] : i32 from vector<1xi32>
          %add3A_1525 = arith.constant 13 : i32
          %add3A_1526 = arith.addi %mul3A_97, %add3A_1525 : i32
          %get3A_1527 = arith.index_cast %add3A_1526 : i32 to index
          %get3A_1528 = arith.constant 0 : index
          %get3A_1529 = tpu.vector_load %arg13[%get3A_1527, %get3A_1528] {strides = array<i32>} : memref<128x128xf32, #tpu.memory_space<vmem>>, vector<1x16xf32>,
          %get3A_1530 = vector.shape_cast %get3A_1529 : vector<1x16xf32> to vector<16xf32>
          %mul3A_1531 = vector.broadcast %squeeze3A_1522 : f32 to vector<16xf32>
          %mul3A_1532 = arith.mulf %get3A_1530, %mul3A_1531 : vector<16xf32>
          %swap3A_1533 = arith.index_cast %squeeze3A_1524 : i32 to index
          %swap3A_1534 = arith.constant 0 : index
          %swap3A_1535 = tpu.vector_load %arg14[%swap3A_1533, %swap3A_1534] {strides = array<i32>} : memref<640x128xf32, #tpu.memory_space<vmem>>, vector<1x16xf32>,
          %swap3A_1536 = vector.shape_cast %swap3A_1535 : vector<1x16xf32> to vector<16xf32>
          %swap3A_1537 = vector.shape_cast %mul3A_1532 : vector<16xf32> to vector<1x16xf32>
          tpu.vector_store %arg14[%swap3A_1533, %swap3A_1534], %swap3A_1537 {add = true, strides = array<i32>} : memref<640x128xf32, #tpu.memory_space<vmem>>, vector<1x16xf32>,
          %add3A_1538 = arith.constant 13 : i32
          %add3A_1539 = arith.addi %mul3A_97, %add3A_1538 : i32
          %get3A_1540 = arith.index_cast %add3A_1539 : i32 to index
          %get3A_1541 = arith.constant 16 : index
          %get3A_1542 = tpu.vector_load %arg13[%get3A_1540, %get3A_1541] {strides = array<i32>} : memref<128x128xf32, #tpu.memory_space<vmem>>, vector<1x16xf32>,
          %get3A_1543 = vector.shape_cast %get3A_1542 : vector<1x16xf32> to vector<16xf32>
          %mul3A_1544 = vector.broadcast %squeeze3A_1522 : f32 to vector<16xf32>
          %mul3A_1545 = arith.mulf %get3A_1543, %mul3A_1544 : vector<16xf32>
          %swap3A_1546 = arith.index_cast %squeeze3A_1524 : i32 to index
          %swap3A_1547 = arith.constant 16 : index
          %swap3A_1548 = tpu.vector_load %arg14[%swap3A_1546, %swap3A_1547] {strides = array<i32>} : memref<640x128xf32, #tpu.memory_space<vmem>>, vector<1x16xf32>,
          %swap3A_1549 = vector.shape_cast %swap3A_1548 : vector<1x16xf32> to vector<16xf32>
          %swap3A_1550 = vector.shape_cast %mul3A_1545 : vector<16xf32> to vector<1x16xf32>
          tpu.vector_store %arg14[%swap3A_1546, %swap3A_1547], %swap3A_1550 {add = true, strides = array<i32>} : memref<640x128xf32, #tpu.memory_space<vmem>>, vector<1x16xf32>,
          %add3A_1551 = arith.constant 13 : i32
          %add3A_1552 = arith.addi %mul3A_97, %add3A_1551 : i32
          %get3A_1553 = arith.index_cast %add3A_1552 : i32 to index
          %get3A_1554 = arith.constant 32 : index
          %get3A_1555 = tpu.vector_load %arg13[%get3A_1553, %get3A_1554] {strides = array<i32>} : memref<128x128xf32, #tpu.memory_space<vmem>>, vector<1x16xf32>,
          %get3A_1556 = vector.shape_cast %get3A_1555 : vector<1x16xf32> to vector<16xf32>
          %mul3A_1557 = vector.broadcast %squeeze3A_1522 : f32 to vector<16xf32>
          %mul3A_1558 = arith.mulf %get3A_1556, %mul3A_1557 : vector<16xf32>
          %swap3A_1559 = arith.index_cast %squeeze3A_1524 : i32 to index
          %swap3A_1560 = arith.constant 32 : index
          %swap3A_1561 = tpu.vector_load %arg14[%swap3A_1559, %swap3A_1560] {strides = array<i32>} : memref<640x128xf32, #tpu.memory_space<vmem>>, vector<1x16xf32>,
          %swap3A_1562 = vector.shape_cast %swap3A_1561 : vector<1x16xf32> to vector<16xf32>
          %swap3A_1563 = vector.shape_cast %mul3A_1558 : vector<16xf32> to vector<1x16xf32>
          tpu.vector_store %arg14[%swap3A_1559, %swap3A_1560], %swap3A_1563 {add = true, strides = array<i32>} : memref<640x128xf32, #tpu.memory_space<vmem>>, vector<1x16xf32>,
          %add3A_1564 = arith.constant 13 : i32
          %add3A_1565 = arith.addi %mul3A_97, %add3A_1564 : i32
          %get3A_1566 = arith.index_cast %add3A_1565 : i32 to index
          %get3A_1567 = arith.constant 48 : index
          %get3A_1568 = tpu.vector_load %arg13[%get3A_1566, %get3A_1567] {strides = array<i32>} : memref<128x128xf32, #tpu.memory_space<vmem>>, vector<1x16xf32>,
          %get3A_1569 = vector.shape_cast %get3A_1568 : vector<1x16xf32> to vector<16xf32>
          %mul3A_1570 = vector.broadcast %squeeze3A_1522 : f32 to vector<16xf32>
          %mul3A_1571 = arith.mulf %get3A_1569, %mul3A_1570 : vector<16xf32>
          %swap3A_1572 = arith.index_cast %squeeze3A_1524 : i32 to index
          %swap3A_1573 = arith.constant 48 : index
          %swap3A_1574 = tpu.vector_load %arg14[%swap3A_1572, %swap3A_1573] {strides = array<i32>} : memref<640x128xf32, #tpu.memory_space<vmem>>, vector<1x16xf32>,
          %swap3A_1575 = vector.shape_cast %swap3A_1574 : vector<1x16xf32> to vector<16xf32>
          %swap3A_1576 = vector.shape_cast %mul3A_1571 : vector<16xf32> to vector<1x16xf32>
          tpu.vector_store %arg14[%swap3A_1572, %swap3A_1573], %swap3A_1576 {add = true, strides = array<i32>} : memref<640x128xf32, #tpu.memory_space<vmem>>, vector<1x16xf32>,
          %add3A_1577 = arith.constant 13 : i32
          %add3A_1578 = arith.addi %mul3A_97, %add3A_1577 : i32
          %get3A_1579 = arith.index_cast %add3A_1578 : i32 to index
          %get3A_1580 = arith.constant 64 : index
          %get3A_1581 = tpu.vector_load %arg13[%get3A_1579, %get3A_1580] {strides = array<i32>} : memref<128x128xf32, #tpu.memory_space<vmem>>, vector<1x16xf32>,
          %get3A_1582 = vector.shape_cast %get3A_1581 : vector<1x16xf32> to vector<16xf32>
          %mul3A_1583 = vector.broadcast %squeeze3A_1522 : f32 to vector<16xf32>
          %mul3A_1584 = arith.mulf %get3A_1582, %mul3A_1583 : vector<16xf32>
          %swap3A_1585 = arith.index_cast %squeeze3A_1524 : i32 to index
          %swap3A_1586 = arith.constant 64 : index
          %swap3A_1587 = tpu.vector_load %arg14[%swap3A_1585, %swap3A_1586] {strides = array<i32>} : memref<640x128xf32, #tpu.memory_space<vmem>>, vector<1x16xf32>,
          %swap3A_1588 = vector.shape_cast %swap3A_1587 : vector<1x16xf32> to vector<16xf32>
          %swap3A_1589 = vector.shape_cast %mul3A_1584 : vector<16xf32> to vector<1x16xf32>
          tpu.vector_store %arg14[%swap3A_1585, %swap3A_1586], %swap3A_1589 {add = true, strides = array<i32>} : memref<640x128xf32, #tpu.memory_space<vmem>>, vector<1x16xf32>,
          %add3A_1590 = arith.constant 13 : i32
          %add3A_1591 = arith.addi %mul3A_97, %add3A_1590 : i32
          %get3A_1592 = arith.index_cast %add3A_1591 : i32 to index
          %get3A_1593 = arith.constant 80 : index
          %get3A_1594 = tpu.vector_load %arg13[%get3A_1592, %get3A_1593] {strides = array<i32>} : memref<128x128xf32, #tpu.memory_space<vmem>>, vector<1x16xf32>,
          %get3A_1595 = vector.shape_cast %get3A_1594 : vector<1x16xf32> to vector<16xf32>
          %mul3A_1596 = vector.broadcast %squeeze3A_1522 : f32 to vector<16xf32>
          %mul3A_1597 = arith.mulf %get3A_1595, %mul3A_1596 : vector<16xf32>
          %swap3A_1598 = arith.index_cast %squeeze3A_1524 : i32 to index
          %swap3A_1599 = arith.constant 80 : index
          %swap3A_1600 = tpu.vector_load %arg14[%swap3A_1598, %swap3A_1599] {strides = array<i32>} : memref<640x128xf32, #tpu.memory_space<vmem>>, vector<1x16xf32>,
          %swap3A_1601 = vector.shape_cast %swap3A_1600 : vector<1x16xf32> to vector<16xf32>
          %swap3A_1602 = vector.shape_cast %mul3A_1597 : vector<16xf32> to vector<1x16xf32>
          tpu.vector_store %arg14[%swap3A_1598, %swap3A_1599], %swap3A_1602 {add = true, strides = array<i32>} : memref<640x128xf32, #tpu.memory_space<vmem>>, vector<1x16xf32>,
          %add3A_1603 = arith.constant 13 : i32
          %add3A_1604 = arith.addi %mul3A_97, %add3A_1603 : i32
          %get3A_1605 = arith.index_cast %add3A_1604 : i32 to index
          %get3A_1606 = arith.constant 96 : index
          %get3A_1607 = tpu.vector_load %arg13[%get3A_1605, %get3A_1606] {strides = array<i32>} : memref<128x128xf32, #tpu.memory_space<vmem>>, vector<1x16xf32>,
          %get3A_1608 = vector.shape_cast %get3A_1607 : vector<1x16xf32> to vector<16xf32>
          %mul3A_1609 = vector.broadcast %squeeze3A_1522 : f32 to vector<16xf32>
          %mul3A_1610 = arith.mulf %get3A_1608, %mul3A_1609 : vector<16xf32>
          %swap3A_1611 = arith.index_cast %squeeze3A_1524 : i32 to index
          %swap3A_1612 = arith.constant 96 : index
          %swap3A_1613 = tpu.vector_load %arg14[%swap3A_1611, %swap3A_1612] {strides = array<i32>} : memref<640x128xf32, #tpu.memory_space<vmem>>, vector<1x16xf32>,
          %swap3A_1614 = vector.shape_cast %swap3A_1613 : vector<1x16xf32> to vector<16xf32>
          %swap3A_1615 = vector.shape_cast %mul3A_1610 : vector<16xf32> to vector<1x16xf32>
          tpu.vector_store %arg14[%swap3A_1611, %swap3A_1612], %swap3A_1615 {add = true, strides = array<i32>} : memref<640x128xf32, #tpu.memory_space<vmem>>, vector<1x16xf32>,
          %add3A_1616 = arith.constant 13 : i32
          %add3A_1617 = arith.addi %mul3A_97, %add3A_1616 : i32
          %get3A_1618 = arith.index_cast %add3A_1617 : i32 to index
          %get3A_1619 = arith.constant 112 : index
          %get3A_1620 = tpu.vector_load %arg13[%get3A_1618, %get3A_1619] {strides = array<i32>} : memref<128x128xf32, #tpu.memory_space<vmem>>, vector<1x16xf32>,
          %get3A_1621 = vector.shape_cast %get3A_1620 : vector<1x16xf32> to vector<16xf32>
          %mul3A_1622 = vector.broadcast %squeeze3A_1522 : f32 to vector<16xf32>
          %mul3A_1623 = arith.mulf %get3A_1621, %mul3A_1622 : vector<16xf32>
          %swap3A_1624 = arith.index_cast %squeeze3A_1524 : i32 to index
          %swap3A_1625 = arith.constant 112 : index
          %swap3A_1626 = tpu.vector_load %arg14[%swap3A_1624, %swap3A_1625] {strides = array<i32>} : memref<640x128xf32, #tpu.memory_space<vmem>>, vector<1x16xf32>,
          %swap3A_1627 = vector.shape_cast %swap3A_1626 : vector<1x16xf32> to vector<16xf32>
          %swap3A_1628 = vector.shape_cast %mul3A_1623 : vector<16xf32> to vector<1x16xf32>
          tpu.vector_store %arg14[%swap3A_1624, %swap3A_1625], %swap3A_1628 {add = true, strides = array<i32>} : memref<640x128xf32, #tpu.memory_space<vmem>>, vector<1x16xf32>,
          %slice3A_1629 = vector.extract_strided_slice %select_n3A_111 {offsets = [14], sizes = [1], strides = [1]} : vector<16xf32> to vector<1xf32>
          %squeeze3A_1630 = vector.extract %slice3A_1629[0] : f32 from vector<1xf32>
          %slice3A_1631 = vector.extract_strided_slice %min3A_117 {offsets = [14], sizes = [1], strides = [1]} : vector<16xi32> to vector<1xi32>
          %squeeze3A_1632 = vector.extract %slice3A_1631[0] : i32 from vector<1xi32>
          %add3A_1633 = arith.constant 14 : i32
          %add3A_1634 = arith.addi %mul3A_97, %add3A_1633 : i32
          %get3A_1635 = arith.index_cast %add3A_1634 : i32 to index
          %get3A_1636 = arith.constant 0 : index
          %get3A_1637 = tpu.vector_load %arg13[%get3A_1635, %get3A_1636] {strides = array<i32>} : memref<128x128xf32, #tpu.memory_space<vmem>>, vector<1x16xf32>,
          %get3A_1638 = vector.shape_cast %get3A_1637 : vector<1x16xf32> to vector<16xf32>
          %mul3A_1639 = vector.broadcast %squeeze3A_1630 : f32 to vector<16xf32>
          %mul3A_1640 = arith.mulf %get3A_1638, %mul3A_1639 : vector<16xf32>
          %swap3A_1641 = arith.index_cast %squeeze3A_1632 : i32 to index
          %swap3A_1642 = arith.constant 0 : index
          %swap3A_1643 = tpu.vector_load %arg14[%swap3A_1641, %swap3A_1642] {strides = array<i32>} : memref<640x128xf32, #tpu.memory_space<vmem>>, vector<1x16xf32>,
          %swap3A_1644 = vector.shape_cast %swap3A_1643 : vector<1x16xf32> to vector<16xf32>
          %swap3A_1645 = vector.shape_cast %mul3A_1640 : vector<16xf32> to vector<1x16xf32>
          tpu.vector_store %arg14[%swap3A_1641, %swap3A_1642], %swap3A_1645 {add = true, strides = array<i32>} : memref<640x128xf32, #tpu.memory_space<vmem>>, vector<1x16xf32>,
          %add3A_1646 = arith.constant 14 : i32
          %add3A_1647 = arith.addi %mul3A_97, %add3A_1646 : i32
          %get3A_1648 = arith.index_cast %add3A_1647 : i32 to index
          %get3A_1649 = arith.constant 16 : index
          %get3A_1650 = tpu.vector_load %arg13[%get3A_1648, %get3A_1649] {strides = array<i32>} : memref<128x128xf32, #tpu.memory_space<vmem>>, vector<1x16xf32>,
          %get3A_1651 = vector.shape_cast %get3A_1650 : vector<1x16xf32> to vector<16xf32>
          %mul3A_1652 = vector.broadcast %squeeze3A_1630 : f32 to vector<16xf32>
          %mul3A_1653 = arith.mulf %get3A_1651, %mul3A_1652 : vector<16xf32>
          %swap3A_1654 = arith.index_cast %squeeze3A_1632 : i32 to index
          %swap3A_1655 = arith.constant 16 : index
          %swap3A_1656 = tpu.vector_load %arg14[%swap3A_1654, %swap3A_1655] {strides = array<i32>} : memref<640x128xf32, #tpu.memory_space<vmem>>, vector<1x16xf32>,
          %swap3A_1657 = vector.shape_cast %swap3A_1656 : vector<1x16xf32> to vector<16xf32>
          %swap3A_1658 = vector.shape_cast %mul3A_1653 : vector<16xf32> to vector<1x16xf32>
          tpu.vector_store %arg14[%swap3A_1654, %swap3A_1655], %swap3A_1658 {add = true, strides = array<i32>} : memref<640x128xf32, #tpu.memory_space<vmem>>, vector<1x16xf32>,
          %add3A_1659 = arith.constant 14 : i32
          %add3A_1660 = arith.addi %mul3A_97, %add3A_1659 : i32
          %get3A_1661 = arith.index_cast %add3A_1660 : i32 to index
          %get3A_1662 = arith.constant 32 : index
          %get3A_1663 = tpu.vector_load %arg13[%get3A_1661, %get3A_1662] {strides = array<i32>} : memref<128x128xf32, #tpu.memory_space<vmem>>, vector<1x16xf32>,
          %get3A_1664 = vector.shape_cast %get3A_1663 : vector<1x16xf32> to vector<16xf32>
          %mul3A_1665 = vector.broadcast %squeeze3A_1630 : f32 to vector<16xf32>
          %mul3A_1666 = arith.mulf %get3A_1664, %mul3A_1665 : vector<16xf32>
          %swap3A_1667 = arith.index_cast %squeeze3A_1632 : i32 to index
          %swap3A_1668 = arith.constant 32 : index
          %swap3A_1669 = tpu.vector_load %arg14[%swap3A_1667, %swap3A_1668] {strides = array<i32>} : memref<640x128xf32, #tpu.memory_space<vmem>>, vector<1x16xf32>,
          %swap3A_1670 = vector.shape_cast %swap3A_1669 : vector<1x16xf32> to vector<16xf32>
          %swap3A_1671 = vector.shape_cast %mul3A_1666 : vector<16xf32> to vector<1x16xf32>
          tpu.vector_store %arg14[%swap3A_1667, %swap3A_1668], %swap3A_1671 {add = true, strides = array<i32>} : memref<640x128xf32, #tpu.memory_space<vmem>>, vector<1x16xf32>,
          %add3A_1672 = arith.constant 14 : i32
          %add3A_1673 = arith.addi %mul3A_97, %add3A_1672 : i32
          %get3A_1674 = arith.index_cast %add3A_1673 : i32 to index
          %get3A_1675 = arith.constant 48 : index
          %get3A_1676 = tpu.vector_load %arg13[%get3A_1674, %get3A_1675] {strides = array<i32>} : memref<128x128xf32, #tpu.memory_space<vmem>>, vector<1x16xf32>,
          %get3A_1677 = vector.shape_cast %get3A_1676 : vector<1x16xf32> to vector<16xf32>
          %mul3A_1678 = vector.broadcast %squeeze3A_1630 : f32 to vector<16xf32>
          %mul3A_1679 = arith.mulf %get3A_1677, %mul3A_1678 : vector<16xf32>
          %swap3A_1680 = arith.index_cast %squeeze3A_1632 : i32 to index
          %swap3A_1681 = arith.constant 48 : index
          %swap3A_1682 = tpu.vector_load %arg14[%swap3A_1680, %swap3A_1681] {strides = array<i32>} : memref<640x128xf32, #tpu.memory_space<vmem>>, vector<1x16xf32>,
          %swap3A_1683 = vector.shape_cast %swap3A_1682 : vector<1x16xf32> to vector<16xf32>
          %swap3A_1684 = vector.shape_cast %mul3A_1679 : vector<16xf32> to vector<1x16xf32>
          tpu.vector_store %arg14[%swap3A_1680, %swap3A_1681], %swap3A_1684 {add = true, strides = array<i32>} : memref<640x128xf32, #tpu.memory_space<vmem>>, vector<1x16xf32>,
          %add3A_1685 = arith.constant 14 : i32
          %add3A_1686 = arith.addi %mul3A_97, %add3A_1685 : i32
          %get3A_1687 = arith.index_cast %add3A_1686 : i32 to index
          %get3A_1688 = arith.constant 64 : index
          %get3A_1689 = tpu.vector_load %arg13[%get3A_1687, %get3A_1688] {strides = array<i32>} : memref<128x128xf32, #tpu.memory_space<vmem>>, vector<1x16xf32>,
          %get3A_1690 = vector.shape_cast %get3A_1689 : vector<1x16xf32> to vector<16xf32>
          %mul3A_1691 = vector.broadcast %squeeze3A_1630 : f32 to vector<16xf32>
          %mul3A_1692 = arith.mulf %get3A_1690, %mul3A_1691 : vector<16xf32>
          %swap3A_1693 = arith.index_cast %squeeze3A_1632 : i32 to index
          %swap3A_1694 = arith.constant 64 : index
          %swap3A_1695 = tpu.vector_load %arg14[%swap3A_1693, %swap3A_1694] {strides = array<i32>} : memref<640x128xf32, #tpu.memory_space<vmem>>, vector<1x16xf32>,
          %swap3A_1696 = vector.shape_cast %swap3A_1695 : vector<1x16xf32> to vector<16xf32>
          %swap3A_1697 = vector.shape_cast %mul3A_1692 : vector<16xf32> to vector<1x16xf32>
          tpu.vector_store %arg14[%swap3A_1693, %swap3A_1694], %swap3A_1697 {add = true, strides = array<i32>} : memref<640x128xf32, #tpu.memory_space<vmem>>, vector<1x16xf32>,
          %add3A_1698 = arith.constant 14 : i32
          %add3A_1699 = arith.addi %mul3A_97, %add3A_1698 : i32
          %get3A_1700 = arith.index_cast %add3A_1699 : i32 to index
          %get3A_1701 = arith.constant 80 : index
          %get3A_1702 = tpu.vector_load %arg13[%get3A_1700, %get3A_1701] {strides = array<i32>} : memref<128x128xf32, #tpu.memory_space<vmem>>, vector<1x16xf32>,
          %get3A_1703 = vector.shape_cast %get3A_1702 : vector<1x16xf32> to vector<16xf32>
          %mul3A_1704 = vector.broadcast %squeeze3A_1630 : f32 to vector<16xf32>
          %mul3A_1705 = arith.mulf %get3A_1703, %mul3A_1704 : vector<16xf32>
          %swap3A_1706 = arith.index_cast %squeeze3A_1632 : i32 to index
          %swap3A_1707 = arith.constant 80 : index
          %swap3A_1708 = tpu.vector_load %arg14[%swap3A_1706, %swap3A_1707] {strides = array<i32>} : memref<640x128xf32, #tpu.memory_space<vmem>>, vector<1x16xf32>,
          %swap3A_1709 = vector.shape_cast %swap3A_1708 : vector<1x16xf32> to vector<16xf32>
          %swap3A_1710 = vector.shape_cast %mul3A_1705 : vector<16xf32> to vector<1x16xf32>
          tpu.vector_store %arg14[%swap3A_1706, %swap3A_1707], %swap3A_1710 {add = true, strides = array<i32>} : memref<640x128xf32, #tpu.memory_space<vmem>>, vector<1x16xf32>,
          %add3A_1711 = arith.constant 14 : i32
          %add3A_1712 = arith.addi %mul3A_97, %add3A_1711 : i32
          %get3A_1713 = arith.index_cast %add3A_1712 : i32 to index
          %get3A_1714 = arith.constant 96 : index
          %get3A_1715 = tpu.vector_load %arg13[%get3A_1713, %get3A_1714] {strides = array<i32>} : memref<128x128xf32, #tpu.memory_space<vmem>>, vector<1x16xf32>,
          %get3A_1716 = vector.shape_cast %get3A_1715 : vector<1x16xf32> to vector<16xf32>
          %mul3A_1717 = vector.broadcast %squeeze3A_1630 : f32 to vector<16xf32>
          %mul3A_1718 = arith.mulf %get3A_1716, %mul3A_1717 : vector<16xf32>
          %swap3A_1719 = arith.index_cast %squeeze3A_1632 : i32 to index
          %swap3A_1720 = arith.constant 96 : index
          %swap3A_1721 = tpu.vector_load %arg14[%swap3A_1719, %swap3A_1720] {strides = array<i32>} : memref<640x128xf32, #tpu.memory_space<vmem>>, vector<1x16xf32>,
          %swap3A_1722 = vector.shape_cast %swap3A_1721 : vector<1x16xf32> to vector<16xf32>
          %swap3A_1723 = vector.shape_cast %mul3A_1718 : vector<16xf32> to vector<1x16xf32>
          tpu.vector_store %arg14[%swap3A_1719, %swap3A_1720], %swap3A_1723 {add = true, strides = array<i32>} : memref<640x128xf32, #tpu.memory_space<vmem>>, vector<1x16xf32>,
          %add3A_1724 = arith.constant 14 : i32
          %add3A_1725 = arith.addi %mul3A_97, %add3A_1724 : i32
          %get3A_1726 = arith.index_cast %add3A_1725 : i32 to index
          %get3A_1727 = arith.constant 112 : index
          %get3A_1728 = tpu.vector_load %arg13[%get3A_1726, %get3A_1727] {strides = array<i32>} : memref<128x128xf32, #tpu.memory_space<vmem>>, vector<1x16xf32>,
          %get3A_1729 = vector.shape_cast %get3A_1728 : vector<1x16xf32> to vector<16xf32>
          %mul3A_1730 = vector.broadcast %squeeze3A_1630 : f32 to vector<16xf32>
          %mul3A_1731 = arith.mulf %get3A_1729, %mul3A_1730 : vector<16xf32>
          %swap3A_1732 = arith.index_cast %squeeze3A_1632 : i32 to index
          %swap3A_1733 = arith.constant 112 : index
          %swap3A_1734 = tpu.vector_load %arg14[%swap3A_1732, %swap3A_1733] {strides = array<i32>} : memref<640x128xf32, #tpu.memory_space<vmem>>, vector<1x16xf32>,
          %swap3A_1735 = vector.shape_cast %swap3A_1734 : vector<1x16xf32> to vector<16xf32>
          %swap3A_1736 = vector.shape_cast %mul3A_1731 : vector<16xf32> to vector<1x16xf32>
          tpu.vector_store %arg14[%swap3A_1732, %swap3A_1733], %swap3A_1736 {add = true, strides = array<i32>} : memref<640x128xf32, #tpu.memory_space<vmem>>, vector<1x16xf32>,
          %slice3A_1737 = vector.extract_strided_slice %select_n3A_111 {offsets = [15], sizes = [1], strides = [1]} : vector<16xf32> to vector<1xf32>
          %squeeze3A_1738 = vector.extract %slice3A_1737[0] : f32 from vector<1xf32>
          %slice3A_1739 = vector.extract_strided_slice %min3A_117 {offsets = [15], sizes = [1], strides = [1]} : vector<16xi32> to vector<1xi32>
          %squeeze3A_1740 = vector.extract %slice3A_1739[0] : i32 from vector<1xi32>
          %add3A_1741 = arith.constant 15 : i32
          %add3A_1742 = arith.addi %mul3A_97, %add3A_1741 : i32
          %get3A_1743 = arith.index_cast %add3A_1742 : i32 to index
          %get3A_1744 = arith.constant 0 : index
          %get3A_1745 = tpu.vector_load %arg13[%get3A_1743, %get3A_1744] {strides = array<i32>} : memref<128x128xf32, #tpu.memory_space<vmem>>, vector<1x16xf32>,
          %get3A_1746 = vector.shape_cast %get3A_1745 : vector<1x16xf32> to vector<16xf32>
          %mul3A_1747 = vector.broadcast %squeeze3A_1738 : f32 to vector<16xf32>
          %mul3A_1748 = arith.mulf %get3A_1746, %mul3A_1747 : vector<16xf32>
          %swap3A_1749 = arith.index_cast %squeeze3A_1740 : i32 to index
          %swap3A_1750 = arith.constant 0 : index
          %swap3A_1751 = tpu.vector_load %arg14[%swap3A_1749, %swap3A_1750] {strides = array<i32>} : memref<640x128xf32, #tpu.memory_space<vmem>>, vector<1x16xf32>,
          %swap3A_1752 = vector.shape_cast %swap3A_1751 : vector<1x16xf32> to vector<16xf32>
          %swap3A_1753 = vector.shape_cast %mul3A_1748 : vector<16xf32> to vector<1x16xf32>
          tpu.vector_store %arg14[%swap3A_1749, %swap3A_1750], %swap3A_1753 {add = true, strides = array<i32>} : memref<640x128xf32, #tpu.memory_space<vmem>>, vector<1x16xf32>,
          %add3A_1754 = arith.constant 15 : i32
          %add3A_1755 = arith.addi %mul3A_97, %add3A_1754 : i32
          %get3A_1756 = arith.index_cast %add3A_1755 : i32 to index
          %get3A_1757 = arith.constant 16 : index
          %get3A_1758 = tpu.vector_load %arg13[%get3A_1756, %get3A_1757] {strides = array<i32>} : memref<128x128xf32, #tpu.memory_space<vmem>>, vector<1x16xf32>,
          %get3A_1759 = vector.shape_cast %get3A_1758 : vector<1x16xf32> to vector<16xf32>
          %mul3A_1760 = vector.broadcast %squeeze3A_1738 : f32 to vector<16xf32>
          %mul3A_1761 = arith.mulf %get3A_1759, %mul3A_1760 : vector<16xf32>
          %swap3A_1762 = arith.index_cast %squeeze3A_1740 : i32 to index
          %swap3A_1763 = arith.constant 16 : index
          %swap3A_1764 = tpu.vector_load %arg14[%swap3A_1762, %swap3A_1763] {strides = array<i32>} : memref<640x128xf32, #tpu.memory_space<vmem>>, vector<1x16xf32>,
          %swap3A_1765 = vector.shape_cast %swap3A_1764 : vector<1x16xf32> to vector<16xf32>
          %swap3A_1766 = vector.shape_cast %mul3A_1761 : vector<16xf32> to vector<1x16xf32>
          tpu.vector_store %arg14[%swap3A_1762, %swap3A_1763], %swap3A_1766 {add = true, strides = array<i32>} : memref<640x128xf32, #tpu.memory_space<vmem>>, vector<1x16xf32>,
          %add3A_1767 = arith.constant 15 : i32
          %add3A_1768 = arith.addi %mul3A_97, %add3A_1767 : i32
          %get3A_1769 = arith.index_cast %add3A_1768 : i32 to index
          %get3A_1770 = arith.constant 32 : index
          %get3A_1771 = tpu.vector_load %arg13[%get3A_1769, %get3A_1770] {strides = array<i32>} : memref<128x128xf32, #tpu.memory_space<vmem>>, vector<1x16xf32>,
          %get3A_1772 = vector.shape_cast %get3A_1771 : vector<1x16xf32> to vector<16xf32>
          %mul3A_1773 = vector.broadcast %squeeze3A_1738 : f32 to vector<16xf32>
          %mul3A_1774 = arith.mulf %get3A_1772, %mul3A_1773 : vector<16xf32>
          %swap3A_1775 = arith.index_cast %squeeze3A_1740 : i32 to index
          %swap3A_1776 = arith.constant 32 : index
          %swap3A_1777 = tpu.vector_load %arg14[%swap3A_1775, %swap3A_1776] {strides = array<i32>} : memref<640x128xf32, #tpu.memory_space<vmem>>, vector<1x16xf32>,
          %swap3A_1778 = vector.shape_cast %swap3A_1777 : vector<1x16xf32> to vector<16xf32>
          %swap3A_1779 = vector.shape_cast %mul3A_1774 : vector<16xf32> to vector<1x16xf32>
          tpu.vector_store %arg14[%swap3A_1775, %swap3A_1776], %swap3A_1779 {add = true, strides = array<i32>} : memref<640x128xf32, #tpu.memory_space<vmem>>, vector<1x16xf32>,
          %add3A_1780 = arith.constant 15 : i32
          %add3A_1781 = arith.addi %mul3A_97, %add3A_1780 : i32
          %get3A_1782 = arith.index_cast %add3A_1781 : i32 to index
          %get3A_1783 = arith.constant 48 : index
          %get3A_1784 = tpu.vector_load %arg13[%get3A_1782, %get3A_1783] {strides = array<i32>} : memref<128x128xf32, #tpu.memory_space<vmem>>, vector<1x16xf32>,
          %get3A_1785 = vector.shape_cast %get3A_1784 : vector<1x16xf32> to vector<16xf32>
          %mul3A_1786 = vector.broadcast %squeeze3A_1738 : f32 to vector<16xf32>
          %mul3A_1787 = arith.mulf %get3A_1785, %mul3A_1786 : vector<16xf32>
          %swap3A_1788 = arith.index_cast %squeeze3A_1740 : i32 to index
          %swap3A_1789 = arith.constant 48 : index
          %swap3A_1790 = tpu.vector_load %arg14[%swap3A_1788, %swap3A_1789] {strides = array<i32>} : memref<640x128xf32, #tpu.memory_space<vmem>>, vector<1x16xf32>,
          %swap3A_1791 = vector.shape_cast %swap3A_1790 : vector<1x16xf32> to vector<16xf32>
          %swap3A_1792 = vector.shape_cast %mul3A_1787 : vector<16xf32> to vector<1x16xf32>
          tpu.vector_store %arg14[%swap3A_1788, %swap3A_1789], %swap3A_1792 {add = true, strides = array<i32>} : memref<640x128xf32, #tpu.memory_space<vmem>>, vector<1x16xf32>,
          %add3A_1793 = arith.constant 15 : i32
          %add3A_1794 = arith.addi %mul3A_97, %add3A_1793 : i32
          %get3A_1795 = arith.index_cast %add3A_1794 : i32 to index
          %get3A_1796 = arith.constant 64 : index
          %get3A_1797 = tpu.vector_load %arg13[%get3A_1795, %get3A_1796] {strides = array<i32>} : memref<128x128xf32, #tpu.memory_space<vmem>>, vector<1x16xf32>,
          %get3A_1798 = vector.shape_cast %get3A_1797 : vector<1x16xf32> to vector<16xf32>
          %mul3A_1799 = vector.broadcast %squeeze3A_1738 : f32 to vector<16xf32>
          %mul3A_1800 = arith.mulf %get3A_1798, %mul3A_1799 : vector<16xf32>
          %swap3A_1801 = arith.index_cast %squeeze3A_1740 : i32 to index
          %swap3A_1802 = arith.constant 64 : index
          %swap3A_1803 = tpu.vector_load %arg14[%swap3A_1801, %swap3A_1802] {strides = array<i32>} : memref<640x128xf32, #tpu.memory_space<vmem>>, vector<1x16xf32>,
          %swap3A_1804 = vector.shape_cast %swap3A_1803 : vector<1x16xf32> to vector<16xf32>
          %swap3A_1805 = vector.shape_cast %mul3A_1800 : vector<16xf32> to vector<1x16xf32>
          tpu.vector_store %arg14[%swap3A_1801, %swap3A_1802], %swap3A_1805 {add = true, strides = array<i32>} : memref<640x128xf32, #tpu.memory_space<vmem>>, vector<1x16xf32>,
          %add3A_1806 = arith.constant 15 : i32
          %add3A_1807 = arith.addi %mul3A_97, %add3A_1806 : i32
          %get3A_1808 = arith.index_cast %add3A_1807 : i32 to index
          %get3A_1809 = arith.constant 80 : index
          %get3A_1810 = tpu.vector_load %arg13[%get3A_1808, %get3A_1809] {strides = array<i32>} : memref<128x128xf32, #tpu.memory_space<vmem>>, vector<1x16xf32>,
          %get3A_1811 = vector.shape_cast %get3A_1810 : vector<1x16xf32> to vector<16xf32>
          %mul3A_1812 = vector.broadcast %squeeze3A_1738 : f32 to vector<16xf32>
          %mul3A_1813 = arith.mulf %get3A_1811, %mul3A_1812 : vector<16xf32>
          %swap3A_1814 = arith.index_cast %squeeze3A_1740 : i32 to index
          %swap3A_1815 = arith.constant 80 : index
          %swap3A_1816 = tpu.vector_load %arg14[%swap3A_1814, %swap3A_1815] {strides = array<i32>} : memref<640x128xf32, #tpu.memory_space<vmem>>, vector<1x16xf32>,
          %swap3A_1817 = vector.shape_cast %swap3A_1816 : vector<1x16xf32> to vector<16xf32>
          %swap3A_1818 = vector.shape_cast %mul3A_1813 : vector<16xf32> to vector<1x16xf32>
          tpu.vector_store %arg14[%swap3A_1814, %swap3A_1815], %swap3A_1818 {add = true, strides = array<i32>} : memref<640x128xf32, #tpu.memory_space<vmem>>, vector<1x16xf32>,
          %add3A_1819 = arith.constant 15 : i32
          %add3A_1820 = arith.addi %mul3A_97, %add3A_1819 : i32
          %get3A_1821 = arith.index_cast %add3A_1820 : i32 to index
          %get3A_1822 = arith.constant 96 : index
          %get3A_1823 = tpu.vector_load %arg13[%get3A_1821, %get3A_1822] {strides = array<i32>} : memref<128x128xf32, #tpu.memory_space<vmem>>, vector<1x16xf32>,
          %get3A_1824 = vector.shape_cast %get3A_1823 : vector<1x16xf32> to vector<16xf32>
          %mul3A_1825 = vector.broadcast %squeeze3A_1738 : f32 to vector<16xf32>
          %mul3A_1826 = arith.mulf %get3A_1824, %mul3A_1825 : vector<16xf32>
          %swap3A_1827 = arith.index_cast %squeeze3A_1740 : i32 to index
          %swap3A_1828 = arith.constant 96 : index
          %swap3A_1829 = tpu.vector_load %arg14[%swap3A_1827, %swap3A_1828] {strides = array<i32>} : memref<640x128xf32, #tpu.memory_space<vmem>>, vector<1x16xf32>,
          %swap3A_1830 = vector.shape_cast %swap3A_1829 : vector<1x16xf32> to vector<16xf32>
          %swap3A_1831 = vector.shape_cast %mul3A_1826 : vector<16xf32> to vector<1x16xf32>
          tpu.vector_store %arg14[%swap3A_1827, %swap3A_1828], %swap3A_1831 {add = true, strides = array<i32>} : memref<640x128xf32, #tpu.memory_space<vmem>>, vector<1x16xf32>,
          %add3A_1832 = arith.constant 15 : i32
          %add3A_1833 = arith.addi %mul3A_97, %add3A_1832 : i32
          %get3A_1834 = arith.index_cast %add3A_1833 : i32 to index
          %get3A_1835 = arith.constant 112 : index
          %get3A_1836 = tpu.vector_load %arg13[%get3A_1834, %get3A_1835] {strides = array<i32>} : memref<128x128xf32, #tpu.memory_space<vmem>>, vector<1x16xf32>,
          %get3A_1837 = vector.shape_cast %get3A_1836 : vector<1x16xf32> to vector<16xf32>
          %mul3A_1838 = vector.broadcast %squeeze3A_1738 : f32 to vector<16xf32>
          %mul3A_1839 = arith.mulf %get3A_1837, %mul3A_1838 : vector<16xf32>
          %swap3A_1840 = arith.index_cast %squeeze3A_1740 : i32 to index
          %swap3A_1841 = arith.constant 112 : index
          %swap3A_1842 = tpu.vector_load %arg14[%swap3A_1840, %swap3A_1841] {strides = array<i32>} : memref<640x128xf32, #tpu.memory_space<vmem>>, vector<1x16xf32>,
          %swap3A_1843 = vector.shape_cast %swap3A_1842 : vector<1x16xf32> to vector<16xf32>
          %swap3A_1844 = vector.shape_cast %mul3A_1839 : vector<16xf32> to vector<1x16xf32>
          tpu.vector_store %arg14[%swap3A_1840, %swap3A_1841], %swap3A_1844 {add = true, strides = array<i32>} : memref<640x128xf32, #tpu.memory_space<vmem>>, vector<1x16xf32>,
        }
        %scan3A_94 = arith.constant 8 : i32
      }
      %mul3A_72 = arith.constant 20480 : i32
      %mul3A_73 = arith.muli %scan3A_61, %mul3A_72 : i32
      %add3A_74 = arith.addi %mul3A_73, %mul3A_2 : i32
      %multiple_of3A_75 = tpu.assume_multiple %add3A_74, 8 : i32
      "tpu.region"() ({
        %run_scoped3A = tpu.sem_alloc : memref<!tpu.dma_semaphore, #tpu.memory_space<semaphore_mem>>
        %dma_start3A = arith.constant 0 : i32
        %dma_start3A_76 = tpu.memref_slice %arg8[%multiple_of3A_75, %dma_start3A] : memref<327680x128xf32, #tpu.memory_space<hbm>> -> memref<640x128xf32, #tpu.memory_space<hbm>>
        %dma_start3A_77 = arith.constant 0 : i32
        %dma_start3A_78 = tpu.memref_slice %arg8[%multiple_of3A_75, %dma_start3A_77] : memref<327680x128xf32, #tpu.memory_space<hbm>> -> memref<640x128xf32, #tpu.memory_space<hbm>>
        tpu.enqueue_dma source(%arg14 : memref<640x128xf32, #tpu.memory_space<vmem>>) target(%dma_start3A_78 : memref<640x128xf32, #tpu.memory_space<hbm>>) target_semaphore(%run_scoped3A : memref<!tpu.dma_semaphore, #tpu.memory_space<semaphore_mem>>)
        %dma_wait3A = arith.constant 0 : i32
        %dma_wait3A_79 = tpu.memref_slice %arg8[%multiple_of3A_75, %dma_wait3A] : memref<327680x128xf32, #tpu.memory_space<hbm>> -> memref<640x128xf32, #tpu.memory_space<hbm>>
        %dma_wait3A_80 = arith.constant 0 : i32
        %dma_wait3A_81 = tpu.memref_slice %arg8[%multiple_of3A_75, %dma_wait3A_80] : memref<327680x128xf32, #tpu.memory_space<hbm>> -> memref<640x128xf32, #tpu.memory_space<hbm>>
        tpu.wait_dma2 semaphore(%run_scoped3A : memref<!tpu.dma_semaphore, #tpu.memory_space<semaphore_mem>>) src(%arg14 : memref<640x128xf32, #tpu.memory_space<vmem>>) dst(%dma_wait3A_81 : memref<640x128xf32, #tpu.memory_space<hbm>>)
        tpu.yield
      }) : () -> ()
    }
    %scan3A_60 = arith.constant 16 : i32
    return
  }
}

#map = affine_map<(d0, d1) -> (0, 0)>
#map1 = affine_map<(d0, d1) -> (0)>
module attributes {stable_mosaic.version = 14 : i64} {
  func.func @_gather_body(%arg0: i32, %arg1: i32, %arg2: memref<327680x128xf32, #tpu.memory_space<hbm>>, %arg3: memref<180000xi32, #tpu.memory_space<hbm>>, %arg4: memref<2880000x128xf32, #tpu.memory_space<hbm>>, %arg5: memref<128xi32, #tpu.memory_space<vmem>>, %arg6: memref<128xi32, #tpu.memory_space<vmem>>, %arg7: memref<128x128xf32, #tpu.memory_space<vmem>>, %arg8: memref<!tpu.dma_semaphore, #tpu.memory_space<semaphore_mem>>) attributes {dimension_semantics = [#tpu.dimension_semantics<core_parallel>, #tpu.dimension_semantics<subcore_parallel>], iteration_bounds = array<i64: 2, 16>, scalar_prefetch = 0 : i64, scratch_operands = 4 : i64, tpu.core_type = #tpu.core_type<sc_vector_subcore>, window_params = [{transform_indices = #map}, {transform_indices = #map1}, {transform_indices = #map}]} {
    %mul3A = arith.constant 2 : i32
    %mul3A_0 = arith.muli %arg1, %mul3A : i32
    %add3A = arith.addi %mul3A_0, %arg0 : i32
    %scan3A = arith.constant 0 : i32
    %scan3A_1 = arith.constant 44 : i32
    %scan3A_2 = arith.addi %scan3A, %scan3A_1 : i32
    %scan3A_3 = arith.constant 1 : i32
    scf.for %scan3A_5 = %scan3A to %scan3A_2 step %scan3A_3  : i32 {
      %mul3A_6 = arith.constant 32 : i32
      %mul3A_7 = arith.muli %scan3A_5, %mul3A_6 : i32
      %add3A_8 = arith.addi %mul3A_7, %add3A : i32
      %lt3A = arith.constant 1407 : i32
      %lt3A_9 = arith.cmpi slt, %add3A_8, %lt3A : i32
      %convert_element_type3A = arith.extui %lt3A_9 : i1 to i32
      %cond3A = arith.constant 0 : i32
      %cond3A_10 = arith.cmpi ne, %convert_element_type3A, %cond3A : i32
      scf.if %cond3A_10 {
        %mul3A_11 = arith.constant 128 : i32
        %mul3A_12 = arith.muli %add3A_8, %mul3A_11 : i32
        %min3A = arith.constant 179872 : i32
        %min3A_13 = arith.minsi %mul3A_12, %min3A : i32
        %multiple_of3A = tpu.assume_multiple %min3A_13, 8 : i32
        "tpu.region"() ({
          %run_scoped3A = tpu.sem_alloc : memref<!tpu.dma_semaphore, #tpu.memory_space<semaphore_mem>>
          %dma_start3A = tpu.memref_slice %arg3[%multiple_of3A] : memref<180000xi32, #tpu.memory_space<hbm>> -> memref<128xi32, #tpu.memory_space<hbm>>
          %dma_start3A_19 = tpu.memref_slice %arg3[%multiple_of3A] : memref<180000xi32, #tpu.memory_space<hbm>> -> memref<128xi32, #tpu.memory_space<hbm>>
          tpu.enqueue_dma source(%dma_start3A_19 : memref<128xi32, #tpu.memory_space<hbm>>) target(%arg5 : memref<128xi32, #tpu.memory_space<vmem>>) target_semaphore(%run_scoped3A : memref<!tpu.dma_semaphore, #tpu.memory_space<semaphore_mem>>)
          %dma_wait3A = tpu.memref_slice %arg3[%multiple_of3A] : memref<180000xi32, #tpu.memory_space<hbm>> -> memref<128xi32, #tpu.memory_space<hbm>>
          %dma_wait3A_20 = tpu.memref_slice %arg3[%multiple_of3A] : memref<180000xi32, #tpu.memory_space<hbm>> -> memref<128xi32, #tpu.memory_space<hbm>>
          tpu.wait_dma2 semaphore(%run_scoped3A : memref<!tpu.dma_semaphore, #tpu.memory_space<semaphore_mem>>) src(%dma_wait3A_20 : memref<128xi32, #tpu.memory_space<hbm>>) dst(%arg5 : memref<128xi32, #tpu.memory_space<vmem>>)
          tpu.yield
        }) : () -> ()
        %scan3A_14 = arith.constant 0 : i32
        %scan3A_15 = arith.constant 16 : i32
        %scan3A_16 = arith.addi %scan3A_14, %scan3A_15 : i32
        %scan3A_17 = arith.constant 1 : i32
        scf.for %scan3A_19 = %scan3A_14 to %scan3A_16 step %scan3A_17  : i32 {
          %scan3A_20 = arith.constant 0 : i32
          %scan3A_21 = arith.constant 8 : i32
          %scan3A_22 = arith.addi %scan3A_20, %scan3A_21 : i32
          %scan3A_23 = arith.constant 1 : i32
          scf.for %scan3A_33 = %scan3A_20 to %scan3A_22 step %scan3A_23  : i32 {
            %mul3A_34 = arith.constant 16 : i32
            %mul3A_35 = arith.muli %scan3A_33, %mul3A_34 : i32
            %get3A = arith.index_cast %mul3A_35 : i32 to index
            %get3A_36 = tpu.vector_load %arg5[%get3A] {strides = array<i32>} : memref<128xi32, #tpu.memory_space<vmem>>, vector<16xi32>,
            %get3A_37 = vector.shape_cast %get3A_36 : vector<16xi32> to vector<16xi32>
            %mul3A_38 = arith.constant 20480 : i32
            %mul3A_39 = arith.muli %scan3A_19, %mul3A_38 : i32
            %add3A_40 = vector.broadcast %mul3A_39 : i32 to vector<16xi32>
            %add3A_41 = arith.addi %get3A_37, %add3A_40 : vector<16xi32>
            %mul3A_42 = arith.constant 16 : i32
            %mul3A_43 = arith.muli %scan3A_33, %mul3A_42 : i32
            %swap3A = arith.index_cast %mul3A_43 : i32 to index
            %swap3A_44 = tpu.vector_load %arg6[%swap3A] {strides = array<i32>} : memref<128xi32, #tpu.memory_space<vmem>>, vector<16xi32>,
            %swap3A_45 = vector.shape_cast %swap3A_44 : vector<16xi32> to vector<16xi32>
            %swap3A_46 = vector.shape_cast %add3A_41 : vector<16xi32> to vector<16xi32>
            tpu.vector_store %arg6[%swap3A], %swap3A_46 {strides = array<i32>} : memref<128xi32, #tpu.memory_space<vmem>>, vector<16xi32>,
          }
          %scan3A_24 = arith.constant 8 : i32
          %dma_start3A = arith.constant 0 : i32
          %dma_start3A_25 = arith.constant 0 : i32
          %dma_start3A_26 = tpu.memref_slice %arg2[%dma_start3A, %dma_start3A_25] : memref<327680x128xf32, #tpu.memory_space<hbm>> -> memref<327680x128xf32, #tpu.memory_space<hbm>>
          tpu.enqueue_indirect_dma source(%dma_start3A_26 : memref<327680x128xf32, #tpu.memory_space<hbm>>) target(%arg7 : memref<128x128xf32, #tpu.memory_space<vmem>>) offsets(%arg6 : memref<128xi32, #tpu.memory_space<vmem>>) semaphore(%arg8 : memref<!tpu.dma_semaphore, #tpu.memory_space<semaphore_mem>>)
          %dma_wait3A = arith.constant 0 : i32
          %dma_wait3A_27 = arith.constant 0 : i32
          %dma_wait3A_28 = tpu.memref_slice %arg2[%dma_wait3A, %dma_wait3A_27] : memref<327680x128xf32, #tpu.memory_space<hbm>> -> memref<327680x128xf32, #tpu.memory_space<hbm>>
          tpu.wait_indirect_dma semaphore(%arg8 : memref<!tpu.dma_semaphore, #tpu.memory_space<semaphore_mem>>) src(%dma_wait3A_28 : memref<327680x128xf32, #tpu.memory_space<hbm>>) dst(%arg7 : memref<128x128xf32, #tpu.memory_space<vmem>>)
          %mul3A_29 = arith.constant 180000 : i32
          %mul3A_30 = arith.muli %scan3A_19, %mul3A_29 : i32
          %add3A_31 = arith.addi %mul3A_30, %multiple_of3A : i32
          %multiple_of3A_32 = tpu.assume_multiple %add3A_31, 8 : i32
          "tpu.region"() ({
            %run_scoped3A = tpu.sem_alloc : memref<!tpu.dma_semaphore, #tpu.memory_space<semaphore_mem>>
            %dma_start3A_33 = arith.constant 0 : i32
            %dma_start3A_34 = tpu.memref_slice %arg4[%multiple_of3A_32, %dma_start3A_33] : memref<2880000x128xf32, #tpu.memory_space<hbm>> -> memref<128x128xf32, #tpu.memory_space<hbm>>
            %dma_start3A_35 = arith.constant 0 : i32
            %dma_start3A_36 = tpu.memref_slice %arg4[%multiple_of3A_32, %dma_start3A_35] : memref<2880000x128xf32, #tpu.memory_space<hbm>> -> memref<128x128xf32, #tpu.memory_space<hbm>>
            tpu.enqueue_dma source(%arg7 : memref<128x128xf32, #tpu.memory_space<vmem>>) target(%dma_start3A_36 : memref<128x128xf32, #tpu.memory_space<hbm>>) target_semaphore(%run_scoped3A : memref<!tpu.dma_semaphore, #tpu.memory_space<semaphore_mem>>)
            %dma_wait3A_37 = arith.constant 0 : i32
            %dma_wait3A_38 = tpu.memref_slice %arg4[%multiple_of3A_32, %dma_wait3A_37] : memref<2880000x128xf32, #tpu.memory_space<hbm>> -> memref<128x128xf32, #tpu.memory_space<hbm>>
            %dma_wait3A_39 = arith.constant 0 : i32
            %dma_wait3A_40 = tpu.memref_slice %arg4[%multiple_of3A_32, %dma_wait3A_39] : memref<2880000x128xf32, #tpu.memory_space<hbm>> -> memref<128x128xf32, #tpu.memory_space<hbm>>
            tpu.wait_dma2 semaphore(%run_scoped3A : memref<!tpu.dma_semaphore, #tpu.memory_space<semaphore_mem>>) src(%arg7 : memref<128x128xf32, #tpu.memory_space<vmem>>) dst(%dma_wait3A_40 : memref<128x128xf32, #tpu.memory_space<hbm>>)
            tpu.yield
          }) : () -> ()
        }
        %scan3A_18 = arith.constant 16 : i32
      } else {
      }
    }
    %scan3A_4 = arith.constant 44 : i32
    return
  }
}

module attributes {stable_mosaic.version = 14 : i64} {
  func.func @_mm_body(%arg0: i32, %arg1: memref<512x1152xf32, #tpu.memory_space<vmem>>, %arg2: memref<1152x128xf32, #tpu.memory_space<vmem>>, %arg3: memref<1x128xf32, #tpu.memory_space<vmem>>, %arg4: memref<512x128xf32, #tpu.memory_space<vmem>>) attributes {dimension_semantics = [#tpu.dimension_semantics<arbitrary>], iteration_bounds = array<i64: 625>, scalar_prefetch = 0 : i64, scratch_operands = 0 : i64, tpu.core_type = #tpu.core_type<tc>, window_params = [{transform_indices = @transform_0, window_bounds = array<i64: 512, 1152>}, {pipeline_mode = #tpu.pipeline_mode<synchronous>, transform_indices = @transform_1, window_bounds = array<i64: 1152, 128>}, {pipeline_mode = #tpu.pipeline_mode<synchronous>, transform_indices = @transform_2, window_bounds = array<i64: 1, 128>}, {transform_indices = @transform_3, window_bounds = array<i64: 512, 128>}]} {
    %get3A = arith.constant 0 : index
    %get3A_0 = arith.constant 0 : index
    %get3A_1 = vector.load %arg1[%get3A, %get3A_0] : memref<512x1152xf32, #tpu.memory_space<vmem>>, vector<512x1152xf32>
    %get3A_2 = arith.constant 0 : index
    %get3A_3 = arith.constant 0 : index
    %get3A_4 = vector.load %arg2[%get3A_2, %get3A_3] : memref<1152x128xf32, #tpu.memory_space<vmem>>, vector<1152x128xf32>
    %dot_general3A = arith.constant dense<0.000000e+00> : vector<512x128xf32>
    %dot_general3A_5 = tpu.matmul %get3A_1, %get3A_4, %dot_general3A {dimension_numbers = #tpu.dot_dimension_numbers<[1], [0], [0], [1], [0, 0, 1, 1], [], []>, transpose_lhs_hint = false} : vector<512x1152xf32>, vector<1152x128xf32>, vector<512x128xf32> -> vector<512x128xf32>
    %get3A_6 = arith.constant 0 : index
    %get3A_7 = arith.constant 0 : index
    %get3A_8 = vector.load %arg3[%get3A_6, %get3A_7] : memref<1x128xf32, #tpu.memory_space<vmem>>, vector<1x128xf32>
    %add3A = vector.broadcast %get3A_8 : vector<1x128xf32> to vector<512x128xf32>
    %add3A_9 = arith.addf %dot_general3A_5, %add3A : vector<512x128xf32>
    %max3A = arith.constant 0.000000e+00 : f32
    %max3A_10 = vector.broadcast %max3A : f32 to vector<512x128xf32>
    %max3A_11 = arith.maximumf %add3A_9, %max3A_10 : vector<512x128xf32>
    %swap3A = arith.constant 0 : index
    %swap3A_12 = arith.constant 0 : index
    %swap3A_13 = vector.load %arg4[%swap3A, %swap3A_12] : memref<512x128xf32, #tpu.memory_space<vmem>>, vector<512x128xf32>
    tpu.vector_store %arg4[%swap3A, %swap3A_12], %max3A_11 {strides = array<i32>} : memref<512x128xf32, #tpu.memory_space<vmem>>, vector<512x128xf32>,
    return
  }
  func.func @transform_0(%arg0: i32) -> (i32, i32) {
    %c0_i32 = arith.constant 0 : i32
    %c0_i32_0 = arith.constant 0 : i32
    return %arg0, %c0_i32 : i32, i32
  }
  func.func @transform_1(%arg0: i32) -> (i32, i32) {
    %c0_i32 = arith.constant 0 : i32
    %c0_i32_0 = arith.constant 0 : i32
    %c0_i32_1 = arith.constant 0 : i32
    return %c0_i32, %c0_i32_0 : i32, i32
  }
  func.func @transform_2(%arg0: i32) -> (i32, i32) {
    %c0_i32 = arith.constant 0 : i32
    %c0_i32_0 = arith.constant 0 : i32
    %c0_i32_1 = arith.constant 0 : i32
    return %c0_i32, %c0_i32_0 : i32, i32
  }
  func.func @transform_3(%arg0: i32) -> (i32, i32) {
    %c0_i32 = arith.constant 0 : i32
    %c0_i32_0 = arith.constant 0 : i32
    return %arg0, %c0_i32 : i32, i32
  }
}

</mosaic_0001>

<sc_bundles>
// kernel: gather_offload_async_start.1
scs
__scs_entry_jumppad:
0x0: {  	(pc) =	sbr.rel $0x88, $3  }
0x1: {  	(tag) =	ssettag $0x0;
	lr =	simm.s32 $0x1  }
0x2: {  	[smem:$0x3F9A] =	sst lr;
	_ =	strace $0xD0000000  }
0x3: {  	_ = 	snop  }
0x4: {  	_ = 	snop  }
0x5: {  	_ = 	snop  }
0x6: {  	_ = 	snop  }
0x7: {  	_ = 	snop  }
__scs_overlays_trampoline_lowered:
0x8: {  	[smem:$0x3FA9] =	sst s0  }
0x9: {  	[smem:$0x3FAA] =	sst s1  }
0xa: {  	[smem:$0x3FAB] =	sst s2  }
0xb: {  	[smem:$0x3FAC] =	sst s3  }
0xc: {  	[smem:$0x3FAD] =	sst s4  }
0xd: {  	[smem:$0x3FAE] =	sst s5  }
0xe: {  	[smem:$0x3FAF] =	sst s6  }
0xf: {  	[smem:$0x3FB0] =	sst s7  }
0x10: {  	[smem:$0x3FB1] =	sst s8  }
0x11: {  	[smem:$0x3FB2] =	sst s9;
	s0 =	simm.s32 @!p0 $0x0  }
0x12: {  	s1 =	sld [smem:$0x3F98];
	s0 =	simm.s32 @p0 $0x1  }
0x13: {  	[smem:$0x3FB3] =	sst s0;
	s0 =	simm.s32 @!p1 $0x0  }
0x14: {  	s2 =	sld [smem:$0x3F97];
	s0 =	simm.s32 @p1 $0x1  }
0x15: {  	[smem:$0x3FB4] =	sst s0;
	s0 =	simm.s32 @!p2 $0x0  }
0x16: {  	s3 =	sld [smem:$0x3FDB];
	s0 =	simm.s32 @p2 $0x1  }
0x17: {  	s4 =	simm.s32 $0x1BF5;
	[smem:$0x3FB6] =	sst s0  }
0x18: {  	s0 =	sld [smem:$0x3F99];
	_ =	swait.ge [sflag:s4], $0x0  }
0x19: {  	s7 =	sld [smem:$0x3F9A]  }
0x1a: {  	s8 =	sadd.s32 $0xFFFFE003, lr  }
0x1b: {  	s9 =	sadd.s32 $0xFFFFFEF7, lr;
	s5 =	simm.s32 $0xFFFFFFFF;
	p2 =	slt.u32 s8, $0xFFFFF086  }
0x1c: {  	p1 =	slt.u32 s9, $0xF7A;
	s5 =	simm.s32 @!p2 $0x0  }
0x1d: {  	s5 =	simm.s32 @p1 $0x1;
	p0 =	seq.s32 s7, s2  }
0x1e: {  	s7 =	smul.u32 @!p0 $0xF7A, s2;
	p2 =	seq.s32 @!p0 s5, $0x0  }
0x1f: {  	s9 =	smul.u32 $0xF7A, s1;
	s8 =	simm.s32 @!p0 $0x1BF5;
	p2 =	por !p2, p0  }
0x20: {  	[sflag:s8] =	ssyncset.s32 @!p0 $0xFFFFF086;
	s6 =	sadd.s32 @!p0 s3, s7;
	s7 =	simm.s32 @!p0 $0x108  }
0x21: {  	s3 =	sadd.s32 s3, s9;
	s6 =	sadd.s32 @!p0 $0x88, s6;
	s7 =	simm.s32 @p2 $0x1082  }
0x22: {  	[simem:s7], [sflag:s8] =	dma.local @!p0 [hbm:s6], $0xF7A  }
0x23: {  	s9 =	sor.u32 $0xD0000000, s2;
	s6 =	simm.s32 $0x108;
	_ =	swait.ge @!p0 [sflag:s8], $0x0  }
0x24: {  	s3 =	sadd.s32 $0x88, s3;
	s6 =	simm.s32 @!p1 $0x1082;
	[sflag:s4] =	ssyncset.s32 $0xFFFFF086  }
0x25: {  	[simem:s6], [sflag:s4] =	dma.local [hbm:s3], $0xF7A  }
0x26: {  	[smem:$0x3F9A] =	sst s1;
	(tag) =	ssettag s2;
	_ =	strace s9  }
0x27: {  	s1 =	sld [smem:$0x3FAA]  }
0x28: {  	s2 =	sld [smem:$0x3FAB]  }
0x29: {  	s4 =	sld [smem:$0x3FAD]  }
0x2a: {  	p0 =	seq.s32 s5, $0x0;
	s5 =	sld [smem:$0x3FAE]  }
0x2b: {  	s6 =	sld [smem:$0x3FAF]  }
0x2c: {  	s7 =	sld [smem:$0x3FB0]  }
0x2d: {  	s3 =	simm.s32 $0x108;
	s8 =	sld [smem:$0x3FB1]  }
0x2e: {  	s3 =	simm.s32 @!p0 $0x1082;
	s9 =	sld [smem:$0x3FB2]  }
0x2f: {  	lr =	sadd.s32 s0, s3;
	s0 =	sld [smem:$0x3FA9]  }
0x30: {  	s3 =	sld [smem:$0x3FAC]  }
0x31: {  	[smem:$0x3FB5] =	sst s10  }
0x32: {  	s10 =	sld [smem:$0x3FB3];
	_ =	sdelay $0x3  }
0x33: {  	p0 =	seq.s32 s10, $0x1;
	s10 =	sld [smem:$0x3FB5];
	_ =	sdelay $0x3  }
0x34: {  	[smem:$0x3FB5] =	sst s10  }
0x35: {  	s10 =	sld [smem:$0x3FB4];
	_ =	sdelay $0x3  }
0x36: {  	p1 =	seq.s32 s10, $0x1;
	s10 =	sld [smem:$0x3FB5];
	_ =	sdelay $0x3  }
0x37: {  	[smem:$0x3FB5] =	sst s10  }
0x38: {  	s10 =	sld [smem:$0x3FB6]  }
0x39: {  	_ = 	snop;
	(pc) =	sbr.ind lr, $3  }
0x3a: {  	_ = 	snop  }
0x3b: {  	_ = 	snop  }
0x3c: {  	p2 =	seq.s32 s10, $0x1;
	s10 =	sld [smem:$0x3FB5]  }
0x3d: {  	_ =	shalt  }
0x3e: {  	_ =	shalt  }
0x3f: {  	_ =	shalt  }
0x40: {  	_ =	shalt  }
0x41: {  	_ =	shalt  }
0x42: {  	_ =	shalt  }
0x43: {  	_ =	shalt  }
0x44: {  	_ =	shalt  }
0x45: {  	_ =	shalt  }
0x46: {  	_ =	shalt  }
0x47: {  	_ =	shalt  }
0x48: {  	_ =	shalt  }
0x49: {  	_ =	shalt  }
0x4a: {  	_ =	shalt  }
0x4b: {  	_ =	shalt  }
0x4c: {  	_ =	shalt  }
0x4d: {  	_ =	shalt  }
0x4e: {  	_ =	shalt  }
0x4f: {  	_ =	shalt  }
0x50: {  	_ =	shalt  }
0x51: {  	_ =	shalt  }
0x52: {  	_ =	shalt  }
0x53: {  	_ =	shalt  }
0x54: {  	_ =	shalt  }
0x55: {  	_ =	shalt  }
0x56: {  	_ =	shalt  }
0x57: {  	_ =	shalt  }
0x58: {  	_ =	shalt  }
0x59: {  	_ =	shalt  }
0x5a: {  	_ =	shalt  }
0x5b: {  	_ =	shalt  }
0x5c: {  	_ =	shalt  }
0x5d: {  	_ =	shalt  }
0x5e: {  	_ =	shalt  }
0x5f: {  	_ =	shalt  }
0x60: {  	_ =	shalt  }
0x61: {  	_ =	shalt  }
0x62: {  	_ =	shalt  }
0x63: {  	_ =	shalt  }
0x64: {  	_ =	shalt  }
0x65: {  	_ =	shalt  }
0x66: {  	_ =	shalt  }
0x67: {  	_ =	shalt  }
0x68: {  	_ =	shalt  }
0x69: {  	_ =	shalt  }
0x6a: {  	_ =	shalt  }
0x6b: {  	_ =	shalt  }
0x6c: {  	_ =	shalt  }
0x6d: {  	_ =	shalt  }
0x6e: {  	_ =	shalt  }
0x6f: {  	_ =	shalt  }
0x70: {  	_ =	shalt  }
0x71: {  	_ =	shalt  }
0x72: {  	_ =	shalt  }
0x73: {  	_ =	shalt  }
0x74: {  	_ =	shalt  }
0x75: {  	_ =	shalt  }
0x76: {  	_ =	shalt  }
0x77: {  	_ =	shalt  }
0x78: {  	_ =	shalt  }
0x79: {  	_ =	shalt  }
0x7a: {  	_ =	shalt  }
0x7b: {  	_ =	shalt  }
0x7c: {  	_ =	shalt  }
0x7d: {  	_ =	shalt  }
0x7e: {  	_ =	shalt  }
0x7f: {  	_ =	shalt  }
0x80: {  	_ =	shalt  }
0x81: {  	_ =	shalt  }
0x82: {  	_ =	shalt  }
0x83: {  	_ =	shalt  }
0x84: {  	_ =	shalt  }
0x85: {  	_ =	shalt  }
0x86: {  	_ =	shalt  }
0x87: {  	_ =	shalt  }
.Lfunc_end0:
.L_simem_size_0:
called_computation.1_lowered:
.L_overlay_start_0:
0x88: {  	s2 =	sld [smem:$0x3FD9]  }
0x89: {  	s3 =	sld [smem:$0x3FFE];
	_ =	sdelay $0x1  }
0x8a: {  	s1 =	srdreg.scid  }
0x8b: {  	s0 =	sand.u32 $0x1, s1  }
0x8c: {  	s17 =	sshll.u32 s0, $0xA;
	s2 =	sadd.s32 s3, s2  }
0x8d: {  	s2 =	sadd.s32 s2, s17  }
0x8e: {  	[smem:$0x3FC1] =	sst s2  }
0x8f: {  	_ = 	snop  }
0x90: {  	s2 =	sld [smem:$0x3FC7]  }
0x91: {  	s18 =	sld [smem:$0x3FD0];
	(tm) =	ssettm $0x1  }
0x92: {  	s4 =	sld [smem:$0x3FFB];
	_ =	sdelay $0x3  }
0x93: {  	_ =	strace s4  }
0x94: {  	s4 =	sld [smem:$0x3FFC];
	_ =	sdelay $0x3  }
0x95: {  	_ =	strace s4  }
0x96: {  	s4 =	sld [smem:$0x3FFD];
	_ =	sdelay $0x3  }
0x97: {  	_ =	strace s4  }
0x98: {  	_ =	strace $0x8FFFFFFF  }
0x99: {  	s19 =	sld [smem:$0x3FDB];
	_ =	sdelay $0x1  }
0x9a: {  	s5 =	simm.s32 $_scs_section_size  }
0x9b: {  	s6 =	simm.s32 $_size__tile_overlayer_lowered;
	s7 =	simm.s32 $_tile_overlayer_lowered  }
0x9c: {  	s22 =	simm.s32 $0x1BFF;
	s21 =	sshll.u32 s7, $0x1;
	s4 =	sadd.s32 s5, s19  }
0x9d: {  	s8 =	simm.s32 $0x0;
	s20 =	sshll.u32 s6, $0x1;
	s6 =	sadd.s32 s21, s4  }
0x9e: {  	[timem:s8], [sflag:s22] =	dma.local [hbm:s6], s20  }
0x9f: {  	_ =	swait.ge [sflag:s22], s20  }
0xa0: {  	s5 =	ssub.s32 $0x0, s20;
	[sflag:s22] =	ssyncset.done $0x0  }
0xa1: {  	[sflag:s22] =	ssyncadd.s32 s5;
	_ =	sdelay $0x1  }
0xa2: {  	s23 =	simm.s32 $0x1B8B  }
0xa3: {  	_ =	swait.ge [sflag:s23], $0x1  }
0xa4: {  	[sflag:s23] =	ssyncset.done $0x0  }
0xa5: {  	s25 =	simm.s32 $0x1B8E;
	s24 =	sld [smem:$0x3FFE];
	[sflag:s23] =	ssyncadd.s32 $0xFFFFFFFF  }
0xa6: {  	s26 =	simm.s32 $execute0_lowered;
	[smem:$0x3FD2] =	sst s25  }
0xa7: {  	s6 =	sshll.u32 s26, $0x1;
	_ =	strace $0x80000049;
	[dreg:$0x1] =	wrdreg $0xFFFFFFFF  }
0xa8: {  	s28 =	simm.s32 $_size_execute0_lowered;
	s4 =	sadd.s32 s4, s6;
	[dreg:$0x0] =	wrdreg $0x0  }
0xa9: {  	s6 =	sshll.u32 s28, $0x1;
	[dreg:$0x2] =	wrdreg s4  }
0xaa: {  	[dreg:$0x3] =	wrdreg s6  }
0xab: {  	[dreg:$0x4] =	wrdreg $0xC0  }
0xac: {  	_ =	task [dreg:s8], $0x5FFFF  }
0xad: {  	[dreg:$0x1] =	wrdreg $0xFFFFFFFF  }
0xae: {  	[dreg:$0x0] =	wrdreg $0x60  }
0xaf: {  	[dreg:$0x2] =	wrdreg s2  }
0xb0: {  	[dreg:$0x3] =	wrdreg s18  }
0xb1: {  	[dreg:$0x4] =	wrdreg s24  }
0xb2: {  	[dreg:$0x5] =	wrdreg $0x9  }
0xb3: {  	_ =	task.clear_ibuf [dreg:s8], $0x6FFFF;
	_ =	strace $0x90000049  }
0xb4: {  	s29 =	simm.s32 $0x9;
	_ =	strace $0x8000004B  }
0xb5: {  	_ =	swait.ge [sflag:s29], $0x1  }
0xb6: {  	[sflag:s29] =	ssyncadd.s32 $0xFFFFFFFF  }
0xb7: {  	_ =	strace $0x9000004B  }
0xb8: {  	_ =	sfence  }
0xb9: {  	s30 =	sld [smem:$0x0];
	_ =	sdelay $0x2  }
0xba: {  	s31 =	sshll.u32 s1, $0xD;
	s1 =	sshrl.u32 s1, $0x2  }
0xbb: {  	s3 =	sand.u32 $0x4000, s31;
	s1 =	sadd.s32 s1, s30  }
0xbc: {  	s0 =	sor.u32 s3, s0;
	s1 =	sshll.u32 s1, $0x11  }
0xbd: {  	s0 =	sor.u32 s1, s0  }
0xbe: {  	s0 =	sadd.s32 $0x8F2B, s0  }
0xbf: {  	[sflag:s0] =	ssyncadd.remote.s32 $0x1  }
0xc0: {  	_ =	sfence.sel $0xFFFF  }
0xc1: {  	[dreg:$0x0] =	wrdreg $0xFFFFFFFF;
	(pc) =	sbr.abs _section_cstart, $3  }
0xc2: {  	[dreg:$0x1] =	wrdreg $0xFFFFFFFF  }
0xc3: {  	_ =	task.clear_ibuf [dreg:s8], $0x2FFFF;
	_ =	strace $0x9FFFFFFF  }
0xc4: {  	(tm) =	ssettm $0x7FFFFFFF  }
0xc5: {  	_ =	shalt  }
tec
execute0_lowered:
.L_overlay_start_1:
0x0: {  	(tag) =	ssettag $0x1  }
0x1: {  	s2 =	rddreg [dreg:$0x0]  }
0x2: {  	s3 =	rddreg [dreg:$0x1]  }
0x3: {  	s0 =	stileid.u32;
	s1 =	srdreg.scid  }
0x4: {  	s8 =	rddreg [dreg:$0x2];
	s9 =	simm.s32 $0x1;
	s10 =	simm.s32 $0x3  }
0x5: {  	s13 =	simm.s32 $0x0;
	s4 =	sand.u32 $0x1, s1;
	s5 =	sshll.u32 s0, $0x1  }
0x6: {  	s12 =	simm.s32 $0x0;
	s1 =	rddreg [dreg:$0x3];
	s6 =	sor.u32 s5, s4  }
0x7: {  	_ =	strace $0x8000004A;
	s8 =	sadd.s32 $0xC00, s8;
	s4 =	smul.u32 $0x4B0, s6  }
0x8: {  	s5 =	simm.s32 $0x1;
	p0 =	slt.u32 s6, $0x13;
	s6 =	simm.s32 $0x9600  }
.Ltmp0:
0x9: {  	s6 =	simm.s32 @!p0 $0x0;
	s7 =	ssub.s32 $0xEA60, s4;
	(pc) =	sbr.rel .LBB2_1-.Ltmp0, $4  }
0xa: {  	s9 =	simm.s32 @!p0 $0x0;
	p0 =	sne.s32 s7, s6;
	s7 =	simm.s32 $0x1  }
0xb: {  	[sflag:s5] =	ssyncpa.u1 $0x0;
	s6 =	simm.s32 $0x2;
	s7 =	simm.s32 @!p0 $0x0  }
0xc: {  	s11 =	smov.u32 s4;
	[sflag:s6] =	ssyncpa.u1 $0x0;
	s7 =	sadd.s32 s9, s7  }
0xd: {  	vm0 =	vmmov $0xffff;
	[sflag:s10] =	ssyncpa.u1 $0x0;
	s10 =	simm.s32 $0x0;
	s9 =	sadd.s32 $0x1, s7  }
.LBB2_4:
0xe: {  	v2 =	vnsel vm1, $0x0, v2  }
0xf: {  	vm1 =	vgt.s32 v0, $0x0;
	v2 =	vmin.u32 v2, $0xEA5F  }
0x10: {  	v0 =	vnsel vm1, $0x0, v0  }
0x11: {  	v0 =	vmin.u32 v0, $0xEA5F  }
0x12: {  	[tilespmem:s18], [sflag:$0x1] =	stream.indirect_vreg.gather [hbm4b:s2+s10], $0x1, v1, vm0, $0x4038;
	[tilespmem:$0x12C0] =	vst v63  }
0x13: {  	(ifvalue) =	ssetifvalue $0x7FFFFFFF  }
0x14: {  	[tilespmem:s15], [sflag:$0x1] =	stream.indirect_vreg.gather [hbm4b:s2+s10], $0x1, v2, vm0, $0x4038;
	[tilespmem:$0x12C0] =	vst v63  }
0x15: {  	s29 =	sadd.s32 $0x10, s15;
	(ifvalue) =	ssetifvalue $0x7FFFFFFF  }
0x16: {  	[tilespmem:s29], [sflag:$0x1] =	stream.indirect_vreg.gather [hbm4b:s2+s10], $0x1, v0, vm0, $0x4038;
	[tilespmem:$0x12C0] =	vst v63  }
0x17: {  	_ =	swait.ge [sflag:s5], $0x4B0  }
0x18: {  	s30 =	sshrl.u32 s13, $0x3;
	[sflag:s5] =	ssyncset.done $0x0  }
0x19: {  	s31 =	sand.u32 $0x7, s13;
	s15 =	sadd.s32 s8, s30;
	[sflag:s5] =	ssyncadd.s32 $0xFFFFFB50  }
0x1a: {  	[hbm4b:s15+s31] =	stream.linear.scatter [tilespmem:s14], [sflag:$0x3], $0x4B0, $0x38;
	[tilespmem:$0x12C0] =	vst v63  }
.LBB2_5:
0x1b: {  	s15 =	sadd.s32 $0x9600, s11  }
0x1c: {  	p1 =	sgt.s32 s15, $0xEA5F  }
0x1d: {  	s15 =	smov.u32 @p1 s4;
	p1 =	sne.s32 s12, s9  }
.Ltmp1:
0x1e: {  	p0 =	slt.u32 s12, $0x2;
	(pc) =	sbr.rel @!p1 .LBB2_6-.Ltmp1, $4  }
0x1f: {  	s14 =	simm.s32 @!p0 $0x3  }
0x20: {  	_ =	swait.ge @!p0 [sflag:s14], $0x4B0  }
0x21: {  	s16 =	sadd.s32 $0x1, s12;
	s13 =	smov.u32 s11;
	[sflag:s14] =	ssyncset.done @!p0 $0x0  }
0x22: {  	s12 =	smov.u32 s16;
	s11 =	smov.u32 s15;
	[sflag:s14] =	ssyncadd.s32 @!p0 $0xFFFFFB50  }
.LBB2_1:
0x23: {  	p0 =	sge.u32 s12, s7  }
0x24: {  	s14 =	sxor.u32 @!p0 $0x1, s12  }
0x25: {  	s14 =	smul.u32 @!p0 $0x12C0, s14  }
0x26: {  	s31 =	sadd.s32 $0xFFFFFFFF, s12;
	s15 =	sshrl.u32 @!p0 s11, $0x3  }
0x27: {  	s16 =	sand.u32 @!p0 $0x7, s11;
	s15 =	sadd.s32 @!p0 s3, s15;
	s14 =	sshra.s32 @!p0 s14, $0x2  }
0x28: {  	[tilespmem:s14], [sflag:$0x2] =	stream.linear.gather @!p0 [hbm4b:s15+s16], $0x4B0, $0x38;
	[tilespmem:$0x12C0] =	vst v63  }
0x29: {  	p0 =	sge.u32 s31, s7  }
.Ltmp2:
0x2a: {  	_ = 	snop;
	(pc) =	sbr.rel @p0 .LBB2_5-.Ltmp2, $1  }
0x2b: {  	_ =	sdelay $0x3  }
0x2c: {  	s14 =	sand.u32 $0x1, s12  }
0x2d: {  	_ =	swait.ge [sflag:s6], $0x4B0;
	p0 =	seq.s32 s14, $0x1;
	s14 =	simm.s32 $0x4B0  }
0x2e: {  	[sflag:s6] =	ssyncset.done $0x0;
	s14 =	simm.s32 @!p0 $0x0  }
0x2f: {  	[sflag:s6] =	ssyncadd.s32 $0xFFFFFB50;
	(ifvalue) =	ssetifvalue $0x7FFFFFFF;
	v0 =	vld.msk [tilespmem:s14+$0x0 ss:$0x1], $0xffff;
	_ =	sdelay $0x4  }
0x30: {  	s15 =	sadd.s32 $0x10, s14;
	vm1 =	vgt.s32 v0, $0x0  }
0x31: {  	v2 =	vld.msk [tilespmem:s15+$0x0 ss:$0x1], $0xffff;
	v1 =	vnsel vm1, $0x0, v0  }
0x32: {  	v1 =	vmin.u32 v1, $0xEA5F;
	_ =	sdelay $0x2  }
0x33: {  	s17 =	simm.s32 $0x20;
	s14 =	sadd.s32 $0x960, s14;
	s16 =	sadd.s32 $0x10, s15  }
0x34: {  	s15 =	sadd.s32 $0x10, s14;
	s18 =	smov.u32 s14;
	v0 =	vld.msk [tilespmem:s16+$0x0 ss:$0x1], $0xffff;
	vm1 =	vgt.s32 v2, $0x0;
	(ifvalue) =	ssetifvalue $0x7FFFFFFF  }
.LBB2_3:
0x35: {  	[tilespmem:s18], [sflag:$0x1] =	stream.indirect_vreg.gather [hbm4b:s2+s10], $0x1, v1, vm0, $0x4038;
	[tilespmem:$0x12C0] =	vst v63  }
0x36: {  	s17 =	sadd.s32 $0x10, s17  }
0x37: {  	v2 =	vnsel vm1, $0x0, v2;
	p0 =	slt.u32 s17, $0x4A0  }
.Ltmp3:
0x38: {  	s18 =	smov.u32 s15;
	v1 =	vmin.u32 v2, $0xEA5F;
	(pc) =	sbr.rel @p0 .LBB2_3-.Ltmp3, $3  }
0x39: {  	_ =	sdelay $0x1  }
0x3a: {  	s16 =	sadd.s32 $0x10, s16  }
0x3b: {  	vm1 =	vgt.s32 v0, $0x0;
	s15 =	sadd.s32 $0x10, s15;
	v2 =	vmov v0;
	(ifvalue) =	ssetifvalue $0x7FFFFFFF;
	v0 =	vld.msk [tilespmem:s16+$0x0 ss:$0x1], $0xffff  }
.Ltmp4:
0x3c: {  	_ = 	snop;
	(pc) =	sbr.rel .LBB2_4-.Ltmp4, $1  }
0x3d: {  	_ =	sdelay $0x3  }
.LBB2_6:
0x3e: {  	_ =	sfence.sel $0x180000  }
0x3f: {  	s2 =	simm.s32 $0x2;
	[bflag:$0x0] =	sbarrier.arrive $0xFFFF  }
0x40: {  	s30 =	simm.s32 $0x3;
	[sflag:s2] =	ssyncpa.u1 $0x1  }
0x41: {  	s31 =	simm.s32 $0x1;
	[sflag:s30] =	ssyncpa.u1 $0x1  }
0x42: {  	[sflag:s31] =	ssyncpa.u1 $0x1  }
0x43: {  	p0 =	sne.s32 s0, $0x0;
	_ =	strace $0x9000004A  }
0x44: {  	s0 =	sadd.s32 @!p0 $0x100000, s1;
	[bflag:$0x2] =	sbarrier.arrive $0xFFFF  }
0x45: {  	[sflag:s0] =	ssyncadd.tile.s32 @!p0 $0x1;
	_ =	shalt  }
.Lfunc_end2:
_tile_overlayer_lowered:
.L_overlay_start_2:
0x46: {  	(tag) =	ssettag $0x2  }
0x47: {  	s0 =	rddreg [dreg:$0x0];
	s2 =	stileid.u32  }
0x48: {  	s1 =	rddreg [dreg:$0x1];
	p0 =	sne.s32 s2, $0x0  }
0x49: {  	s3 =	rddreg [dreg:$0x2];
	[bflag:$0x3] =	sbarrier.arrive $0xFFFF;
	s2 =	simm.s32 @!p0 $0x1C01  }
0x4a: {  	[timem:s3], [sflag:s2] =	dma.local @!p0 [hbm:s0], s1  }
0x4b: {  	s0 =	simm.s32 @!p0 $0x1  }
0x4c: {  	_ =	swait.ge @!p0 [sflag:s0], s1  }
0x4d: {  	s1 =	ssub.s32 @!p0 $0x0, s1;
	[sflag:s0] =	ssyncset.done @!p0 $0x0  }
0x4e: {  	[sflag:s0] =	ssyncadd.s32 @!p0 s1  }
0x4f: {  	[bflag:$0x3] =	sbarrier.arrive $0xFFFF  }
0x50: {  	_ =	shalt  }

// kernel: gather_offload_async_start.2
scs
__scs_entry_jumppad:
0x0: {  	(pc) =	sbr.rel $0x88, $3  }
0x1: {  	(tag) =	ssettag $0x0;
	lr =	simm.s32 $0x1  }
0x2: {  	[smem:$0x3F9A] =	sst lr;
	_ =	strace $0xD0000000  }
0x3: {  	_ = 	snop  }
0x4: {  	_ = 	snop  }
0x5: {  	_ = 	snop  }
0x6: {  	_ = 	snop  }
0x7: {  	_ = 	snop  }
__scs_overlays_trampoline_lowered:
0x8: {  	[smem:$0x3FA9] =	sst s0  }
0x9: {  	[smem:$0x3FAA] =	sst s1  }
0xa: {  	[smem:$0x3FAB] =	sst s2  }
0xb: {  	[smem:$0x3FAC] =	sst s3  }
0xc: {  	[smem:$0x3FAD] =	sst s4  }
0xd: {  	[smem:$0x3FAE] =	sst s5  }
0xe: {  	[smem:$0x3FAF] =	sst s6  }
0xf: {  	[smem:$0x3FB0] =	sst s7  }
0x10: {  	[smem:$0x3FB1] =	sst s8  }
0x11: {  	[smem:$0x3FB2] =	sst s9;
	s0 =	simm.s32 @!p0 $0x0  }
0x12: {  	s1 =	sld [smem:$0x3F98];
	s0 =	simm.s32 @p0 $0x1  }
0x13: {  	[smem:$0x3FB3] =	sst s0;
	s0 =	simm.s32 @!p1 $0x0  }
0x14: {  	s2 =	sld [smem:$0x3F97];
	s0 =	simm.s32 @p1 $0x1  }
0x15: {  	[smem:$0x3FB4] =	sst s0;
	s0 =	simm.s32 @!p2 $0x0  }
0x16: {  	s3 =	sld [smem:$0x3FDB];
	s0 =	simm.s32 @p2 $0x1  }
0x17: {  	s4 =	simm.s32 $0x1BF5;
	[smem:$0x3FB6] =	sst s0  }
0x18: {  	s0 =	sld [smem:$0x3F99];
	_ =	swait.ge [sflag:s4], $0x0  }
0x19: {  	s7 =	sld [smem:$0x3F9A]  }
0x1a: {  	s8 =	sadd.s32 $0xFFFFE003, lr  }
0x1b: {  	s9 =	sadd.s32 $0xFFFFFEF7, lr;
	s5 =	simm.s32 $0xFFFFFFFF;
	p2 =	slt.u32 s8, $0xFFFFF086  }
0x1c: {  	p1 =	slt.u32 s9, $0xF7A;
	s5 =	simm.s32 @!p2 $0x0  }
0x1d: {  	s5 =	simm.s32 @p1 $0x1;
	p0 =	seq.s32 s7, s2  }
0x1e: {  	s7 =	smul.u32 @!p0 $0xF7A, s2;
	p2 =	seq.s32 @!p0 s5, $0x0  }
0x1f: {  	s9 =	smul.u32 $0xF7A, s1;
	s8 =	simm.s32 @!p0 $0x1BF5;
	p2 =	por !p2, p0  }
0x20: {  	[sflag:s8] =	ssyncset.s32 @!p0 $0xFFFFF086;
	s6 =	sadd.s32 @!p0 s3, s7;
	s7 =	simm.s32 @!p0 $0x108  }
0x21: {  	s3 =	sadd.s32 s3, s9;
	s6 =	sadd.s32 @!p0 $0x88, s6;
	s7 =	simm.s32 @p2 $0x1082  }
0x22: {  	[simem:s7], [sflag:s8] =	dma.local @!p0 [hbm:s6], $0xF7A  }
0x23: {  	s9 =	sor.u32 $0xD0000000, s2;
	s6 =	simm.s32 $0x108;
	_ =	swait.ge @!p0 [sflag:s8], $0x0  }
0x24: {  	s3 =	sadd.s32 $0x88, s3;
	s6 =	simm.s32 @!p1 $0x1082;
	[sflag:s4] =	ssyncset.s32 $0xFFFFF086  }
0x25: {  	[simem:s6], [sflag:s4] =	dma.local [hbm:s3], $0xF7A  }
0x26: {  	[smem:$0x3F9A] =	sst s1;
	(tag) =	ssettag s2;
	_ =	strace s9  }
0x27: {  	s1 =	sld [smem:$0x3FAA]  }
0x28: {  	s2 =	sld [smem:$0x3FAB]  }
0x29: {  	s4 =	sld [smem:$0x3FAD]  }
0x2a: {  	p0 =	seq.s32 s5, $0x0;
	s5 =	sld [smem:$0x3FAE]  }
0x2b: {  	s6 =	sld [smem:$0x3FAF]  }
0x2c: {  	s7 =	sld [smem:$0x3FB0]  }
0x2d: {  	s3 =	simm.s32 $0x108;
	s8 =	sld [smem:$0x3FB1]  }
0x2e: {  	s3 =	simm.s32 @!p0 $0x1082;
	s9 =	sld [smem:$0x3FB2]  }
0x2f: {  	lr =	sadd.s32 s0, s3;
	s0 =	sld [smem:$0x3FA9]  }
0x30: {  	s3 =	sld [smem:$0x3FAC]  }
0x31: {  	[smem:$0x3FB5] =	sst s10  }
0x32: {  	s10 =	sld [smem:$0x3FB3];
	_ =	sdelay $0x3  }
0x33: {  	p0 =	seq.s32 s10, $0x1;
	s10 =	sld [smem:$0x3FB5];
	_ =	sdelay $0x3  }
0x34: {  	[smem:$0x3FB5] =	sst s10  }
0x35: {  	s10 =	sld [smem:$0x3FB4];
	_ =	sdelay $0x3  }
0x36: {  	p1 =	seq.s32 s10, $0x1;
	s10 =	sld [smem:$0x3FB5];
	_ =	sdelay $0x3  }
0x37: {  	[smem:$0x3FB5] =	sst s10  }
0x38: {  	s10 =	sld [smem:$0x3FB6]  }
0x39: {  	_ = 	snop;
	(pc) =	sbr.ind lr, $3  }
0x3a: {  	_ = 	snop  }
0x3b: {  	_ = 	snop  }
0x3c: {  	p2 =	seq.s32 s10, $0x1;
	s10 =	sld [smem:$0x3FB5]  }
0x3d: {  	_ =	shalt  }
0x3e: {  	_ =	shalt  }
0x3f: {  	_ =	shalt  }
0x40: {  	_ =	shalt  }
0x41: {  	_ =	shalt  }
0x42: {  	_ =	shalt  }
0x43: {  	_ =	shalt  }
0x44: {  	_ =	shalt  }
0x45: {  	_ =	shalt  }
0x46: {  	_ =	shalt  }
0x47: {  	_ =	shalt  }
0x48: {  	_ =	shalt  }
0x49: {  	_ =	shalt  }
0x4a: {  	_ =	shalt  }
0x4b: {  	_ =	shalt  }
0x4c: {  	_ =	shalt  }
0x4d: {  	_ =	shalt  }
0x4e: {  	_ =	shalt  }
0x4f: {  	_ =	shalt  }
0x50: {  	_ =	shalt  }
0x51: {  	_ =	shalt  }
0x52: {  	_ =	shalt  }
0x53: {  	_ =	shalt  }
0x54: {  	_ =	shalt  }
0x55: {  	_ =	shalt  }
0x56: {  	_ =	shalt  }
0x57: {  	_ =	shalt  }
0x58: {  	_ =	shalt  }
0x59: {  	_ =	shalt  }
0x5a: {  	_ =	shalt  }
0x5b: {  	_ =	shalt  }
0x5c: {  	_ =	shalt  }
0x5d: {  	_ =	shalt  }
0x5e: {  	_ =	shalt  }
0x5f: {  	_ =	shalt  }
0x60: {  	_ =	shalt  }
0x61: {  	_ =	shalt  }
0x62: {  	_ =	shalt  }
0x63: {  	_ =	shalt  }
0x64: {  	_ =	shalt  }
0x65: {  	_ =	shalt  }
0x66: {  	_ =	shalt  }
0x67: {  	_ =	shalt  }
0x68: {  	_ =	shalt  }
0x69: {  	_ =	shalt  }
0x6a: {  	_ =	shalt  }
0x6b: {  	_ =	shalt  }
0x6c: {  	_ =	shalt  }
0x6d: {  	_ =	shalt  }
0x6e: {  	_ =	shalt  }
0x6f: {  	_ =	shalt  }
0x70: {  	_ =	shalt  }
0x71: {  	_ =	shalt  }
0x72: {  	_ =	shalt  }
0x73: {  	_ =	shalt  }
0x74: {  	_ =	shalt  }
0x75: {  	_ =	shalt  }
0x76: {  	_ =	shalt  }
0x77: {  	_ =	shalt  }
0x78: {  	_ =	shalt  }
0x79: {  	_ =	shalt  }
0x7a: {  	_ =	shalt  }
0x7b: {  	_ =	shalt  }
0x7c: {  	_ =	shalt  }
0x7d: {  	_ =	shalt  }
0x7e: {  	_ =	shalt  }
0x7f: {  	_ =	shalt  }
0x80: {  	_ =	shalt  }
0x81: {  	_ =	shalt  }
0x82: {  	_ =	shalt  }
0x83: {  	_ =	shalt  }
0x84: {  	_ =	shalt  }
0x85: {  	_ =	shalt  }
0x86: {  	_ =	shalt  }
0x87: {  	_ =	shalt  }
.Lfunc_end0:
.L_simem_size_0:
called_computation.2_lowered:
.L_overlay_start_0:
0x88: {  	s2 =	sld [smem:$0x3FD9]  }
0x89: {  	s3 =	sld [smem:$0x3FFE];
	_ =	sdelay $0x1  }
0x8a: {  	s1 =	srdreg.scid  }
0x8b: {  	s0 =	sand.u32 $0x1, s1  }
0x8c: {  	s17 =	sshll.u32 s0, $0xA;
	s2 =	sadd.s32 s3, s2  }
0x8d: {  	s2 =	sadd.s32 s2, s17  }
0x8e: {  	[smem:$0x3FC1] =	sst s2  }
0x8f: {  	_ = 	snop  }
0x90: {  	s18 =	sld [smem:$0x3FC6]  }
0x91: {  	s4 =	sld [smem:$0x3FD0];
	(tm) =	ssettm $0x1  }
0x92: {  	s19 =	sld [smem:$0x3FFB];
	_ =	sdelay $0x3  }
0x93: {  	_ =	strace s19  }
0x94: {  	s2 =	sld [smem:$0x3FFC];
	_ =	sdelay $0x3  }
0x95: {  	_ =	strace s2  }
0x96: {  	s2 =	sld [smem:$0x3FFD];
	_ =	sdelay $0x3  }
0x97: {  	_ =	strace s2  }
0x98: {  	_ =	strace $0x8FFFFFFF  }
0x99: {  	s20 =	sld [smem:$0x3FDB];
	_ =	sdelay $0x1  }
0x9a: {  	s5 =	simm.s32 $_scs_section_size  }
0x9b: {  	s6 =	simm.s32 $_size__tile_overlayer_lowered;
	s7 =	simm.s32 $_tile_overlayer_lowered  }
0x9c: {  	s8 =	simm.s32 $0x1BFF;
	s21 =	sshll.u32 s7, $0x1;
	s5 =	sadd.s32 s5, s20  }
0x9d: {  	s22 =	simm.s32 $0x0;
	s6 =	sshll.u32 s6, $0x1;
	s7 =	sadd.s32 s21, s5  }
0x9e: {  	[timem:s22], [sflag:s8] =	dma.local [hbm:s7], s6  }
0x9f: {  	_ =	swait.ge [sflag:s8], s6  }
0xa0: {  	s6 =	ssub.s32 $0x0, s6;
	[sflag:s8] =	ssyncset.done $0x0  }
0xa1: {  	[sflag:s8] =	ssyncadd.s32 s6;
	_ =	sdelay $0x1  }
0xa2: {  	s23 =	simm.s32 $0x1B8B  }
0xa3: {  	_ =	swait.ge [sflag:s23], $0x1  }
0xa4: {  	[sflag:s23] =	ssyncset.done $0x0  }
0xa5: {  	[sflag:s23] =	ssyncadd.s32 $0xFFFFFFFF  }
0xa6: {  	s6 =	sld [smem:$0x0]  }
0xa7: {  	s7 =	sand.u32 $0xFFFFFFFE, s1  }
0xa8: {  	p0 =	sne.s32 s1, s7  }
0xa9: {  	s7 =	sshll.u32 @p0 s7, $0xE  }
0xaa: {  	s7 =	sadd.s32 @p0 $0x11B8D, s7;
	s8 =	sshll.u32 @p0 s6, $0x11  }
0xab: {  	s7 =	sor.u32 @p0 s8, s7  }
0xac: {  	[sflag:s7] =	ssyncadd.remote.s32 @p0 $0x1;
	_ =	sdelay $0x1  }
0xad: {  	s7 =	simm.s32 @p0 $0x1B8D  }
0xae: {  	_ =	swait.eq @p0 [sflag:s7], $0x1  }
0xaf: {  	[sflag:s7] =	ssyncadd.s32 @p0 $0xFFFFFFFF  }
0xb0: {  	s8 =	sshll.u32 @!p0 s1, $0xE  }
0xb1: {  	s8 =	sor.u32 @!p0 $0x4000, s8;
	s7 =	simm.s32 @!p0 $0x1B8D  }
0xb2: {  	s6 =	sshll.u32 @!p0 s6, $0x11;
	s8 =	sadd.s32 @!p0 $0x11B8D, s8;
	_ =	swait.eq @!p0 [sflag:s7], $0x1  }
0xb3: {  	s6 =	sor.u32 @!p0 s6, s8;
	[sflag:s7] =	ssyncadd.s32 @!p0 $0xFFFFFFFF  }
0xb4: {  	s25 =	simm.s32 $0x1B8E;
	s24 =	sld [smem:$0x3FFE];
	[sflag:s6] =	ssyncadd.remote.s32 @!p0 $0x1  }
0xb5: {  	s26 =	simm.s32 $execute0_lowered;
	[smem:$0x3FD2] =	sst s25  }
0xb6: {  	s7 =	sshll.u32 s26, $0x1;
	_ =	strace $0x8000004C;
	[dreg:$0x1] =	wrdreg $0xFFFFFFFF  }
0xb7: {  	s28 =	simm.s32 $_size_execute0_lowered;
	s5 =	sadd.s32 s5, s7;
	[dreg:$0x0] =	wrdreg $0x0  }
0xb8: {  	s7 =	sshll.u32 s28, $0x1;
	[dreg:$0x2] =	wrdreg s5  }
0xb9: {  	[dreg:$0x3] =	wrdreg s7  }
0xba: {  	[dreg:$0x4] =	wrdreg $0xC0  }
0xbb: {  	_ =	task [dreg:s22], $0x5FFFF  }
0xbc: {  	[dreg:$0x1] =	wrdreg $0xFFFFFFFF  }
0xbd: {  	[dreg:$0x0] =	wrdreg $0x60  }
0xbe: {  	[dreg:$0x2] =	wrdreg s18  }
0xbf: {  	[dreg:$0x3] =	wrdreg s4  }
0xc0: {  	[dreg:$0x4] =	wrdreg s24  }
0xc1: {  	[dreg:$0x5] =	wrdreg $0xA  }
0xc2: {  	_ =	task.clear_ibuf [dreg:s22], $0x6FFFF;
	_ =	strace $0x9000004C  }
0xc3: {  	s29 =	simm.s32 $0xA;
	_ =	strace $0x8000004E  }
0xc4: {  	_ =	swait.ge [sflag:s29], $0x1  }
0xc5: {  	[sflag:s29] =	ssyncadd.s32 $0xFFFFFFFF  }
0xc6: {  	_ =	strace $0x9000004E  }
0xc7: {  	_ =	sfence  }
0xc8: {  	s30 =	sld [smem:$0x0];
	_ =	sdelay $0x2  }
0xc9: {  	s31 =	sshll.u32 s1, $0xD;
	s1 =	sshrl.u32 s1, $0x2  }
0xca: {  	s4 =	sand.u32 $0x4000, s31;
	s1 =	sadd.s32 s1, s30  }
0xcb: {  	s0 =	sor.u32 s4, s0;
	s1 =	sshll.u32 s1, $0x11  }
0xcc: {  	s0 =	sor.u32 s1, s0  }
0xcd: {  	s0 =	sadd.s32 $0x8F2B, s0  }
0xce: {  	[sflag:s0] =	ssyncadd.remote.s32 $0x1  }
0xcf: {  	_ =	sfence.sel $0xFFFF  }
0xd0: {  	[dreg:$0x0] =	wrdreg $0xFFFFFFFF;
	(pc) =	sbr.abs _section_cstart, $3  }
0xd1: {  	[dreg:$0x1] =	wrdreg $0xFFFFFFFF  }
0xd2: {  	_ =	task.clear_ibuf [dreg:s22], $0x2FFFF;
	_ =	strace $0x9FFFFFFF  }
0xd3: {  	(tm) =	ssettm $0x7FFFFFFF  }
tec
execute0_lowered:
.L_overlay_start_1:
0x0: {  	(tag) =	ssettag $0x1  }
0x1: {  	s2 =	rddreg [dreg:$0x0]  }
0x2: {  	s3 =	rddreg [dreg:$0x1]  }
0x3: {  	s0 =	stileid.u32;
	s1 =	srdreg.scid  }
0x4: {  	s8 =	rddreg [dreg:$0x2];
	s9 =	simm.s32 $0x1;
	s10 =	simm.s32 $0x3  }
0x5: {  	s13 =	simm.s32 $0x0;
	s4 =	sand.u32 $0x1, s1;
	s5 =	sshll.u32 s0, $0x1  }
0x6: {  	s12 =	simm.s32 $0x0;
	s1 =	rddreg [dreg:$0x3];
	s6 =	sor.u32 s5, s4  }
0x7: {  	_ =	strace $0x8000004D;
	s8 =	sadd.s32 $0x4E00, s8;
	s4 =	smul.u32 $0x4B0, s6  }
0x8: {  	s5 =	simm.s32 $0x1;
	p0 =	slt.u32 s6, $0x13;
	s6 =	simm.s32 $0x9600  }
.Ltmp0:
0x9: {  	s6 =	simm.s32 @!p0 $0x0;
	s7 =	ssub.s32 $0xEA60, s4;
	(pc) =	sbr.rel .LBB2_1-.Ltmp0, $4  }
0xa: {  	s9 =	simm.s32 @!p0 $0x0;
	p0 =	sne.s32 s7, s6;
	s7 =	simm.s32 $0x1  }
0xb: {  	[sflag:s5] =	ssyncpa.u1 $0x0;
	s6 =	simm.s32 $0x2;
	s7 =	simm.s32 @!p0 $0x0  }
0xc: {  	s11 =	smov.u32 s4;
	[sflag:s6] =	ssyncpa.u1 $0x0;
	s7 =	sadd.s32 s9, s7  }
0xd: {  	vm0 =	vmmov $0xffff;
	[sflag:s10] =	ssyncpa.u1 $0x0;
	s10 =	simm.s32 $0x0;
	s9 =	sadd.s32 $0x1, s7  }
.LBB2_4:
0xe: {  	v2 =	vnsel vm1, $0x0, v2  }
0xf: {  	vm1 =	vgt.s32 v0, $0x0;
	v2 =	vmin.u32 v2, $0xEA5F  }
0x10: {  	v0 =	vnsel vm1, $0x0, v0  }
0x11: {  	v0 =	vmin.u32 v0, $0xEA5F  }
0x12: {  	[tilespmem:s18], [sflag:$0x1] =	stream.indirect_vreg.gather [hbm4b:s2+s10], $0x1, v1, vm0, $0x4038;
	[tilespmem:$0x12C0] =	vst v63  }
0x13: {  	(ifvalue) =	ssetifvalue $0x7FFFFFFF  }
0x14: {  	[tilespmem:s15], [sflag:$0x1] =	stream.indirect_vreg.gather [hbm4b:s2+s10], $0x1, v2, vm0, $0x4038;
	[tilespmem:$0x12C0] =	vst v63  }
0x15: {  	s29 =	sadd.s32 $0x10, s15;
	(ifvalue) =	ssetifvalue $0x7FFFFFFF  }
0x16: {  	[tilespmem:s29], [sflag:$0x1] =	stream.indirect_vreg.gather [hbm4b:s2+s10], $0x1, v0, vm0, $0x4038;
	[tilespmem:$0x12C0] =	vst v63  }
0x17: {  	_ =	swait.ge [sflag:s5], $0x4B0  }
0x18: {  	s30 =	sshrl.u32 s13, $0x3;
	[sflag:s5] =	ssyncset.done $0x0  }
0x19: {  	s31 =	sand.u32 $0x7, s13;
	s15 =	sadd.s32 s8, s30;
	[sflag:s5] =	ssyncadd.s32 $0xFFFFFB50  }
0x1a: {  	[hbm4b:s15+s31] =	stream.linear.scatter [tilespmem:s14], [sflag:$0x3], $0x4B0, $0x38;
	[tilespmem:$0x12C0] =	vst v63  }
.LBB2_5:
0x1b: {  	s15 =	sadd.s32 $0x9600, s11  }
0x1c: {  	p1 =	sgt.s32 s15, $0xEA5F  }
0x1d: {  	s15 =	smov.u32 @p1 s4;
	p1 =	sne.s32 s12, s9  }
.Ltmp1:
0x1e: {  	p0 =	slt.u32 s12, $0x2;
	(pc) =	sbr.rel @!p1 .LBB2_6-.Ltmp1, $4  }
0x1f: {  	s14 =	simm.s32 @!p0 $0x3  }
0x20: {  	_ =	swait.ge @!p0 [sflag:s14], $0x4B0  }
0x21: {  	s16 =	sadd.s32 $0x1, s12;
	s13 =	smov.u32 s11;
	[sflag:s14] =	ssyncset.done @!p0 $0x0  }
0x22: {  	s12 =	smov.u32 s16;
	s11 =	smov.u32 s15;
	[sflag:s14] =	ssyncadd.s32 @!p0 $0xFFFFFB50  }
.LBB2_1:
0x23: {  	p0 =	sge.u32 s12, s7  }
0x24: {  	s14 =	sxor.u32 @!p0 $0x1, s12  }
0x25: {  	s14 =	smul.u32 @!p0 $0x12C0, s14  }
0x26: {  	s31 =	sadd.s32 $0xFFFFFFFF, s12;
	s15 =	sshrl.u32 @!p0 s11, $0x3  }
0x27: {  	s16 =	sand.u32 @!p0 $0x7, s11;
	s15 =	sadd.s32 @!p0 s3, s15;
	s14 =	sshra.s32 @!p0 s14, $0x2  }
0x28: {  	[tilespmem:s14], [sflag:$0x2] =	stream.linear.gather @!p0 [hbm4b:s15+s16], $0x4B0, $0x38;
	[tilespmem:$0x12C0] =	vst v63  }
0x29: {  	p0 =	sge.u32 s31, s7  }
.Ltmp2:
0x2a: {  	_ = 	snop;
	(pc) =	sbr.rel @p0 .LBB2_5-.Ltmp2, $1  }
0x2b: {  	_ =	sdelay $0x3  }
0x2c: {  	s14 =	sand.u32 $0x1, s12  }
0x2d: {  	_ =	swait.ge [sflag:s6], $0x4B0;
	p0 =	seq.s32 s14, $0x1;
	s14 =	simm.s32 $0x4B0  }
0x2e: {  	[sflag:s6] =	ssyncset.done $0x0;
	s14 =	simm.s32 @!p0 $0x0  }
0x2f: {  	[sflag:s6] =	ssyncadd.s32 $0xFFFFFB50;
	(ifvalue) =	ssetifvalue $0x7FFFFFFF;
	v0 =	vld.msk [tilespmem:s14+$0x0 ss:$0x1], $0xffff;
	_ =	sdelay $0x4  }
0x30: {  	s15 =	sadd.s32 $0x10, s14;
	vm1 =	vgt.s32 v0, $0x0  }
0x31: {  	v2 =	vld.msk [tilespmem:s15+$0x0 ss:$0x1], $0xffff;
	v1 =	vnsel vm1, $0x0, v0  }
0x32: {  	v1 =	vmin.u32 v1, $0xEA5F;
	_ =	sdelay $0x2  }
0x33: {  	s17 =	simm.s32 $0x20;
	s14 =	sadd.s32 $0x960, s14;
	s16 =	sadd.s32 $0x10, s15  }
0x34: {  	s15 =	sadd.s32 $0x10, s14;
	s18 =	smov.u32 s14;
	v0 =	vld.msk [tilespmem:s16+$0x0 ss:$0x1], $0xffff;
	vm1 =	vgt.s32 v2, $0x0;
	(ifvalue) =	ssetifvalue $0x7FFFFFFF  }
.LBB2_3:
0x35: {  	[tilespmem:s18], [sflag:$0x1] =	stream.indirect_vreg.gather [hbm4b:s2+s10], $0x1, v1, vm0, $0x4038;
	[tilespmem:$0x12C0] =	vst v63  }
0x36: {  	s17 =	sadd.s32 $0x10, s17  }
0x37: {  	v2 =	vnsel vm1, $0x0, v2;
	p0 =	slt.u32 s17, $0x4A0  }
.Ltmp3:
0x38: {  	s18 =	smov.u32 s15;
	v1 =	vmin.u32 v2, $0xEA5F;
	(pc) =	sbr.rel @p0 .LBB2_3-.Ltmp3, $3  }
0x39: {  	_ =	sdelay $0x1  }
0x3a: {  	s16 =	sadd.s32 $0x10, s16  }
0x3b: {  	vm1 =	vgt.s32 v0, $0x0;
	s15 =	sadd.s32 $0x10, s15;
	v2 =	vmov v0;
	(ifvalue) =	ssetifvalue $0x7FFFFFFF;
	v0 =	vld.msk [tilespmem:s16+$0x0 ss:$0x1], $0xffff  }
.Ltmp4:
0x3c: {  	_ = 	snop;
	(pc) =	sbr.rel .LBB2_4-.Ltmp4, $1  }
0x3d: {  	_ =	sdelay $0x3  }
.LBB2_6:
0x3e: {  	_ =	sfence.sel $0x180000  }
0x3f: {  	s2 =	simm.s32 $0x2;
	[bflag:$0x0] =	sbarrier.arrive $0xFFFF  }
0x40: {  	s30 =	simm.s32 $0x3;
	[sflag:s2] =	ssyncpa.u1 $0x1  }
0x41: {  	s31 =	simm.s32 $0x1;
	[sflag:s30] =	ssyncpa.u1 $0x1  }
0x42: {  	[sflag:s31] =	ssyncpa.u1 $0x1  }
0x43: {  	p0 =	sne.s32 s0, $0x0;
	_ =	strace $0x9000004D  }
0x44: {  	s0 =	sadd.s32 @!p0 $0x100000, s1;
	[bflag:$0x2] =	sbarrier.arrive $0xFFFF  }
0x45: {  	[sflag:s0] =	ssyncadd.tile.s32 @!p0 $0x1;
	_ =	shalt  }
.Lfunc_end2:
_tile_overlayer_lowered:
.L_overlay_start_2:
0x46: {  	(tag) =	ssettag $0x2  }
0x47: {  	s0 =	rddreg [dreg:$0x0];
	s2 =	stileid.u32  }
0x48: {  	s1 =	rddreg [dreg:$0x1];
	p0 =	sne.s32 s2, $0x0  }
0x49: {  	s3 =	rddreg [dreg:$0x2];
	[bflag:$0x3] =	sbarrier.arrive $0xFFFF;
	s2 =	simm.s32 @!p0 $0x1C01  }
0x4a: {  	[timem:s3], [sflag:s2] =	dma.local @!p0 [hbm:s0], s1  }
0x4b: {  	s0 =	simm.s32 @!p0 $0x1  }
0x4c: {  	_ =	swait.ge @!p0 [sflag:s0], s1  }
0x4d: {  	s1 =	ssub.s32 @!p0 $0x0, s1;
	[sflag:s0] =	ssyncset.done @!p0 $0x0  }
0x4e: {  	[sflag:s0] =	ssyncadd.s32 @!p0 s1  }
0x4f: {  	[bflag:$0x3] =	sbarrier.arrive $0xFFFF  }
0x50: {  	_ =	shalt  }

// kernel: gather_offload_async_start
scs
__scs_entry_jumppad:
0x0: {  	(pc) =	sbr.rel $0x88, $3  }
0x1: {  	(tag) =	ssettag $0x0;
	lr =	simm.s32 $0x1  }
0x2: {  	[smem:$0x3F9A] =	sst lr;
	_ =	strace $0xD0000000  }
0x3: {  	_ = 	snop  }
0x4: {  	_ = 	snop  }
0x5: {  	_ = 	snop  }
0x6: {  	_ = 	snop  }
0x7: {  	_ = 	snop  }
__scs_overlays_trampoline_lowered:
0x8: {  	[smem:$0x3FA9] =	sst s0  }
0x9: {  	[smem:$0x3FAA] =	sst s1  }
0xa: {  	[smem:$0x3FAB] =	sst s2  }
0xb: {  	[smem:$0x3FAC] =	sst s3  }
0xc: {  	[smem:$0x3FAD] =	sst s4  }
0xd: {  	[smem:$0x3FAE] =	sst s5  }
0xe: {  	[smem:$0x3FAF] =	sst s6  }
0xf: {  	[smem:$0x3FB0] =	sst s7  }
0x10: {  	[smem:$0x3FB1] =	sst s8  }
0x11: {  	[smem:$0x3FB2] =	sst s9;
	s0 =	simm.s32 @!p0 $0x0  }
0x12: {  	s1 =	sld [smem:$0x3F98];
	s0 =	simm.s32 @p0 $0x1  }
0x13: {  	[smem:$0x3FB3] =	sst s0;
	s0 =	simm.s32 @!p1 $0x0  }
0x14: {  	s2 =	sld [smem:$0x3F97];
	s0 =	simm.s32 @p1 $0x1  }
0x15: {  	[smem:$0x3FB4] =	sst s0;
	s0 =	simm.s32 @!p2 $0x0  }
0x16: {  	s3 =	sld [smem:$0x3FDB];
	s0 =	simm.s32 @p2 $0x1  }
0x17: {  	s4 =	simm.s32 $0x1BF5;
	[smem:$0x3FB6] =	sst s0  }
0x18: {  	s0 =	sld [smem:$0x3F99];
	_ =	swait.ge [sflag:s4], $0x0  }
0x19: {  	s7 =	sld [smem:$0x3F9A]  }
0x1a: {  	s8 =	sadd.s32 $0xFFFFE003, lr  }
0x1b: {  	s9 =	sadd.s32 $0xFFFFFEF7, lr;
	s5 =	simm.s32 $0xFFFFFFFF;
	p2 =	slt.u32 s8, $0xFFFFF086  }
0x1c: {  	p1 =	slt.u32 s9, $0xF7A;
	s5 =	simm.s32 @!p2 $0x0  }
0x1d: {  	s5 =	simm.s32 @p1 $0x1;
	p0 =	seq.s32 s7, s2  }
0x1e: {  	s7 =	smul.u32 @!p0 $0xF7A, s2;
	p2 =	seq.s32 @!p0 s5, $0x0  }
0x1f: {  	s9 =	smul.u32 $0xF7A, s1;
	s8 =	simm.s32 @!p0 $0x1BF5;
	p2 =	por !p2, p0  }
0x20: {  	[sflag:s8] =	ssyncset.s32 @!p0 $0xFFFFF086;
	s6 =	sadd.s32 @!p0 s3, s7;
	s7 =	simm.s32 @!p0 $0x108  }
0x21: {  	s3 =	sadd.s32 s3, s9;
	s6 =	sadd.s32 @!p0 $0x88, s6;
	s7 =	simm.s32 @p2 $0x1082  }
0x22: {  	[simem:s7], [sflag:s8] =	dma.local @!p0 [hbm:s6], $0xF7A  }
0x23: {  	s9 =	sor.u32 $0xD0000000, s2;
	s6 =	simm.s32 $0x108;
	_ =	swait.ge @!p0 [sflag:s8], $0x0  }
0x24: {  	s3 =	sadd.s32 $0x88, s3;
	s6 =	simm.s32 @!p1 $0x1082;
	[sflag:s4] =	ssyncset.s32 $0xFFFFF086  }
0x25: {  	[simem:s6], [sflag:s4] =	dma.local [hbm:s3], $0xF7A  }
0x26: {  	[smem:$0x3F9A] =	sst s1;
	(tag) =	ssettag s2;
	_ =	strace s9  }
0x27: {  	s1 =	sld [smem:$0x3FAA]  }
0x28: {  	s2 =	sld [smem:$0x3FAB]  }
0x29: {  	s4 =	sld [smem:$0x3FAD]  }
0x2a: {  	p0 =	seq.s32 s5, $0x0;
	s5 =	sld [smem:$0x3FAE]  }
0x2b: {  	s6 =	sld [smem:$0x3FAF]  }
0x2c: {  	s7 =	sld [smem:$0x3FB0]  }
0x2d: {  	s3 =	simm.s32 $0x108;
	s8 =	sld [smem:$0x3FB1]  }
0x2e: {  	s3 =	simm.s32 @!p0 $0x1082;
	s9 =	sld [smem:$0x3FB2]  }
0x2f: {  	lr =	sadd.s32 s0, s3;
	s0 =	sld [smem:$0x3FA9]  }
0x30: {  	s3 =	sld [smem:$0x3FAC]  }
0x31: {  	[smem:$0x3FB5] =	sst s10  }
0x32: {  	s10 =	sld [smem:$0x3FB3];
	_ =	sdelay $0x3  }
0x33: {  	p0 =	seq.s32 s10, $0x1;
	s10 =	sld [smem:$0x3FB5];
	_ =	sdelay $0x3  }
0x34: {  	[smem:$0x3FB5] =	sst s10  }
0x35: {  	s10 =	sld [smem:$0x3FB4];
	_ =	sdelay $0x3  }
0x36: {  	p1 =	seq.s32 s10, $0x1;
	s10 =	sld [smem:$0x3FB5];
	_ =	sdelay $0x3  }
0x37: {  	[smem:$0x3FB5] =	sst s10  }
0x38: {  	s10 =	sld [smem:$0x3FB6]  }
0x39: {  	_ = 	snop;
	(pc) =	sbr.ind lr, $3  }
0x3a: {  	_ = 	snop  }
0x3b: {  	_ = 	snop  }
0x3c: {  	p2 =	seq.s32 s10, $0x1;
	s10 =	sld [smem:$0x3FB5]  }
0x3d: {  	_ =	shalt  }
0x3e: {  	_ =	shalt  }
0x3f: {  	_ =	shalt  }
0x40: {  	_ =	shalt  }
0x41: {  	_ =	shalt  }
0x42: {  	_ =	shalt  }
0x43: {  	_ =	shalt  }
0x44: {  	_ =	shalt  }
0x45: {  	_ =	shalt  }
0x46: {  	_ =	shalt  }
0x47: {  	_ =	shalt  }
0x48: {  	_ =	shalt  }
0x49: {  	_ =	shalt  }
0x4a: {  	_ =	shalt  }
0x4b: {  	_ =	shalt  }
0x4c: {  	_ =	shalt  }
0x4d: {  	_ =	shalt  }
0x4e: {  	_ =	shalt  }
0x4f: {  	_ =	shalt  }
0x50: {  	_ =	shalt  }
0x51: {  	_ =	shalt  }
0x52: {  	_ =	shalt  }
0x53: {  	_ =	shalt  }
0x54: {  	_ =	shalt  }
0x55: {  	_ =	shalt  }
0x56: {  	_ =	shalt  }
0x57: {  	_ =	shalt  }
0x58: {  	_ =	shalt  }
0x59: {  	_ =	shalt  }
0x5a: {  	_ =	shalt  }
0x5b: {  	_ =	shalt  }
0x5c: {  	_ =	shalt  }
0x5d: {  	_ =	shalt  }
0x5e: {  	_ =	shalt  }
0x5f: {  	_ =	shalt  }
0x60: {  	_ =	shalt  }
0x61: {  	_ =	shalt  }
0x62: {  	_ =	shalt  }
0x63: {  	_ =	shalt  }
0x64: {  	_ =	shalt  }
0x65: {  	_ =	shalt  }
0x66: {  	_ =	shalt  }
0x67: {  	_ =	shalt  }
0x68: {  	_ =	shalt  }
0x69: {  	_ =	shalt  }
0x6a: {  	_ =	shalt  }
0x6b: {  	_ =	shalt  }
0x6c: {  	_ =	shalt  }
0x6d: {  	_ =	shalt  }
0x6e: {  	_ =	shalt  }
0x6f: {  	_ =	shalt  }
0x70: {  	_ =	shalt  }
0x71: {  	_ =	shalt  }
0x72: {  	_ =	shalt  }
0x73: {  	_ =	shalt  }
0x74: {  	_ =	shalt  }
0x75: {  	_ =	shalt  }
0x76: {  	_ =	shalt  }
0x77: {  	_ =	shalt  }
0x78: {  	_ =	shalt  }
0x79: {  	_ =	shalt  }
0x7a: {  	_ =	shalt  }
0x7b: {  	_ =	shalt  }
0x7c: {  	_ =	shalt  }
0x7d: {  	_ =	shalt  }
0x7e: {  	_ =	shalt  }
0x7f: {  	_ =	shalt  }
0x80: {  	_ =	shalt  }
0x81: {  	_ =	shalt  }
0x82: {  	_ =	shalt  }
0x83: {  	_ =	shalt  }
0x84: {  	_ =	shalt  }
0x85: {  	_ =	shalt  }
0x86: {  	_ =	shalt  }
0x87: {  	_ =	shalt  }
.Lfunc_end0:
.L_simem_size_0:
called_computation_lowered:
.L_overlay_start_0:
0x88: {  	s2 =	sld [smem:$0x3FD9]  }
0x89: {  	s3 =	sld [smem:$0x3FFE];
	_ =	sdelay $0x1  }
0x8a: {  	s1 =	srdreg.scid  }
0x8b: {  	s0 =	sand.u32 $0x1, s1  }
0x8c: {  	s17 =	sshll.u32 s0, $0xA;
	s2 =	sadd.s32 s3, s2  }
0x8d: {  	s2 =	sadd.s32 s2, s17  }
0x8e: {  	[smem:$0x3FC1] =	sst s2  }
0x8f: {  	_ = 	snop  }
0x90: {  	s2 =	sld [smem:$0x3FC8]  }
0x91: {  	s18 =	sld [smem:$0x3FD0];
	(tm) =	ssettm $0x1  }
0x92: {  	s4 =	sld [smem:$0x3FFB];
	_ =	sdelay $0x3  }
0x93: {  	_ =	strace s4  }
0x94: {  	s4 =	sld [smem:$0x3FFC];
	_ =	sdelay $0x3  }
0x95: {  	_ =	strace s4  }
0x96: {  	s4 =	sld [smem:$0x3FFD];
	_ =	sdelay $0x3  }
0x97: {  	_ =	strace s4  }
0x98: {  	_ =	strace $0x8FFFFFFF  }
0x99: {  	s19 =	sld [smem:$0x3FDB];
	_ =	sdelay $0x1  }
0x9a: {  	s5 =	simm.s32 $_scs_section_size  }
0x9b: {  	s6 =	simm.s32 $_size__tile_overlayer_lowered;
	s7 =	simm.s32 $_tile_overlayer_lowered  }
0x9c: {  	s22 =	simm.s32 $0x1BFF;
	s21 =	sshll.u32 s7, $0x1;
	s4 =	sadd.s32 s5, s19  }
0x9d: {  	s8 =	simm.s32 $0x0;
	s20 =	sshll.u32 s6, $0x1;
	s6 =	sadd.s32 s21, s4  }
0x9e: {  	[timem:s8], [sflag:s22] =	dma.local [hbm:s6], s20  }
0x9f: {  	_ =	swait.ge [sflag:s22], s20  }
0xa0: {  	s5 =	ssub.s32 $0x0, s20;
	[sflag:s22] =	ssyncset.done $0x0  }
0xa1: {  	[sflag:s22] =	ssyncadd.s32 s5;
	_ =	sdelay $0x1  }
0xa2: {  	s23 =	simm.s32 $0x1B8B  }
0xa3: {  	_ =	swait.ge [sflag:s23], $0x1  }
0xa4: {  	[sflag:s23] =	ssyncset.done $0x0  }
0xa5: {  	s25 =	simm.s32 $0x1B8E;
	s24 =	sld [smem:$0x3FFE];
	[sflag:s23] =	ssyncadd.s32 $0xFFFFFFFF  }
0xa6: {  	s26 =	simm.s32 $execute0_lowered;
	[smem:$0x3FD2] =	sst s25  }
0xa7: {  	s6 =	sshll.u32 s26, $0x1;
	_ =	strace $0x80000046;
	[dreg:$0x1] =	wrdreg $0xFFFFFFFF  }
0xa8: {  	s28 =	simm.s32 $_size_execute0_lowered;
	s4 =	sadd.s32 s4, s6;
	[dreg:$0x0] =	wrdreg $0x0  }
0xa9: {  	s6 =	sshll.u32 s28, $0x1;
	[dreg:$0x2] =	wrdreg s4  }
0xaa: {  	[dreg:$0x3] =	wrdreg s6  }
0xab: {  	[dreg:$0x4] =	wrdreg $0xC0  }
0xac: {  	_ =	task [dreg:s8], $0x5FFFF  }
0xad: {  	[dreg:$0x1] =	wrdreg $0xFFFFFFFF  }
0xae: {  	[dreg:$0x0] =	wrdreg $0x60  }
0xaf: {  	[dreg:$0x2] =	wrdreg s2  }
0xb0: {  	[dreg:$0x3] =	wrdreg s18  }
0xb1: {  	[dreg:$0x4] =	wrdreg s24  }
0xb2: {  	[dreg:$0x5] =	wrdreg $0x9  }
0xb3: {  	_ =	task.clear_ibuf [dreg:s8], $0x6FFFF;
	_ =	strace $0x90000046  }
0xb4: {  	s29 =	simm.s32 $0x9;
	_ =	strace $0x80000048  }
0xb5: {  	_ =	swait.ge [sflag:s29], $0x1  }
0xb6: {  	[sflag:s29] =	ssyncadd.s32 $0xFFFFFFFF  }
0xb7: {  	_ =	strace $0x90000048  }
0xb8: {  	_ =	sfence  }
0xb9: {  	s30 =	sld [smem:$0x0];
	_ =	sdelay $0x2  }
0xba: {  	s31 =	sshll.u32 s1, $0xD;
	s1 =	sshrl.u32 s1, $0x2  }
0xbb: {  	s3 =	sand.u32 $0x4000, s31;
	s1 =	sadd.s32 s1, s30  }
0xbc: {  	s0 =	sor.u32 s3, s0;
	s1 =	sshll.u32 s1, $0x11  }
0xbd: {  	s0 =	sor.u32 s1, s0  }
0xbe: {  	s0 =	sadd.s32 $0x8F2B, s0  }
0xbf: {  	[sflag:s0] =	ssyncadd.remote.s32 $0x1  }
0xc0: {  	_ =	sfence.sel $0xFFFF  }
0xc1: {  	[dreg:$0x0] =	wrdreg $0xFFFFFFFF;
	(pc) =	sbr.abs _section_cstart, $3  }
0xc2: {  	[dreg:$0x1] =	wrdreg $0xFFFFFFFF  }
0xc3: {  	_ =	task.clear_ibuf [dreg:s8], $0x2FFFF;
	_ =	strace $0x9FFFFFFF  }
0xc4: {  	(tm) =	ssettm $0x7FFFFFFF  }
0xc5: {  	_ =	shalt  }
tec
execute0_lowered:
.L_overlay_start_1:
0x0: {  	(tag) =	ssettag $0x1  }
0x1: {  	s2 =	rddreg [dreg:$0x0]  }
0x2: {  	s3 =	rddreg [dreg:$0x1]  }
0x3: {  	s0 =	stileid.u32;
	s1 =	srdreg.scid  }
0x4: {  	s8 =	rddreg [dreg:$0x2];
	s9 =	simm.s32 $0x1;
	s10 =	simm.s32 $0x3  }
0x5: {  	s13 =	simm.s32 $0x0;
	s4 =	sand.u32 $0x1, s1;
	s5 =	sshll.u32 s0, $0x1  }
0x6: {  	s12 =	simm.s32 $0x0;
	s1 =	rddreg [dreg:$0x3];
	s6 =	sor.u32 s5, s4  }
0x7: {  	_ =	strace $0x80000047;
	s8 =	sadd.s32 $0x1200, s8;
	s4 =	smul.u32 $0x4B0, s6  }
0x8: {  	s5 =	simm.s32 $0x1;
	p0 =	slt.u32 s6, $0x13;
	s6 =	simm.s32 $0x9600  }
.Ltmp0:
0x9: {  	s6 =	simm.s32 @!p0 $0x0;
	s7 =	ssub.s32 $0xEA60, s4;
	(pc) =	sbr.rel .LBB2_1-.Ltmp0, $4  }
0xa: {  	s9 =	simm.s32 @!p0 $0x0;
	p0 =	sne.s32 s7, s6;
	s7 =	simm.s32 $0x1  }
0xb: {  	[sflag:s5] =	ssyncpa.u1 $0x0;
	s6 =	simm.s32 $0x2;
	s7 =	simm.s32 @!p0 $0x0  }
0xc: {  	s11 =	smov.u32 s4;
	[sflag:s6] =	ssyncpa.u1 $0x0;
	s7 =	sadd.s32 s9, s7  }
0xd: {  	vm0 =	vmmov $0xffff;
	[sflag:s10] =	ssyncpa.u1 $0x0;
	s10 =	simm.s32 $0x0;
	s9 =	sadd.s32 $0x1, s7  }
.LBB2_4:
0xe: {  	v2 =	vnsel vm1, $0x0, v2  }
0xf: {  	vm1 =	vgt.s32 v0, $0x0;
	v2 =	vmin.u32 v2, $0xEA5F  }
0x10: {  	v0 =	vnsel vm1, $0x0, v0  }
0x11: {  	v0 =	vmin.u32 v0, $0xEA5F  }
0x12: {  	[tilespmem:s18], [sflag:$0x1] =	stream.indirect_vreg.gather [hbm4b:s2+s10], $0x1, v1, vm0, $0x4038;
	[tilespmem:$0x12C0] =	vst v63  }
0x13: {  	(ifvalue) =	ssetifvalue $0x7FFFFFFF  }
0x14: {  	[tilespmem:s15], [sflag:$0x1] =	stream.indirect_vreg.gather [hbm4b:s2+s10], $0x1, v2, vm0, $0x4038;
	[tilespmem:$0x12C0] =	vst v63  }
0x15: {  	s29 =	sadd.s32 $0x10, s15;
	(ifvalue) =	ssetifvalue $0x7FFFFFFF  }
0x16: {  	[tilespmem:s29], [sflag:$0x1] =	stream.indirect_vreg.gather [hbm4b:s2+s10], $0x1, v0, vm0, $0x4038;
	[tilespmem:$0x12C0] =	vst v63  }
0x17: {  	_ =	swait.ge [sflag:s5], $0x4B0  }
0x18: {  	s30 =	sshrl.u32 s13, $0x3;
	[sflag:s5] =	ssyncset.done $0x0  }
0x19: {  	s31 =	sand.u32 $0x7, s13;
	s15 =	sadd.s32 s8, s30;
	[sflag:s5] =	ssyncadd.s32 $0xFFFFFB50  }
0x1a: {  	[hbm4b:s15+s31] =	stream.linear.scatter [tilespmem:s14], [sflag:$0x3], $0x4B0, $0x38;
	[tilespmem:$0x12C0] =	vst v63  }
.LBB2_5:
0x1b: {  	s15 =	sadd.s32 $0x9600, s11  }
0x1c: {  	p1 =	sgt.s32 s15, $0xEA5F  }
0x1d: {  	s15 =	smov.u32 @p1 s4;
	p1 =	sne.s32 s12, s9  }
.Ltmp1:
0x1e: {  	p0 =	slt.u32 s12, $0x2;
	(pc) =	sbr.rel @!p1 .LBB2_6-.Ltmp1, $4  }
0x1f: {  	s14 =	simm.s32 @!p0 $0x3  }
0x20: {  	_ =	swait.ge @!p0 [sflag:s14], $0x4B0  }
0x21: {  	s16 =	sadd.s32 $0x1, s12;
	s13 =	smov.u32 s11;
	[sflag:s14] =	ssyncset.done @!p0 $0x0  }
0x22: {  	s12 =	smov.u32 s16;
	s11 =	smov.u32 s15;
	[sflag:s14] =	ssyncadd.s32 @!p0 $0xFFFFFB50  }
.LBB2_1:
0x23: {  	p0 =	sge.u32 s12, s7  }
0x24: {  	s14 =	sxor.u32 @!p0 $0x1, s12  }
0x25: {  	s14 =	smul.u32 @!p0 $0x12C0, s14  }
0x26: {  	s31 =	sadd.s32 $0xFFFFFFFF, s12;
	s15 =	sshrl.u32 @!p0 s11, $0x3  }
0x27: {  	s16 =	sand.u32 @!p0 $0x7, s11;
	s15 =	sadd.s32 @!p0 s3, s15;
	s14 =	sshra.s32 @!p0 s14, $0x2  }
0x28: {  	[tilespmem:s14], [sflag:$0x2] =	stream.linear.gather @!p0 [hbm4b:s15+s16], $0x4B0, $0x38;
	[tilespmem:$0x12C0] =	vst v63  }
0x29: {  	p0 =	sge.u32 s31, s7  }
.Ltmp2:
0x2a: {  	_ = 	snop;
	(pc) =	sbr.rel @p0 .LBB2_5-.Ltmp2, $1  }
0x2b: {  	_ =	sdelay $0x3  }
0x2c: {  	s14 =	sand.u32 $0x1, s12  }
0x2d: {  	_ =	swait.ge [sflag:s6], $0x4B0;
	p0 =	seq.s32 s14, $0x1;
	s14 =	simm.s32 $0x4B0  }
0x2e: {  	[sflag:s6] =	ssyncset.done $0x0;
	s14 =	simm.s32 @!p0 $0x0  }
0x2f: {  	[sflag:s6] =	ssyncadd.s32 $0xFFFFFB50;
	(ifvalue) =	ssetifvalue $0x7FFFFFFF;
	v0 =	vld.msk [tilespmem:s14+$0x0 ss:$0x1], $0xffff;
	_ =	sdelay $0x4  }
0x30: {  	s15 =	sadd.s32 $0x10, s14;
	vm1 =	vgt.s32 v0, $0x0  }
0x31: {  	v2 =	vld.msk [tilespmem:s15+$0x0 ss:$0x1], $0xffff;
	v1 =	vnsel vm1, $0x0, v0  }
0x32: {  	v1 =	vmin.u32 v1, $0xEA5F;
	_ =	sdelay $0x2  }
0x33: {  	s17 =	simm.s32 $0x20;
	s14 =	sadd.s32 $0x960, s14;
	s16 =	sadd.s32 $0x10, s15  }
0x34: {  	s15 =	sadd.s32 $0x10, s14;
	s18 =	smov.u32 s14;
	v0 =	vld.msk [tilespmem:s16+$0x0 ss:$0x1], $0xffff;
	vm1 =	vgt.s32 v2, $0x0;
	(ifvalue) =	ssetifvalue $0x7FFFFFFF  }
.LBB2_3:
0x35: {  	[tilespmem:s18], [sflag:$0x1] =	stream.indirect_vreg.gather [hbm4b:s2+s10], $0x1, v1, vm0, $0x4038;
	[tilespmem:$0x12C0] =	vst v63  }
0x36: {  	s17 =	sadd.s32 $0x10, s17  }
0x37: {  	v2 =	vnsel vm1, $0x0, v2;
	p0 =	slt.u32 s17, $0x4A0  }
.Ltmp3:
0x38: {  	s18 =	smov.u32 s15;
	v1 =	vmin.u32 v2, $0xEA5F;
	(pc) =	sbr.rel @p0 .LBB2_3-.Ltmp3, $3  }
0x39: {  	_ =	sdelay $0x1  }
0x3a: {  	s16 =	sadd.s32 $0x10, s16  }
0x3b: {  	vm1 =	vgt.s32 v0, $0x0;
	s15 =	sadd.s32 $0x10, s15;
	v2 =	vmov v0;
	(ifvalue) =	ssetifvalue $0x7FFFFFFF;
	v0 =	vld.msk [tilespmem:s16+$0x0 ss:$0x1], $0xffff  }
.Ltmp4:
0x3c: {  	_ = 	snop;
	(pc) =	sbr.rel .LBB2_4-.Ltmp4, $1  }
0x3d: {  	_ =	sdelay $0x3  }
.LBB2_6:
0x3e: {  	_ =	sfence.sel $0x180000  }
0x3f: {  	s2 =	simm.s32 $0x2;
	[bflag:$0x0] =	sbarrier.arrive $0xFFFF  }
0x40: {  	s30 =	simm.s32 $0x3;
	[sflag:s2] =	ssyncpa.u1 $0x1  }
0x41: {  	s31 =	simm.s32 $0x1;
	[sflag:s30] =	ssyncpa.u1 $0x1  }
0x42: {  	[sflag:s31] =	ssyncpa.u1 $0x1  }
0x43: {  	p0 =	sne.s32 s0, $0x0;
	_ =	strace $0x90000047  }
0x44: {  	s0 =	sadd.s32 @!p0 $0x100000, s1;
	[bflag:$0x2] =	sbarrier.arrive $0xFFFF  }
0x45: {  	[sflag:s0] =	ssyncadd.tile.s32 @!p0 $0x1;
	_ =	shalt  }
.Lfunc_end2:
_tile_overlayer_lowered:
.L_overlay_start_2:
0x46: {  	(tag) =	ssettag $0x2  }
0x47: {  	s0 =	rddreg [dreg:$0x0];
	s2 =	stileid.u32  }
0x48: {  	s1 =	rddreg [dreg:$0x1];
	p0 =	sne.s32 s2, $0x0  }
0x49: {  	s3 =	rddreg [dreg:$0x2];
	[bflag:$0x3] =	sbarrier.arrive $0xFFFF;
	s2 =	simm.s32 @!p0 $0x1C01  }
0x4a: {  	[timem:s3], [sflag:s2] =	dma.local @!p0 [hbm:s0], s1  }
0x4b: {  	s0 =	simm.s32 @!p0 $0x1  }
0x4c: {  	_ =	swait.ge @!p0 [sflag:s0], s1  }
0x4d: {  	s1 =	ssub.s32 @!p0 $0x0, s1;
	[sflag:s0] =	ssyncset.done @!p0 $0x0  }
0x4e: {  	[sflag:s0] =	ssyncadd.s32 @!p0 s1  }
0x4f: {  	[bflag:$0x3] =	sbarrier.arrive $0xFFFF  }
0x50: {  	_ =	shalt  }

// kernel: kernel.5.cloned.1.call-start
scs
__scs_entry_jumppad:
0x0: {  	(pc) =	sbr.rel $0x88, $3  }
0x1: {  	(tag) =	ssettag $0x0;
	lr =	simm.s32 $0x1  }
0x2: {  	[smem:$0x3F9A] =	sst lr;
	_ =	strace $0xD0000000  }
0x3: {  	_ = 	snop  }
0x4: {  	_ = 	snop  }
0x5: {  	_ = 	snop  }
0x6: {  	_ = 	snop  }
0x7: {  	_ = 	snop  }
__scs_overlays_trampoline_lowered:
0x8: {  	[smem:$0x3FA9] =	sst s0  }
0x9: {  	[smem:$0x3FAA] =	sst s1  }
0xa: {  	[smem:$0x3FAB] =	sst s2  }
0xb: {  	[smem:$0x3FAC] =	sst s3  }
0xc: {  	[smem:$0x3FAD] =	sst s4  }
0xd: {  	[smem:$0x3FAE] =	sst s5  }
0xe: {  	[smem:$0x3FAF] =	sst s6  }
0xf: {  	[smem:$0x3FB0] =	sst s7  }
0x10: {  	[smem:$0x3FB1] =	sst s8  }
0x11: {  	[smem:$0x3FB2] =	sst s9;
	s0 =	simm.s32 @!p0 $0x0  }
0x12: {  	s1 =	sld [smem:$0x3F98];
	s0 =	simm.s32 @p0 $0x1  }
0x13: {  	[smem:$0x3FB3] =	sst s0;
	s0 =	simm.s32 @!p1 $0x0  }
0x14: {  	s2 =	sld [smem:$0x3F97];
	s0 =	simm.s32 @p1 $0x1  }
0x15: {  	[smem:$0x3FB4] =	sst s0;
	s0 =	simm.s32 @!p2 $0x0  }
0x16: {  	s3 =	sld [smem:$0x3FDB];
	s0 =	simm.s32 @p2 $0x1  }
0x17: {  	s4 =	simm.s32 $0x1BF5;
	[smem:$0x3FB6] =	sst s0  }
0x18: {  	s0 =	sld [smem:$0x3F99];
	_ =	swait.ge [sflag:s4], $0x0  }
0x19: {  	s7 =	sld [smem:$0x3F9A]  }
0x1a: {  	s8 =	sadd.s32 $0xFFFFE003, lr  }
0x1b: {  	s9 =	sadd.s32 $0xFFFFFEF7, lr;
	s5 =	simm.s32 $0xFFFFFFFF;
	p2 =	slt.u32 s8, $0xFFFFF086  }
0x1c: {  	p1 =	slt.u32 s9, $0xF7A;
	s5 =	simm.s32 @!p2 $0x0  }
0x1d: {  	s5 =	simm.s32 @p1 $0x1;
	p0 =	seq.s32 s7, s2  }
0x1e: {  	s7 =	smul.u32 @!p0 $0xF7A, s2;
	p2 =	seq.s32 @!p0 s5, $0x0  }
0x1f: {  	s9 =	smul.u32 $0xF7A, s1;
	s8 =	simm.s32 @!p0 $0x1BF5;
	p2 =	por !p2, p0  }
0x20: {  	[sflag:s8] =	ssyncset.s32 @!p0 $0xFFFFF086;
	s6 =	sadd.s32 @!p0 s3, s7;
	s7 =	simm.s32 @!p0 $0x108  }
0x21: {  	s3 =	sadd.s32 s3, s9;
	s6 =	sadd.s32 @!p0 $0x88, s6;
	s7 =	simm.s32 @p2 $0x1082  }
0x22: {  	[simem:s7], [sflag:s8] =	dma.local @!p0 [hbm:s6], $0xF7A  }
0x23: {  	s9 =	sor.u32 $0xD0000000, s2;
	s6 =	simm.s32 $0x108;
	_ =	swait.ge @!p0 [sflag:s8], $0x0  }
0x24: {  	s3 =	sadd.s32 $0x88, s3;
	s6 =	simm.s32 @!p1 $0x1082;
	[sflag:s4] =	ssyncset.s32 $0xFFFFF086  }
0x25: {  	[simem:s6], [sflag:s4] =	dma.local [hbm:s3], $0xF7A  }
0x26: {  	[smem:$0x3F9A] =	sst s1;
	(tag) =	ssettag s2;
	_ =	strace s9  }
0x27: {  	s1 =	sld [smem:$0x3FAA]  }
0x28: {  	s2 =	sld [smem:$0x3FAB]  }
0x29: {  	s4 =	sld [smem:$0x3FAD]  }
0x2a: {  	p0 =	seq.s32 s5, $0x0;
	s5 =	sld [smem:$0x3FAE]  }
0x2b: {  	s6 =	sld [smem:$0x3FAF]  }
0x2c: {  	s7 =	sld [smem:$0x3FB0]  }
0x2d: {  	s3 =	simm.s32 $0x108;
	s8 =	sld [smem:$0x3FB1]  }
0x2e: {  	s3 =	simm.s32 @!p0 $0x1082;
	s9 =	sld [smem:$0x3FB2]  }
0x2f: {  	lr =	sadd.s32 s0, s3;
	s0 =	sld [smem:$0x3FA9]  }
0x30: {  	s3 =	sld [smem:$0x3FAC]  }
0x31: {  	[smem:$0x3FB5] =	sst s10  }
0x32: {  	s10 =	sld [smem:$0x3FB3];
	_ =	sdelay $0x3  }
0x33: {  	p0 =	seq.s32 s10, $0x1;
	s10 =	sld [smem:$0x3FB5];
	_ =	sdelay $0x3  }
0x34: {  	[smem:$0x3FB5] =	sst s10  }
0x35: {  	s10 =	sld [smem:$0x3FB4];
	_ =	sdelay $0x3  }
0x36: {  	p1 =	seq.s32 s10, $0x1;
	s10 =	sld [smem:$0x3FB5];
	_ =	sdelay $0x3  }
0x37: {  	[smem:$0x3FB5] =	sst s10  }
0x38: {  	s10 =	sld [smem:$0x3FB6]  }
0x39: {  	_ = 	snop;
	(pc) =	sbr.ind lr, $3  }
0x3a: {  	_ = 	snop  }
0x3b: {  	_ = 	snop  }
0x3c: {  	p2 =	seq.s32 s10, $0x1;
	s10 =	sld [smem:$0x3FB5]  }
0x3d: {  	_ =	shalt  }
0x3e: {  	_ =	shalt  }
0x3f: {  	_ =	shalt  }
0x40: {  	_ =	shalt  }
0x41: {  	_ =	shalt  }
0x42: {  	_ =	shalt  }
0x43: {  	_ =	shalt  }
0x44: {  	_ =	shalt  }
0x45: {  	_ =	shalt  }
0x46: {  	_ =	shalt  }
0x47: {  	_ =	shalt  }
0x48: {  	_ =	shalt  }
0x49: {  	_ =	shalt  }
0x4a: {  	_ =	shalt  }
0x4b: {  	_ =	shalt  }
0x4c: {  	_ =	shalt  }
0x4d: {  	_ =	shalt  }
0x4e: {  	_ =	shalt  }
0x4f: {  	_ =	shalt  }
0x50: {  	_ =	shalt  }
0x51: {  	_ =	shalt  }
0x52: {  	_ =	shalt  }
0x53: {  	_ =	shalt  }
0x54: {  	_ =	shalt  }
0x55: {  	_ =	shalt  }
0x56: {  	_ =	shalt  }
0x57: {  	_ =	shalt  }
0x58: {  	_ =	shalt  }
0x59: {  	_ =	shalt  }
0x5a: {  	_ =	shalt  }
0x5b: {  	_ =	shalt  }
0x5c: {  	_ =	shalt  }
0x5d: {  	_ =	shalt  }
0x5e: {  	_ =	shalt  }
0x5f: {  	_ =	shalt  }
0x60: {  	_ =	shalt  }
0x61: {  	_ =	shalt  }
0x62: {  	_ =	shalt  }
0x63: {  	_ =	shalt  }
0x64: {  	_ =	shalt  }
0x65: {  	_ =	shalt  }
0x66: {  	_ =	shalt  }
0x67: {  	_ =	shalt  }
0x68: {  	_ =	shalt  }
0x69: {  	_ =	shalt  }
0x6a: {  	_ =	shalt  }
0x6b: {  	_ =	shalt  }
0x6c: {  	_ =	shalt  }
0x6d: {  	_ =	shalt  }
0x6e: {  	_ =	shalt  }
0x6f: {  	_ =	shalt  }
0x70: {  	_ =	shalt  }
0x71: {  	_ =	shalt  }
0x72: {  	_ =	shalt  }
0x73: {  	_ =	shalt  }
0x74: {  	_ =	shalt  }
0x75: {  	_ =	shalt  }
0x76: {  	_ =	shalt  }
0x77: {  	_ =	shalt  }
0x78: {  	_ =	shalt  }
0x79: {  	_ =	shalt  }
0x7a: {  	_ =	shalt  }
0x7b: {  	_ =	shalt  }
0x7c: {  	_ =	shalt  }
0x7d: {  	_ =	shalt  }
0x7e: {  	_ =	shalt  }
0x7f: {  	_ =	shalt  }
0x80: {  	_ =	shalt  }
0x81: {  	_ =	shalt  }
0x82: {  	_ =	shalt  }
0x83: {  	_ =	shalt  }
0x84: {  	_ =	shalt  }
0x85: {  	_ =	shalt  }
0x86: {  	_ =	shalt  }
0x87: {  	_ =	shalt  }
.Lfunc_end0:
.L_simem_size_0:
called_computation.3_lowered:
.L_overlay_start_0:
0x88: {  	s2 =	sld [smem:$0x3FD9]  }
0x89: {  	s3 =	sld [smem:$0x3FFE];
	_ =	sdelay $0x1  }
0x8a: {  	s1 =	srdreg.scid  }
0x8b: {  	s0 =	sand.u32 $0x1, s1  }
0x8c: {  	s17 =	sshll.u32 s0, $0xA;
	s2 =	sadd.s32 s3, s2  }
0x8d: {  	s2 =	sadd.s32 s2, s17  }
0x8e: {  	[smem:$0x3FC1] =	sst s2  }
0x8f: {  	_ = 	snop  }
0x90: {  	s2 =	sld [smem:$0x3FC9];
	(tm) =	ssettm $0x1  }
0x91: {  	s18 =	sld [smem:$0x3FFB];
	_ =	sdelay $0x3  }
0x92: {  	_ =	strace s18  }
0x93: {  	s3 =	sld [smem:$0x3FFC];
	_ =	sdelay $0x3  }
0x94: {  	_ =	strace s3  }
0x95: {  	s3 =	sld [smem:$0x3FFD];
	_ =	sdelay $0x3  }
0x96: {  	_ =	strace s3  }
0x97: {  	_ =	strace $0x8FFFFFFF  }
0x98: {  	s19 =	sld [smem:$0x3FDB];
	_ =	sdelay $0x1  }
0x99: {  	s4 =	simm.s32 $_scs_section_size  }
0x9a: {  	s5 =	simm.s32 $_size__tile_overlayer_lowered;
	s6 =	simm.s32 $_tile_overlayer_lowered  }
0x9b: {  	s22 =	simm.s32 $0x1BFF;
	s21 =	sshll.u32 s6, $0x1;
	s3 =	sadd.s32 s4, s19  }
0x9c: {  	s7 =	simm.s32 $0x0;
	s20 =	sshll.u32 s5, $0x1;
	s5 =	sadd.s32 s21, s3  }
0x9d: {  	[timem:s7], [sflag:s22] =	dma.local [hbm:s5], s20  }
0x9e: {  	_ =	swait.ge [sflag:s22], s20  }
0x9f: {  	s4 =	ssub.s32 $0x0, s20;
	[sflag:s22] =	ssyncset.done $0x0  }
0xa0: {  	[sflag:s22] =	ssyncadd.s32 s4;
	_ =	sdelay $0x1  }
0xa1: {  	s23 =	simm.s32 $0x1B8B  }
0xa2: {  	_ =	swait.ge [sflag:s23], $0x1  }
0xa3: {  	[sflag:s23] =	ssyncset.done $0x0  }
0xa4: {  	s25 =	simm.s32 $0x1B8E;
	s24 =	sld [smem:$0x3FFE];
	[sflag:s23] =	ssyncadd.s32 $0xFFFFFFFF  }
0xa5: {  	s26 =	simm.s32 $execute0_lowered;
	[smem:$0x3FD2] =	sst s25  }
0xa6: {  	s5 =	sshll.u32 s26, $0x1;
	_ =	strace $0x8000004F;
	[dreg:$0x1] =	wrdreg $0xFFFFFFFF  }
0xa7: {  	s28 =	simm.s32 $_size_execute0_lowered;
	s3 =	sadd.s32 s3, s5;
	[dreg:$0x0] =	wrdreg $0x0  }
0xa8: {  	s5 =	sshll.u32 s28, $0x1;
	[dreg:$0x2] =	wrdreg s3  }
0xa9: {  	[dreg:$0x3] =	wrdreg s5  }
0xaa: {  	[dreg:$0x4] =	wrdreg $0xC0  }
0xab: {  	_ =	task [dreg:s7], $0x5FFFF  }
0xac: {  	[dreg:$0x1] =	wrdreg $0xFFFFFFFF  }
0xad: {  	[dreg:$0x0] =	wrdreg $0x60  }
0xae: {  	[dreg:$0x2] =	wrdreg s2  }
0xaf: {  	[dreg:$0x3] =	wrdreg s24  }
0xb0: {  	[dreg:$0x4] =	wrdreg $0x9  }
0xb1: {  	_ =	task.clear_ibuf [dreg:s7], $0x5FFFF;
	_ =	strace $0x9000004F  }
0xb2: {  	s29 =	simm.s32 $0x9;
	_ =	strace $0x80000051  }
0xb3: {  	_ =	swait.ge [sflag:s29], $0x1  }
0xb4: {  	[sflag:s29] =	ssyncadd.s32 $0xFFFFFFFF  }
0xb5: {  	_ =	strace $0x90000051  }
0xb6: {  	_ =	sfence  }
0xb7: {  	s30 =	sld [smem:$0x0];
	_ =	sdelay $0x2  }
0xb8: {  	s31 =	sshll.u32 s1, $0xD;
	s1 =	sshrl.u32 s1, $0x2  }
0xb9: {  	s3 =	sand.u32 $0x4000, s31;
	s1 =	sadd.s32 s1, s30  }
0xba: {  	s0 =	sor.u32 s3, s0;
	s1 =	sshll.u32 s1, $0x11  }
0xbb: {  	s0 =	sor.u32 s1, s0  }
0xbc: {  	s0 =	sadd.s32 $0x8F2B, s0  }
0xbd: {  	[sflag:s0] =	ssyncadd.remote.s32 $0x1  }
0xbe: {  	_ =	sfence.sel $0xFFFF  }
0xbf: {  	[dreg:$0x0] =	wrdreg $0xFFFFFFFF;
	(pc) =	sbr.abs _section_cstart, $3  }
0xc0: {  	[dreg:$0x1] =	wrdreg $0xFFFFFFFF  }
0xc1: {  	_ =	task.clear_ibuf [dreg:s7], $0x2FFFF;
	_ =	strace $0x9FFFFFFF  }
0xc2: {  	(tm) =	ssettm $0x7FFFFFFF  }
0xc3: {  	_ =	shalt  }
tec
execute0_lowered:
.L_overlay_start_1:
0x0: {  	(tag) =	ssettag $0x1  }
0x1: {  	s1 =	rddreg [dreg:$0x0]  }
0x2: {  	s8 =	rddreg [dreg:$0x1];
	s3 =	simm.s32 $0x0  }
0x3: {  	s4 =	srdreg.scid;
	s2 =	stileid.u32;
	s13 =	simm.s32 $0x2  }
0x4: {  	s14 =	simm.s32 $0x1;
	s15 =	simm.s32 $0x4200;
	s16 =	simm.s32 $0x80  }
0x5: {  	s17 =	simm.s32 $0x100;
	s18 =	simm.s32 $0x180;
	s19 =	simm.s32 $0x200  }
0x6: {  	s20 =	simm.s32 $0x0;
	[smem:$0x7FF] =	sst s3;
	s6 =	sand.u32 $0x1, s4  }
0x7: {  	s5 =	sshll.u32 s2, $0x1;
	s4 =	sadd.s32 $0x6C00, s8;
	_ =	strace $0x80000050  }
.Ltmp0:
0x8: {  	s9 =	sor.u32 s6, s5;
	s5 =	sadd.s32 $0x3000, s8;
	(pc) =	sbr.rel .LBB2_1-.Ltmp0, $4  }
0x9: {  	s10 =	ssub.s32 $0x2, s6;
	s6 =	sadd.s32 $0xC00, s8;
	s7 =	sshll.u32 s9, $0x1  }
0xa: {  	s12 =	sshrl.u32 s10, $0x1;
	s9 =	smul.u32 $0x280, s9;
	s11 =	sadd.s32 s7, s8  }
0xb: {  	s7 =	sadd.s32 $0x8A00, s8;
	s8 =	sadd.s32 $0xB200, s8;
	s12 =	ssub.s32 s10, s12  }
0xc: {  	v1 =	vlaneseq.u32;
	s10 =	sadd.s32 $0xA00, s11;
	s11 =	smax.u32 s12, $0x1;
	s12 =	simm.s32 $0x18200;
	v0 =	vmov s9  }
.LBB2_8:
0xd: {  	s20 =	sadd.s32 $0x1, s20  }
0xe: {  	p0 =	sne.s32 s20, s11  }
.Ltmp1:
0xf: {  	_ = 	snop;
	(pc) =	sbr.rel @!p0 .LBB2_9-.Ltmp1, $1  }
0x10: {  	_ =	sdelay $0x3  }
.LBB2_1:
0x11: {  	[tilespmem:s12], [sflag:$0x2] =	stream.linear.gather [hbm4b:s10+s3], $0x10, $0x38;
	[tilespmem:$0x18280] =	vst v63  }
0x12: {  	_ =	swait.ge [sflag:s13], $0x10  }
0x13: {  	[sflag:s13] =	ssyncset.done $0x0  }
0x14: {  	[sflag:s13] =	ssyncadd.s32 $0xFFFFFFF0  }
0x15: {  	v3 =	vld [tilespmem:$0x18200];
	_ =	sdelay $0x4  }
0x16: {  	(v2sf) =	vpush v3, $0x0;
	_ =	sdelay $0x6  }
0x17: {  	(v2sf) =	vpush v3, $0x1;
	_ =	sdelay $0x7  }
0x18: {  	s21 =	spop (v2sf)  }
0x19: {  	s22 =	sand.u32 $0x7, s21  }
0x1a: {  	s23 =	sshra.s32 s21, $0x1F;
	p0 =	slt.s32 s21, $0x1;
	p1 =	sne.s32 s22, $0x0  }
0x1b: {  	s28 =	sshrl.u32 s23, $0x1D;
	p0 =	por !p0, !p1  }
0x1c: {  	s22 =	simm.s32 $0x1;
	s21 =	sadd.s32 s28, s21;
	p0 =	por !p0, !p0  }
0x1d: {  	s21 =	sshrl.u32 s21, $0x3;
	s22 =	simm.s32 @!p0 $0x0  }
0x1e: {  	s21 =	ssub.s32 s21, s22  }
0x1f: {  	s29 =	spop (v2sf);
	s21 =	sshll.u32 s21, $0x3  }
0x20: {  	s22 =	ssub.s32 s29, s21  }
0x21: {  	s22 =	sadd.s32 $0x7F, s22  }
0x22: {  	s30 =	sand.u32 $0x7F, s22  }
0x23: {  	s31 =	sshra.s32 s22, $0x1F;
	p6 =	slt.s32 s22, $0x1;
	p5 =	sne.s32 s30, $0x0  }
.Ltmp2:
0x24: {  	s23 =	sshrl.u32 s31, $0x19;
	p0 =	por !p6, !p5;
	(pc) =	sbr.rel .LBB2_2-.Ltmp2, $4  }
0x25: {  	s22 =	sadd.s32 s23, s22;
	s23 =	simm.s32 $0x1;
	p0 =	por !p0, !p0  }
0x26: {  	s22 =	sshra.s32 s22, $0x7;
	s23 =	simm.s32 @!p0 $0x0  }
0x27: {  	s22 =	ssub.s32 s22, s23  }
0x28: {  	v2 =	vbroadcast v3, $0x0;
	v3 =	vbroadcast v3, $0x1;
	s23 =	simm.s32 $0x0;
	p0 =	slt.s32 s22, $0x1  }
.LBB2_7:
0x29: {  	s0 =	smul.u32 $0x5000, s23;
	_ =	sdelay $0x1  }
0x2a: {  	s23 =	sadd.s32 $0x1, s23;
	s0 =	sadd.s32 s9, s0  }
0x2b: {  	p1 =	sne.s32 s23, $0x10;
	s0 =	sshll.u32 s0, $0x4  }
.Ltmp3:
0x2c: {  	s0 =	sadd.s32 s8, s0;
	(pc) =	sbr.rel @!p1 .LBB2_8-.Ltmp3, $4  }
0x2d: {  	[hbm4b:s0+s3] =	stream.linear.scatter [tilespmem:s15], [sflag:$0x2], $0x14000, $0x38;
	[tilespmem:$0x18280] =	vst v63  }
0x2e: {  	_ =	swait.ge [sflag:s13], $0x14000  }
0x2f: {  	[sflag:s13] =	ssyncset.done $0x0  }
0x30: {  	[sflag:s13] =	ssyncadd.s32 $0xFFFEC000  }
.LBB2_2:
.Ltmp4:
0x31: {  	(pc) =	sbr.rel @p0 .LBB2_7-.Ltmp4, $4  }
0x32: {  	[tilespmem:s15], [sflag:$0x2] =	stream.linear.gather [hbm4b:s7+s3], $0x14000, $0x38;
	[tilespmem:$0x18280] =	vst v63  }
0x33: {  	_ =	swait.ge [sflag:s13], $0x14000  }
0x34: {  	[sflag:s13] =	ssyncset.done $0x0  }
0x35: {  	[sflag:s13] =	ssyncadd.s32 $0xFFFEC000  }
0x36: {  	s24 =	smul.u32 $0x2710, s23;
	_ =	sdelay $0x1  }
0x37: {  	s25 =	smov.u32 s21;
	s26 =	simm.s32 $0x0;
	v4 =	vmov s24;
	s24 =	simm.s32 $0x0  }
.LBB2_4:
0x38: {  	s28 =	sshll.u32 s26, $0x7  }
0x39: {  	s28 =	sadd.s32 s21, s28  }
0x3a: {  	s28 =	sshrl.u32 s28, $0x3  }
0x3b: {  	s29 =	sadd.s32 s4, s28  }
0x3c: {  	[tilespmem:s24], [sflag:$0x2] =	stream.linear.gather [hbm4b:s29+s24], $0x80, $0x38;
	[tilespmem:$0x18280] =	vst v63  }
0x3d: {  	_ =	swait.ge [sflag:s13], $0x80  }
0x3e: {  	[sflag:s13] =	ssyncset.done $0x0  }
0x3f: {  	s29 =	sadd.s32 s5, s28;
	[sflag:s13] =	ssyncadd.s32 $0xFFFFFF80  }
0x40: {  	[tilespmem:s16], [sflag:$0x2] =	stream.linear.gather [hbm4b:s29+s24], $0x80, $0x38;
	[tilespmem:$0x18280] =	vst v63  }
0x41: {  	_ =	swait.ge [sflag:s13], $0x80  }
0x42: {  	[sflag:s13] =	ssyncset.done $0x0  }
0x43: {  	s28 =	sadd.s32 s6, s28;
	[sflag:s13] =	ssyncadd.s32 $0xFFFFFF80  }
0x44: {  	[tilespmem:s17], [sflag:$0x2] =	stream.linear.gather [hbm4b:s28+s24], $0x80, $0x38;
	[tilespmem:$0x18280] =	vst v63  }
0x45: {  	_ =	swait.ge [sflag:s13], $0x80  }
0x46: {  	[sflag:s13] =	ssyncset.done $0x0  }
0x47: {  	[sflag:s13] =	ssyncadd.s32 $0xFFFFFF80  }
0x48: {  	v5 =	vld [tilespmem:$0x0]  }
0x49: {  	v6 =	vld [tilespmem:$0x10]  }
0x4a: {  	v7 =	vld [tilespmem:$0x20]  }
0x4b: {  	v8 =	vld [tilespmem:$0x30]  }
0x4c: {  	v9 =	vld [tilespmem:$0x40]  }
0x4d: {  	v10 =	vld [tilespmem:$0x50];
	v5 =	vadd.s32 v4, v5  }
0x4e: {  	[tilespmem:$0x180] =	vst v5;
	v5 =	vadd.s32 v4, v6;
	v6 =	vld [tilespmem:$0x60]  }
0x4f: {  	[tilespmem:$0x190] =	vst v5;
	v5 =	vadd.s32 v4, v7;
	v7 =	vld [tilespmem:$0x70]  }
0x50: {  	[tilespmem:$0x1A0] =	vst v5;
	v5 =	vadd.s32 v4, v8  }
0x51: {  	[tilespmem:$0x1B0] =	vst v5;
	v5 =	vadd.s32 v4, v9  }
0x52: {  	[tilespmem:$0x1C0] =	vst v5;
	v5 =	vadd.s32 v4, v10  }
0x53: {  	[tilespmem:$0x1D0] =	vst v5;
	v5 =	vadd.s32 v4, v6  }
0x54: {  	[tilespmem:$0x1E0] =	vst v5;
	v5 =	vadd.s32 v4, v7  }
0x55: {  	[tilespmem:$0x1F0] =	vst v5  }
0x56: {  	[tilespmem:s19], [sflag:$0x1] =	stream.indirect.gather [hbm4b:s1+s16], $0x80, s18, s16, $0xb8;
	[tilespmem:$0x18280] =	vst v63  }
0x57: {  	_ =	swait.ge [sflag:s14], $0x4000  }
0x58: {  	s30 =	simm.s32 $0x0;
	[sflag:s14] =	ssyncset.done $0x0  }
0x59: {  	s29 =	smov.u32 s25;
	s28 =	simm.s32 $0x600;
	[sflag:s14] =	ssyncadd.s32 $0xFFFFC000  }
.LBB2_5:
0x5a: {  	s31 =	sshra.s32 s30, $0x2  }
0x5b: {  	v5 =	vld [tilespmem:s31+$0x80];
	_ =	sdelay $0x4  }
0x5c: {  	v5 =	vsub.s32 v5, v0  }
0x5d: {  	vm0 =	vgt.s32 v5, $0x0  }
0x5e: {  	v5 =	vnsel vm0, $0x0, v5  }
0x5f: {  	v5 =	vmin.u32 v5, $0x27F  }
0x60: {  	v6 =	vshll.u32 v5, $0x7  }
0x61: {  	(v2sf) =	vpush v6, $0x1  }
0x62: {  	(v2sf) =	vpush v6, $0x0;
	_ =	sdelay $0x5  }
0x63: {  	v5 =	vld [tilespmem:s31+$0x100];
	_ =	sdelay $0x1  }
0x64: {  	v7 =	vadd.s32 s29, v1  }
0x65: {  	vm15 =	vge.s32 v7, v2;
	vm1 =	vlt.s32 v7, v3;
	v7 =	vld [tilespmem:s28+$0xFFFFFC00]  }
0x66: {  	vm0 =	vmand vm15, vm1  }
0x67: {  	v5 =	vnsel vm0, $0x0, v5  }
0x68: {  	v8 =	vbroadcast v5, $0x0;
	_ =	sdelay $0x1  }
0x69: {  	v7 =	vmul.f32 v8, v7;
	s31 =	spop (v2sf)  }
0x6a: {  	s0 =	spop (v2sf)  }
0x6b: {  	[tilespmem:s0+$0x4200] =	vst.add.f32.msk $0xffff, v7  }
0x6c: {  	v7 =	vld [tilespmem:s28+$0xFFFFFC10];
	_ =	sdelay $0x4  }
0x6d: {  	v7 =	vmul.f32 v7, v8;
	_ =	sdelay $0x1  }
0x6e: {  	[tilespmem:s0+$0x4210] =	vst.add.f32.msk $0xffff, v7  }
0x6f: {  	v7 =	vld [tilespmem:s28+$0xFFFFFC20];
	_ =	sdelay $0x4  }
0x70: {  	v7 =	vmul.f32 v7, v8;
	_ =	sdelay $0x1  }
0x71: {  	[tilespmem:s0+$0x4220] =	vst.add.f32.msk $0xffff, v7  }
0x72: {  	v7 =	vld [tilespmem:s28+$0xFFFFFC30];
	_ =	sdelay $0x4  }
0x73: {  	v7 =	vmul.f32 v7, v8;
	_ =	sdelay $0x1  }
0x74: {  	[tilespmem:s0+$0x4230] =	vst.add.f32.msk $0xffff, v7  }
0x75: {  	v7 =	vld [tilespmem:s28+$0xFFFFFC40];
	_ =	sdelay $0x4  }
0x76: {  	v7 =	vmul.f32 v7, v8;
	_ =	sdelay $0x1  }
0x77: {  	[tilespmem:s0+$0x4240] =	vst.add.f32.msk $0xffff, v7  }
0x78: {  	v7 =	vld [tilespmem:s28+$0xFFFFFC50];
	_ =	sdelay $0x4  }
0x79: {  	v7 =	vmul.f32 v7, v8;
	_ =	sdelay $0x1  }
0x7a: {  	[tilespmem:s0+$0x4250] =	vst.add.f32.msk $0xffff, v7  }
0x7b: {  	v7 =	vld [tilespmem:s28+$0xFFFFFC60];
	_ =	sdelay $0x4  }
0x7c: {  	v7 =	vmul.f32 v7, v8;
	_ =	sdelay $0x1  }
0x7d: {  	[tilespmem:s0+$0x4260] =	vst.add.f32.msk $0xffff, v7  }
0x7e: {  	v7 =	vld [tilespmem:s28+$0xFFFFFC70];
	_ =	sdelay $0x4  }
0x7f: {  	v7 =	vmul.f32 v7, v8;
	_ =	sdelay $0x1  }
0x80: {  	[tilespmem:s0+$0x4270] =	vst.add.f32.msk $0xffff, v7  }
0x81: {  	v7 =	vld [tilespmem:s28+$0xFFFFFC80];
	_ =	sdelay $0x2  }
0x82: {  	v51 =	vbroadcast v5, $0x1;
	_ =	sdelay $0x1  }
0x83: {  	v7 =	vmul.f32 v7, v51;
	_ =	sdelay $0x1  }
0x84: {  	[tilespmem:s31+$0x4200] =	vst.add.f32.msk $0xffff, v7  }
0x85: {  	v7 =	vld [tilespmem:s28+$0xFFFFFC90];
	_ =	sdelay $0x4  }
0x86: {  	v7 =	vmul.f32 v7, v51;
	_ =	sdelay $0x1  }
0x87: {  	[tilespmem:s31+$0x4210] =	vst.add.f32.msk $0xffff, v7  }
0x88: {  	v7 =	vld [tilespmem:s28+$0xFFFFFCA0];
	_ =	sdelay $0x4  }
0x89: {  	v7 =	vmul.f32 v7, v51;
	_ =	sdelay $0x1  }
0x8a: {  	[tilespmem:s31+$0x4220] =	vst.add.f32.msk $0xffff, v7  }
0x8b: {  	v7 =	vld [tilespmem:s28+$0xFFFFFCB0];
	_ =	sdelay $0x4  }
0x8c: {  	v7 =	vmul.f32 v7, v51;
	_ =	sdelay $0x1  }
0x8d: {  	[tilespmem:s31+$0x4230] =	vst.add.f32.msk $0xffff, v7  }
0x8e: {  	v7 =	vld [tilespmem:s28+$0xFFFFFCC0];
	_ =	sdelay $0x4  }
0x8f: {  	v7 =	vmul.f32 v7, v51;
	_ =	sdelay $0x1  }
0x90: {  	[tilespmem:s31+$0x4240] =	vst.add.f32.msk $0xffff, v7  }
0x91: {  	v7 =	vld [tilespmem:s28+$0xFFFFFCD0];
	_ =	sdelay $0x4  }
0x92: {  	v7 =	vmul.f32 v7, v51;
	_ =	sdelay $0x1  }
0x93: {  	[tilespmem:s31+$0x4250] =	vst.add.f32.msk $0xffff, v7  }
0x94: {  	v7 =	vld [tilespmem:s28+$0xFFFFFCE0];
	_ =	sdelay $0x4  }
0x95: {  	v7 =	vmul.f32 v7, v51  }
0x96: {  	(v2sf) =	vpush v6, $0x3  }
0x97: {  	(v2sf) =	vpush v6, $0x2;
	[tilespmem:s31+$0x4260] =	vst.add.f32.msk $0xffff, v7  }
0x98: {  	v7 =	vld [tilespmem:s28+$0xFFFFFCF0];
	_ =	sdelay $0x4  }
0x99: {  	v7 =	vmul.f32 v7, v51;
	_ =	sdelay $0x1  }
0x9a: {  	[tilespmem:s31+$0x4270] =	vst.add.f32.msk $0xffff, v7  }
0x9b: {  	v7 =	vld [tilespmem:s28+$0xFFFFFD00];
	_ =	sdelay $0x2  }
0x9c: {  	v52 =	vbroadcast v5, $0x2;
	_ =	sdelay $0x1  }
0x9d: {  	s0 =	spop (v2sf);
	v7 =	vmul.f32 v7, v52  }
0x9e: {  	s31 =	spop (v2sf)  }
0x9f: {  	[tilespmem:s31+$0x4200] =	vst.add.f32.msk $0xffff, v7  }
0xa0: {  	v7 =	vld [tilespmem:s28+$0xFFFFFD10];
	_ =	sdelay $0x4  }
0xa1: {  	v7 =	vmul.f32 v7, v52;
	_ =	sdelay $0x1  }
0xa2: {  	[tilespmem:s31+$0x4210] =	vst.add.f32.msk $0xffff, v7  }
0xa3: {  	v7 =	vld [tilespmem:s28+$0xFFFFFD20];
	_ =	sdelay $0x4  }
0xa4: {  	v7 =	vmul.f32 v7, v52;
	_ =	sdelay $0x1  }
0xa5: {  	[tilespmem:s31+$0x4220] =	vst.add.f32.msk $0xffff, v7  }
0xa6: {  	v7 =	vld [tilespmem:s28+$0xFFFFFD30];
	_ =	sdelay $0x4  }
0xa7: {  	v7 =	vmul.f32 v7, v52;
	_ =	sdelay $0x1  }
0xa8: {  	[tilespmem:s31+$0x4230] =	vst.add.f32.msk $0xffff, v7  }
0xa9: {  	v7 =	vld [tilespmem:s28+$0xFFFFFD40];
	_ =	sdelay $0x4  }
0xaa: {  	v7 =	vmul.f32 v7, v52;
	_ =	sdelay $0x1  }
0xab: {  	[tilespmem:s31+$0x4240] =	vst.add.f32.msk $0xffff, v7  }
0xac: {  	v7 =	vld [tilespmem:s28+$0xFFFFFD50];
	_ =	sdelay $0x4  }
0xad: {  	v7 =	vmul.f32 v7, v52;
	_ =	sdelay $0x1  }
0xae: {  	[tilespmem:s31+$0x4250] =	vst.add.f32.msk $0xffff, v7  }
0xaf: {  	v7 =	vld [tilespmem:s28+$0xFFFFFD60];
	_ =	sdelay $0x4  }
0xb0: {  	v7 =	vmul.f32 v7, v52;
	_ =	sdelay $0x1  }
0xb1: {  	[tilespmem:s31+$0x4260] =	vst.add.f32.msk $0xffff, v7  }
0xb2: {  	v7 =	vld [tilespmem:s28+$0xFFFFFD70];
	_ =	sdelay $0x4  }
0xb3: {  	v7 =	vmul.f32 v7, v52;
	_ =	sdelay $0x1  }
0xb4: {  	[tilespmem:s31+$0x4270] =	vst.add.f32.msk $0xffff, v7  }
0xb5: {  	v7 =	vld [tilespmem:s28+$0xFFFFFD80];
	_ =	sdelay $0x2  }
0xb6: {  	v53 =	vbroadcast v5, $0x3;
	_ =	sdelay $0x1  }
0xb7: {  	v7 =	vmul.f32 v7, v53;
	_ =	sdelay $0x1  }
0xb8: {  	[tilespmem:s0+$0x4200] =	vst.add.f32.msk $0xffff, v7  }
0xb9: {  	v7 =	vld [tilespmem:s28+$0xFFFFFD90];
	_ =	sdelay $0x4  }
0xba: {  	v7 =	vmul.f32 v7, v53;
	_ =	sdelay $0x1  }
0xbb: {  	[tilespmem:s0+$0x4210] =	vst.add.f32.msk $0xffff, v7  }
0xbc: {  	v7 =	vld [tilespmem:s28+$0xFFFFFDA0];
	_ =	sdelay $0x4  }
0xbd: {  	v7 =	vmul.f32 v7, v53;
	_ =	sdelay $0x1  }
0xbe: {  	[tilespmem:s0+$0x4220] =	vst.add.f32.msk $0xffff, v7  }
0xbf: {  	v7 =	vld [tilespmem:s28+$0xFFFFFDB0];
	_ =	sdelay $0x4  }
0xc0: {  	v7 =	vmul.f32 v7, v53;
	_ =	sdelay $0x1  }
0xc1: {  	[tilespmem:s0+$0x4230] =	vst.add.f32.msk $0xffff, v7  }
0xc2: {  	v7 =	vld [tilespmem:s28+$0xFFFFFDC0];
	_ =	sdelay $0x4  }
0xc3: {  	v7 =	vmul.f32 v7, v53;
	_ =	sdelay $0x1  }
0xc4: {  	[tilespmem:s0+$0x4240] =	vst.add.f32.msk $0xffff, v7  }
0xc5: {  	v7 =	vld [tilespmem:s28+$0xFFFFFDD0];
	_ =	sdelay $0x4  }
0xc6: {  	v7 =	vmul.f32 v7, v53;
	_ =	sdelay $0x1  }
0xc7: {  	[tilespmem:s0+$0x4250] =	vst.add.f32.msk $0xffff, v7  }
0xc8: {  	v7 =	vld [tilespmem:s28+$0xFFFFFDE0];
	_ =	sdelay $0x4  }
0xc9: {  	v7 =	vmul.f32 v7, v53  }
0xca: {  	(v2sf) =	vpush v6, $0x5  }
0xcb: {  	(v2sf) =	vpush v6, $0x4;
	[tilespmem:s0+$0x4260] =	vst.add.f32.msk $0xffff, v7  }
0xcc: {  	v7 =	vld [tilespmem:s28+$0xFFFFFDF0];
	_ =	sdelay $0x4  }
0xcd: {  	v7 =	vmul.f32 v7, v53;
	_ =	sdelay $0x1  }
0xce: {  	[tilespmem:s0+$0x4270] =	vst.add.f32.msk $0xffff, v7  }
0xcf: {  	v7 =	vld [tilespmem:s28+$0xFFFFFE00];
	_ =	sdelay $0x2  }
0xd0: {  	v54 =	vbroadcast v5, $0x4;
	_ =	sdelay $0x1  }
0xd1: {  	s0 =	spop (v2sf);
	v7 =	vmul.f32 v7, v54  }
0xd2: {  	s31 =	spop (v2sf)  }
0xd3: {  	[tilespmem:s31+$0x4200] =	vst.add.f32.msk $0xffff, v7  }
0xd4: {  	v7 =	vld [tilespmem:s28+$0xFFFFFE10];
	_ =	sdelay $0x4  }
0xd5: {  	v7 =	vmul.f32 v7, v54;
	_ =	sdelay $0x1  }
0xd6: {  	[tilespmem:s31+$0x4210] =	vst.add.f32.msk $0xffff, v7  }
0xd7: {  	v7 =	vld [tilespmem:s28+$0xFFFFFE20];
	_ =	sdelay $0x4  }
0xd8: {  	v7 =	vmul.f32 v7, v54;
	_ =	sdelay $0x1  }
0xd9: {  	[tilespmem:s31+$0x4220] =	vst.add.f32.msk $0xffff, v7  }
0xda: {  	v7 =	vld [tilespmem:s28+$0xFFFFFE30];
	_ =	sdelay $0x4  }
0xdb: {  	v7 =	vmul.f32 v7, v54;
	_ =	sdelay $0x1  }
0xdc: {  	[tilespmem:s31+$0x4230] =	vst.add.f32.msk $0xffff, v7  }
0xdd: {  	v7 =	vld [tilespmem:s28+$0xFFFFFE40];
	_ =	sdelay $0x4  }
0xde: {  	v7 =	vmul.f32 v7, v54;
	_ =	sdelay $0x1  }
0xdf: {  	[tilespmem:s31+$0x4240] =	vst.add.f32.msk $0xffff, v7  }
0xe0: {  	v7 =	vld [tilespmem:s28+$0xFFFFFE50];
	_ =	sdelay $0x4  }
0xe1: {  	v7 =	vmul.f32 v7, v54;
	_ =	sdelay $0x1  }
0xe2: {  	[tilespmem:s31+$0x4250] =	vst.add.f32.msk $0xffff, v7  }
0xe3: {  	v7 =	vld [tilespmem:s28+$0xFFFFFE60];
	_ =	sdelay $0x4  }
0xe4: {  	v7 =	vmul.f32 v7, v54;
	_ =	sdelay $0x1  }
0xe5: {  	[tilespmem:s31+$0x4260] =	vst.add.f32.msk $0xffff, v7  }
0xe6: {  	v7 =	vld [tilespmem:s28+$0xFFFFFE70];
	_ =	sdelay $0x4  }
0xe7: {  	v7 =	vmul.f32 v7, v54;
	_ =	sdelay $0x1  }
0xe8: {  	[tilespmem:s31+$0x4270] =	vst.add.f32.msk $0xffff, v7  }
0xe9: {  	v7 =	vld [tilespmem:s28+$0xFFFFFE80];
	_ =	sdelay $0x2  }
0xea: {  	v55 =	vbroadcast v5, $0x5;
	_ =	sdelay $0x1  }
0xeb: {  	v7 =	vmul.f32 v7, v55;
	_ =	sdelay $0x1  }
0xec: {  	[tilespmem:s0+$0x4200] =	vst.add.f32.msk $0xffff, v7  }
0xed: {  	v7 =	vld [tilespmem:s28+$0xFFFFFE90];
	_ =	sdelay $0x4  }
0xee: {  	v7 =	vmul.f32 v7, v55;
	_ =	sdelay $0x1  }
0xef: {  	[tilespmem:s0+$0x4210] =	vst.add.f32.msk $0xffff, v7  }
0xf0: {  	v7 =	vld [tilespmem:s28+$0xFFFFFEA0];
	_ =	sdelay $0x4  }
0xf1: {  	v7 =	vmul.f32 v7, v55;
	_ =	sdelay $0x1  }
0xf2: {  	[tilespmem:s0+$0x4220] =	vst.add.f32.msk $0xffff, v7  }
0xf3: {  	v7 =	vld [tilespmem:s28+$0xFFFFFEB0];
	_ =	sdelay $0x4  }
0xf4: {  	v7 =	vmul.f32 v7, v55;
	_ =	sdelay $0x1  }
0xf5: {  	[tilespmem:s0+$0x4230] =	vst.add.f32.msk $0xffff, v7  }
0xf6: {  	v7 =	vld [tilespmem:s28+$0xFFFFFEC0];
	_ =	sdelay $0x4  }
0xf7: {  	v7 =	vmul.f32 v7, v55;
	_ =	sdelay $0x1  }
0xf8: {  	[tilespmem:s0+$0x4240] =	vst.add.f32.msk $0xffff, v7  }
0xf9: {  	v7 =	vld [tilespmem:s28+$0xFFFFFED0];
	_ =	sdelay $0x4  }
0xfa: {  	v7 =	vmul.f32 v7, v55;
	_ =	sdelay $0x1  }
0xfb: {  	[tilespmem:s0+$0x4250] =	vst.add.f32.msk $0xffff, v7  }
0xfc: {  	v7 =	vld [tilespmem:s28+$0xFFFFFEE0];
	_ =	sdelay $0x4  }
0xfd: {  	v7 =	vmul.f32 v7, v55  }
0xfe: {  	(v2sf) =	vpush v6, $0x7  }
0xff: {  	(v2sf) =	vpush v6, $0x6;
	[tilespmem:s0+$0x4260] =	vst.add.f32.msk $0xffff, v7  }
0x100: {  	v7 =	vld [tilespmem:s28+$0xFFFFFEF0];
	_ =	sdelay $0x4  }
0x101: {  	v7 =	vmul.f32 v7, v55;
	_ =	sdelay $0x1  }
0x102: {  	[tilespmem:s0+$0x4270] =	vst.add.f32.msk $0xffff, v7  }
0x103: {  	v7 =	vld [tilespmem:s28+$0xFFFFFF00];
	_ =	sdelay $0x2  }
0x104: {  	v56 =	vbroadcast v5, $0x6;
	_ =	sdelay $0x1  }
0x105: {  	s0 =	spop (v2sf);
	v7 =	vmul.f32 v7, v56  }
0x106: {  	s31 =	spop (v2sf)  }
0x107: {  	[tilespmem:s31+$0x4200] =	vst.add.f32.msk $0xffff, v7  }
0x108: {  	v7 =	vld [tilespmem:s28+$0xFFFFFF10];
	_ =	sdelay $0x4  }
0x109: {  	v7 =	vmul.f32 v7, v56;
	_ =	sdelay $0x1  }
0x10a: {  	[tilespmem:s31+$0x4210] =	vst.add.f32.msk $0xffff, v7  }
0x10b: {  	v7 =	vld [tilespmem:s28+$0xFFFFFF20];
	_ =	sdelay $0x4  }
0x10c: {  	v7 =	vmul.f32 v7, v56;
	_ =	sdelay $0x1  }
0x10d: {  	[tilespmem:s31+$0x4220] =	vst.add.f32.msk $0xffff, v7  }
0x10e: {  	v7 =	vld [tilespmem:s28+$0xFFFFFF30];
	_ =	sdelay $0x4  }
0x10f: {  	v7 =	vmul.f32 v7, v56;
	_ =	sdelay $0x1  }
0x110: {  	[tilespmem:s31+$0x4230] =	vst.add.f32.msk $0xffff, v7  }
0x111: {  	v7 =	vld [tilespmem:s28+$0xFFFFFF40];
	_ =	sdelay $0x4  }
0x112: {  	v7 =	vmul.f32 v7, v56;
	_ =	sdelay $0x1  }
0x113: {  	[tilespmem:s31+$0x4240] =	vst.add.f32.msk $0xffff, v7  }
0x114: {  	v7 =	vld [tilespmem:s28+$0xFFFFFF50];
	_ =	sdelay $0x4  }
0x115: {  	v7 =	vmul.f32 v7, v56;
	_ =	sdelay $0x1  }
0x116: {  	[tilespmem:s31+$0x4250] =	vst.add.f32.msk $0xffff, v7  }
0x117: {  	v7 =	vld [tilespmem:s28+$0xFFFFFF60];
	_ =	sdelay $0x4  }
0x118: {  	v7 =	vmul.f32 v7, v56;
	_ =	sdelay $0x1  }
0x119: {  	[tilespmem:s31+$0x4260] =	vst.add.f32.msk $0xffff, v7  }
0x11a: {  	v7 =	vld [tilespmem:s28+$0xFFFFFF70];
	_ =	sdelay $0x4  }
0x11b: {  	v7 =	vmul.f32 v7, v56;
	_ =	sdelay $0x1  }
0x11c: {  	[tilespmem:s31+$0x4270] =	vst.add.f32.msk $0xffff, v7  }
0x11d: {  	v7 =	vld [tilespmem:s28+$0xFFFFFF80];
	_ =	sdelay $0x2  }
0x11e: {  	v57 =	vbroadcast v5, $0x7;
	_ =	sdelay $0x1  }
0x11f: {  	v7 =	vmul.f32 v7, v57;
	_ =	sdelay $0x1  }
0x120: {  	[tilespmem:s0+$0x4200] =	vst.add.f32.msk $0xffff, v7  }
0x121: {  	v7 =	vld [tilespmem:s28+$0xFFFFFF90];
	_ =	sdelay $0x4  }
0x122: {  	v7 =	vmul.f32 v7, v57;
	_ =	sdelay $0x1  }
0x123: {  	[tilespmem:s0+$0x4210] =	vst.add.f32.msk $0xffff, v7  }
0x124: {  	v7 =	vld [tilespmem:s28+$0xFFFFFFA0];
	_ =	sdelay $0x4  }
0x125: {  	v7 =	vmul.f32 v7, v57;
	_ =	sdelay $0x1  }
0x126: {  	[tilespmem:s0+$0x4220] =	vst.add.f32.msk $0xffff, v7  }
0x127: {  	v7 =	vld [tilespmem:s28+$0xFFFFFFB0];
	_ =	sdelay $0x4  }
0x128: {  	v7 =	vmul.f32 v7, v57;
	_ =	sdelay $0x1  }
0x129: {  	[tilespmem:s0+$0x4230] =	vst.add.f32.msk $0xffff, v7  }
0x12a: {  	v7 =	vld [tilespmem:s28+$0xFFFFFFC0];
	_ =	sdelay $0x4  }
0x12b: {  	v7 =	vmul.f32 v7, v57;
	_ =	sdelay $0x1  }
0x12c: {  	[tilespmem:s0+$0x4240] =	vst.add.f32.msk $0xffff, v7  }
0x12d: {  	v7 =	vld [tilespmem:s28+$0xFFFFFFD0];
	_ =	sdelay $0x4  }
0x12e: {  	v7 =	vmul.f32 v7, v57;
	_ =	sdelay $0x1  }
0x12f: {  	[tilespmem:s0+$0x4250] =	vst.add.f32.msk $0xffff, v7  }
0x130: {  	v7 =	vld [tilespmem:s28+$0xFFFFFFE0];
	_ =	sdelay $0x4  }
0x131: {  	v7 =	vmul.f32 v7, v57  }
0x132: {  	(v2sf) =	vpush v6, $0x9  }
0x133: {  	(v2sf) =	vpush v6, $0x8;
	[tilespmem:s0+$0x4260] =	vst.add.f32.msk $0xffff, v7  }
0x134: {  	v7 =	vld [tilespmem:s28+$0xFFFFFFF0];
	_ =	sdelay $0x4  }
0x135: {  	v7 =	vmul.f32 v7, v57;
	_ =	sdelay $0x1  }
0x136: {  	[tilespmem:s0+$0x4270] =	vst.add.f32.msk $0xffff, v7  }
0x137: {  	v7 =	vld [tilespmem:s28+$0x0];
	_ =	sdelay $0x2  }
0x138: {  	v58 =	vbroadcast v5, $0x8;
	_ =	sdelay $0x1  }
0x139: {  	s0 =	spop (v2sf);
	v7 =	vmul.f32 v7, v58  }
0x13a: {  	s31 =	spop (v2sf)  }
0x13b: {  	[tilespmem:s31+$0x4200] =	vst.add.f32.msk $0xffff, v7  }
0x13c: {  	v7 =	vld [tilespmem:s28+$0x10];
	_ =	sdelay $0x4  }
0x13d: {  	v7 =	vmul.f32 v7, v58;
	_ =	sdelay $0x1  }
0x13e: {  	[tilespmem:s31+$0x4210] =	vst.add.f32.msk $0xffff, v7  }
0x13f: {  	v7 =	vld [tilespmem:s28+$0x20];
	_ =	sdelay $0x4  }
0x140: {  	v7 =	vmul.f32 v7, v58;
	_ =	sdelay $0x1  }
0x141: {  	[tilespmem:s31+$0x4220] =	vst.add.f32.msk $0xffff, v7  }
0x142: {  	v7 =	vld [tilespmem:s28+$0x30];
	_ =	sdelay $0x4  }
0x143: {  	v7 =	vmul.f32 v7, v58;
	_ =	sdelay $0x1  }
0x144: {  	[tilespmem:s31+$0x4230] =	vst.add.f32.msk $0xffff, v7  }
0x145: {  	v7 =	vld [tilespmem:s28+$0x40];
	_ =	sdelay $0x4  }
0x146: {  	v7 =	vmul.f32 v7, v58;
	_ =	sdelay $0x1  }
0x147: {  	[tilespmem:s31+$0x4240] =	vst.add.f32.msk $0xffff, v7  }
0x148: {  	v7 =	vld [tilespmem:s28+$0x50];
	_ =	sdelay $0x4  }
0x149: {  	v7 =	vmul.f32 v7, v58;
	_ =	sdelay $0x1  }
0x14a: {  	[tilespmem:s31+$0x4250] =	vst.add.f32.msk $0xffff, v7  }
0x14b: {  	v7 =	vld [tilespmem:s28+$0x60];
	_ =	sdelay $0x4  }
0x14c: {  	v7 =	vmul.f32 v7, v58;
	_ =	sdelay $0x1  }
0x14d: {  	[tilespmem:s31+$0x4260] =	vst.add.f32.msk $0xffff, v7  }
0x14e: {  	v7 =	vld [tilespmem:s28+$0x70];
	_ =	sdelay $0x4  }
0x14f: {  	v7 =	vmul.f32 v7, v58;
	_ =	sdelay $0x1  }
0x150: {  	[tilespmem:s31+$0x4270] =	vst.add.f32.msk $0xffff, v7  }
0x151: {  	v7 =	vld [tilespmem:s28+$0x80];
	_ =	sdelay $0x2  }
0x152: {  	v59 =	vbroadcast v5, $0x9;
	_ =	sdelay $0x1  }
0x153: {  	v7 =	vmul.f32 v7, v59;
	_ =	sdelay $0x1  }
0x154: {  	[tilespmem:s0+$0x4200] =	vst.add.f32.msk $0xffff, v7  }
0x155: {  	v7 =	vld [tilespmem:s28+$0x90];
	_ =	sdelay $0x4  }
0x156: {  	v7 =	vmul.f32 v7, v59;
	_ =	sdelay $0x1  }
0x157: {  	[tilespmem:s0+$0x4210] =	vst.add.f32.msk $0xffff, v7  }
0x158: {  	v7 =	vld [tilespmem:s28+$0xA0];
	_ =	sdelay $0x4  }
0x159: {  	v7 =	vmul.f32 v7, v59;
	_ =	sdelay $0x1  }
0x15a: {  	[tilespmem:s0+$0x4220] =	vst.add.f32.msk $0xffff, v7  }
0x15b: {  	v7 =	vld [tilespmem:s28+$0xB0];
	_ =	sdelay $0x4  }
0x15c: {  	v7 =	vmul.f32 v7, v59;
	_ =	sdelay $0x1  }
0x15d: {  	[tilespmem:s0+$0x4230] =	vst.add.f32.msk $0xffff, v7  }
0x15e: {  	v7 =	vld [tilespmem:s28+$0xC0];
	_ =	sdelay $0x4  }
0x15f: {  	v7 =	vmul.f32 v7, v59;
	_ =	sdelay $0x1  }
0x160: {  	[tilespmem:s0+$0x4240] =	vst.add.f32.msk $0xffff, v7  }
0x161: {  	v7 =	vld [tilespmem:s28+$0xD0];
	_ =	sdelay $0x4  }
0x162: {  	v7 =	vmul.f32 v7, v59;
	_ =	sdelay $0x1  }
0x163: {  	[tilespmem:s0+$0x4250] =	vst.add.f32.msk $0xffff, v7  }
0x164: {  	v7 =	vld [tilespmem:s28+$0xE0];
	_ =	sdelay $0x4  }
0x165: {  	v7 =	vmul.f32 v7, v59  }
0x166: {  	(v2sf) =	vpush v6, $0xB  }
0x167: {  	(v2sf) =	vpush v6, $0xA;
	[tilespmem:s0+$0x4260] =	vst.add.f32.msk $0xffff, v7  }
0x168: {  	v7 =	vld [tilespmem:s28+$0xF0];
	_ =	sdelay $0x4  }
0x169: {  	v7 =	vmul.f32 v7, v59;
	_ =	sdelay $0x1  }
0x16a: {  	[tilespmem:s0+$0x4270] =	vst.add.f32.msk $0xffff, v7  }
0x16b: {  	v7 =	vld [tilespmem:s28+$0x100];
	_ =	sdelay $0x2  }
0x16c: {  	v60 =	vbroadcast v5, $0xA;
	_ =	sdelay $0x1  }
0x16d: {  	s0 =	spop (v2sf);
	v7 =	vmul.f32 v7, v60  }
0x16e: {  	s31 =	spop (v2sf)  }
0x16f: {  	[tilespmem:s31+$0x4200] =	vst.add.f32.msk $0xffff, v7  }
0x170: {  	v7 =	vld [tilespmem:s28+$0x110];
	_ =	sdelay $0x4  }
0x171: {  	v7 =	vmul.f32 v7, v60;
	_ =	sdelay $0x1  }
0x172: {  	[tilespmem:s31+$0x4210] =	vst.add.f32.msk $0xffff, v7  }
0x173: {  	v7 =	vld [tilespmem:s28+$0x120];
	_ =	sdelay $0x4  }
0x174: {  	v7 =	vmul.f32 v7, v60;
	_ =	sdelay $0x1  }
0x175: {  	[tilespmem:s31+$0x4220] =	vst.add.f32.msk $0xffff, v7  }
0x176: {  	v7 =	vld [tilespmem:s28+$0x130];
	_ =	sdelay $0x4  }
0x177: {  	v7 =	vmul.f32 v7, v60;
	_ =	sdelay $0x1  }
0x178: {  	[tilespmem:s31+$0x4230] =	vst.add.f32.msk $0xffff, v7  }
0x179: {  	v7 =	vld [tilespmem:s28+$0x140];
	_ =	sdelay $0x4  }
0x17a: {  	v7 =	vmul.f32 v7, v60;
	_ =	sdelay $0x1  }
0x17b: {  	[tilespmem:s31+$0x4240] =	vst.add.f32.msk $0xffff, v7  }
0x17c: {  	v7 =	vld [tilespmem:s28+$0x150];
	_ =	sdelay $0x4  }
0x17d: {  	v7 =	vmul.f32 v7, v60;
	_ =	sdelay $0x1  }
0x17e: {  	[tilespmem:s31+$0x4250] =	vst.add.f32.msk $0xffff, v7  }
0x17f: {  	v7 =	vld [tilespmem:s28+$0x160];
	_ =	sdelay $0x4  }
0x180: {  	v7 =	vmul.f32 v7, v60;
	_ =	sdelay $0x1  }
0x181: {  	[tilespmem:s31+$0x4260] =	vst.add.f32.msk $0xffff, v7  }
0x182: {  	v7 =	vld [tilespmem:s28+$0x170];
	_ =	sdelay $0x4  }
0x183: {  	v7 =	vmul.f32 v7, v60;
	_ =	sdelay $0x1  }
0x184: {  	[tilespmem:s31+$0x4270] =	vst.add.f32.msk $0xffff, v7  }
0x185: {  	v7 =	vld [tilespmem:s28+$0x180];
	_ =	sdelay $0x2  }
0x186: {  	v61 =	vbroadcast v5, $0xB;
	_ =	sdelay $0x1  }
0x187: {  	v7 =	vmul.f32 v7, v61;
	_ =	sdelay $0x1  }
0x188: {  	[tilespmem:s0+$0x4200] =	vst.add.f32.msk $0xffff, v7  }
0x189: {  	v7 =	vld [tilespmem:s28+$0x190];
	_ =	sdelay $0x4  }
0x18a: {  	v7 =	vmul.f32 v7, v61;
	_ =	sdelay $0x1  }
0x18b: {  	[tilespmem:s0+$0x4210] =	vst.add.f32.msk $0xffff, v7  }
0x18c: {  	v7 =	vld [tilespmem:s28+$0x1A0];
	_ =	sdelay $0x4  }
0x18d: {  	v7 =	vmul.f32 v7, v61;
	_ =	sdelay $0x1  }
0x18e: {  	[tilespmem:s0+$0x4220] =	vst.add.f32.msk $0xffff, v7  }
0x18f: {  	v7 =	vld [tilespmem:s28+$0x1B0];
	_ =	sdelay $0x4  }
0x190: {  	v7 =	vmul.f32 v7, v61;
	_ =	sdelay $0x1  }
0x191: {  	[tilespmem:s0+$0x4230] =	vst.add.f32.msk $0xffff, v7  }
0x192: {  	v7 =	vld [tilespmem:s28+$0x1C0];
	_ =	sdelay $0x4  }
0x193: {  	v7 =	vmul.f32 v7, v61;
	_ =	sdelay $0x1  }
0x194: {  	[tilespmem:s0+$0x4240] =	vst.add.f32.msk $0xffff, v7  }
0x195: {  	v7 =	vld [tilespmem:s28+$0x1D0];
	_ =	sdelay $0x4  }
0x196: {  	v7 =	vmul.f32 v7, v61;
	_ =	sdelay $0x1  }
0x197: {  	[tilespmem:s0+$0x4250] =	vst.add.f32.msk $0xffff, v7  }
0x198: {  	v7 =	vld [tilespmem:s28+$0x1E0];
	_ =	sdelay $0x4  }
0x199: {  	v7 =	vmul.f32 v7, v61  }
0x19a: {  	(v2sf) =	vpush v6, $0xD  }
0x19b: {  	(v2sf) =	vpush v6, $0xC;
	[tilespmem:s0+$0x4260] =	vst.add.f32.msk $0xffff, v7  }
0x19c: {  	v7 =	vld [tilespmem:s28+$0x1F0];
	_ =	sdelay $0x4  }
0x19d: {  	v7 =	vmul.f32 v7, v61;
	_ =	sdelay $0x1  }
0x19e: {  	[tilespmem:s0+$0x4270] =	vst.add.f32.msk $0xffff, v7  }
0x19f: {  	v7 =	vld [tilespmem:s28+$0x200];
	_ =	sdelay $0x2  }
0x1a0: {  	v62 =	vbroadcast v5, $0xC;
	_ =	sdelay $0x1  }
0x1a1: {  	s0 =	spop (v2sf);
	v7 =	vmul.f32 v7, v62  }
0x1a2: {  	s31 =	spop (v2sf)  }
0x1a3: {  	[tilespmem:s31+$0x4200] =	vst.add.f32.msk $0xffff, v7  }
0x1a4: {  	v7 =	vld [tilespmem:s28+$0x210];
	_ =	sdelay $0x4  }
0x1a5: {  	v7 =	vmul.f32 v7, v62;
	_ =	sdelay $0x1  }
0x1a6: {  	[tilespmem:s31+$0x4210] =	vst.add.f32.msk $0xffff, v7  }
0x1a7: {  	v7 =	vld [tilespmem:s28+$0x220];
	_ =	sdelay $0x4  }
0x1a8: {  	v7 =	vmul.f32 v7, v62;
	_ =	sdelay $0x1  }
0x1a9: {  	[tilespmem:s31+$0x4220] =	vst.add.f32.msk $0xffff, v7  }
0x1aa: {  	v7 =	vld [tilespmem:s28+$0x230];
	_ =	sdelay $0x4  }
0x1ab: {  	v7 =	vmul.f32 v7, v62;
	_ =	sdelay $0x1  }
0x1ac: {  	[tilespmem:s31+$0x4230] =	vst.add.f32.msk $0xffff, v7  }
0x1ad: {  	v7 =	vld [tilespmem:s28+$0x240];
	_ =	sdelay $0x4  }
0x1ae: {  	v7 =	vmul.f32 v7, v62;
	_ =	sdelay $0x1  }
0x1af: {  	[tilespmem:s31+$0x4240] =	vst.add.f32.msk $0xffff, v7  }
0x1b0: {  	v7 =	vld [tilespmem:s28+$0x250];
	_ =	sdelay $0x4  }
0x1b1: {  	v7 =	vmul.f32 v7, v62;
	_ =	sdelay $0x1  }
0x1b2: {  	[tilespmem:s31+$0x4250] =	vst.add.f32.msk $0xffff, v7  }
0x1b3: {  	v7 =	vld [tilespmem:s28+$0x260];
	_ =	sdelay $0x4  }
0x1b4: {  	v7 =	vmul.f32 v7, v62;
	_ =	sdelay $0x1  }
0x1b5: {  	[tilespmem:s31+$0x4260] =	vst.add.f32.msk $0xffff, v7  }
0x1b6: {  	v7 =	vld [tilespmem:s28+$0x270];
	_ =	sdelay $0x4  }
0x1b7: {  	v7 =	vmul.f32 v7, v62;
	_ =	sdelay $0x1  }
0x1b8: {  	[tilespmem:s31+$0x4270] =	vst.add.f32.msk $0xffff, v7  }
0x1b9: {  	v7 =	vld [tilespmem:s28+$0x280];
	_ =	sdelay $0x2  }
0x1ba: {  	v63 =	vbroadcast v5, $0xD;
	_ =	sdelay $0x1  }
0x1bb: {  	v7 =	vmul.f32 v7, v63;
	_ =	sdelay $0x1  }
0x1bc: {  	[tilespmem:s0+$0x4200] =	vst.add.f32.msk $0xffff, v7  }
0x1bd: {  	v7 =	vld [tilespmem:s28+$0x290];
	_ =	sdelay $0x4  }
0x1be: {  	v7 =	vmul.f32 v7, v63;
	_ =	sdelay $0x1  }
0x1bf: {  	[tilespmem:s0+$0x4210] =	vst.add.f32.msk $0xffff, v7  }
0x1c0: {  	v7 =	vld [tilespmem:s28+$0x2A0];
	_ =	sdelay $0x4  }
0x1c1: {  	v7 =	vmul.f32 v7, v63;
	_ =	sdelay $0x1  }
0x1c2: {  	[tilespmem:s0+$0x4220] =	vst.add.f32.msk $0xffff, v7  }
0x1c3: {  	v7 =	vld [tilespmem:s28+$0x2B0];
	_ =	sdelay $0x4  }
0x1c4: {  	v7 =	vmul.f32 v7, v63;
	_ =	sdelay $0x1  }
0x1c5: {  	[tilespmem:s0+$0x4230] =	vst.add.f32.msk $0xffff, v7  }
0x1c6: {  	v7 =	vld [tilespmem:s28+$0x2C0];
	_ =	sdelay $0x4  }
0x1c7: {  	v7 =	vmul.f32 v7, v63;
	_ =	sdelay $0x1  }
0x1c8: {  	[tilespmem:s0+$0x4240] =	vst.add.f32.msk $0xffff, v7  }
0x1c9: {  	v7 =	vld [tilespmem:s28+$0x2D0];
	_ =	sdelay $0x4  }
0x1ca: {  	v7 =	vmul.f32 v7, v63;
	_ =	sdelay $0x1  }
0x1cb: {  	[tilespmem:s0+$0x4250] =	vst.add.f32.msk $0xffff, v7  }
0x1cc: {  	v7 =	vld [tilespmem:s28+$0x2E0];
	_ =	sdelay $0x4  }
0x1cd: {  	v7 =	vmul.f32 v7, v63  }
0x1ce: {  	(v2sf) =	vpush v6, $0xF  }
0x1cf: {  	(v2sf) =	vpush v6, $0xE;
	[tilespmem:s0+$0x4260] =	vst.add.f32.msk $0xffff, v7  }
0x1d0: {  	v6 =	vld [tilespmem:s28+$0x2F0];
	_ =	sdelay $0x4  }
0x1d1: {  	v6 =	vmul.f32 v6, v63;
	_ =	sdelay $0x1  }
0x1d2: {  	[tilespmem:s0+$0x4270] =	vst.add.f32.msk $0xffff, v6  }
0x1d3: {  	v6 =	vld [tilespmem:s28+$0x300];
	_ =	sdelay $0x2  }
0x1d4: {  	v7 =	vbroadcast v5, $0xE;
	_ =	sdelay $0x1  }
0x1d5: {  	s0 =	spop (v2sf);
	v6 =	vmul.f32 v6, v7  }
0x1d6: {  	s31 =	spop (v2sf)  }
0x1d7: {  	[tilespmem:s31+$0x4200] =	vst.add.f32.msk $0xffff, v6  }
0x1d8: {  	v6 =	vld [tilespmem:s28+$0x310];
	_ =	sdelay $0x4  }
0x1d9: {  	v6 =	vmul.f32 v6, v7;
	_ =	sdelay $0x1  }
0x1da: {  	[tilespmem:s31+$0x4210] =	vst.add.f32.msk $0xffff, v6  }
0x1db: {  	v6 =	vld [tilespmem:s28+$0x320];
	_ =	sdelay $0x4  }
0x1dc: {  	v6 =	vmul.f32 v6, v7;
	_ =	sdelay $0x1  }
0x1dd: {  	[tilespmem:s31+$0x4220] =	vst.add.f32.msk $0xffff, v6  }
0x1de: {  	v6 =	vld [tilespmem:s28+$0x330];
	_ =	sdelay $0x4  }
0x1df: {  	v6 =	vmul.f32 v6, v7;
	_ =	sdelay $0x1  }
0x1e0: {  	[tilespmem:s31+$0x4230] =	vst.add.f32.msk $0xffff, v6  }
0x1e1: {  	v6 =	vld [tilespmem:s28+$0x340];
	_ =	sdelay $0x4  }
0x1e2: {  	v6 =	vmul.f32 v6, v7;
	_ =	sdelay $0x1  }
0x1e3: {  	[tilespmem:s31+$0x4240] =	vst.add.f32.msk $0xffff, v6  }
0x1e4: {  	v6 =	vld [tilespmem:s28+$0x350];
	_ =	sdelay $0x4  }
0x1e5: {  	v6 =	vmul.f32 v6, v7;
	_ =	sdelay $0x1  }
0x1e6: {  	[tilespmem:s31+$0x4250] =	vst.add.f32.msk $0xffff, v6  }
0x1e7: {  	v6 =	vld [tilespmem:s28+$0x360];
	_ =	sdelay $0x4  }
0x1e8: {  	v6 =	vmul.f32 v6, v7;
	_ =	sdelay $0x1  }
0x1e9: {  	[tilespmem:s31+$0x4260] =	vst.add.f32.msk $0xffff, v6  }
0x1ea: {  	v6 =	vld [tilespmem:s28+$0x370];
	_ =	sdelay $0x4  }
0x1eb: {  	v6 =	vmul.f32 v6, v7;
	_ =	sdelay $0x1  }
0x1ec: {  	[tilespmem:s31+$0x4270] =	vst.add.f32.msk $0xffff, v6  }
0x1ed: {  	v6 =	vld [tilespmem:s28+$0x380];
	_ =	sdelay $0x2  }
0x1ee: {  	v5 =	vbroadcast v5, $0xF;
	_ =	sdelay $0x1  }
0x1ef: {  	v6 =	vmul.f32 v6, v5;
	_ =	sdelay $0x1  }
0x1f0: {  	[tilespmem:s0+$0x4200] =	vst.add.f32.msk $0xffff, v6  }
0x1f1: {  	v6 =	vld [tilespmem:s28+$0x390];
	_ =	sdelay $0x4  }
0x1f2: {  	v6 =	vmul.f32 v6, v5;
	_ =	sdelay $0x1  }
0x1f3: {  	[tilespmem:s0+$0x4210] =	vst.add.f32.msk $0xffff, v6  }
0x1f4: {  	v6 =	vld [tilespmem:s28+$0x3A0];
	_ =	sdelay $0x4  }
0x1f5: {  	v6 =	vmul.f32 v6, v5;
	_ =	sdelay $0x1  }
0x1f6: {  	[tilespmem:s0+$0x4220] =	vst.add.f32.msk $0xffff, v6  }
0x1f7: {  	v6 =	vld [tilespmem:s28+$0x3B0];
	_ =	sdelay $0x4  }
0x1f8: {  	v6 =	vmul.f32 v6, v5;
	_ =	sdelay $0x1  }
0x1f9: {  	[tilespmem:s0+$0x4230] =	vst.add.f32.msk $0xffff, v6  }
0x1fa: {  	v6 =	vld [tilespmem:s28+$0x3C0];
	_ =	sdelay $0x4  }
0x1fb: {  	v6 =	vmul.f32 v6, v5;
	_ =	sdelay $0x1  }
0x1fc: {  	[tilespmem:s0+$0x4240] =	vst.add.f32.msk $0xffff, v6  }
0x1fd: {  	v6 =	vld [tilespmem:s28+$0x3D0];
	_ =	sdelay $0x4  }
0x1fe: {  	v6 =	vmul.f32 v6, v5;
	_ =	sdelay $0x1  }
0x1ff: {  	[tilespmem:s0+$0x4250] =	vst.add.f32.msk $0xffff, v6  }
0x200: {  	v6 =	vld [tilespmem:s28+$0x3E0];
	_ =	sdelay $0x4  }
0x201: {  	v6 =	vmul.f32 v6, v5;
	_ =	sdelay $0x1  }
0x202: {  	[tilespmem:s0+$0x4260] =	vst.add.f32.msk $0xffff, v6  }
0x203: {  	v6 =	vld [tilespmem:s28+$0x3F0];
	_ =	sdelay $0x1  }
0x204: {  	p1 =	sne.s32 s30, $0x1C0  }
.Ltmp5:
0x205: {  	_ = 	snop;
	(pc) =	sbr.rel @p1 .LBB2_5-.Ltmp5, $3  }
0x206: {  	_ = 	snop  }
0x207: {  	v5 =	vmul.f32 v6, v5;
	_ =	sdelay $0x1  }
0x208: {  	s29 =	sadd.s32 $0x10, s29;
	s30 =	sadd.s32 $0x40, s30;
	s28 =	sadd.s32 $0x800, s28;
	[tilespmem:s0+$0x4270] =	vst.add.f32.msk $0xffff, v5  }
0x209: {  	s26 =	sadd.s32 $0x1, s26  }
0x20a: {  	p1 =	sne.s32 s26, s22  }
.Ltmp6:
0x20b: {  	_ = 	snop;
	(pc) =	sbr.rel @p1 .LBB2_4-.Ltmp6, $4  }
.Ltmp7:
0x20c: {  	_ = 	snop;
	(pc) =	sbr.rel @!p1 .LBB2_7-.Ltmp7, $4  }
0x20d: {  	_ = 	snop  }
0x20e: {  	_ = 	snop  }
0x20f: {  	s25 =	sadd.s32 $0x80, s25  }
0x210: {  	_ = 	snop  }
.LBB2_9:
0x211: {  	_ =	sfence.sel $0x180000  }
0x212: {  	[bflag:$0x0] =	sbarrier.arrive $0xFFFF  }
0x213: {  	_ =	strace $0x90000050  }
0x214: {  	[bflag:$0x2] =	sbarrier.arrive $0xFFFF  }
0x215: {  	p0 =	sne.s32 s2, $0x0;
	s0 =	rddreg [dreg:$0x2]  }
0x216: {  	s0 =	sadd.s32 @!p0 $0x100000, s0  }
0x217: {  	[sflag:s0] =	ssyncadd.tile.s32 @!p0 $0x1;
	_ =	shalt  }
.Lfunc_end2:
_tile_overlayer_lowered:
.L_overlay_start_2:
0x218: {  	(tag) =	ssettag $0x2  }
0x219: {  	s0 =	rddreg [dreg:$0x0];
	s2 =	stileid.u32  }
0x21a: {  	s1 =	rddreg [dreg:$0x1];
	p0 =	sne.s32 s2, $0x0  }
0x21b: {  	s3 =	rddreg [dreg:$0x2];
	[bflag:$0x3] =	sbarrier.arrive $0xFFFF;
	s2 =	simm.s32 @!p0 $0x1C02  }
0x21c: {  	[timem:s3], [sflag:s2] =	dma.local @!p0 [hbm:s0], s1  }
0x21d: {  	s0 =	simm.s32 @!p0 $0x2  }
0x21e: {  	_ =	swait.ge @!p0 [sflag:s0], s1  }
0x21f: {  	s1 =	ssub.s32 @!p0 $0x0, s1;
	[sflag:s0] =	ssyncset.done @!p0 $0x0  }
0x220: {  	[sflag:s0] =	ssyncadd.s32 @!p0 s1  }
0x221: {  	[bflag:$0x3] =	sbarrier.arrive $0xFFFF  }
0x222: {  	_ =	shalt  }

// kernel: kernel.8.cloned.1.call-start
scs
__scs_entry_jumppad:
0x0: {  	(pc) =	sbr.rel $0x88, $3  }
0x1: {  	(tag) =	ssettag $0x0;
	lr =	simm.s32 $0x1  }
0x2: {  	[smem:$0x3F9A] =	sst lr;
	_ =	strace $0xD0000000  }
0x3: {  	_ = 	snop  }
0x4: {  	_ = 	snop  }
0x5: {  	_ = 	snop  }
0x6: {  	_ = 	snop  }
0x7: {  	_ = 	snop  }
__scs_overlays_trampoline_lowered:
0x8: {  	[smem:$0x3FA9] =	sst s0  }
0x9: {  	[smem:$0x3FAA] =	sst s1  }
0xa: {  	[smem:$0x3FAB] =	sst s2  }
0xb: {  	[smem:$0x3FAC] =	sst s3  }
0xc: {  	[smem:$0x3FAD] =	sst s4  }
0xd: {  	[smem:$0x3FAE] =	sst s5  }
0xe: {  	[smem:$0x3FAF] =	sst s6  }
0xf: {  	[smem:$0x3FB0] =	sst s7  }
0x10: {  	[smem:$0x3FB1] =	sst s8  }
0x11: {  	[smem:$0x3FB2] =	sst s9;
	s0 =	simm.s32 @!p0 $0x0  }
0x12: {  	s1 =	sld [smem:$0x3F98];
	s0 =	simm.s32 @p0 $0x1  }
0x13: {  	[smem:$0x3FB3] =	sst s0;
	s0 =	simm.s32 @!p1 $0x0  }
0x14: {  	s2 =	sld [smem:$0x3F97];
	s0 =	simm.s32 @p1 $0x1  }
0x15: {  	[smem:$0x3FB4] =	sst s0;
	s0 =	simm.s32 @!p2 $0x0  }
0x16: {  	s3 =	sld [smem:$0x3FDB];
	s0 =	simm.s32 @p2 $0x1  }
0x17: {  	s4 =	simm.s32 $0x1BF5;
	[smem:$0x3FB6] =	sst s0  }
0x18: {  	s0 =	sld [smem:$0x3F99];
	_ =	swait.ge [sflag:s4], $0x0  }
0x19: {  	s7 =	sld [smem:$0x3F9A]  }
0x1a: {  	s8 =	sadd.s32 $0xFFFFE003, lr  }
0x1b: {  	s9 =	sadd.s32 $0xFFFFFEF7, lr;
	s5 =	simm.s32 $0xFFFFFFFF;
	p2 =	slt.u32 s8, $0xFFFFF086  }
0x1c: {  	p1 =	slt.u32 s9, $0xF7A;
	s5 =	simm.s32 @!p2 $0x0  }
0x1d: {  	s5 =	simm.s32 @p1 $0x1;
	p0 =	seq.s32 s7, s2  }
0x1e: {  	s7 =	smul.u32 @!p0 $0xF7A, s2;
	p2 =	seq.s32 @!p0 s5, $0x0  }
0x1f: {  	s9 =	smul.u32 $0xF7A, s1;
	s8 =	simm.s32 @!p0 $0x1BF5;
	p2 =	por !p2, p0  }
0x20: {  	[sflag:s8] =	ssyncset.s32 @!p0 $0xFFFFF086;
	s6 =	sadd.s32 @!p0 s3, s7;
	s7 =	simm.s32 @!p0 $0x108  }
0x21: {  	s3 =	sadd.s32 s3, s9;
	s6 =	sadd.s32 @!p0 $0x88, s6;
	s7 =	simm.s32 @p2 $0x1082  }
0x22: {  	[simem:s7], [sflag:s8] =	dma.local @!p0 [hbm:s6], $0xF7A  }
0x23: {  	s9 =	sor.u32 $0xD0000000, s2;
	s6 =	simm.s32 $0x108;
	_ =	swait.ge @!p0 [sflag:s8], $0x0  }
0x24: {  	s3 =	sadd.s32 $0x88, s3;
	s6 =	simm.s32 @!p1 $0x1082;
	[sflag:s4] =	ssyncset.s32 $0xFFFFF086  }
0x25: {  	[simem:s6], [sflag:s4] =	dma.local [hbm:s3], $0xF7A  }
0x26: {  	[smem:$0x3F9A] =	sst s1;
	(tag) =	ssettag s2;
	_ =	strace s9  }
0x27: {  	s1 =	sld [smem:$0x3FAA]  }
0x28: {  	s2 =	sld [smem:$0x3FAB]  }
0x29: {  	s4 =	sld [smem:$0x3FAD]  }
0x2a: {  	p0 =	seq.s32 s5, $0x0;
	s5 =	sld [smem:$0x3FAE]  }
0x2b: {  	s6 =	sld [smem:$0x3FAF]  }
0x2c: {  	s7 =	sld [smem:$0x3FB0]  }
0x2d: {  	s3 =	simm.s32 $0x108;
	s8 =	sld [smem:$0x3FB1]  }
0x2e: {  	s3 =	simm.s32 @!p0 $0x1082;
	s9 =	sld [smem:$0x3FB2]  }
0x2f: {  	lr =	sadd.s32 s0, s3;
	s0 =	sld [smem:$0x3FA9]  }
0x30: {  	s3 =	sld [smem:$0x3FAC]  }
0x31: {  	[smem:$0x3FB5] =	sst s10  }
0x32: {  	s10 =	sld [smem:$0x3FB3];
	_ =	sdelay $0x3  }
0x33: {  	p0 =	seq.s32 s10, $0x1;
	s10 =	sld [smem:$0x3FB5];
	_ =	sdelay $0x3  }
0x34: {  	[smem:$0x3FB5] =	sst s10  }
0x35: {  	s10 =	sld [smem:$0x3FB4];
	_ =	sdelay $0x3  }
0x36: {  	p1 =	seq.s32 s10, $0x1;
	s10 =	sld [smem:$0x3FB5];
	_ =	sdelay $0x3  }
0x37: {  	[smem:$0x3FB5] =	sst s10  }
0x38: {  	s10 =	sld [smem:$0x3FB6]  }
0x39: {  	_ = 	snop;
	(pc) =	sbr.ind lr, $3  }
0x3a: {  	_ = 	snop  }
0x3b: {  	_ = 	snop  }
0x3c: {  	p2 =	seq.s32 s10, $0x1;
	s10 =	sld [smem:$0x3FB5]  }
0x3d: {  	_ =	shalt  }
0x3e: {  	_ =	shalt  }
0x3f: {  	_ =	shalt  }
0x40: {  	_ =	shalt  }
0x41: {  	_ =	shalt  }
0x42: {  	_ =	shalt  }
0x43: {  	_ =	shalt  }
0x44: {  	_ =	shalt  }
0x45: {  	_ =	shalt  }
0x46: {  	_ =	shalt  }
0x47: {  	_ =	shalt  }
0x48: {  	_ =	shalt  }
0x49: {  	_ =	shalt  }
0x4a: {  	_ =	shalt  }
0x4b: {  	_ =	shalt  }
0x4c: {  	_ =	shalt  }
0x4d: {  	_ =	shalt  }
0x4e: {  	_ =	shalt  }
0x4f: {  	_ =	shalt  }
0x50: {  	_ =	shalt  }
0x51: {  	_ =	shalt  }
0x52: {  	_ =	shalt  }
0x53: {  	_ =	shalt  }
0x54: {  	_ =	shalt  }
0x55: {  	_ =	shalt  }
0x56: {  	_ =	shalt  }
0x57: {  	_ =	shalt  }
0x58: {  	_ =	shalt  }
0x59: {  	_ =	shalt  }
0x5a: {  	_ =	shalt  }
0x5b: {  	_ =	shalt  }
0x5c: {  	_ =	shalt  }
0x5d: {  	_ =	shalt  }
0x5e: {  	_ =	shalt  }
0x5f: {  	_ =	shalt  }
0x60: {  	_ =	shalt  }
0x61: {  	_ =	shalt  }
0x62: {  	_ =	shalt  }
0x63: {  	_ =	shalt  }
0x64: {  	_ =	shalt  }
0x65: {  	_ =	shalt  }
0x66: {  	_ =	shalt  }
0x67: {  	_ =	shalt  }
0x68: {  	_ =	shalt  }
0x69: {  	_ =	shalt  }
0x6a: {  	_ =	shalt  }
0x6b: {  	_ =	shalt  }
0x6c: {  	_ =	shalt  }
0x6d: {  	_ =	shalt  }
0x6e: {  	_ =	shalt  }
0x6f: {  	_ =	shalt  }
0x70: {  	_ =	shalt  }
0x71: {  	_ =	shalt  }
0x72: {  	_ =	shalt  }
0x73: {  	_ =	shalt  }
0x74: {  	_ =	shalt  }
0x75: {  	_ =	shalt  }
0x76: {  	_ =	shalt  }
0x77: {  	_ =	shalt  }
0x78: {  	_ =	shalt  }
0x79: {  	_ =	shalt  }
0x7a: {  	_ =	shalt  }
0x7b: {  	_ =	shalt  }
0x7c: {  	_ =	shalt  }
0x7d: {  	_ =	shalt  }
0x7e: {  	_ =	shalt  }
0x7f: {  	_ =	shalt  }
0x80: {  	_ =	shalt  }
0x81: {  	_ =	shalt  }
0x82: {  	_ =	shalt  }
0x83: {  	_ =	shalt  }
0x84: {  	_ =	shalt  }
0x85: {  	_ =	shalt  }
0x86: {  	_ =	shalt  }
0x87: {  	_ =	shalt  }
.Lfunc_end0:
.L_simem_size_0:
called_computation.4_lowered:
.L_overlay_start_0:
0x88: {  	s2 =	sld [smem:$0x3FD9]  }
0x89: {  	s3 =	sld [smem:$0x3FFE];
	_ =	sdelay $0x1  }
0x8a: {  	s1 =	srdreg.scid  }
0x8b: {  	s0 =	sand.u32 $0x1, s1  }
0x8c: {  	s17 =	sshll.u32 s0, $0xA;
	s2 =	sadd.s32 s3, s2  }
0x8d: {  	s2 =	sadd.s32 s2, s17  }
0x8e: {  	[smem:$0x3FC1] =	sst s2  }
0x8f: {  	_ = 	snop  }
0x90: {  	s2 =	sld [smem:$0x3FD0];
	(tm) =	ssettm $0x1  }
0x91: {  	s18 =	sld [smem:$0x3FFB];
	_ =	sdelay $0x3  }
0x92: {  	_ =	strace s18  }
0x93: {  	s3 =	sld [smem:$0x3FFC];
	_ =	sdelay $0x3  }
0x94: {  	_ =	strace s3  }
0x95: {  	s3 =	sld [smem:$0x3FFD];
	_ =	sdelay $0x3  }
0x96: {  	_ =	strace s3  }
0x97: {  	_ =	strace $0x8FFFFFFF  }
0x98: {  	s19 =	sld [smem:$0x3FDB];
	_ =	sdelay $0x1  }
0x99: {  	s4 =	simm.s32 $_scs_section_size  }
0x9a: {  	s5 =	simm.s32 $_size__tile_overlayer_lowered;
	s6 =	simm.s32 $_tile_overlayer_lowered  }
0x9b: {  	s22 =	simm.s32 $0x1BFF;
	s21 =	sshll.u32 s6, $0x1;
	s3 =	sadd.s32 s4, s19  }
0x9c: {  	s7 =	simm.s32 $0x0;
	s20 =	sshll.u32 s5, $0x1;
	s5 =	sadd.s32 s21, s3  }
0x9d: {  	[timem:s7], [sflag:s22] =	dma.local [hbm:s5], s20  }
0x9e: {  	_ =	swait.ge [sflag:s22], s20  }
0x9f: {  	s4 =	ssub.s32 $0x0, s20;
	[sflag:s22] =	ssyncset.done $0x0  }
0xa0: {  	[sflag:s22] =	ssyncadd.s32 s4;
	_ =	sdelay $0x1  }
0xa1: {  	s23 =	simm.s32 $0x1B8B  }
0xa2: {  	_ =	swait.ge [sflag:s23], $0x1  }
0xa3: {  	[sflag:s23] =	ssyncset.done $0x0  }
0xa4: {  	s25 =	simm.s32 $0x1B8E;
	s24 =	sld [smem:$0x3FFE];
	[sflag:s23] =	ssyncadd.s32 $0xFFFFFFFF  }
0xa5: {  	s26 =	simm.s32 $execute0_lowered;
	[smem:$0x3FD2] =	sst s25  }
0xa6: {  	s5 =	sshll.u32 s26, $0x1;
	_ =	strace $0x80000052;
	[dreg:$0x1] =	wrdreg $0xFFFFFFFF  }
0xa7: {  	s28 =	simm.s32 $_size_execute0_lowered;
	s3 =	sadd.s32 s3, s5;
	[dreg:$0x0] =	wrdreg $0x0  }
0xa8: {  	s5 =	sshll.u32 s28, $0x1;
	[dreg:$0x2] =	wrdreg s3  }
0xa9: {  	[dreg:$0x3] =	wrdreg s5  }
0xaa: {  	[dreg:$0x4] =	wrdreg $0xC0  }
0xab: {  	_ =	task [dreg:s7], $0x5FFFF  }
0xac: {  	[dreg:$0x1] =	wrdreg $0xFFFFFFFF  }
0xad: {  	[dreg:$0x0] =	wrdreg $0x60  }
0xae: {  	[dreg:$0x2] =	wrdreg s24  }
0xaf: {  	[dreg:$0x3] =	wrdreg s2  }
0xb0: {  	[dreg:$0x4] =	wrdreg $0x9  }
0xb1: {  	_ =	task.clear_ibuf [dreg:s7], $0x5FFFF;
	_ =	strace $0x90000052  }
0xb2: {  	s29 =	simm.s32 $0x9;
	_ =	strace $0x80000054  }
0xb3: {  	_ =	swait.ge [sflag:s29], $0x1  }
0xb4: {  	[sflag:s29] =	ssyncadd.s32 $0xFFFFFFFF  }
0xb5: {  	_ =	strace $0x90000054  }
0xb6: {  	_ =	sfence  }
0xb7: {  	s30 =	sld [smem:$0x0];
	_ =	sdelay $0x2  }
0xb8: {  	s31 =	sshll.u32 s1, $0xD;
	s1 =	sshrl.u32 s1, $0x2  }
0xb9: {  	s3 =	sand.u32 $0x4000, s31;
	s1 =	sadd.s32 s1, s30  }
0xba: {  	s0 =	sor.u32 s3, s0;
	s1 =	sshll.u32 s1, $0x11  }
0xbb: {  	s0 =	sor.u32 s1, s0  }
0xbc: {  	s0 =	sadd.s32 $0x8F2B, s0  }
0xbd: {  	[sflag:s0] =	ssyncadd.remote.s32 $0x1  }
0xbe: {  	_ =	sfence.sel $0xFFFF  }
0xbf: {  	[dreg:$0x0] =	wrdreg $0xFFFFFFFF;
	(pc) =	sbr.abs _section_cstart, $3  }
0xc0: {  	[dreg:$0x1] =	wrdreg $0xFFFFFFFF  }
0xc1: {  	_ =	task.clear_ibuf [dreg:s7], $0x2FFFF;
	_ =	strace $0x9FFFFFFF  }
0xc2: {  	(tm) =	ssettm $0x7FFFFFFF  }
0xc3: {  	_ =	shalt  }
tec
execute0_lowered:
.L_overlay_start_1:
0x0: {  	(tag) =	ssettag $0x1  }
0x1: {  	s6 =	rddreg [dreg:$0x0]  }
0x2: {  	s1 =	rddreg [dreg:$0x1]  }
0x3: {  	s0 =	rddreg [dreg:$0x2];
	s2 =	simm.s32 $0x0  }
0x4: {  	s3 =	srdreg.scid;
	s11 =	simm.s32 $0x80;
	s12 =	simm.s32 $0x100  }
0x5: {  	s13 =	simm.s32 $0x1;
	s14 =	simm.s32 $0x0;
	[smem:$0x7FF] =	sst s2  }
.Ltmp0:
0x6: {  	s4 =	sand.u32 $0x1, s3;
	s5 =	sadd.s32 $0xB200, s6;
	(pc) =	sbr.rel .LBB2_1-.Ltmp0, $4  }
0x7: {  	s3 =	stileid.u32;
	s6 =	sadd.s32 $0x50B200, s6;
	s7 =	ssub.s32 $0x2, s4  }
0x8: {  	s9 =	sshll.u32 s3, $0x8;
	s10 =	sshll.u32 s4, $0x7;
	s8 =	sshrl.u32 s7, $0x1  }
0x9: {  	_ =	strace $0x80000053;
	s9 =	sor.u32 s10, s9;
	s8 =	ssub.s32 s7, s8  }
0xa: {  	s10 =	simm.s32 $0x2;
	s7 =	sshll.u32 s3, $0x1;
	s8 =	smax.u32 s8, $0x1  }
.LBB2_7:
0xb: {  	s14 =	sadd.s32 $0x1, s14  }
0xc: {  	p0 =	sne.s32 s14, s8  }
.Ltmp1:
0xd: {  	_ = 	snop;
	(pc) =	sbr.rel @!p0 .LBB2_8-.Ltmp1, $1  }
0xe: {  	_ =	sdelay $0x3  }
.LBB2_1:
.Ltmp2:
0xf: {  	(pc) =	sbr.rel .LBB2_2-.Ltmp2, $2  }
0x10: {  	_ =	sdelay $0x2  }
0x11: {  	s15 =	smov.u32 s9;
	s16 =	simm.s32 $0x0  }
.LBB2_6:
0x12: {  	s16 =	sadd.s32 $0x1, s16  }
0x13: {  	p0 =	sne.s32 s16, $0x2C  }
.Ltmp3:
0x14: {  	_ = 	snop;
	(pc) =	sbr.rel @!p0 .LBB2_7-.Ltmp3, $2  }
0x15: {  	_ =	sdelay $0x2  }
0x16: {  	s15 =	sadd.s32 $0x1000, s15  }
.LBB2_2:
0x17: {  	s17 =	sshll.u32 s16, $0x5  }
0x18: {  	s17 =	sor.u32 s17, s7  }
0x19: {  	s17 =	sor.u32 s4, s17  }
0x1a: {  	p0 =	sgt.u32 s17, $0x57E  }
.Ltmp4:
0x1b: {  	_ = 	snop;
	(pc) =	sbr.rel @p0 .LBB2_6-.Ltmp4, $1  }
0x1c: {  	_ =	sdelay $0x3  }
0x1d: {  	s17 =	sshll.u32 s17, $0x7  }
0x1e: {  	s17 =	smin.u32 s17, $0x2BEA0  }
0x1f: {  	s17 =	sshrl.u32 s17, $0x3  }
0x20: {  	s18 =	simm.s32 $0x0;
	s17 =	sadd.s32 s1, s17  }
0x21: {  	[tilespmem:s18], [sflag:$0x2] =	stream.linear.gather [hbm4b:s17+s18], $0x80, $0x38;
	[tilespmem:$0x4100] =	vst v63  }
0x22: {  	_ =	swait.ge [sflag:s10], $0x80  }
0x23: {  	[sflag:s10] =	ssyncset.done $0x0  }
0x24: {  	[sflag:s10] =	ssyncadd.s32 $0xFFFFFF80  }
0x25: {  	v0 =	vld [tilespmem:$0x40]  }
0x26: {  	v1 =	vld [tilespmem:$0x20]  }
0x27: {  	v2 =	vld [tilespmem:$0x0]  }
0x28: {  	v3 =	vld [tilespmem:$0x70]  }
0x29: {  	v4 =	vld [tilespmem:$0x30]  }
0x2a: {  	v5 =	vld [tilespmem:$0x60];
	v0 =	vadd.s32 s18, v0  }
0x2b: {  	v6 =	vld [tilespmem:$0x10];
	v1 =	vadd.s32 s18, v1;
	[tilespmem:$0xC0] =	vst v0  }
0x2c: {  	v59 =	vld [tilespmem:$0x50];
	v2 =	vadd.s32 s18, v2;
	[tilespmem:$0xA0] =	vst v1  }
0x2d: {  	v60 =	vadd.s32 s18, v3;
	[tilespmem:$0x80] =	vst v2  }
0x2e: {  	v61 =	vadd.s32 s18, v4;
	[tilespmem:$0xF0] =	vst v60  }
0x2f: {  	v62 =	vadd.s32 s18, v5;
	[tilespmem:$0xB0] =	vst v61  }
0x30: {  	v63 =	vadd.s32 s18, v6;
	[tilespmem:$0xE0] =	vst v62  }
0x31: {  	v0 =	vadd.s32 s18, v59;
	[tilespmem:$0x90] =	vst v63  }
0x32: {  	[tilespmem:$0xD0] =	vst v0  }
0x33: {  	[tilespmem:s12], [sflag:$0x1] =	stream.indirect.gather [hbm4b:s5+s11], $0x80, s11, s11, $0xb8;
	[tilespmem:$0x4100] =	vst v63  }
0x34: {  	s31 =	smin.u32 s15, $0x2BEA0;
	_ =	swait.ge [sflag:s13], $0x4000  }
0x35: {  	s17 =	sshll.u32 s31, $0x4;
	[sflag:s13] =	ssyncset.done $0x0  }
0x36: {  	s17 =	sadd.s32 s17, s6;
	[sflag:s13] =	ssyncadd.s32 $0xFFFFC000  }
0x37: {  	[hbm4b:s17+s2] =	stream.linear.scatter [tilespmem:s12], [sflag:$0x2], $0x4000, $0x38;
	[tilespmem:$0x4100] =	vst v63  }
0x38: {  	s18 =	simm.s32 $0x5000;
	_ =	swait.ge [sflag:s10], $0x4000  }
.LBB2_4:
0x39: {  	p0 =	sne.s32 s18, $0x4B000;
	[sflag:s10] =	ssyncset.done $0x0;
	s17 =	sadd.s32 $0x2BF200, s17  }
0x3a: {  	s19 =	smov.u32 s18;
	s18 =	sadd.s32 $0x5000, s18;
	[sflag:s10] =	ssyncadd.s32 $0xFFFFC000  }
0x3b: {  	v0 =	vld [tilespmem:$0x20]  }
0x3c: {  	v1 =	vld [tilespmem:$0x40]  }
0x3d: {  	v2 =	vld [tilespmem:$0x30]  }
0x3e: {  	v3 =	vld [tilespmem:$0x0]  }
0x3f: {  	v4 =	vld [tilespmem:$0x70]  }
0x40: {  	v0 =	vadd.s32 s19, v0;
	v5 =	vld [tilespmem:$0x60]  }
0x41: {  	v1 =	vadd.s32 s19, v1;
	v6 =	vld [tilespmem:$0x50]  }
0x42: {  	v7 =	vld [tilespmem:$0x10];
	[tilespmem:$0xC0] =	vst v1  }
0x43: {  	v1 =	vadd.s32 s19, v3;
	[tilespmem:$0xA0] =	vst v0  }
0x44: {  	[tilespmem:$0x80] =	vst v1;
	v0 =	vadd.s32 s19, v4  }
0x45: {  	v1 =	vadd.s32 s19, v2;
	v2 =	vadd.s32 s19, v5;
	[tilespmem:$0xF0] =	vst v0  }
0x46: {  	[tilespmem:$0xB0] =	vst v1;
	v0 =	vadd.s32 s19, v6  }
0x47: {  	v1 =	vadd.s32 s19, v7;
	[tilespmem:$0xE0] =	vst v2  }
0x48: {  	[tilespmem:$0x90] =	vst v1  }
0x49: {  	[tilespmem:$0xD0] =	vst v0  }
0x4a: {  	[tilespmem:s12], [sflag:$0x1] =	stream.indirect.gather [hbm4b:s5+s11], $0x80, s11, s11, $0xb8;
	[tilespmem:$0x4100] =	vst v63  }
.Ltmp5:
0x4b: {  	_ =	swait.ge [sflag:s13], $0x4000;
	(pc) =	sbr.rel @p0 .LBB2_4-.Ltmp5, $4  }
0x4c: {  	[sflag:s13] =	ssyncset.done $0x0  }
0x4d: {  	[sflag:s13] =	ssyncadd.s32 $0xFFFFC000  }
0x4e: {  	[hbm4b:s17+s2] =	stream.linear.scatter [tilespmem:s12], [sflag:$0x2], $0x4000, $0x38;
	[tilespmem:$0x4100] =	vst v63  }
0x4f: {  	_ =	swait.ge [sflag:s10], $0x4000  }
.Ltmp6:
0x50: {  	(pc) =	sbr.rel .LBB2_6-.Ltmp6, $3  }
0x51: {  	_ =	sdelay $0x1  }
0x52: {  	[sflag:s10] =	ssyncset.done $0x0  }
0x53: {  	[sflag:s10] =	ssyncadd.s32 $0xFFFFC000  }
.LBB2_8:
0x54: {  	_ =	sfence.sel $0x180000  }
0x55: {  	[bflag:$0x0] =	sbarrier.arrive $0xFFFF  }
0x56: {  	p0 =	sne.s32 s3, $0x0;
	_ =	strace $0x90000053  }
0x57: {  	s0 =	sadd.s32 @!p0 $0x100000, s0;
	[bflag:$0x2] =	sbarrier.arrive $0xFFFF  }
0x58: {  	[sflag:s0] =	ssyncadd.tile.s32 @!p0 $0x1;
	_ =	shalt  }
.Lfunc_end2:
_tile_overlayer_lowered:
.L_overlay_start_2:
0x59: {  	(tag) =	ssettag $0x2  }
0x5a: {  	s0 =	rddreg [dreg:$0x0];
	s2 =	stileid.u32  }
0x5b: {  	s1 =	rddreg [dreg:$0x1];
	p0 =	sne.s32 s2, $0x0  }
0x5c: {  	s3 =	rddreg [dreg:$0x2];
	[bflag:$0x3] =	sbarrier.arrive $0xFFFF;
	s2 =	simm.s32 @!p0 $0x1C02  }
0x5d: {  	[timem:s3], [sflag:s2] =	dma.local @!p0 [hbm:s0], s1  }
0x5e: {  	s0 =	simm.s32 @!p0 $0x2  }
0x5f: {  	_ =	swait.ge @!p0 [sflag:s0], s1  }
0x60: {  	s1 =	ssub.s32 @!p0 $0x0, s1;
	[sflag:s0] =	ssyncset.done @!p0 $0x0  }
0x61: {  	[sflag:s0] =	ssyncadd.s32 @!p0 s1  }
0x62: {  	[bflag:$0x3] =	sbarrier.arrive $0xFFFF  }
0x63: {  	_ =	shalt  }

</sc_bundles>
